<compile_context>
chip_gen: v7x
topology: tpu7x:2x2x1
jax: 0.10.2.dev20260603
libtpu: 0.0.44.dev20260713+nightly
codegen_flags: <defaults>
</compile_context>

<pallas_src>
import functools

import jax
import jax.numpy as jnp
from jax import lax
from jax.experimental import pallas as pl
from jax.experimental.pallas import tpu as pltpu
from jax.experimental.pallas import tpu_sc as plsc

GRID_N = 128
NCOEFF = 9
NSAMP = 64
T_NEAR = 0.1
T_FAR = 4.0
NRAYS = 4096
DELTA = (T_FAR - T_NEAR) / NSAMP
TSTEP = (T_FAR - T_NEAR) / (NSAMP - 1)

NC = 2
NS = 16
L = 16
NW = NC * NS
RAYS_PER_TILE = NRAYS // NW
GROUPS = RAYS_PER_TILE // L
SCHUNK = 16
NCHUNK = NSAMP // SCHUNK
ROWS_PER_CHUNK = SCHUNK * 8 * L
TABW = 16
NVOX = GRID_N ** 3
YZ = GRID_N * GRID_N
YZ_PER_TILE = YZ // NW

_C0 = 0.28209479177387814
_C1 = 0.4886025119029199
_C2A = 1.0925484305920792
_C2B = 0.31539156525252005
_C2C = 0.5462742152960396


def _floor_parts(p):
    tr = p.astype(jnp.int32)
    trf = tr.astype(jnp.float32)
    fl = jnp.where(trf > p, tr - 1, tr)
    frac = p - fl.astype(jnp.float32)
    return fl, frac


def _format_body(sh_hbm, dens_hbm, tab_hbm, in_v, dens_v, out_v, sem, osem):
    wid = lax.axis_index("s") * NC + lax.axis_index("c")
    yz0 = wid * YZ_PER_TILE
    iota = lax.broadcasted_iota(jnp.int32, (L,), 0)
    P = YZ_PER_TILE

    def in_cps(x, b):
        return (
            pltpu.make_async_copy(
                sh_hbm.at[pl.ds(x * 27, 27), pl.ds(yz0, P)],
                in_v.at[pl.ds(b * 27, 27), :], sem),
            pltpu.make_async_copy(
                dens_hbm.at[pl.ds(x * YZ + yz0, P)],
                dens_v.at[pl.ds(b * P, P)], sem),
        )

    def out_cp(x, b):
        return pltpu.make_async_copy(
            out_v.at[pl.ds(b * P, P), :],
            tab_hbm.at[pl.ds(x * YZ + yz0, P)], osem)

    for cp in in_cps(0, 0):
        cp.start()

    def x_body(x, _):
        b = jnp.bitwise_and(x, 1)

        @pl.when(x < GRID_N - 1)
        def _():
            for cp in in_cps(x + 1, 1 - b):
                cp.start()

        for cp in in_cps(x, b):
            cp.wait()

        @pl.when(x >= 2)
        def _():
            out_cp(x - 2, b).wait()

        @plsc.parallel_loop(0, P // L, unroll=2)
        def _(g):
            rows = b * P + g * L + iota
            dens = dens_v[pl.ds(b * P + g * L, L)]
            plsc.store_scatter(
                out_v, [rows, jnp.full((L,), 0, jnp.int32)],
                plsc.bitcast(dens, jnp.int32))
            for w in range(1, 15):
                a = in_v[b * 27 + 2 * w - 2, pl.ds(g * L, L)]
                if 2 * w - 1 < 27:
                    b2 = in_v[b * 27 + 2 * w - 1, pl.ds(g * L, L)]
                else:
                    b2 = jnp.zeros((L,), jnp.float32)
                packed = plsc.pack(a, b2, format=plsc.PackFormat.INTERLEAVED)
                plsc.store_scatter(
                    out_v, [rows, jnp.full((L,), w, jnp.int32)],
                    plsc.bitcast(packed, jnp.int32))

        out_cp(x, b).start()
        return 0

    lax.fori_loop(0, GRID_N, x_body, 0)
    out_cp(GRID_N - 2, 0).wait()
    out_cp(GRID_N - 1, 1).wait()


def _render_body(o_hbm, d_hbm, tab_hbm, out_hbm,
                 o_v, d_v, idx_v, w_v, tab_rows, out_v, sem):
    wid = lax.axis_index("s") * NC + lax.axis_index("c")
    ray0 = wid * RAYS_PER_TILE

    pltpu.sync_copy(o_hbm, o_v)
    pltpu.sync_copy(d_hbm, d_v)

    iota = lax.broadcasted_iota(jnp.int32, (L,), 0)

    def g_body(g, _):
        gbase = ray0 + g * L
        ox = o_v[0, pl.ds(gbase, L)]
        oy = o_v[1, pl.ds(gbase, L)]
        oz = o_v[2, pl.ds(gbase, L)]
        dx = d_v[0, pl.ds(gbase, L)]
        dy = d_v[1, pl.ds(gbase, L)]
        dz = d_v[2, pl.ds(gbase, L)]

        basis = [
            jnp.full((L,), _C0, jnp.float32),
            -_C1 * dy,
            _C1 * dz,
            -_C1 * dx,
            _C2A * dx * dy,
            -_C2A * dy * dz,
            _C2B * (2.0 * dz * dz - dx * dx - dy * dy),
            -_C2A * dx * dz,
            _C2C * (dx * dx - dy * dy),
        ]

        def p1(ci, b):
            s0 = ci * SCHUNK

            def p1_body(si, _):
                s = s0 + si
                t = jnp.full((L,), s, jnp.int32).astype(jnp.float32) * TSTEP \
                    + T_NEAR
                fs = []
                cs = []
                frs = []
                for (o, d) in ((ox, dx), (oy, dy), (oz, dz)):
                    p = (o + d * t + 1.0) * (0.5 * (GRID_N - 1))
                    fl, frac = _floor_parts(p)
                    fs.append(jnp.clip(fl, 0, GRID_N - 1))
                    cs.append(jnp.clip(fl + 1, 0, GRID_N - 1))
                    frs.append(frac)
                xf = fs[0] * (GRID_N * GRID_N)
                xc = cs[0] * (GRID_N * GRID_N)
                yf = fs[1] * GRID_N
                yc = cs[1] * GRID_N
                wx1, wy1, wz1 = frs
                wx0 = 1.0 - wx1
                wy0 = 1.0 - wy1
                wz0 = 1.0 - wz1
                for k in range(8):
                    kx, ky, kz = (k >> 2) & 1, (k >> 1) & 1, k & 1
                    idx = ((xc if kx else xf) + (yc if ky else yf)
                           + (cs[2] if kz else fs[2]))
                    w = ((wx1 if kx else wx0) * (wy1 if ky else wy0)
                         * (wz1 if kz else wz0))
                    idx_v[b * SCHUNK + si, pl.ds(k * L, L)] = idx
                    w_v[b * SCHUNK + si, pl.ds(k * L, L)] = w
                return 0

            lax.fori_loop(0, SCHUNK, p1_body, 0)

        def gather_cps(b):
            return [pltpu.make_async_copy(
                tab_hbm.at[idx_v.at[b * SCHUNK + i]],
                tab_rows.at[pl.ds((b * SCHUNK + i) * 8 * L, 8 * L)], sem)
                for i in range(SCHUNK)]

        def chunk_body(ci, carry):
            b = jnp.bitwise_and(ci, 1)

            @pl.when(ci < NCHUNK - 1)
            def _():
                p1(ci + 1, 1 - b)
                for cp in gather_cps(1 - b):
                    cp.start()

            for cp in gather_cps(b):
                cp.wait()

            def p2_body(si, carry2):
                trans, ar, ag, ab = carry2
                sigma = jnp.zeros((L,), jnp.float32)
                pr = jnp.zeros((L,), jnp.float32)
                pg = jnp.zeros((L,), jnp.float32)
                pb = jnp.zeros((L,), jnp.float32)
                rowb = (b * SCHUNK + si) * (8 * L)
                for k in range(8):
                    wk = w_v[b * SCHUNK + si, pl.ds(k * L, L)]
                    rows = rowb + k * L + iota
                    di = plsc.load_gather(
                        tab_rows, [rows, jnp.full((L,), 0, jnp.int32)])
                    sigma = sigma + wk * plsc.bitcast(di, jnp.float32)
                    acc = [jnp.zeros((L,), jnp.float32) for _ in range(3)]
                    for w in range(1, 15):
                        wi = plsc.load_gather(
                            tab_rows, [rows, jnp.full((L,), w, jnp.int32)])
                        va, vb = plsc.unpack(
                            plsc.bitcast(wi, jnp.bfloat16),
                            format=plsc.PackFormat.INTERLEAVED)
                        for cc, val in ((2 * w - 2, va), (2 * w - 1, vb)):
                            if cc >= 27:
                                continue
                            acc[cc // NCOEFF] = (acc[cc // NCOEFF]
                                                 + basis[cc % NCOEFF] * val)
                    pr = pr + wk * acc[0]
                    pg = pg + wk * acc[1]
                    pb = pb + wk * acc[2]
                x = jnp.maximum(sigma, 0.0) * DELTA
                poly = x * (1.0 + x * (-0.5 + x * (
                    (1.0 / 6.0) + x * (-1.0 / 24.0))))
                alpha = jnp.where(x < 0.5, poly, 1.0 - jnp.exp(-x))
                wgt = alpha * trans
                ar = ar + wgt / (1.0 + jnp.exp(-pr))
                ag = ag + wgt / (1.0 + jnp.exp(-pg))
                ab = ab + wgt / (1.0 + jnp.exp(-pb))
                trans = trans * (1.0 - alpha + 1e-10)
                return trans, ar, ag, ab

            return lax.fori_loop(0, SCHUNK, p2_body, carry)

        p1(0, 0)
        for cp in gather_cps(0):
            cp.start()
        init = (jnp.ones((L,), jnp.float32),
                jnp.zeros((L,), jnp.float32),
                jnp.zeros((L,), jnp.float32),
                jnp.zeros((L,), jnp.float32))
        _, ar, ag, ab = lax.fori_loop(0, NCHUNK, chunk_body, init)

        orow = g * L + iota
        plsc.store_scatter(out_v, [orow, jnp.full((L,), 0, jnp.int32)], ar)
        plsc.store_scatter(out_v, [orow, jnp.full((L,), 1, jnp.int32)], ag)
        plsc.store_scatter(out_v, [orow, jnp.full((L,), 2, jnp.int32)], ab)
        return 0

    lax.fori_loop(0, GROUPS, g_body, 0)
    pltpu.sync_copy(out_v, out_hbm.at[pl.ds(ray0, RAYS_PER_TILE)])


def kernel(ray_origins, ray_directions, density_grid, sh_grid):
    sh_lin = sh_grid.transpose(0, 3, 4, 1, 2).reshape(GRID_N * 27, YZ)
    dens_lin = density_grid.reshape(NVOX)

    mesh = plsc.VectorSubcoreMesh(core_axis_name="c", subcore_axis_name="s")
    params = pltpu.CompilerParams(
        use_tc_tiling_on_sc=False, needs_layout_passes=False)

    fmt = pl.kernel(
        _format_body,
        mesh=mesh,
        compiler_params=params,
        out_type=jax.ShapeDtypeStruct((NVOX, TABW), jnp.int32),
        scratch_types=[
            pltpu.VMEM((2 * 27, YZ_PER_TILE), jnp.float32),
            pltpu.VMEM((2 * YZ_PER_TILE,), jnp.float32),
            pltpu.VMEM((2 * YZ_PER_TILE, TABW), jnp.int32),
            pltpu.SemaphoreType.DMA,
            pltpu.SemaphoreType.DMA,
        ],
    )
    tab = fmt(sh_lin, dens_lin)

    render = pl.kernel(
        _render_body,
        mesh=mesh,
        compiler_params=params,
        out_type=jax.ShapeDtypeStruct((NRAYS, 3), jnp.float32),
        scratch_types=[
            pltpu.VMEM((3, NRAYS), jnp.float32),
            pltpu.VMEM((3, NRAYS), jnp.float32),
            pltpu.VMEM((2 * SCHUNK, 8 * L), jnp.int32),
            pltpu.VMEM((2 * SCHUNK, 8 * L), jnp.float32),
            pltpu.VMEM((2 * ROWS_PER_CHUNK, TABW), jnp.int32),
            pltpu.VMEM((RAYS_PER_TILE, 3), jnp.float32),
            pltpu.SemaphoreType.DMA,
        ],
    )
    return render(ray_origins.T, ray_directions.T, tab)

# --- scband reference (transcript-rebuilt; emitter-appended) ---
"""Pipeline reference for scband-plenoxel-model-17514876634253 (READ-ONLY COPY).

The authoritative reference and input builder live on the scoring server;
editing this copy changes nothing except your own understanding.
"""

import jax, jax.numpy as jnp
import numpy as np

GRID = 128
N_COEFF = 9
N_SAMPLES = 64
NEAR = 0.1
FAR = 4.0
N_RAYS = 4096


def setup_inputs(seed: int = 0) -> dict:
    key = jax.random.key(seed)
    k1, k2, k3, k4 = jax.random.split(key, 4)
    ray_origins = (jax.random.uniform(k1, (N_RAYS, 3), dtype=jnp.float32) - 0.5) * 0.2
    d = jax.random.normal(k2, (N_RAYS, 3), dtype=jnp.float32)
    ray_directions = d / (jnp.linalg.norm(d, axis=-1, keepdims=True) + 1e-8)
    density_grid = jax.random.uniform(k3, (GRID, GRID, GRID), dtype=jnp.float32) * 0.5
    sh_grid = jax.random.normal(k4, (GRID, GRID, GRID, 3, N_COEFF), dtype=jnp.float32) * 0.1
    return {"ray_origins": ray_origins, "ray_directions": ray_directions,
            "density_grid": density_grid, "sh_grid": sh_grid}


def _sh_basis_deg2(dirs):
    x, y, z = dirs[..., 0], dirs[..., 1], dirs[..., 2]
    c0 = 0.28209479177387814
    c1 = 0.4886025119029199
    b = [
        jnp.full_like(x, c0),
        -c1 * y,
        c1 * z,
        -c1 * x,
        1.0925484305920792 * x * y,
        -1.0925484305920792 * y * z,
        0.31539156525252005 * (2.0 * z * z - x * x - y * y),
        -1.0925484305920792 * x * z,
        0.5462742152960396 * (x * x - y * y),
    ]
    return jnp.stack(b, axis=-1)


def _trilerp(grid, pts, has_channels):
    D, H, W = grid.shape[0], grid.shape[1], grid.shape[2]
    scale = jnp.array([D - 1, H - 1, W - 1], dtype=pts.dtype)
    p = (pts + 1.0) * 0.5 * scale
    pf = jnp.floor(p)
    frac = p - pf
    f = pf.astype(jnp.int32)
    c = jnp.ceil(p).astype(jnp.int32)

    def clamp(q):
        return jnp.stack([jnp.clip(q[..., 0], 0, D - 1),
                          jnp.clip(q[..., 1], 0, H - 1),
                          jnp.clip(q[..., 2], 0, W - 1)], axis=-1)

    f = clamp(f)
    c = clamp(c)
    x, y, z = frac[..., 0], frac[..., 1], frac[..., 2]
    acc = None
    for dx in (0, 1):
        ix = f[..., 0] if dx == 0 else c[..., 0]
        wx = (1.0 - x) if dx == 0 else x
        for dy in (0, 1):
            iy = f[..., 1] if dy == 0 else c[..., 1]
            wy = (1.0 - y) if dy == 0 else y
            for dz in (0, 1):
                iz = f[..., 2] if dz == 0 else c[..., 2]
                wz = (1.0 - z) if dz == 0 else z
                w = wx * wy * wz
                v = grid[ix, iy, iz]
                if has_channels:
                    w = w[..., None, None]
                term = w * v
                acc = term if acc is None else acc + term
    return acc


def reference(ray_origins, ray_directions, density_grid, sh_grid):
    t = jnp.linspace(NEAR, FAR, N_SAMPLES, dtype=ray_origins.dtype)
    pts = ray_origins[:, None, :] + ray_directions[:, None, :] * t[None, :, None]
    sigma = jax.nn.relu(_trilerp(density_grid, pts, False))
    sh = _trilerp(sh_grid, pts, True)
    basis = _sh_basis_deg2(ray_directions)
    rgb = jax.nn.sigmoid(jnp.sum(sh * basis[:, None, None, :], axis=-1))
    delta = (FAR - NEAR) / N_SAMPLES
    alpha = 1.0 - jnp.exp(-sigma * delta)
    trans = jnp.cumprod(1.0 - alpha + 1e-10, axis=-1)
    trans = jnp.concatenate([jnp.ones_like(trans[:, :1]), trans[:, :-1]], axis=-1)
    weights = alpha * trans
    rgb_out = jnp.sum(weights[..., None] * rgb, axis=1)
    return rgb_out

if __name__ == "__main__":
    import jax
    _d = setup_inputs()
    print(jax.jit(kernel)(*tuple(_d.values())))

</pallas_src>

<mosaic_0001>
#map = affine_map<(d0, d1) -> (0, 0)>
#map1 = affine_map<(d0, d1) -> (0)>
module attributes {stable_mosaic.version = 14 : i64} {
  func.func @_format_body(%arg0: i32, %arg1: i32, %arg2: memref<3456x16384xf32, #tpu.memory_space<hbm>>, %arg3: memref<2097152xf32, #tpu.memory_space<hbm>>, %arg4: memref<2097152x16xi32, #tpu.memory_space<hbm>>, %arg5: memref<54x512xf32, #tpu.memory_space<vmem>>, %arg6: memref<1024xf32, #tpu.memory_space<vmem>>, %arg7: memref<1024x16xi32, #tpu.memory_space<vmem>>, %arg8: memref<!tpu.dma_semaphore, #tpu.memory_space<semaphore_mem>>, %arg9: memref<!tpu.dma_semaphore, #tpu.memory_space<semaphore_mem>>) attributes {dimension_semantics = [#tpu.dimension_semantics<core_parallel>, #tpu.dimension_semantics<subcore_parallel>], iteration_bounds = array<i64: 2, 16>, scalar_prefetch = 0 : i64, scratch_operands = 5 : i64, tpu.core_type = #tpu.core_type<sc_vector_subcore>, window_params = [{transform_indices = #map}, {transform_indices = #map1}, {transform_indices = #map}]} {
    %mul3A = arith.constant 2 : i32
    %mul3A_0 = arith.muli %arg1, %mul3A : i32
    %add3A = arith.addi %mul3A_0, %arg0 : i32
    %mul3A_1 = arith.constant 512 : i32
    %mul3A_2 = arith.muli %add3A, %mul3A_1 : i32
    %iota3A = tpu.iota {dimensions = array<i32: 0>} : vector<16xi32>
    %add3A_3 = arith.constant 0 : i32
    %add3A_4 = arith.addi %add3A_3, %mul3A_2 : i32
    %dma_start3A = arith.constant 0 : i32
    %dma_start3A_5 = arith.constant 0 : i32
    %dma_start3A_6 = tpu.memref_slice %arg5[%dma_start3A, %dma_start3A_5] : memref<54x512xf32, #tpu.memory_space<vmem>> -> memref<27x512xf32, #tpu.memory_space<vmem>>
    %dma_start3A_7 = arith.constant 0 : i32
    %dma_start3A_8 = tpu.memref_slice %arg2[%dma_start3A_7, %mul3A_2] : memref<3456x16384xf32, #tpu.memory_space<hbm>> -> memref<27x512xf32, #tpu.memory_space<hbm>>
    %dma_start3A_9 = arith.constant 0 : i32
    %dma_start3A_10 = arith.constant 0 : i32
    %dma_start3A_11 = tpu.memref_slice %arg5[%dma_start3A_9, %dma_start3A_10] : memref<54x512xf32, #tpu.memory_space<vmem>> -> memref<27x512xf32, #tpu.memory_space<vmem>>
    %dma_start3A_12 = arith.constant 0 : i32
    %dma_start3A_13 = tpu.memref_slice %arg2[%dma_start3A_12, %mul3A_2] : memref<3456x16384xf32, #tpu.memory_space<hbm>> -> memref<27x512xf32, #tpu.memory_space<hbm>>
    tpu.enqueue_dma source(%dma_start3A_13 : memref<27x512xf32, #tpu.memory_space<hbm>>) target(%dma_start3A_11 : memref<27x512xf32, #tpu.memory_space<vmem>>) target_semaphore(%arg8 : memref<!tpu.dma_semaphore, #tpu.memory_space<semaphore_mem>>)
    %dma_start3A_14 = arith.constant 0 : i32
    %dma_start3A_15 = tpu.memref_slice %arg6[%dma_start3A_14] : memref<1024xf32, #tpu.memory_space<vmem>> -> memref<512xf32, #tpu.memory_space<vmem>>
    %dma_start3A_16 = tpu.memref_slice %arg3[%add3A_4] : memref<2097152xf32, #tpu.memory_space<hbm>> -> memref<512xf32, #tpu.memory_space<hbm>>
    %dma_start3A_17 = arith.constant 0 : i32
    %dma_start3A_18 = tpu.memref_slice %arg6[%dma_start3A_17] : memref<1024xf32, #tpu.memory_space<vmem>> -> memref<512xf32, #tpu.memory_space<vmem>>
    %dma_start3A_19 = tpu.memref_slice %arg3[%add3A_4] : memref<2097152xf32, #tpu.memory_space<hbm>> -> memref<512xf32, #tpu.memory_space<hbm>>
    tpu.enqueue_dma source(%dma_start3A_19 : memref<512xf32, #tpu.memory_space<hbm>>) target(%dma_start3A_18 : memref<512xf32, #tpu.memory_space<vmem>>) target_semaphore(%arg8 : memref<!tpu.dma_semaphore, #tpu.memory_space<semaphore_mem>>)
    %scan3A = arith.constant 0 : i32
    %scan3A_20 = arith.constant 0 : i32
    %scan3A_21 = arith.constant 128 : i32
    %scan3A_22 = arith.addi %scan3A_20, %scan3A_21 : i32
    %scan3A_23 = arith.constant 1 : i32
    %scan3A_24 = scf.for %scan3A_49 = %scan3A_20 to %scan3A_22 step %scan3A_23 iter_args(%scan3A_50 = %scan3A) -> (i32)  : i32 {
      %and3A = arith.constant 1 : i32
      %and3A_51 = arith.andi %scan3A_49, %and3A : i32
      %lt3A = arith.constant 127 : i32
      %lt3A_52 = arith.cmpi slt, %scan3A_49, %lt3A : i32
      %convert_element_type3A = arith.extui %lt3A_52 : i1 to i32
      %cond3A = arith.constant 0 : i32
      %cond3A_53 = arith.cmpi ne, %convert_element_type3A, %cond3A : i32
      scf.if %cond3A_53 {
        %add3A_93 = arith.constant 1 : i32
        %add3A_94 = arith.addi %scan3A_49, %add3A_93 : i32
        %sub3A = arith.constant 1 : i32
        %sub3A_95 = arith.subi %sub3A, %and3A_51 : i32
        %mul3A_96 = arith.constant 27 : i32
        %mul3A_97 = arith.muli %add3A_94, %mul3A_96 : i32
        %mul3A_98 = arith.constant 27 : i32
        %mul3A_99 = arith.muli %sub3A_95, %mul3A_98 : i32
        %mul3A_100 = arith.constant 16384 : i32
        %mul3A_101 = arith.muli %add3A_94, %mul3A_100 : i32
        %add3A_102 = arith.addi %mul3A_101, %mul3A_2 : i32
        %mul3A_103 = arith.constant 512 : i32
        %mul3A_104 = arith.muli %sub3A_95, %mul3A_103 : i32
        %dma_start3A_105 = arith.constant 0 : i32
        %dma_start3A_106 = tpu.memref_slice %arg5[%mul3A_99, %dma_start3A_105] : memref<54x512xf32, #tpu.memory_space<vmem>> -> memref<27x512xf32, #tpu.memory_space<vmem>>
        %dma_start3A_107 = tpu.memref_slice %arg2[%mul3A_97, %mul3A_2] : memref<3456x16384xf32, #tpu.memory_space<hbm>> -> memref<27x512xf32, #tpu.memory_space<hbm>>
        %dma_start3A_108 = arith.constant 0 : i32
        %dma_start3A_109 = tpu.memref_slice %arg5[%mul3A_99, %dma_start3A_108] : memref<54x512xf32, #tpu.memory_space<vmem>> -> memref<27x512xf32, #tpu.memory_space<vmem>>
        %dma_start3A_110 = tpu.memref_slice %arg2[%mul3A_97, %mul3A_2] : memref<3456x16384xf32, #tpu.memory_space<hbm>> -> memref<27x512xf32, #tpu.memory_space<hbm>>
        tpu.enqueue_dma source(%dma_start3A_110 : memref<27x512xf32, #tpu.memory_space<hbm>>) target(%dma_start3A_109 : memref<27x512xf32, #tpu.memory_space<vmem>>) target_semaphore(%arg8 : memref<!tpu.dma_semaphore, #tpu.memory_space<semaphore_mem>>)
        %dma_start3A_111 = tpu.memref_slice %arg6[%mul3A_104] : memref<1024xf32, #tpu.memory_space<vmem>> -> memref<512xf32, #tpu.memory_space<vmem>>
        %dma_start3A_112 = tpu.memref_slice %arg3[%add3A_102] : memref<2097152xf32, #tpu.memory_space<hbm>> -> memref<512xf32, #tpu.memory_space<hbm>>
        %dma_start3A_113 = tpu.memref_slice %arg6[%mul3A_104] : memref<1024xf32, #tpu.memory_space<vmem>> -> memref<512xf32, #tpu.memory_space<vmem>>
        %dma_start3A_114 = tpu.memref_slice %arg3[%add3A_102] : memref<2097152xf32, #tpu.memory_space<hbm>> -> memref<512xf32, #tpu.memory_space<hbm>>
        tpu.enqueue_dma source(%dma_start3A_114 : memref<512xf32, #tpu.memory_space<hbm>>) target(%dma_start3A_113 : memref<512xf32, #tpu.memory_space<vmem>>) target_semaphore(%arg8 : memref<!tpu.dma_semaphore, #tpu.memory_space<semaphore_mem>>)
      } else {
      }
      %mul3A_54 = arith.constant 27 : i32
      %mul3A_55 = arith.muli %scan3A_49, %mul3A_54 : i32
      %mul3A_56 = arith.constant 27 : i32
      %mul3A_57 = arith.muli %and3A_51, %mul3A_56 : i32
      %mul3A_58 = arith.constant 16384 : i32
      %mul3A_59 = arith.muli %scan3A_49, %mul3A_58 : i32
      %add3A_60 = arith.addi %mul3A_59, %mul3A_2 : i32
      %mul3A_61 = arith.constant 512 : i32
      %mul3A_62 = arith.muli %and3A_51, %mul3A_61 : i32
      %dma_wait3A_63 = arith.constant 0 : i32
      %dma_wait3A_64 = tpu.memref_slice %arg5[%mul3A_57, %dma_wait3A_63] : memref<54x512xf32, #tpu.memory_space<vmem>> -> memref<27x512xf32, #tpu.memory_space<vmem>>
      %dma_wait3A_65 = tpu.memref_slice %arg2[%mul3A_55, %mul3A_2] : memref<3456x16384xf32, #tpu.memory_space<hbm>> -> memref<27x512xf32, #tpu.memory_space<hbm>>
      %dma_wait3A_66 = arith.constant 0 : i32
      %dma_wait3A_67 = tpu.memref_slice %arg5[%mul3A_57, %dma_wait3A_66] : memref<54x512xf32, #tpu.memory_space<vmem>> -> memref<27x512xf32, #tpu.memory_space<vmem>>
      %dma_wait3A_68 = tpu.memref_slice %arg2[%mul3A_55, %mul3A_2] : memref<3456x16384xf32, #tpu.memory_space<hbm>> -> memref<27x512xf32, #tpu.memory_space<hbm>>
      tpu.wait_dma2 semaphore(%arg8 : memref<!tpu.dma_semaphore, #tpu.memory_space<semaphore_mem>>) src(%dma_wait3A_68 : memref<27x512xf32, #tpu.memory_space<hbm>>) dst(%dma_wait3A_67 : memref<27x512xf32, #tpu.memory_space<vmem>>)
      %dma_wait3A_69 = tpu.memref_slice %arg6[%mul3A_62] : memref<1024xf32, #tpu.memory_space<vmem>> -> memref<512xf32, #tpu.memory_space<vmem>>
      %dma_wait3A_70 = tpu.memref_slice %arg3[%add3A_60] : memref<2097152xf32, #tpu.memory_space<hbm>> -> memref<512xf32, #tpu.memory_space<hbm>>
      %dma_wait3A_71 = tpu.memref_slice %arg6[%mul3A_62] : memref<1024xf32, #tpu.memory_space<vmem>> -> memref<512xf32, #tpu.memory_space<vmem>>
      %dma_wait3A_72 = tpu.memref_slice %arg3[%add3A_60] : memref<2097152xf32, #tpu.memory_space<hbm>> -> memref<512xf32, #tpu.memory_space<hbm>>
      tpu.wait_dma2 semaphore(%arg8 : memref<!tpu.dma_semaphore, #tpu.memory_space<semaphore_mem>>) src(%dma_wait3A_72 : memref<512xf32, #tpu.memory_space<hbm>>) dst(%dma_wait3A_71 : memref<512xf32, #tpu.memory_space<vmem>>)
      %ge3A = arith.constant 2 : i32
      %ge3A_73 = arith.cmpi sge, %scan3A_49, %ge3A : i32
      %convert_element_type3A_74 = arith.extui %ge3A_73 : i1 to i32
      %cond3A_75 = arith.constant 0 : i32
      %cond3A_76 = arith.cmpi ne, %convert_element_type3A_74, %cond3A_75 : i32
      scf.if %cond3A_76 {
        %sub3A = arith.constant 2 : i32
        %sub3A_93 = arith.subi %scan3A_49, %sub3A : i32
        %mul3A_94 = arith.constant 512 : i32
        %mul3A_95 = arith.muli %and3A_51, %mul3A_94 : i32
        %mul3A_96 = arith.constant 16384 : i32
        %mul3A_97 = arith.muli %sub3A_93, %mul3A_96 : i32
        %add3A_98 = arith.addi %mul3A_97, %mul3A_2 : i32
        %dma_wait3A_99 = arith.constant 0 : i32
        %dma_wait3A_100 = tpu.memref_slice %arg7[%mul3A_95, %dma_wait3A_99] : memref<1024x16xi32, #tpu.memory_space<vmem>> -> memref<512x16xi32, #tpu.memory_space<vmem>>
        %dma_wait3A_101 = arith.constant 0 : i32
        %dma_wait3A_102 = tpu.memref_slice %arg4[%add3A_98, %dma_wait3A_101] : memref<2097152x16xi32, #tpu.memory_space<hbm>> -> memref<512x16xi32, #tpu.memory_space<hbm>>
        %dma_wait3A_103 = arith.constant 0 : i32
        %dma_wait3A_104 = tpu.memref_slice %arg4[%add3A_98, %dma_wait3A_103] : memref<2097152x16xi32, #tpu.memory_space<hbm>> -> memref<512x16xi32, #tpu.memory_space<hbm>>
        %dma_wait3A_105 = arith.constant 0 : i32
        %dma_wait3A_106 = tpu.memref_slice %arg7[%mul3A_95, %dma_wait3A_105] : memref<1024x16xi32, #tpu.memory_space<vmem>> -> memref<512x16xi32, #tpu.memory_space<vmem>>
        tpu.wait_dma2 semaphore(%arg9 : memref<!tpu.dma_semaphore, #tpu.memory_space<semaphore_mem>>) src(%dma_wait3A_106 : memref<512x16xi32, #tpu.memory_space<vmem>>) dst(%dma_wait3A_104 : memref<512x16xi32, #tpu.memory_space<hbm>>)
      } else {
      }
      %parallel_loop3A = arith.constant 0 : i32
      %parallel_loop3A_77 = arith.constant 32 : i32
      %parallel_loop3A_78 = arith.constant 1 : i32
      scf.for %parallel_loop3A_93 = %parallel_loop3A to %parallel_loop3A_77 step %parallel_loop3A_78  : i32 {
        %parallel_loop3A_94 = arith.constant 512 : i32
        %parallel_loop3A_95 = arith.muli %and3A_51, %parallel_loop3A_94 : i32
        %parallel_loop3A_96 = arith.constant 16 : i32
        %parallel_loop3A_97 = arith.muli %parallel_loop3A_93, %parallel_loop3A_96 : i32
        %parallel_loop3A_98 = arith.addi %parallel_loop3A_95, %parallel_loop3A_97 : i32
        %parallel_loop3A_99 = vector.broadcast %parallel_loop3A_98 : i32 to vector<16xi32>
        %parallel_loop3A_100 = arith.addi %parallel_loop3A_99, %iota3A : vector<16xi32>
        %parallel_loop3A_101 = arith.constant 512 : i32
        %parallel_loop3A_102 = arith.muli %and3A_51, %parallel_loop3A_101 : i32
        %parallel_loop3A_103 = arith.constant 16 : i32
        %parallel_loop3A_104 = arith.muli %parallel_loop3A_93, %parallel_loop3A_103 : i32
        %parallel_loop3A_105 = arith.addi %parallel_loop3A_102, %parallel_loop3A_104 : i32
        %parallel_loop3A_106 = arith.index_cast %parallel_loop3A_105 : i32 to index
        %parallel_loop3A_107 = tpu.vector_load %arg6[%parallel_loop3A_106] {strides = array<i32>} : memref<1024xf32, #tpu.memory_space<vmem>>, vector<16xf32>,
        %parallel_loop3A_108 = arith.constant 0 : i32
        %parallel_loop3A_109 = vector.broadcast %parallel_loop3A_108 : i32 to vector<16xi32>
        %parallel_loop3A_110 = vector.bitcast %parallel_loop3A_107 : vector<16xf32> to vector<16xi32>
        tpu.vector_store_idx %arg7[%parallel_loop3A_100, %parallel_loop3A_109], %parallel_loop3A_110 : memref<1024x16xi32, #tpu.memory_space<vmem>>[vector<16xi32>, vector<16xi32>], vector<16xi32>,
        %parallel_loop3A_111 = arith.constant 27 : i32
        %parallel_loop3A_112 = arith.muli %and3A_51, %parallel_loop3A_111 : i32
        %parallel_loop3A_113 = arith.constant 2 : i32
        %parallel_loop3A_114 = arith.addi %parallel_loop3A_112, %parallel_loop3A_113 : i32
        %parallel_loop3A_115 = arith.constant 2 : i32
        %parallel_loop3A_116 = arith.subi %parallel_loop3A_114, %parallel_loop3A_115 : i32
        %parallel_loop3A_117 = arith.constant 16 : i32
        %parallel_loop3A_118 = arith.muli %parallel_loop3A_93, %parallel_loop3A_117 : i32
        %parallel_loop3A_119 = arith.index_cast %parallel_loop3A_116 : i32 to index
        %parallel_loop3A_120 = arith.index_cast %parallel_loop3A_118 : i32 to index
        %parallel_loop3A_121 = tpu.vector_load %arg5[%parallel_loop3A_119, %parallel_loop3A_120] {strides = array<i32>} : memref<54x512xf32, #tpu.memory_space<vmem>>, vector<16xf32>,
        %parallel_loop3A_122 = arith.constant 27 : i32
        %parallel_loop3A_123 = arith.muli %and3A_51, %parallel_loop3A_122 : i32
        %parallel_loop3A_124 = arith.constant 2 : i32
        %parallel_loop3A_125 = arith.addi %parallel_loop3A_123, %parallel_loop3A_124 : i32
        %parallel_loop3A_126 = arith.constant 1 : i32
        %parallel_loop3A_127 = arith.subi %parallel_loop3A_125, %parallel_loop3A_126 : i32
        %parallel_loop3A_128 = arith.constant 16 : i32
        %parallel_loop3A_129 = arith.muli %parallel_loop3A_93, %parallel_loop3A_128 : i32
        %parallel_loop3A_130 = arith.index_cast %parallel_loop3A_127 : i32 to index
        %parallel_loop3A_131 = arith.index_cast %parallel_loop3A_129 : i32 to index
        %parallel_loop3A_132 = tpu.vector_load %arg5[%parallel_loop3A_130, %parallel_loop3A_131] {strides = array<i32>} : memref<54x512xf32, #tpu.memory_space<vmem>>, vector<16xf32>,
        %parallel_loop3A_133 = tpu.pack_subelements %parallel_loop3A_121, %parallel_loop3A_132 {pack_format = #tpu.pack_format<interleaved>, positions = array<i32: 0, 1>} : vector<16xf32>, vector<16xf32> -> vector<32xbf16>
        %parallel_loop3A_134 = arith.constant 1 : i32
        %parallel_loop3A_135 = vector.broadcast %parallel_loop3A_134 : i32 to vector<16xi32>
        %parallel_loop3A_136 = vector.bitcast %parallel_loop3A_133 : vector<32xbf16> to vector<16xi32>
        tpu.vector_store_idx %arg7[%parallel_loop3A_100, %parallel_loop3A_135], %parallel_loop3A_136 : memref<1024x16xi32, #tpu.memory_space<vmem>>[vector<16xi32>, vector<16xi32>], vector<16xi32>,
        %parallel_loop3A_137 = arith.constant 27 : i32
        %parallel_loop3A_138 = arith.muli %and3A_51, %parallel_loop3A_137 : i32
        %parallel_loop3A_139 = arith.constant 4 : i32
        %parallel_loop3A_140 = arith.addi %parallel_loop3A_138, %parallel_loop3A_139 : i32
        %parallel_loop3A_141 = arith.constant 2 : i32
        %parallel_loop3A_142 = arith.subi %parallel_loop3A_140, %parallel_loop3A_141 : i32
        %parallel_loop3A_143 = arith.constant 16 : i32
        %parallel_loop3A_144 = arith.muli %parallel_loop3A_93, %parallel_loop3A_143 : i32
        %parallel_loop3A_145 = arith.index_cast %parallel_loop3A_142 : i32 to index
        %parallel_loop3A_146 = arith.index_cast %parallel_loop3A_144 : i32 to index
        %parallel_loop3A_147 = tpu.vector_load %arg5[%parallel_loop3A_145, %parallel_loop3A_146] {strides = array<i32>} : memref<54x512xf32, #tpu.memory_space<vmem>>, vector<16xf32>,
        %parallel_loop3A_148 = arith.constant 27 : i32
        %parallel_loop3A_149 = arith.muli %and3A_51, %parallel_loop3A_148 : i32
        %parallel_loop3A_150 = arith.constant 4 : i32
        %parallel_loop3A_151 = arith.addi %parallel_loop3A_149, %parallel_loop3A_150 : i32
        %parallel_loop3A_152 = arith.constant 1 : i32
        %parallel_loop3A_153 = arith.subi %parallel_loop3A_151, %parallel_loop3A_152 : i32
        %parallel_loop3A_154 = arith.constant 16 : i32
        %parallel_loop3A_155 = arith.muli %parallel_loop3A_93, %parallel_loop3A_154 : i32
        %parallel_loop3A_156 = arith.index_cast %parallel_loop3A_153 : i32 to index
        %parallel_loop3A_157 = arith.index_cast %parallel_loop3A_155 : i32 to index
        %parallel_loop3A_158 = tpu.vector_load %arg5[%parallel_loop3A_156, %parallel_loop3A_157] {strides = array<i32>} : memref<54x512xf32, #tpu.memory_space<vmem>>, vector<16xf32>,
        %parallel_loop3A_159 = tpu.pack_subelements %parallel_loop3A_147, %parallel_loop3A_158 {pack_format = #tpu.pack_format<interleaved>, positions = array<i32: 0, 1>} : vector<16xf32>, vector<16xf32> -> vector<32xbf16>
        %parallel_loop3A_160 = arith.constant 2 : i32
        %parallel_loop3A_161 = vector.broadcast %parallel_loop3A_160 : i32 to vector<16xi32>
        %parallel_loop3A_162 = vector.bitcast %parallel_loop3A_159 : vector<32xbf16> to vector<16xi32>
        tpu.vector_store_idx %arg7[%parallel_loop3A_100, %parallel_loop3A_161], %parallel_loop3A_162 : memref<1024x16xi32, #tpu.memory_space<vmem>>[vector<16xi32>, vector<16xi32>], vector<16xi32>,
        %parallel_loop3A_163 = arith.constant 27 : i32
        %parallel_loop3A_164 = arith.muli %and3A_51, %parallel_loop3A_163 : i32
        %parallel_loop3A_165 = arith.constant 6 : i32
        %parallel_loop3A_166 = arith.addi %parallel_loop3A_164, %parallel_loop3A_165 : i32
        %parallel_loop3A_167 = arith.constant 2 : i32
        %parallel_loop3A_168 = arith.subi %parallel_loop3A_166, %parallel_loop3A_167 : i32
        %parallel_loop3A_169 = arith.constant 16 : i32
        %parallel_loop3A_170 = arith.muli %parallel_loop3A_93, %parallel_loop3A_169 : i32
        %parallel_loop3A_171 = arith.index_cast %parallel_loop3A_168 : i32 to index
        %parallel_loop3A_172 = arith.index_cast %parallel_loop3A_170 : i32 to index
        %parallel_loop3A_173 = tpu.vector_load %arg5[%parallel_loop3A_171, %parallel_loop3A_172] {strides = array<i32>} : memref<54x512xf32, #tpu.memory_space<vmem>>, vector<16xf32>,
        %parallel_loop3A_174 = arith.constant 27 : i32
        %parallel_loop3A_175 = arith.muli %and3A_51, %parallel_loop3A_174 : i32
        %parallel_loop3A_176 = arith.constant 6 : i32
        %parallel_loop3A_177 = arith.addi %parallel_loop3A_175, %parallel_loop3A_176 : i32
        %parallel_loop3A_178 = arith.constant 1 : i32
        %parallel_loop3A_179 = arith.subi %parallel_loop3A_177, %parallel_loop3A_178 : i32
        %parallel_loop3A_180 = arith.constant 16 : i32
        %parallel_loop3A_181 = arith.muli %parallel_loop3A_93, %parallel_loop3A_180 : i32
        %parallel_loop3A_182 = arith.index_cast %parallel_loop3A_179 : i32 to index
        %parallel_loop3A_183 = arith.index_cast %parallel_loop3A_181 : i32 to index
        %parallel_loop3A_184 = tpu.vector_load %arg5[%parallel_loop3A_182, %parallel_loop3A_183] {strides = array<i32>} : memref<54x512xf32, #tpu.memory_space<vmem>>, vector<16xf32>,
        %parallel_loop3A_185 = tpu.pack_subelements %parallel_loop3A_173, %parallel_loop3A_184 {pack_format = #tpu.pack_format<interleaved>, positions = array<i32: 0, 1>} : vector<16xf32>, vector<16xf32> -> vector<32xbf16>
        %parallel_loop3A_186 = arith.constant 3 : i32
        %parallel_loop3A_187 = vector.broadcast %parallel_loop3A_186 : i32 to vector<16xi32>
        %parallel_loop3A_188 = vector.bitcast %parallel_loop3A_185 : vector<32xbf16> to vector<16xi32>
        tpu.vector_store_idx %arg7[%parallel_loop3A_100, %parallel_loop3A_187], %parallel_loop3A_188 : memref<1024x16xi32, #tpu.memory_space<vmem>>[vector<16xi32>, vector<16xi32>], vector<16xi32>,
        %parallel_loop3A_189 = arith.constant 27 : i32
        %parallel_loop3A_190 = arith.muli %and3A_51, %parallel_loop3A_189 : i32
        %parallel_loop3A_191 = arith.constant 8 : i32
        %parallel_loop3A_192 = arith.addi %parallel_loop3A_190, %parallel_loop3A_191 : i32
        %parallel_loop3A_193 = arith.constant 2 : i32
        %parallel_loop3A_194 = arith.subi %parallel_loop3A_192, %parallel_loop3A_193 : i32
        %parallel_loop3A_195 = arith.constant 16 : i32
        %parallel_loop3A_196 = arith.muli %parallel_loop3A_93, %parallel_loop3A_195 : i32
        %parallel_loop3A_197 = arith.index_cast %parallel_loop3A_194 : i32 to index
        %parallel_loop3A_198 = arith.index_cast %parallel_loop3A_196 : i32 to index
        %parallel_loop3A_199 = tpu.vector_load %arg5[%parallel_loop3A_197, %parallel_loop3A_198] {strides = array<i32>} : memref<54x512xf32, #tpu.memory_space<vmem>>, vector<16xf32>,
        %parallel_loop3A_200 = arith.constant 27 : i32
        %parallel_loop3A_201 = arith.muli %and3A_51, %parallel_loop3A_200 : i32
        %parallel_loop3A_202 = arith.constant 8 : i32
        %parallel_loop3A_203 = arith.addi %parallel_loop3A_201, %parallel_loop3A_202 : i32
        %parallel_loop3A_204 = arith.constant 1 : i32
        %parallel_loop3A_205 = arith.subi %parallel_loop3A_203, %parallel_loop3A_204 : i32
        %parallel_loop3A_206 = arith.constant 16 : i32
        %parallel_loop3A_207 = arith.muli %parallel_loop3A_93, %parallel_loop3A_206 : i32
        %parallel_loop3A_208 = arith.index_cast %parallel_loop3A_205 : i32 to index
        %parallel_loop3A_209 = arith.index_cast %parallel_loop3A_207 : i32 to index
        %parallel_loop3A_210 = tpu.vector_load %arg5[%parallel_loop3A_208, %parallel_loop3A_209] {strides = array<i32>} : memref<54x512xf32, #tpu.memory_space<vmem>>, vector<16xf32>,
        %parallel_loop3A_211 = tpu.pack_subelements %parallel_loop3A_199, %parallel_loop3A_210 {pack_format = #tpu.pack_format<interleaved>, positions = array<i32: 0, 1>} : vector<16xf32>, vector<16xf32> -> vector<32xbf16>
        %parallel_loop3A_212 = arith.constant 4 : i32
        %parallel_loop3A_213 = vector.broadcast %parallel_loop3A_212 : i32 to vector<16xi32>
        %parallel_loop3A_214 = vector.bitcast %parallel_loop3A_211 : vector<32xbf16> to vector<16xi32>
        tpu.vector_store_idx %arg7[%parallel_loop3A_100, %parallel_loop3A_213], %parallel_loop3A_214 : memref<1024x16xi32, #tpu.memory_space<vmem>>[vector<16xi32>, vector<16xi32>], vector<16xi32>,
        %parallel_loop3A_215 = arith.constant 27 : i32
        %parallel_loop3A_216 = arith.muli %and3A_51, %parallel_loop3A_215 : i32
        %parallel_loop3A_217 = arith.constant 10 : i32
        %parallel_loop3A_218 = arith.addi %parallel_loop3A_216, %parallel_loop3A_217 : i32
        %parallel_loop3A_219 = arith.constant 2 : i32
        %parallel_loop3A_220 = arith.subi %parallel_loop3A_218, %parallel_loop3A_219 : i32
        %parallel_loop3A_221 = arith.constant 16 : i32
        %parallel_loop3A_222 = arith.muli %parallel_loop3A_93, %parallel_loop3A_221 : i32
        %parallel_loop3A_223 = arith.index_cast %parallel_loop3A_220 : i32 to index
        %parallel_loop3A_224 = arith.index_cast %parallel_loop3A_222 : i32 to index
        %parallel_loop3A_225 = tpu.vector_load %arg5[%parallel_loop3A_223, %parallel_loop3A_224] {strides = array<i32>} : memref<54x512xf32, #tpu.memory_space<vmem>>, vector<16xf32>,
        %parallel_loop3A_226 = arith.constant 27 : i32
        %parallel_loop3A_227 = arith.muli %and3A_51, %parallel_loop3A_226 : i32
        %parallel_loop3A_228 = arith.constant 10 : i32
        %parallel_loop3A_229 = arith.addi %parallel_loop3A_227, %parallel_loop3A_228 : i32
        %parallel_loop3A_230 = arith.constant 1 : i32
        %parallel_loop3A_231 = arith.subi %parallel_loop3A_229, %parallel_loop3A_230 : i32
        %parallel_loop3A_232 = arith.constant 16 : i32
        %parallel_loop3A_233 = arith.muli %parallel_loop3A_93, %parallel_loop3A_232 : i32
        %parallel_loop3A_234 = arith.index_cast %parallel_loop3A_231 : i32 to index
        %parallel_loop3A_235 = arith.index_cast %parallel_loop3A_233 : i32 to index
        %parallel_loop3A_236 = tpu.vector_load %arg5[%parallel_loop3A_234, %parallel_loop3A_235] {strides = array<i32>} : memref<54x512xf32, #tpu.memory_space<vmem>>, vector<16xf32>,
        %parallel_loop3A_237 = tpu.pack_subelements %parallel_loop3A_225, %parallel_loop3A_236 {pack_format = #tpu.pack_format<interleaved>, positions = array<i32: 0, 1>} : vector<16xf32>, vector<16xf32> -> vector<32xbf16>
        %parallel_loop3A_238 = arith.constant 5 : i32
        %parallel_loop3A_239 = vector.broadcast %parallel_loop3A_238 : i32 to vector<16xi32>
        %parallel_loop3A_240 = vector.bitcast %parallel_loop3A_237 : vector<32xbf16> to vector<16xi32>
        tpu.vector_store_idx %arg7[%parallel_loop3A_100, %parallel_loop3A_239], %parallel_loop3A_240 : memref<1024x16xi32, #tpu.memory_space<vmem>>[vector<16xi32>, vector<16xi32>], vector<16xi32>,
        %parallel_loop3A_241 = arith.constant 27 : i32
        %parallel_loop3A_242 = arith.muli %and3A_51, %parallel_loop3A_241 : i32
        %parallel_loop3A_243 = arith.constant 12 : i32
        %parallel_loop3A_244 = arith.addi %parallel_loop3A_242, %parallel_loop3A_243 : i32
        %parallel_loop3A_245 = arith.constant 2 : i32
        %parallel_loop3A_246 = arith.subi %parallel_loop3A_244, %parallel_loop3A_245 : i32
        %parallel_loop3A_247 = arith.constant 16 : i32
        %parallel_loop3A_248 = arith.muli %parallel_loop3A_93, %parallel_loop3A_247 : i32
        %parallel_loop3A_249 = arith.index_cast %parallel_loop3A_246 : i32 to index
        %parallel_loop3A_250 = arith.index_cast %parallel_loop3A_248 : i32 to index
        %parallel_loop3A_251 = tpu.vector_load %arg5[%parallel_loop3A_249, %parallel_loop3A_250] {strides = array<i32>} : memref<54x512xf32, #tpu.memory_space<vmem>>, vector<16xf32>,
        %parallel_loop3A_252 = arith.constant 27 : i32
        %parallel_loop3A_253 = arith.muli %and3A_51, %parallel_loop3A_252 : i32
        %parallel_loop3A_254 = arith.constant 12 : i32
        %parallel_loop3A_255 = arith.addi %parallel_loop3A_253, %parallel_loop3A_254 : i32
        %parallel_loop3A_256 = arith.constant 1 : i32
        %parallel_loop3A_257 = arith.subi %parallel_loop3A_255, %parallel_loop3A_256 : i32
        %parallel_loop3A_258 = arith.constant 16 : i32
        %parallel_loop3A_259 = arith.muli %parallel_loop3A_93, %parallel_loop3A_258 : i32
        %parallel_loop3A_260 = arith.index_cast %parallel_loop3A_257 : i32 to index
        %parallel_loop3A_261 = arith.index_cast %parallel_loop3A_259 : i32 to index
        %parallel_loop3A_262 = tpu.vector_load %arg5[%parallel_loop3A_260, %parallel_loop3A_261] {strides = array<i32>} : memref<54x512xf32, #tpu.memory_space<vmem>>, vector<16xf32>,
        %parallel_loop3A_263 = tpu.pack_subelements %parallel_loop3A_251, %parallel_loop3A_262 {pack_format = #tpu.pack_format<interleaved>, positions = array<i32: 0, 1>} : vector<16xf32>, vector<16xf32> -> vector<32xbf16>
        %parallel_loop3A_264 = arith.constant 6 : i32
        %parallel_loop3A_265 = vector.broadcast %parallel_loop3A_264 : i32 to vector<16xi32>
        %parallel_loop3A_266 = vector.bitcast %parallel_loop3A_263 : vector<32xbf16> to vector<16xi32>
        tpu.vector_store_idx %arg7[%parallel_loop3A_100, %parallel_loop3A_265], %parallel_loop3A_266 : memref<1024x16xi32, #tpu.memory_space<vmem>>[vector<16xi32>, vector<16xi32>], vector<16xi32>,
        %parallel_loop3A_267 = arith.constant 27 : i32
        %parallel_loop3A_268 = arith.muli %and3A_51, %parallel_loop3A_267 : i32
        %parallel_loop3A_269 = arith.constant 14 : i32
        %parallel_loop3A_270 = arith.addi %parallel_loop3A_268, %parallel_loop3A_269 : i32
        %parallel_loop3A_271 = arith.constant 2 : i32
        %parallel_loop3A_272 = arith.subi %parallel_loop3A_270, %parallel_loop3A_271 : i32
        %parallel_loop3A_273 = arith.constant 16 : i32
        %parallel_loop3A_274 = arith.muli %parallel_loop3A_93, %parallel_loop3A_273 : i32
        %parallel_loop3A_275 = arith.index_cast %parallel_loop3A_272 : i32 to index
        %parallel_loop3A_276 = arith.index_cast %parallel_loop3A_274 : i32 to index
        %parallel_loop3A_277 = tpu.vector_load %arg5[%parallel_loop3A_275, %parallel_loop3A_276] {strides = array<i32>} : memref<54x512xf32, #tpu.memory_space<vmem>>, vector<16xf32>,
        %parallel_loop3A_278 = arith.constant 27 : i32
        %parallel_loop3A_279 = arith.muli %and3A_51, %parallel_loop3A_278 : i32
        %parallel_loop3A_280 = arith.constant 14 : i32
        %parallel_loop3A_281 = arith.addi %parallel_loop3A_279, %parallel_loop3A_280 : i32
        %parallel_loop3A_282 = arith.constant 1 : i32
        %parallel_loop3A_283 = arith.subi %parallel_loop3A_281, %parallel_loop3A_282 : i32
        %parallel_loop3A_284 = arith.constant 16 : i32
        %parallel_loop3A_285 = arith.muli %parallel_loop3A_93, %parallel_loop3A_284 : i32
        %parallel_loop3A_286 = arith.index_cast %parallel_loop3A_283 : i32 to index
        %parallel_loop3A_287 = arith.index_cast %parallel_loop3A_285 : i32 to index
        %parallel_loop3A_288 = tpu.vector_load %arg5[%parallel_loop3A_286, %parallel_loop3A_287] {strides = array<i32>} : memref<54x512xf32, #tpu.memory_space<vmem>>, vector<16xf32>,
        %parallel_loop3A_289 = tpu.pack_subelements %parallel_loop3A_277, %parallel_loop3A_288 {pack_format = #tpu.pack_format<interleaved>, positions = array<i32: 0, 1>} : vector<16xf32>, vector<16xf32> -> vector<32xbf16>
        %parallel_loop3A_290 = arith.constant 7 : i32
        %parallel_loop3A_291 = vector.broadcast %parallel_loop3A_290 : i32 to vector<16xi32>
        %parallel_loop3A_292 = vector.bitcast %parallel_loop3A_289 : vector<32xbf16> to vector<16xi32>
        tpu.vector_store_idx %arg7[%parallel_loop3A_100, %parallel_loop3A_291], %parallel_loop3A_292 : memref<1024x16xi32, #tpu.memory_space<vmem>>[vector<16xi32>, vector<16xi32>], vector<16xi32>,
        %parallel_loop3A_293 = arith.constant 27 : i32
        %parallel_loop3A_294 = arith.muli %and3A_51, %parallel_loop3A_293 : i32
        %parallel_loop3A_295 = arith.constant 16 : i32
        %parallel_loop3A_296 = arith.addi %parallel_loop3A_294, %parallel_loop3A_295 : i32
        %parallel_loop3A_297 = arith.constant 2 : i32
        %parallel_loop3A_298 = arith.subi %parallel_loop3A_296, %parallel_loop3A_297 : i32
        %parallel_loop3A_299 = arith.constant 16 : i32
        %parallel_loop3A_300 = arith.muli %parallel_loop3A_93, %parallel_loop3A_299 : i32
        %parallel_loop3A_301 = arith.index_cast %parallel_loop3A_298 : i32 to index
        %parallel_loop3A_302 = arith.index_cast %parallel_loop3A_300 : i32 to index
        %parallel_loop3A_303 = tpu.vector_load %arg5[%parallel_loop3A_301, %parallel_loop3A_302] {strides = array<i32>} : memref<54x512xf32, #tpu.memory_space<vmem>>, vector<16xf32>,
        %parallel_loop3A_304 = arith.constant 27 : i32
        %parallel_loop3A_305 = arith.muli %and3A_51, %parallel_loop3A_304 : i32
        %parallel_loop3A_306 = arith.constant 16 : i32
        %parallel_loop3A_307 = arith.addi %parallel_loop3A_305, %parallel_loop3A_306 : i32
        %parallel_loop3A_308 = arith.constant 1 : i32
        %parallel_loop3A_309 = arith.subi %parallel_loop3A_307, %parallel_loop3A_308 : i32
        %parallel_loop3A_310 = arith.constant 16 : i32
        %parallel_loop3A_311 = arith.muli %parallel_loop3A_93, %parallel_loop3A_310 : i32
        %parallel_loop3A_312 = arith.index_cast %parallel_loop3A_309 : i32 to index
        %parallel_loop3A_313 = arith.index_cast %parallel_loop3A_311 : i32 to index
        %parallel_loop3A_314 = tpu.vector_load %arg5[%parallel_loop3A_312, %parallel_loop3A_313] {strides = array<i32>} : memref<54x512xf32, #tpu.memory_space<vmem>>, vector<16xf32>,
        %parallel_loop3A_315 = tpu.pack_subelements %parallel_loop3A_303, %parallel_loop3A_314 {pack_format = #tpu.pack_format<interleaved>, positions = array<i32: 0, 1>} : vector<16xf32>, vector<16xf32> -> vector<32xbf16>
        %parallel_loop3A_316 = arith.constant 8 : i32
        %parallel_loop3A_317 = vector.broadcast %parallel_loop3A_316 : i32 to vector<16xi32>
        %parallel_loop3A_318 = vector.bitcast %parallel_loop3A_315 : vector<32xbf16> to vector<16xi32>
        tpu.vector_store_idx %arg7[%parallel_loop3A_100, %parallel_loop3A_317], %parallel_loop3A_318 : memref<1024x16xi32, #tpu.memory_space<vmem>>[vector<16xi32>, vector<16xi32>], vector<16xi32>,
        %parallel_loop3A_319 = arith.constant 27 : i32
        %parallel_loop3A_320 = arith.muli %and3A_51, %parallel_loop3A_319 : i32
        %parallel_loop3A_321 = arith.constant 18 : i32
        %parallel_loop3A_322 = arith.addi %parallel_loop3A_320, %parallel_loop3A_321 : i32
        %parallel_loop3A_323 = arith.constant 2 : i32
        %parallel_loop3A_324 = arith.subi %parallel_loop3A_322, %parallel_loop3A_323 : i32
        %parallel_loop3A_325 = arith.constant 16 : i32
        %parallel_loop3A_326 = arith.muli %parallel_loop3A_93, %parallel_loop3A_325 : i32
        %parallel_loop3A_327 = arith.index_cast %parallel_loop3A_324 : i32 to index
        %parallel_loop3A_328 = arith.index_cast %parallel_loop3A_326 : i32 to index
        %parallel_loop3A_329 = tpu.vector_load %arg5[%parallel_loop3A_327, %parallel_loop3A_328] {strides = array<i32>} : memref<54x512xf32, #tpu.memory_space<vmem>>, vector<16xf32>,
        %parallel_loop3A_330 = arith.constant 27 : i32
        %parallel_loop3A_331 = arith.muli %and3A_51, %parallel_loop3A_330 : i32
        %parallel_loop3A_332 = arith.constant 18 : i32
        %parallel_loop3A_333 = arith.addi %parallel_loop3A_331, %parallel_loop3A_332 : i32
        %parallel_loop3A_334 = arith.constant 1 : i32
        %parallel_loop3A_335 = arith.subi %parallel_loop3A_333, %parallel_loop3A_334 : i32
        %parallel_loop3A_336 = arith.constant 16 : i32
        %parallel_loop3A_337 = arith.muli %parallel_loop3A_93, %parallel_loop3A_336 : i32
        %parallel_loop3A_338 = arith.index_cast %parallel_loop3A_335 : i32 to index
        %parallel_loop3A_339 = arith.index_cast %parallel_loop3A_337 : i32 to index
        %parallel_loop3A_340 = tpu.vector_load %arg5[%parallel_loop3A_338, %parallel_loop3A_339] {strides = array<i32>} : memref<54x512xf32, #tpu.memory_space<vmem>>, vector<16xf32>,
        %parallel_loop3A_341 = tpu.pack_subelements %parallel_loop3A_329, %parallel_loop3A_340 {pack_format = #tpu.pack_format<interleaved>, positions = array<i32: 0, 1>} : vector<16xf32>, vector<16xf32> -> vector<32xbf16>
        %parallel_loop3A_342 = arith.constant 9 : i32
        %parallel_loop3A_343 = vector.broadcast %parallel_loop3A_342 : i32 to vector<16xi32>
        %parallel_loop3A_344 = vector.bitcast %parallel_loop3A_341 : vector<32xbf16> to vector<16xi32>
        tpu.vector_store_idx %arg7[%parallel_loop3A_100, %parallel_loop3A_343], %parallel_loop3A_344 : memref<1024x16xi32, #tpu.memory_space<vmem>>[vector<16xi32>, vector<16xi32>], vector<16xi32>,
        %parallel_loop3A_345 = arith.constant 27 : i32
        %parallel_loop3A_346 = arith.muli %and3A_51, %parallel_loop3A_345 : i32
        %parallel_loop3A_347 = arith.constant 20 : i32
        %parallel_loop3A_348 = arith.addi %parallel_loop3A_346, %parallel_loop3A_347 : i32
        %parallel_loop3A_349 = arith.constant 2 : i32
        %parallel_loop3A_350 = arith.subi %parallel_loop3A_348, %parallel_loop3A_349 : i32
        %parallel_loop3A_351 = arith.constant 16 : i32
        %parallel_loop3A_352 = arith.muli %parallel_loop3A_93, %parallel_loop3A_351 : i32
        %parallel_loop3A_353 = arith.index_cast %parallel_loop3A_350 : i32 to index
        %parallel_loop3A_354 = arith.index_cast %parallel_loop3A_352 : i32 to index
        %parallel_loop3A_355 = tpu.vector_load %arg5[%parallel_loop3A_353, %parallel_loop3A_354] {strides = array<i32>} : memref<54x512xf32, #tpu.memory_space<vmem>>, vector<16xf32>,
        %parallel_loop3A_356 = arith.constant 27 : i32
        %parallel_loop3A_357 = arith.muli %and3A_51, %parallel_loop3A_356 : i32
        %parallel_loop3A_358 = arith.constant 20 : i32
        %parallel_loop3A_359 = arith.addi %parallel_loop3A_357, %parallel_loop3A_358 : i32
        %parallel_loop3A_360 = arith.constant 1 : i32
        %parallel_loop3A_361 = arith.subi %parallel_loop3A_359, %parallel_loop3A_360 : i32
        %parallel_loop3A_362 = arith.constant 16 : i32
        %parallel_loop3A_363 = arith.muli %parallel_loop3A_93, %parallel_loop3A_362 : i32
        %parallel_loop3A_364 = arith.index_cast %parallel_loop3A_361 : i32 to index
        %parallel_loop3A_365 = arith.index_cast %parallel_loop3A_363 : i32 to index
        %parallel_loop3A_366 = tpu.vector_load %arg5[%parallel_loop3A_364, %parallel_loop3A_365] {strides = array<i32>} : memref<54x512xf32, #tpu.memory_space<vmem>>, vector<16xf32>,
        %parallel_loop3A_367 = tpu.pack_subelements %parallel_loop3A_355, %parallel_loop3A_366 {pack_format = #tpu.pack_format<interleaved>, positions = array<i32: 0, 1>} : vector<16xf32>, vector<16xf32> -> vector<32xbf16>
        %parallel_loop3A_368 = arith.constant 10 : i32
        %parallel_loop3A_369 = vector.broadcast %parallel_loop3A_368 : i32 to vector<16xi32>
        %parallel_loop3A_370 = vector.bitcast %parallel_loop3A_367 : vector<32xbf16> to vector<16xi32>
        tpu.vector_store_idx %arg7[%parallel_loop3A_100, %parallel_loop3A_369], %parallel_loop3A_370 : memref<1024x16xi32, #tpu.memory_space<vmem>>[vector<16xi32>, vector<16xi32>], vector<16xi32>,
        %parallel_loop3A_371 = arith.constant 27 : i32
        %parallel_loop3A_372 = arith.muli %and3A_51, %parallel_loop3A_371 : i32
        %parallel_loop3A_373 = arith.constant 22 : i32
        %parallel_loop3A_374 = arith.addi %parallel_loop3A_372, %parallel_loop3A_373 : i32
        %parallel_loop3A_375 = arith.constant 2 : i32
        %parallel_loop3A_376 = arith.subi %parallel_loop3A_374, %parallel_loop3A_375 : i32
        %parallel_loop3A_377 = arith.constant 16 : i32
        %parallel_loop3A_378 = arith.muli %parallel_loop3A_93, %parallel_loop3A_377 : i32
        %parallel_loop3A_379 = arith.index_cast %parallel_loop3A_376 : i32 to index
        %parallel_loop3A_380 = arith.index_cast %parallel_loop3A_378 : i32 to index
        %parallel_loop3A_381 = tpu.vector_load %arg5[%parallel_loop3A_379, %parallel_loop3A_380] {strides = array<i32>} : memref<54x512xf32, #tpu.memory_space<vmem>>, vector<16xf32>,
        %parallel_loop3A_382 = arith.constant 27 : i32
        %parallel_loop3A_383 = arith.muli %and3A_51, %parallel_loop3A_382 : i32
        %parallel_loop3A_384 = arith.constant 22 : i32
        %parallel_loop3A_385 = arith.addi %parallel_loop3A_383, %parallel_loop3A_384 : i32
        %parallel_loop3A_386 = arith.constant 1 : i32
        %parallel_loop3A_387 = arith.subi %parallel_loop3A_385, %parallel_loop3A_386 : i32
        %parallel_loop3A_388 = arith.constant 16 : i32
        %parallel_loop3A_389 = arith.muli %parallel_loop3A_93, %parallel_loop3A_388 : i32
        %parallel_loop3A_390 = arith.index_cast %parallel_loop3A_387 : i32 to index
        %parallel_loop3A_391 = arith.index_cast %parallel_loop3A_389 : i32 to index
        %parallel_loop3A_392 = tpu.vector_load %arg5[%parallel_loop3A_390, %parallel_loop3A_391] {strides = array<i32>} : memref<54x512xf32, #tpu.memory_space<vmem>>, vector<16xf32>,
        %parallel_loop3A_393 = tpu.pack_subelements %parallel_loop3A_381, %parallel_loop3A_392 {pack_format = #tpu.pack_format<interleaved>, positions = array<i32: 0, 1>} : vector<16xf32>, vector<16xf32> -> vector<32xbf16>
        %parallel_loop3A_394 = arith.constant 11 : i32
        %parallel_loop3A_395 = vector.broadcast %parallel_loop3A_394 : i32 to vector<16xi32>
        %parallel_loop3A_396 = vector.bitcast %parallel_loop3A_393 : vector<32xbf16> to vector<16xi32>
        tpu.vector_store_idx %arg7[%parallel_loop3A_100, %parallel_loop3A_395], %parallel_loop3A_396 : memref<1024x16xi32, #tpu.memory_space<vmem>>[vector<16xi32>, vector<16xi32>], vector<16xi32>,
        %parallel_loop3A_397 = arith.constant 27 : i32
        %parallel_loop3A_398 = arith.muli %and3A_51, %parallel_loop3A_397 : i32
        %parallel_loop3A_399 = arith.constant 24 : i32
        %parallel_loop3A_400 = arith.addi %parallel_loop3A_398, %parallel_loop3A_399 : i32
        %parallel_loop3A_401 = arith.constant 2 : i32
        %parallel_loop3A_402 = arith.subi %parallel_loop3A_400, %parallel_loop3A_401 : i32
        %parallel_loop3A_403 = arith.constant 16 : i32
        %parallel_loop3A_404 = arith.muli %parallel_loop3A_93, %parallel_loop3A_403 : i32
        %parallel_loop3A_405 = arith.index_cast %parallel_loop3A_402 : i32 to index
        %parallel_loop3A_406 = arith.index_cast %parallel_loop3A_404 : i32 to index
        %parallel_loop3A_407 = tpu.vector_load %arg5[%parallel_loop3A_405, %parallel_loop3A_406] {strides = array<i32>} : memref<54x512xf32, #tpu.memory_space<vmem>>, vector<16xf32>,
        %parallel_loop3A_408 = arith.constant 27 : i32
        %parallel_loop3A_409 = arith.muli %and3A_51, %parallel_loop3A_408 : i32
        %parallel_loop3A_410 = arith.constant 24 : i32
        %parallel_loop3A_411 = arith.addi %parallel_loop3A_409, %parallel_loop3A_410 : i32
        %parallel_loop3A_412 = arith.constant 1 : i32
        %parallel_loop3A_413 = arith.subi %parallel_loop3A_411, %parallel_loop3A_412 : i32
        %parallel_loop3A_414 = arith.constant 16 : i32
        %parallel_loop3A_415 = arith.muli %parallel_loop3A_93, %parallel_loop3A_414 : i32
        %parallel_loop3A_416 = arith.index_cast %parallel_loop3A_413 : i32 to index
        %parallel_loop3A_417 = arith.index_cast %parallel_loop3A_415 : i32 to index
        %parallel_loop3A_418 = tpu.vector_load %arg5[%parallel_loop3A_416, %parallel_loop3A_417] {strides = array<i32>} : memref<54x512xf32, #tpu.memory_space<vmem>>, vector<16xf32>,
        %parallel_loop3A_419 = tpu.pack_subelements %parallel_loop3A_407, %parallel_loop3A_418 {pack_format = #tpu.pack_format<interleaved>, positions = array<i32: 0, 1>} : vector<16xf32>, vector<16xf32> -> vector<32xbf16>
        %parallel_loop3A_420 = arith.constant 12 : i32
        %parallel_loop3A_421 = vector.broadcast %parallel_loop3A_420 : i32 to vector<16xi32>
        %parallel_loop3A_422 = vector.bitcast %parallel_loop3A_419 : vector<32xbf16> to vector<16xi32>
        tpu.vector_store_idx %arg7[%parallel_loop3A_100, %parallel_loop3A_421], %parallel_loop3A_422 : memref<1024x16xi32, #tpu.memory_space<vmem>>[vector<16xi32>, vector<16xi32>], vector<16xi32>,
        %parallel_loop3A_423 = arith.constant 27 : i32
        %parallel_loop3A_424 = arith.muli %and3A_51, %parallel_loop3A_423 : i32
        %parallel_loop3A_425 = arith.constant 26 : i32
        %parallel_loop3A_426 = arith.addi %parallel_loop3A_424, %parallel_loop3A_425 : i32
        %parallel_loop3A_427 = arith.constant 2 : i32
        %parallel_loop3A_428 = arith.subi %parallel_loop3A_426, %parallel_loop3A_427 : i32
        %parallel_loop3A_429 = arith.constant 16 : i32
        %parallel_loop3A_430 = arith.muli %parallel_loop3A_93, %parallel_loop3A_429 : i32
        %parallel_loop3A_431 = arith.index_cast %parallel_loop3A_428 : i32 to index
        %parallel_loop3A_432 = arith.index_cast %parallel_loop3A_430 : i32 to index
        %parallel_loop3A_433 = tpu.vector_load %arg5[%parallel_loop3A_431, %parallel_loop3A_432] {strides = array<i32>} : memref<54x512xf32, #tpu.memory_space<vmem>>, vector<16xf32>,
        %parallel_loop3A_434 = arith.constant 27 : i32
        %parallel_loop3A_435 = arith.muli %and3A_51, %parallel_loop3A_434 : i32
        %parallel_loop3A_436 = arith.constant 26 : i32
        %parallel_loop3A_437 = arith.addi %parallel_loop3A_435, %parallel_loop3A_436 : i32
        %parallel_loop3A_438 = arith.constant 1 : i32
        %parallel_loop3A_439 = arith.subi %parallel_loop3A_437, %parallel_loop3A_438 : i32
        %parallel_loop3A_440 = arith.constant 16 : i32
        %parallel_loop3A_441 = arith.muli %parallel_loop3A_93, %parallel_loop3A_440 : i32
        %parallel_loop3A_442 = arith.index_cast %parallel_loop3A_439 : i32 to index
        %parallel_loop3A_443 = arith.index_cast %parallel_loop3A_441 : i32 to index
        %parallel_loop3A_444 = tpu.vector_load %arg5[%parallel_loop3A_442, %parallel_loop3A_443] {strides = array<i32>} : memref<54x512xf32, #tpu.memory_space<vmem>>, vector<16xf32>,
        %parallel_loop3A_445 = tpu.pack_subelements %parallel_loop3A_433, %parallel_loop3A_444 {pack_format = #tpu.pack_format<interleaved>, positions = array<i32: 0, 1>} : vector<16xf32>, vector<16xf32> -> vector<32xbf16>
        %parallel_loop3A_446 = arith.constant 13 : i32
        %parallel_loop3A_447 = vector.broadcast %parallel_loop3A_446 : i32 to vector<16xi32>
        %parallel_loop3A_448 = vector.bitcast %parallel_loop3A_445 : vector<32xbf16> to vector<16xi32>
        tpu.vector_store_idx %arg7[%parallel_loop3A_100, %parallel_loop3A_447], %parallel_loop3A_448 : memref<1024x16xi32, #tpu.memory_space<vmem>>[vector<16xi32>, vector<16xi32>], vector<16xi32>,
        %parallel_loop3A_449 = arith.constant 27 : i32
        %parallel_loop3A_450 = arith.muli %and3A_51, %parallel_loop3A_449 : i32
        %parallel_loop3A_451 = arith.constant 28 : i32
        %parallel_loop3A_452 = arith.addi %parallel_loop3A_450, %parallel_loop3A_451 : i32
        %parallel_loop3A_453 = arith.constant 2 : i32
        %parallel_loop3A_454 = arith.subi %parallel_loop3A_452, %parallel_loop3A_453 : i32
        %parallel_loop3A_455 = arith.constant 16 : i32
        %parallel_loop3A_456 = arith.muli %parallel_loop3A_93, %parallel_loop3A_455 : i32
        %parallel_loop3A_457 = arith.index_cast %parallel_loop3A_454 : i32 to index
        %parallel_loop3A_458 = arith.index_cast %parallel_loop3A_456 : i32 to index
        %parallel_loop3A_459 = tpu.vector_load %arg5[%parallel_loop3A_457, %parallel_loop3A_458] {strides = array<i32>} : memref<54x512xf32, #tpu.memory_space<vmem>>, vector<16xf32>,
        %parallel_loop3A_460 = arith.constant 0.000000e+00 : f32
        %parallel_loop3A_461 = vector.broadcast %parallel_loop3A_460 : f32 to vector<16xf32>
        %parallel_loop3A_462 = tpu.pack_subelements %parallel_loop3A_459, %parallel_loop3A_461 {pack_format = #tpu.pack_format<interleaved>, positions = array<i32: 0, 1>} : vector<16xf32>, vector<16xf32> -> vector<32xbf16>
        %parallel_loop3A_463 = arith.constant 14 : i32
        %parallel_loop3A_464 = vector.broadcast %parallel_loop3A_463 : i32 to vector<16xi32>
        %parallel_loop3A_465 = vector.bitcast %parallel_loop3A_462 : vector<32xbf16> to vector<16xi32>
        tpu.vector_store_idx %arg7[%parallel_loop3A_100, %parallel_loop3A_464], %parallel_loop3A_465 : memref<1024x16xi32, #tpu.memory_space<vmem>>[vector<16xi32>, vector<16xi32>], vector<16xi32>,
      } {sc.loop_unroll_factor = 2 : i64, sc.parallel_access}
      %mul3A_79 = arith.constant 512 : i32
      %mul3A_80 = arith.muli %and3A_51, %mul3A_79 : i32
      %mul3A_81 = arith.constant 16384 : i32
      %mul3A_82 = arith.muli %scan3A_49, %mul3A_81 : i32
      %add3A_83 = arith.addi %mul3A_82, %mul3A_2 : i32
      %dma_start3A_84 = arith.constant 0 : i32
      %dma_start3A_85 = tpu.memref_slice %arg7[%mul3A_80, %dma_start3A_84] : memref<1024x16xi32, #tpu.memory_space<vmem>> -> memref<512x16xi32, #tpu.memory_space<vmem>>
      %dma_start3A_86 = arith.constant 0 : i32
      %dma_start3A_87 = tpu.memref_slice %arg4[%add3A_83, %dma_start3A_86] : memref<2097152x16xi32, #tpu.memory_space<hbm>> -> memref<512x16xi32, #tpu.memory_space<hbm>>
      %dma_start3A_88 = arith.constant 0 : i32
      %dma_start3A_89 = tpu.memref_slice %arg4[%add3A_83, %dma_start3A_88] : memref<2097152x16xi32, #tpu.memory_space<hbm>> -> memref<512x16xi32, #tpu.memory_space<hbm>>
      %dma_start3A_90 = arith.constant 0 : i32
      %dma_start3A_91 = tpu.memref_slice %arg7[%mul3A_80, %dma_start3A_90] : memref<1024x16xi32, #tpu.memory_space<vmem>> -> memref<512x16xi32, #tpu.memory_space<vmem>>
      tpu.enqueue_dma source(%dma_start3A_91 : memref<512x16xi32, #tpu.memory_space<vmem>>) target(%dma_start3A_89 : memref<512x16xi32, #tpu.memory_space<hbm>>) target_semaphore(%arg9 : memref<!tpu.dma_semaphore, #tpu.memory_space<semaphore_mem>>)
      %scan3A_92 = arith.constant 0 : i32
      scf.yield %scan3A_92 : i32
    }
    %scan3A_25 = arith.constant 128 : i32
    %add3A_26 = arith.constant 2064384 : i32
    %add3A_27 = arith.addi %add3A_26, %mul3A_2 : i32
    %dma_wait3A = arith.constant 0 : i32
    %dma_wait3A_28 = arith.constant 0 : i32
    %dma_wait3A_29 = tpu.memref_slice %arg7[%dma_wait3A, %dma_wait3A_28] : memref<1024x16xi32, #tpu.memory_space<vmem>> -> memref<512x16xi32, #tpu.memory_space<vmem>>
    %dma_wait3A_30 = arith.constant 0 : i32
    %dma_wait3A_31 = tpu.memref_slice %arg4[%add3A_27, %dma_wait3A_30] : memref<2097152x16xi32, #tpu.memory_space<hbm>> -> memref<512x16xi32, #tpu.memory_space<hbm>>
    %dma_wait3A_32 = arith.constant 0 : i32
    %dma_wait3A_33 = tpu.memref_slice %arg4[%add3A_27, %dma_wait3A_32] : memref<2097152x16xi32, #tpu.memory_space<hbm>> -> memref<512x16xi32, #tpu.memory_space<hbm>>
    %dma_wait3A_34 = arith.constant 0 : i32
    %dma_wait3A_35 = arith.constant 0 : i32
    %dma_wait3A_36 = tpu.memref_slice %arg7[%dma_wait3A_34, %dma_wait3A_35] : memref<1024x16xi32, #tpu.memory_space<vmem>> -> memref<512x16xi32, #tpu.memory_space<vmem>>
    tpu.wait_dma2 semaphore(%arg9 : memref<!tpu.dma_semaphore, #tpu.memory_space<semaphore_mem>>) src(%dma_wait3A_36 : memref<512x16xi32, #tpu.memory_space<vmem>>) dst(%dma_wait3A_33 : memref<512x16xi32, #tpu.memory_space<hbm>>)
    %add3A_37 = arith.constant 2080768 : i32
    %add3A_38 = arith.addi %add3A_37, %mul3A_2 : i32
    %dma_wait3A_39 = arith.constant 512 : i32
    %dma_wait3A_40 = arith.constant 0 : i32
    %dma_wait3A_41 = tpu.memref_slice %arg7[%dma_wait3A_39, %dma_wait3A_40] : memref<1024x16xi32, #tpu.memory_space<vmem>> -> memref<512x16xi32, #tpu.memory_space<vmem>>
    %dma_wait3A_42 = arith.constant 0 : i32
    %dma_wait3A_43 = tpu.memref_slice %arg4[%add3A_38, %dma_wait3A_42] : memref<2097152x16xi32, #tpu.memory_space<hbm>> -> memref<512x16xi32, #tpu.memory_space<hbm>>
    %dma_wait3A_44 = arith.constant 0 : i32
    %dma_wait3A_45 = tpu.memref_slice %arg4[%add3A_38, %dma_wait3A_44] : memref<2097152x16xi32, #tpu.memory_space<hbm>> -> memref<512x16xi32, #tpu.memory_space<hbm>>
    %dma_wait3A_46 = arith.constant 512 : i32
    %dma_wait3A_47 = arith.constant 0 : i32
    %dma_wait3A_48 = tpu.memref_slice %arg7[%dma_wait3A_46, %dma_wait3A_47] : memref<1024x16xi32, #tpu.memory_space<vmem>> -> memref<512x16xi32, #tpu.memory_space<vmem>>
    tpu.wait_dma2 semaphore(%arg9 : memref<!tpu.dma_semaphore, #tpu.memory_space<semaphore_mem>>) src(%dma_wait3A_48 : memref<512x16xi32, #tpu.memory_space<vmem>>) dst(%dma_wait3A_45 : memref<512x16xi32, #tpu.memory_space<hbm>>)
    return
  }
}

#map = affine_map<(d0, d1) -> (0, 0)>
module attributes {stable_mosaic.version = 14 : i64} {
  func.func @_render_body(%arg0: i32, %arg1: i32, %arg2: memref<3x4096xf32, #tpu.memory_space<hbm>>, %arg3: memref<3x4096xf32, #tpu.memory_space<hbm>>, %arg4: memref<2097152x16xi32, #tpu.memory_space<hbm>>, %arg5: memref<4096x3xf32, #tpu.memory_space<hbm>>, %arg6: memref<3x4096xf32, #tpu.memory_space<vmem>>, %arg7: memref<3x4096xf32, #tpu.memory_space<vmem>>, %arg8: memref<32x128xi32, #tpu.memory_space<vmem>>, %arg9: memref<32x128xf32, #tpu.memory_space<vmem>>, %arg10: memref<4096x16xi32, #tpu.memory_space<vmem>>, %arg11: memref<128x3xf32, #tpu.memory_space<vmem>>, %arg12: memref<!tpu.dma_semaphore, #tpu.memory_space<semaphore_mem>>) attributes {dimension_semantics = [#tpu.dimension_semantics<core_parallel>, #tpu.dimension_semantics<subcore_parallel>], iteration_bounds = array<i64: 2, 16>, scalar_prefetch = 0 : i64, scratch_operands = 7 : i64, tpu.core_type = #tpu.core_type<sc_vector_subcore>, window_params = [{transform_indices = #map}, {transform_indices = #map}, {transform_indices = #map}, {transform_indices = #map}]} {
    %mul3A = arith.constant 2 : i32
    %mul3A_0 = arith.muli %arg1, %mul3A : i32
    %add3A = arith.addi %mul3A_0, %arg0 : i32
    %mul3A_1 = arith.constant 128 : i32
    %mul3A_2 = arith.muli %add3A, %mul3A_1 : i32
    "tpu.region"() ({
      %run_scoped3A = tpu.sem_alloc : memref<!tpu.dma_semaphore, #tpu.memory_space<semaphore_mem>>
      tpu.enqueue_dma source(%arg2 : memref<3x4096xf32, #tpu.memory_space<hbm>>) target(%arg6 : memref<3x4096xf32, #tpu.memory_space<vmem>>) target_semaphore(%run_scoped3A : memref<!tpu.dma_semaphore, #tpu.memory_space<semaphore_mem>>)
      tpu.wait_dma2 semaphore(%run_scoped3A : memref<!tpu.dma_semaphore, #tpu.memory_space<semaphore_mem>>) src(%arg2 : memref<3x4096xf32, #tpu.memory_space<hbm>>) dst(%arg6 : memref<3x4096xf32, #tpu.memory_space<vmem>>)
      tpu.yield
    }) : () -> ()
    "tpu.region"() ({
      %run_scoped3A = tpu.sem_alloc : memref<!tpu.dma_semaphore, #tpu.memory_space<semaphore_mem>>
      tpu.enqueue_dma source(%arg3 : memref<3x4096xf32, #tpu.memory_space<hbm>>) target(%arg7 : memref<3x4096xf32, #tpu.memory_space<vmem>>) target_semaphore(%run_scoped3A : memref<!tpu.dma_semaphore, #tpu.memory_space<semaphore_mem>>)
      tpu.wait_dma2 semaphore(%run_scoped3A : memref<!tpu.dma_semaphore, #tpu.memory_space<semaphore_mem>>) src(%arg3 : memref<3x4096xf32, #tpu.memory_space<hbm>>) dst(%arg7 : memref<3x4096xf32, #tpu.memory_space<vmem>>)
      tpu.yield
    }) : () -> ()
    %iota3A = tpu.iota {dimensions = array<i32: 0>} : vector<16xi32>
    %scan3A = arith.constant 0 : i32
    %scan3A_3 = arith.constant 0 : i32
    %scan3A_4 = arith.constant 8 : i32
    %scan3A_5 = arith.addi %scan3A_3, %scan3A_4 : i32
    %scan3A_6 = arith.constant 1 : i32
    %scan3A_7 = scf.for %scan3A_9 = %scan3A_3 to %scan3A_5 step %scan3A_6 iter_args(%scan3A_10 = %scan3A) -> (i32)  : i32 {
      %mul3A_11 = arith.constant 16 : i32
      %mul3A_12 = arith.muli %scan3A_9, %mul3A_11 : i32
      %add3A_13 = arith.addi %mul3A_2, %mul3A_12 : i32
      %get3A = arith.constant 0 : i32
      %get3A_14 = arith.index_cast %get3A : i32 to index
      %get3A_15 = arith.index_cast %add3A_13 : i32 to index
      %get3A_16 = tpu.vector_load %arg6[%get3A_14, %get3A_15] {strides = array<i32>} : memref<3x4096xf32, #tpu.memory_space<vmem>>, vector<16xf32>,
      %get3A_17 = arith.constant 1 : i32
      %get3A_18 = arith.index_cast %get3A_17 : i32 to index
      %get3A_19 = arith.index_cast %add3A_13 : i32 to index
      %get3A_20 = tpu.vector_load %arg6[%get3A_18, %get3A_19] {strides = array<i32>} : memref<3x4096xf32, #tpu.memory_space<vmem>>, vector<16xf32>,
      %get3A_21 = arith.constant 2 : i32
      %get3A_22 = arith.index_cast %get3A_21 : i32 to index
      %get3A_23 = arith.index_cast %add3A_13 : i32 to index
      %get3A_24 = tpu.vector_load %arg6[%get3A_22, %get3A_23] {strides = array<i32>} : memref<3x4096xf32, #tpu.memory_space<vmem>>, vector<16xf32>,
      %get3A_25 = arith.constant 0 : i32
      %get3A_26 = arith.index_cast %get3A_25 : i32 to index
      %get3A_27 = arith.index_cast %add3A_13 : i32 to index
      %get3A_28 = tpu.vector_load %arg7[%get3A_26, %get3A_27] {strides = array<i32>} : memref<3x4096xf32, #tpu.memory_space<vmem>>, vector<16xf32>,
      %get3A_29 = arith.constant 1 : i32
      %get3A_30 = arith.index_cast %get3A_29 : i32 to index
      %get3A_31 = arith.index_cast %add3A_13 : i32 to index
      %get3A_32 = tpu.vector_load %arg7[%get3A_30, %get3A_31] {strides = array<i32>} : memref<3x4096xf32, #tpu.memory_space<vmem>>, vector<16xf32>,
      %get3A_33 = arith.constant 2 : i32
      %get3A_34 = arith.index_cast %get3A_33 : i32 to index
      %get3A_35 = arith.index_cast %add3A_13 : i32 to index
      %get3A_36 = tpu.vector_load %arg7[%get3A_34, %get3A_35] {strides = array<i32>} : memref<3x4096xf32, #tpu.memory_space<vmem>>, vector<16xf32>,
      %broadcast_in_dim3A = arith.constant 0.282094806 : f32
      %broadcast_in_dim3A_37 = vector.broadcast %broadcast_in_dim3A : f32 to vector<16xf32>
      %mul3A_38 = arith.constant -0.488602519 : f32
      %mul3A_39 = vector.broadcast %mul3A_38 : f32 to vector<16xf32>
      %mul3A_40 = arith.mulf %mul3A_39, %get3A_32 : vector<16xf32>
      %mul3A_41 = arith.constant 0.488602519 : f32
      %mul3A_42 = vector.broadcast %mul3A_41 : f32 to vector<16xf32>
      %mul3A_43 = arith.mulf %mul3A_42, %get3A_36 : vector<16xf32>
      %mul3A_44 = arith.constant -0.488602519 : f32
      %mul3A_45 = vector.broadcast %mul3A_44 : f32 to vector<16xf32>
      %mul3A_46 = arith.mulf %mul3A_45, %get3A_28 : vector<16xf32>
      %mul3A_47 = arith.constant 1.09254849 : f32
      %mul3A_48 = vector.broadcast %mul3A_47 : f32 to vector<16xf32>
      %mul3A_49 = arith.mulf %mul3A_48, %get3A_28 : vector<16xf32>
      %mul3A_50 = arith.mulf %mul3A_49, %get3A_32 : vector<16xf32>
      %mul3A_51 = arith.constant -1.09254849 : f32
      %mul3A_52 = vector.broadcast %mul3A_51 : f32 to vector<16xf32>
      %mul3A_53 = arith.mulf %mul3A_52, %get3A_32 : vector<16xf32>
      %mul3A_54 = arith.mulf %mul3A_53, %get3A_36 : vector<16xf32>
      %mul3A_55 = arith.constant 2.000000e+00 : f32
      %mul3A_56 = vector.broadcast %mul3A_55 : f32 to vector<16xf32>
      %mul3A_57 = arith.mulf %mul3A_56, %get3A_36 : vector<16xf32>
      %mul3A_58 = arith.mulf %mul3A_57, %get3A_36 : vector<16xf32>
      %mul3A_59 = arith.mulf %get3A_28, %get3A_28 : vector<16xf32>
      %sub3A = arith.subf %mul3A_58, %mul3A_59 : vector<16xf32>
      %mul3A_60 = arith.mulf %get3A_32, %get3A_32 : vector<16xf32>
      %sub3A_61 = arith.subf %sub3A, %mul3A_60 : vector<16xf32>
      %mul3A_62 = arith.constant 0.31539157 : f32
      %mul3A_63 = vector.broadcast %mul3A_62 : f32 to vector<16xf32>
      %mul3A_64 = arith.mulf %mul3A_63, %sub3A_61 : vector<16xf32>
      %mul3A_65 = arith.constant -1.09254849 : f32
      %mul3A_66 = vector.broadcast %mul3A_65 : f32 to vector<16xf32>
      %mul3A_67 = arith.mulf %mul3A_66, %get3A_28 : vector<16xf32>
      %mul3A_68 = arith.mulf %mul3A_67, %get3A_36 : vector<16xf32>
      %mul3A_69 = arith.mulf %get3A_28, %get3A_28 : vector<16xf32>
      %mul3A_70 = arith.mulf %get3A_32, %get3A_32 : vector<16xf32>
      %sub3A_71 = arith.subf %mul3A_69, %mul3A_70 : vector<16xf32>
      %mul3A_72 = arith.constant 0.546274245 : f32
      %mul3A_73 = vector.broadcast %mul3A_72 : f32 to vector<16xf32>
      %mul3A_74 = arith.mulf %mul3A_73, %sub3A_71 : vector<16xf32>
      %scan3A_75 = arith.constant 0 : i32
      %scan3A_76 = arith.constant 0 : i32
      %scan3A_77 = arith.constant 16 : i32
      %scan3A_78 = arith.addi %scan3A_76, %scan3A_77 : i32
      %scan3A_79 = arith.constant 1 : i32
      %scan3A_80 = scf.for %scan3A_266 = %scan3A_76 to %scan3A_78 step %scan3A_79 iter_args(%scan3A_267 = %scan3A_75) -> (i32)  : i32 {
        %add3A_268 = arith.constant 0 : i32
        %add3A_269 = arith.addi %add3A_268, %scan3A_266 : i32
        %broadcast_in_dim3A_270 = vector.broadcast %add3A_269 : i32 to vector<16xi32>
        %convert_element_type3A = arith.sitofp %broadcast_in_dim3A_270 : vector<16xi32> to vector<16xf32>
        %mul3A_271 = arith.constant 0.0619047619 : f32
        %mul3A_272 = vector.broadcast %mul3A_271 : f32 to vector<16xf32>
        %mul3A_273 = arith.mulf %convert_element_type3A, %mul3A_272 : vector<16xf32>
        %add3A_274 = arith.constant 1.000000e-01 : f32
        %add3A_275 = vector.broadcast %add3A_274 : f32 to vector<16xf32>
        %add3A_276 = arith.addf %mul3A_273, %add3A_275 : vector<16xf32>
        %mul3A_277 = arith.mulf %get3A_28, %add3A_276 : vector<16xf32>
        %add3A_278 = arith.addf %get3A_16, %mul3A_277 : vector<16xf32>
        %add3A_279 = arith.constant 1.000000e+00 : f32
        %add3A_280 = vector.broadcast %add3A_279 : f32 to vector<16xf32>
        %add3A_281 = arith.addf %add3A_278, %add3A_280 : vector<16xf32>
        %mul3A_282 = arith.constant 6.350000e+01 : f32
        %mul3A_283 = vector.broadcast %mul3A_282 : f32 to vector<16xf32>
        %mul3A_284 = arith.mulf %add3A_281, %mul3A_283 : vector<16xf32>
        %convert_element_type3A_285 = arith.fptosi %mul3A_284 : vector<16xf32> to vector<16xi32>
        %convert_element_type3A_286 = arith.sitofp %convert_element_type3A_285 : vector<16xi32> to vector<16xf32>
        %gt3A = arith.cmpf ogt, %convert_element_type3A_286, %mul3A_284 : vector<16xf32>
        %sub3A_287 = arith.constant 1 : i32
        %sub3A_288 = vector.broadcast %sub3A_287 : i32 to vector<16xi32>
        %sub3A_289 = arith.subi %convert_element_type3A_285, %sub3A_288 : vector<16xi32>
        %select_n3A = arith.select %gt3A, %sub3A_289, %convert_element_type3A_285 : vector<16xi1>, vector<16xi32>
        %convert_element_type3A_290 = arith.sitofp %select_n3A : vector<16xi32> to vector<16xf32>
        %sub3A_291 = arith.subf %mul3A_284, %convert_element_type3A_290 : vector<16xf32>
        %jit3A = arith.constant 0 : i32
        %jit3A_292 = arith.constant 127 : i32
        %max3A = vector.broadcast %jit3A : i32 to vector<16xi32>
        %max3A_293 = arith.maxsi %max3A, %select_n3A : vector<16xi32>
        %min3A = vector.broadcast %jit3A_292 : i32 to vector<16xi32>
        %min3A_294 = arith.minsi %min3A, %max3A_293 : vector<16xi32>
        %add3A_295 = arith.constant 1 : i32
        %add3A_296 = vector.broadcast %add3A_295 : i32 to vector<16xi32>
        %add3A_297 = arith.addi %select_n3A, %add3A_296 : vector<16xi32>
        %jit3A_298 = arith.constant 0 : i32
        %jit3A_299 = arith.constant 127 : i32
        %max3A_300 = vector.broadcast %jit3A_298 : i32 to vector<16xi32>
        %max3A_301 = arith.maxsi %max3A_300, %add3A_297 : vector<16xi32>
        %min3A_302 = vector.broadcast %jit3A_299 : i32 to vector<16xi32>
        %min3A_303 = arith.minsi %min3A_302, %max3A_301 : vector<16xi32>
        %mul3A_304 = arith.mulf %get3A_32, %add3A_276 : vector<16xf32>
        %add3A_305 = arith.addf %get3A_20, %mul3A_304 : vector<16xf32>
        %add3A_306 = arith.constant 1.000000e+00 : f32
        %add3A_307 = vector.broadcast %add3A_306 : f32 to vector<16xf32>
        %add3A_308 = arith.addf %add3A_305, %add3A_307 : vector<16xf32>
        %mul3A_309 = arith.constant 6.350000e+01 : f32
        %mul3A_310 = vector.broadcast %mul3A_309 : f32 to vector<16xf32>
        %mul3A_311 = arith.mulf %add3A_308, %mul3A_310 : vector<16xf32>
        %convert_element_type3A_312 = arith.fptosi %mul3A_311 : vector<16xf32> to vector<16xi32>
        %convert_element_type3A_313 = arith.sitofp %convert_element_type3A_312 : vector<16xi32> to vector<16xf32>
        %gt3A_314 = arith.cmpf ogt, %convert_element_type3A_313, %mul3A_311 : vector<16xf32>
        %sub3A_315 = arith.constant 1 : i32
        %sub3A_316 = vector.broadcast %sub3A_315 : i32 to vector<16xi32>
        %sub3A_317 = arith.subi %convert_element_type3A_312, %sub3A_316 : vector<16xi32>
        %select_n3A_318 = arith.select %gt3A_314, %sub3A_317, %convert_element_type3A_312 : vector<16xi1>, vector<16xi32>
        %convert_element_type3A_319 = arith.sitofp %select_n3A_318 : vector<16xi32> to vector<16xf32>
        %sub3A_320 = arith.subf %mul3A_311, %convert_element_type3A_319 : vector<16xf32>
        %jit3A_321 = arith.constant 0 : i32
        %jit3A_322 = arith.constant 127 : i32
        %max3A_323 = vector.broadcast %jit3A_321 : i32 to vector<16xi32>
        %max3A_324 = arith.maxsi %max3A_323, %select_n3A_318 : vector<16xi32>
        %min3A_325 = vector.broadcast %jit3A_322 : i32 to vector<16xi32>
        %min3A_326 = arith.minsi %min3A_325, %max3A_324 : vector<16xi32>
        %add3A_327 = arith.constant 1 : i32
        %add3A_328 = vector.broadcast %add3A_327 : i32 to vector<16xi32>
        %add3A_329 = arith.addi %select_n3A_318, %add3A_328 : vector<16xi32>
        %jit3A_330 = arith.constant 0 : i32
        %jit3A_331 = arith.constant 127 : i32
        %max3A_332 = vector.broadcast %jit3A_330 : i32 to vector<16xi32>
        %max3A_333 = arith.maxsi %max3A_332, %add3A_329 : vector<16xi32>
        %min3A_334 = vector.broadcast %jit3A_331 : i32 to vector<16xi32>
        %min3A_335 = arith.minsi %min3A_334, %max3A_333 : vector<16xi32>
        %mul3A_336 = arith.mulf %get3A_36, %add3A_276 : vector<16xf32>
        %add3A_337 = arith.addf %get3A_24, %mul3A_336 : vector<16xf32>
        %add3A_338 = arith.constant 1.000000e+00 : f32
        %add3A_339 = vector.broadcast %add3A_338 : f32 to vector<16xf32>
        %add3A_340 = arith.addf %add3A_337, %add3A_339 : vector<16xf32>
        %mul3A_341 = arith.constant 6.350000e+01 : f32
        %mul3A_342 = vector.broadcast %mul3A_341 : f32 to vector<16xf32>
        %mul3A_343 = arith.mulf %add3A_340, %mul3A_342 : vector<16xf32>
        %convert_element_type3A_344 = arith.fptosi %mul3A_343 : vector<16xf32> to vector<16xi32>
        %convert_element_type3A_345 = arith.sitofp %convert_element_type3A_344 : vector<16xi32> to vector<16xf32>
        %gt3A_346 = arith.cmpf ogt, %convert_element_type3A_345, %mul3A_343 : vector<16xf32>
        %sub3A_347 = arith.constant 1 : i32
        %sub3A_348 = vector.broadcast %sub3A_347 : i32 to vector<16xi32>
        %sub3A_349 = arith.subi %convert_element_type3A_344, %sub3A_348 : vector<16xi32>
        %select_n3A_350 = arith.select %gt3A_346, %sub3A_349, %convert_element_type3A_344 : vector<16xi1>, vector<16xi32>
        %convert_element_type3A_351 = arith.sitofp %select_n3A_350 : vector<16xi32> to vector<16xf32>
        %sub3A_352 = arith.subf %mul3A_343, %convert_element_type3A_351 : vector<16xf32>
        %jit3A_353 = arith.constant 0 : i32
        %jit3A_354 = arith.constant 127 : i32
        %max3A_355 = vector.broadcast %jit3A_353 : i32 to vector<16xi32>
        %max3A_356 = arith.maxsi %max3A_355, %select_n3A_350 : vector<16xi32>
        %min3A_357 = vector.broadcast %jit3A_354 : i32 to vector<16xi32>
        %min3A_358 = arith.minsi %min3A_357, %max3A_356 : vector<16xi32>
        %add3A_359 = arith.constant 1 : i32
        %add3A_360 = vector.broadcast %add3A_359 : i32 to vector<16xi32>
        %add3A_361 = arith.addi %select_n3A_350, %add3A_360 : vector<16xi32>
        %jit3A_362 = arith.constant 0 : i32
        %jit3A_363 = arith.constant 127 : i32
        %max3A_364 = vector.broadcast %jit3A_362 : i32 to vector<16xi32>
        %max3A_365 = arith.maxsi %max3A_364, %add3A_361 : vector<16xi32>
        %min3A_366 = vector.broadcast %jit3A_363 : i32 to vector<16xi32>
        %min3A_367 = arith.minsi %min3A_366, %max3A_365 : vector<16xi32>
        %mul3A_368 = arith.constant 16384 : i32
        %mul3A_369 = vector.broadcast %mul3A_368 : i32 to vector<16xi32>
        %mul3A_370 = arith.muli %min3A_294, %mul3A_369 : vector<16xi32>
        %mul3A_371 = arith.constant 16384 : i32
        %mul3A_372 = vector.broadcast %mul3A_371 : i32 to vector<16xi32>
        %mul3A_373 = arith.muli %min3A_303, %mul3A_372 : vector<16xi32>
        %mul3A_374 = arith.constant 128 : i32
        %mul3A_375 = vector.broadcast %mul3A_374 : i32 to vector<16xi32>
        %mul3A_376 = arith.muli %min3A_326, %mul3A_375 : vector<16xi32>
        %mul3A_377 = arith.constant 128 : i32
        %mul3A_378 = vector.broadcast %mul3A_377 : i32 to vector<16xi32>
        %mul3A_379 = arith.muli %min3A_335, %mul3A_378 : vector<16xi32>
        %sub3A_380 = arith.constant 1.000000e+00 : f32
        %sub3A_381 = vector.broadcast %sub3A_380 : f32 to vector<16xf32>
        %sub3A_382 = arith.subf %sub3A_381, %sub3A_291 : vector<16xf32>
        %sub3A_383 = arith.constant 1.000000e+00 : f32
        %sub3A_384 = vector.broadcast %sub3A_383 : f32 to vector<16xf32>
        %sub3A_385 = arith.subf %sub3A_384, %sub3A_320 : vector<16xf32>
        %sub3A_386 = arith.constant 1.000000e+00 : f32
        %sub3A_387 = vector.broadcast %sub3A_386 : f32 to vector<16xf32>
        %sub3A_388 = arith.subf %sub3A_387, %sub3A_352 : vector<16xf32>
        %add3A_389 = arith.addi %mul3A_370, %mul3A_376 : vector<16xi32>
        %add3A_390 = arith.addi %add3A_389, %min3A_358 : vector<16xi32>
        %mul3A_391 = arith.mulf %sub3A_382, %sub3A_385 : vector<16xf32>
        %mul3A_392 = arith.mulf %mul3A_391, %sub3A_388 : vector<16xf32>
        %add3A_393 = arith.constant 0 : i32
        %add3A_394 = arith.addi %add3A_393, %scan3A_266 : i32
        %swap3A = arith.index_cast %add3A_394 : i32 to index
        %swap3A_395 = arith.constant 0 : index
        %swap3A_396 = tpu.vector_load %arg8[%swap3A, %swap3A_395] {strides = array<i32>} : memref<32x128xi32, #tpu.memory_space<vmem>>, vector<16xi32>,
        tpu.vector_store %arg8[%swap3A, %swap3A_395], %add3A_390 {strides = array<i32>} : memref<32x128xi32, #tpu.memory_space<vmem>>, vector<16xi32>,
        %add3A_397 = arith.constant 0 : i32
        %add3A_398 = arith.addi %add3A_397, %scan3A_266 : i32
        %swap3A_399 = arith.index_cast %add3A_398 : i32 to index
        %swap3A_400 = arith.constant 0 : index
        %swap3A_401 = tpu.vector_load %arg9[%swap3A_399, %swap3A_400] {strides = array<i32>} : memref<32x128xf32, #tpu.memory_space<vmem>>, vector<16xf32>,
        tpu.vector_store %arg9[%swap3A_399, %swap3A_400], %mul3A_392 {strides = array<i32>} : memref<32x128xf32, #tpu.memory_space<vmem>>, vector<16xf32>,
        %add3A_402 = arith.addi %mul3A_370, %mul3A_376 : vector<16xi32>
        %add3A_403 = arith.addi %add3A_402, %min3A_367 : vector<16xi32>
        %mul3A_404 = arith.mulf %sub3A_382, %sub3A_385 : vector<16xf32>
        %mul3A_405 = arith.mulf %mul3A_404, %sub3A_352 : vector<16xf32>
        %add3A_406 = arith.constant 0 : i32
        %add3A_407 = arith.addi %add3A_406, %scan3A_266 : i32
        %swap3A_408 = arith.index_cast %add3A_407 : i32 to index
        %swap3A_409 = arith.constant 16 : index
        %swap3A_410 = tpu.vector_load %arg8[%swap3A_408, %swap3A_409] {strides = array<i32>} : memref<32x128xi32, #tpu.memory_space<vmem>>, vector<16xi32>,
        tpu.vector_store %arg8[%swap3A_408, %swap3A_409], %add3A_403 {strides = array<i32>} : memref<32x128xi32, #tpu.memory_space<vmem>>, vector<16xi32>,
        %add3A_411 = arith.constant 0 : i32
        %add3A_412 = arith.addi %add3A_411, %scan3A_266 : i32
        %swap3A_413 = arith.index_cast %add3A_412 : i32 to index
        %swap3A_414 = arith.constant 16 : index
        %swap3A_415 = tpu.vector_load %arg9[%swap3A_413, %swap3A_414] {strides = array<i32>} : memref<32x128xf32, #tpu.memory_space<vmem>>, vector<16xf32>,
        tpu.vector_store %arg9[%swap3A_413, %swap3A_414], %mul3A_405 {strides = array<i32>} : memref<32x128xf32, #tpu.memory_space<vmem>>, vector<16xf32>,
        %add3A_416 = arith.addi %mul3A_370, %mul3A_379 : vector<16xi32>
        %add3A_417 = arith.addi %add3A_416, %min3A_358 : vector<16xi32>
        %mul3A_418 = arith.mulf %sub3A_382, %sub3A_320 : vector<16xf32>
        %mul3A_419 = arith.mulf %mul3A_418, %sub3A_388 : vector<16xf32>
        %add3A_420 = arith.constant 0 : i32
        %add3A_421 = arith.addi %add3A_420, %scan3A_266 : i32
        %swap3A_422 = arith.index_cast %add3A_421 : i32 to index
        %swap3A_423 = arith.constant 32 : index
        %swap3A_424 = tpu.vector_load %arg8[%swap3A_422, %swap3A_423] {strides = array<i32>} : memref<32x128xi32, #tpu.memory_space<vmem>>, vector<16xi32>,
        tpu.vector_store %arg8[%swap3A_422, %swap3A_423], %add3A_417 {strides = array<i32>} : memref<32x128xi32, #tpu.memory_space<vmem>>, vector<16xi32>,
        %add3A_425 = arith.constant 0 : i32
        %add3A_426 = arith.addi %add3A_425, %scan3A_266 : i32
        %swap3A_427 = arith.index_cast %add3A_426 : i32 to index
        %swap3A_428 = arith.constant 32 : index
        %swap3A_429 = tpu.vector_load %arg9[%swap3A_427, %swap3A_428] {strides = array<i32>} : memref<32x128xf32, #tpu.memory_space<vmem>>, vector<16xf32>,
        tpu.vector_store %arg9[%swap3A_427, %swap3A_428], %mul3A_419 {strides = array<i32>} : memref<32x128xf32, #tpu.memory_space<vmem>>, vector<16xf32>,
        %add3A_430 = arith.addi %mul3A_370, %mul3A_379 : vector<16xi32>
        %add3A_431 = arith.addi %add3A_430, %min3A_367 : vector<16xi32>
        %mul3A_432 = arith.mulf %sub3A_382, %sub3A_320 : vector<16xf32>
        %mul3A_433 = arith.mulf %mul3A_432, %sub3A_352 : vector<16xf32>
        %add3A_434 = arith.constant 0 : i32
        %add3A_435 = arith.addi %add3A_434, %scan3A_266 : i32
        %swap3A_436 = arith.index_cast %add3A_435 : i32 to index
        %swap3A_437 = arith.constant 48 : index
        %swap3A_438 = tpu.vector_load %arg8[%swap3A_436, %swap3A_437] {strides = array<i32>} : memref<32x128xi32, #tpu.memory_space<vmem>>, vector<16xi32>,
        tpu.vector_store %arg8[%swap3A_436, %swap3A_437], %add3A_431 {strides = array<i32>} : memref<32x128xi32, #tpu.memory_space<vmem>>, vector<16xi32>,
        %add3A_439 = arith.constant 0 : i32
        %add3A_440 = arith.addi %add3A_439, %scan3A_266 : i32
        %swap3A_441 = arith.index_cast %add3A_440 : i32 to index
        %swap3A_442 = arith.constant 48 : index
        %swap3A_443 = tpu.vector_load %arg9[%swap3A_441, %swap3A_442] {strides = array<i32>} : memref<32x128xf32, #tpu.memory_space<vmem>>, vector<16xf32>,
        tpu.vector_store %arg9[%swap3A_441, %swap3A_442], %mul3A_433 {strides = array<i32>} : memref<32x128xf32, #tpu.memory_space<vmem>>, vector<16xf32>,
        %add3A_444 = arith.addi %mul3A_373, %mul3A_376 : vector<16xi32>
        %add3A_445 = arith.addi %add3A_444, %min3A_358 : vector<16xi32>
        %mul3A_446 = arith.mulf %sub3A_291, %sub3A_385 : vector<16xf32>
        %mul3A_447 = arith.mulf %mul3A_446, %sub3A_388 : vector<16xf32>
        %add3A_448 = arith.constant 0 : i32
        %add3A_449 = arith.addi %add3A_448, %scan3A_266 : i32
        %swap3A_450 = arith.index_cast %add3A_449 : i32 to index
        %swap3A_451 = arith.constant 64 : index
        %swap3A_452 = tpu.vector_load %arg8[%swap3A_450, %swap3A_451] {strides = array<i32>} : memref<32x128xi32, #tpu.memory_space<vmem>>, vector<16xi32>,
        tpu.vector_store %arg8[%swap3A_450, %swap3A_451], %add3A_445 {strides = array<i32>} : memref<32x128xi32, #tpu.memory_space<vmem>>, vector<16xi32>,
        %add3A_453 = arith.constant 0 : i32
        %add3A_454 = arith.addi %add3A_453, %scan3A_266 : i32
        %swap3A_455 = arith.index_cast %add3A_454 : i32 to index
        %swap3A_456 = arith.constant 64 : index
        %swap3A_457 = tpu.vector_load %arg9[%swap3A_455, %swap3A_456] {strides = array<i32>} : memref<32x128xf32, #tpu.memory_space<vmem>>, vector<16xf32>,
        tpu.vector_store %arg9[%swap3A_455, %swap3A_456], %mul3A_447 {strides = array<i32>} : memref<32x128xf32, #tpu.memory_space<vmem>>, vector<16xf32>,
        %add3A_458 = arith.addi %mul3A_373, %mul3A_376 : vector<16xi32>
        %add3A_459 = arith.addi %add3A_458, %min3A_367 : vector<16xi32>
        %mul3A_460 = arith.mulf %sub3A_291, %sub3A_385 : vector<16xf32>
        %mul3A_461 = arith.mulf %mul3A_460, %sub3A_352 : vector<16xf32>
        %add3A_462 = arith.constant 0 : i32
        %add3A_463 = arith.addi %add3A_462, %scan3A_266 : i32
        %swap3A_464 = arith.index_cast %add3A_463 : i32 to index
        %swap3A_465 = arith.constant 80 : index
        %swap3A_466 = tpu.vector_load %arg8[%swap3A_464, %swap3A_465] {strides = array<i32>} : memref<32x128xi32, #tpu.memory_space<vmem>>, vector<16xi32>,
        tpu.vector_store %arg8[%swap3A_464, %swap3A_465], %add3A_459 {strides = array<i32>} : memref<32x128xi32, #tpu.memory_space<vmem>>, vector<16xi32>,
        %add3A_467 = arith.constant 0 : i32
        %add3A_468 = arith.addi %add3A_467, %scan3A_266 : i32
        %swap3A_469 = arith.index_cast %add3A_468 : i32 to index
        %swap3A_470 = arith.constant 80 : index
        %swap3A_471 = tpu.vector_load %arg9[%swap3A_469, %swap3A_470] {strides = array<i32>} : memref<32x128xf32, #tpu.memory_space<vmem>>, vector<16xf32>,
        tpu.vector_store %arg9[%swap3A_469, %swap3A_470], %mul3A_461 {strides = array<i32>} : memref<32x128xf32, #tpu.memory_space<vmem>>, vector<16xf32>,
        %add3A_472 = arith.addi %mul3A_373, %mul3A_379 : vector<16xi32>
        %add3A_473 = arith.addi %add3A_472, %min3A_358 : vector<16xi32>
        %mul3A_474 = arith.mulf %sub3A_291, %sub3A_320 : vector<16xf32>
        %mul3A_475 = arith.mulf %mul3A_474, %sub3A_388 : vector<16xf32>
        %add3A_476 = arith.constant 0 : i32
        %add3A_477 = arith.addi %add3A_476, %scan3A_266 : i32
        %swap3A_478 = arith.index_cast %add3A_477 : i32 to index
        %swap3A_479 = arith.constant 96 : index
        %swap3A_480 = tpu.vector_load %arg8[%swap3A_478, %swap3A_479] {strides = array<i32>} : memref<32x128xi32, #tpu.memory_space<vmem>>, vector<16xi32>,
        tpu.vector_store %arg8[%swap3A_478, %swap3A_479], %add3A_473 {strides = array<i32>} : memref<32x128xi32, #tpu.memory_space<vmem>>, vector<16xi32>,
        %add3A_481 = arith.constant 0 : i32
        %add3A_482 = arith.addi %add3A_481, %scan3A_266 : i32
        %swap3A_483 = arith.index_cast %add3A_482 : i32 to index
        %swap3A_484 = arith.constant 96 : index
        %swap3A_485 = tpu.vector_load %arg9[%swap3A_483, %swap3A_484] {strides = array<i32>} : memref<32x128xf32, #tpu.memory_space<vmem>>, vector<16xf32>,
        tpu.vector_store %arg9[%swap3A_483, %swap3A_484], %mul3A_475 {strides = array<i32>} : memref<32x128xf32, #tpu.memory_space<vmem>>, vector<16xf32>,
        %add3A_486 = arith.addi %mul3A_373, %mul3A_379 : vector<16xi32>
        %add3A_487 = arith.addi %add3A_486, %min3A_367 : vector<16xi32>
        %mul3A_488 = arith.mulf %sub3A_291, %sub3A_320 : vector<16xf32>
        %mul3A_489 = arith.mulf %mul3A_488, %sub3A_352 : vector<16xf32>
        %add3A_490 = arith.constant 0 : i32
        %add3A_491 = arith.addi %add3A_490, %scan3A_266 : i32
        %swap3A_492 = arith.index_cast %add3A_491 : i32 to index
        %swap3A_493 = arith.constant 112 : index
        %swap3A_494 = tpu.vector_load %arg8[%swap3A_492, %swap3A_493] {strides = array<i32>} : memref<32x128xi32, #tpu.memory_space<vmem>>, vector<16xi32>,
        tpu.vector_store %arg8[%swap3A_492, %swap3A_493], %add3A_487 {strides = array<i32>} : memref<32x128xi32, #tpu.memory_space<vmem>>, vector<16xi32>,
        %add3A_495 = arith.constant 0 : i32
        %add3A_496 = arith.addi %add3A_495, %scan3A_266 : i32
        %swap3A_497 = arith.index_cast %add3A_496 : i32 to index
        %swap3A_498 = arith.constant 112 : index
        %swap3A_499 = tpu.vector_load %arg9[%swap3A_497, %swap3A_498] {strides = array<i32>} : memref<32x128xf32, #tpu.memory_space<vmem>>, vector<16xf32>,
        tpu.vector_store %arg9[%swap3A_497, %swap3A_498], %mul3A_489 {strides = array<i32>} : memref<32x128xf32, #tpu.memory_space<vmem>>, vector<16xf32>,
        %scan3A_500 = arith.constant 0 : i32
        scf.yield %scan3A_500 : i32
      }
      %scan3A_81 = arith.constant 16 : i32
      %dma_start3A = arith.constant 0 : i32
      %dma_start3A_82 = arith.constant 0 : i32
      %dma_start3A_83 = arith.constant 0 : i32
      %dma_start3A_84 = tpu.memref_slice %arg10[%dma_start3A_82, %dma_start3A_83] : memref<4096x16xi32, #tpu.memory_space<vmem>> -> memref<128x16xi32, #tpu.memory_space<vmem>>
      %dma_start3A_85 = arith.constant 0 : i32
      %dma_start3A_86 = tpu.memref_slice %arg8[%dma_start3A, %dma_start3A_85] : memref<32x128xi32, #tpu.memory_space<vmem>> -> memref<1x128xi32, #tpu.memory_space<vmem>>
      %dma_start3A_87 = tpu.memref_squeeze %dma_start3A_86 : memref<1x128xi32, #tpu.memory_space<vmem>> -> memref<128xi32, #tpu.memory_space<vmem>>
      %dma_start3A_88 = arith.constant 0 : i32
      %dma_start3A_89 = arith.constant 0 : i32
      %dma_start3A_90 = tpu.memref_slice %arg4[%dma_start3A_88, %dma_start3A_89] : memref<2097152x16xi32, #tpu.memory_space<hbm>> -> memref<2097152x16xi32, #tpu.memory_space<hbm>>
      tpu.enqueue_indirect_dma source(%dma_start3A_90 : memref<2097152x16xi32, #tpu.memory_space<hbm>>) target(%dma_start3A_84 : memref<128x16xi32, #tpu.memory_space<vmem>>) offsets(%dma_start3A_87 : memref<128xi32, #tpu.memory_space<vmem>>) semaphore(%arg12 : memref<!tpu.dma_semaphore, #tpu.memory_space<semaphore_mem>>)
      %dma_start3A_91 = arith.constant 1 : i32
      %dma_start3A_92 = arith.constant 128 : i32
      %dma_start3A_93 = arith.constant 0 : i32
      %dma_start3A_94 = tpu.memref_slice %arg10[%dma_start3A_92, %dma_start3A_93] : memref<4096x16xi32, #tpu.memory_space<vmem>> -> memref<128x16xi32, #tpu.memory_space<vmem>>
      %dma_start3A_95 = arith.constant 0 : i32
      %dma_start3A_96 = tpu.memref_slice %arg8[%dma_start3A_91, %dma_start3A_95] : memref<32x128xi32, #tpu.memory_space<vmem>> -> memref<1x128xi32, #tpu.memory_space<vmem>>
      %dma_start3A_97 = tpu.memref_squeeze %dma_start3A_96 : memref<1x128xi32, #tpu.memory_space<vmem>> -> memref<128xi32, #tpu.memory_space<vmem>>
      %dma_start3A_98 = arith.constant 0 : i32
      %dma_start3A_99 = arith.constant 0 : i32
      %dma_start3A_100 = tpu.memref_slice %arg4[%dma_start3A_98, %dma_start3A_99] : memref<2097152x16xi32, #tpu.memory_space<hbm>> -> memref<2097152x16xi32, #tpu.memory_space<hbm>>
      tpu.enqueue_indirect_dma source(%dma_start3A_100 : memref<2097152x16xi32, #tpu.memory_space<hbm>>) target(%dma_start3A_94 : memref<128x16xi32, #tpu.memory_space<vmem>>) offsets(%dma_start3A_97 : memref<128xi32, #tpu.memory_space<vmem>>) semaphore(%arg12 : memref<!tpu.dma_semaphore, #tpu.memory_space<semaphore_mem>>)
      %dma_start3A_101 = arith.constant 2 : i32
      %dma_start3A_102 = arith.constant 256 : i32
      %dma_start3A_103 = arith.constant 0 : i32
      %dma_start3A_104 = tpu.memref_slice %arg10[%dma_start3A_102, %dma_start3A_103] : memref<4096x16xi32, #tpu.memory_space<vmem>> -> memref<128x16xi32, #tpu.memory_space<vmem>>
      %dma_start3A_105 = arith.constant 0 : i32
      %dma_start3A_106 = tpu.memref_slice %arg8[%dma_start3A_101, %dma_start3A_105] : memref<32x128xi32, #tpu.memory_space<vmem>> -> memref<1x128xi32, #tpu.memory_space<vmem>>
      %dma_start3A_107 = tpu.memref_squeeze %dma_start3A_106 : memref<1x128xi32, #tpu.memory_space<vmem>> -> memref<128xi32, #tpu.memory_space<vmem>>
      %dma_start3A_108 = arith.constant 0 : i32
      %dma_start3A_109 = arith.constant 0 : i32
      %dma_start3A_110 = tpu.memref_slice %arg4[%dma_start3A_108, %dma_start3A_109] : memref<2097152x16xi32, #tpu.memory_space<hbm>> -> memref<2097152x16xi32, #tpu.memory_space<hbm>>
      tpu.enqueue_indirect_dma source(%dma_start3A_110 : memref<2097152x16xi32, #tpu.memory_space<hbm>>) target(%dma_start3A_104 : memref<128x16xi32, #tpu.memory_space<vmem>>) offsets(%dma_start3A_107 : memref<128xi32, #tpu.memory_space<vmem>>) semaphore(%arg12 : memref<!tpu.dma_semaphore, #tpu.memory_space<semaphore_mem>>)
      %dma_start3A_111 = arith.constant 3 : i32
      %dma_start3A_112 = arith.constant 384 : i32
      %dma_start3A_113 = arith.constant 0 : i32
      %dma_start3A_114 = tpu.memref_slice %arg10[%dma_start3A_112, %dma_start3A_113] : memref<4096x16xi32, #tpu.memory_space<vmem>> -> memref<128x16xi32, #tpu.memory_space<vmem>>
      %dma_start3A_115 = arith.constant 0 : i32
      %dma_start3A_116 = tpu.memref_slice %arg8[%dma_start3A_111, %dma_start3A_115] : memref<32x128xi32, #tpu.memory_space<vmem>> -> memref<1x128xi32, #tpu.memory_space<vmem>>
      %dma_start3A_117 = tpu.memref_squeeze %dma_start3A_116 : memref<1x128xi32, #tpu.memory_space<vmem>> -> memref<128xi32, #tpu.memory_space<vmem>>
      %dma_start3A_118 = arith.constant 0 : i32
      %dma_start3A_119 = arith.constant 0 : i32
      %dma_start3A_120 = tpu.memref_slice %arg4[%dma_start3A_118, %dma_start3A_119] : memref<2097152x16xi32, #tpu.memory_space<hbm>> -> memref<2097152x16xi32, #tpu.memory_space<hbm>>
      tpu.enqueue_indirect_dma source(%dma_start3A_120 : memref<2097152x16xi32, #tpu.memory_space<hbm>>) target(%dma_start3A_114 : memref<128x16xi32, #tpu.memory_space<vmem>>) offsets(%dma_start3A_117 : memref<128xi32, #tpu.memory_space<vmem>>) semaphore(%arg12 : memref<!tpu.dma_semaphore, #tpu.memory_space<semaphore_mem>>)
      %dma_start3A_121 = arith.constant 4 : i32
      %dma_start3A_122 = arith.constant 512 : i32
      %dma_start3A_123 = arith.constant 0 : i32
      %dma_start3A_124 = tpu.memref_slice %arg10[%dma_start3A_122, %dma_start3A_123] : memref<4096x16xi32, #tpu.memory_space<vmem>> -> memref<128x16xi32, #tpu.memory_space<vmem>>
      %dma_start3A_125 = arith.constant 0 : i32
      %dma_start3A_126 = tpu.memref_slice %arg8[%dma_start3A_121, %dma_start3A_125] : memref<32x128xi32, #tpu.memory_space<vmem>> -> memref<1x128xi32, #tpu.memory_space<vmem>>
      %dma_start3A_127 = tpu.memref_squeeze %dma_start3A_126 : memref<1x128xi32, #tpu.memory_space<vmem>> -> memref<128xi32, #tpu.memory_space<vmem>>
      %dma_start3A_128 = arith.constant 0 : i32
      %dma_start3A_129 = arith.constant 0 : i32
      %dma_start3A_130 = tpu.memref_slice %arg4[%dma_start3A_128, %dma_start3A_129] : memref<2097152x16xi32, #tpu.memory_space<hbm>> -> memref<2097152x16xi32, #tpu.memory_space<hbm>>
      tpu.enqueue_indirect_dma source(%dma_start3A_130 : memref<2097152x16xi32, #tpu.memory_space<hbm>>) target(%dma_start3A_124 : memref<128x16xi32, #tpu.memory_space<vmem>>) offsets(%dma_start3A_127 : memref<128xi32, #tpu.memory_space<vmem>>) semaphore(%arg12 : memref<!tpu.dma_semaphore, #tpu.memory_space<semaphore_mem>>)
      %dma_start3A_131 = arith.constant 5 : i32
      %dma_start3A_132 = arith.constant 640 : i32
      %dma_start3A_133 = arith.constant 0 : i32
      %dma_start3A_134 = tpu.memref_slice %arg10[%dma_start3A_132, %dma_start3A_133] : memref<4096x16xi32, #tpu.memory_space<vmem>> -> memref<128x16xi32, #tpu.memory_space<vmem>>
      %dma_start3A_135 = arith.constant 0 : i32
      %dma_start3A_136 = tpu.memref_slice %arg8[%dma_start3A_131, %dma_start3A_135] : memref<32x128xi32, #tpu.memory_space<vmem>> -> memref<1x128xi32, #tpu.memory_space<vmem>>
      %dma_start3A_137 = tpu.memref_squeeze %dma_start3A_136 : memref<1x128xi32, #tpu.memory_space<vmem>> -> memref<128xi32, #tpu.memory_space<vmem>>
      %dma_start3A_138 = arith.constant 0 : i32
      %dma_start3A_139 = arith.constant 0 : i32
      %dma_start3A_140 = tpu.memref_slice %arg4[%dma_start3A_138, %dma_start3A_139] : memref<2097152x16xi32, #tpu.memory_space<hbm>> -> memref<2097152x16xi32, #tpu.memory_space<hbm>>
      tpu.enqueue_indirect_dma source(%dma_start3A_140 : memref<2097152x16xi32, #tpu.memory_space<hbm>>) target(%dma_start3A_134 : memref<128x16xi32, #tpu.memory_space<vmem>>) offsets(%dma_start3A_137 : memref<128xi32, #tpu.memory_space<vmem>>) semaphore(%arg12 : memref<!tpu.dma_semaphore, #tpu.memory_space<semaphore_mem>>)
      %dma_start3A_141 = arith.constant 6 : i32
      %dma_start3A_142 = arith.constant 768 : i32
      %dma_start3A_143 = arith.constant 0 : i32
      %dma_start3A_144 = tpu.memref_slice %arg10[%dma_start3A_142, %dma_start3A_143] : memref<4096x16xi32, #tpu.memory_space<vmem>> -> memref<128x16xi32, #tpu.memory_space<vmem>>
      %dma_start3A_145 = arith.constant 0 : i32
      %dma_start3A_146 = tpu.memref_slice %arg8[%dma_start3A_141, %dma_start3A_145] : memref<32x128xi32, #tpu.memory_space<vmem>> -> memref<1x128xi32, #tpu.memory_space<vmem>>
      %dma_start3A_147 = tpu.memref_squeeze %dma_start3A_146 : memref<1x128xi32, #tpu.memory_space<vmem>> -> memref<128xi32, #tpu.memory_space<vmem>>
      %dma_start3A_148 = arith.constant 0 : i32
      %dma_start3A_149 = arith.constant 0 : i32
      %dma_start3A_150 = tpu.memref_slice %arg4[%dma_start3A_148, %dma_start3A_149] : memref<2097152x16xi32, #tpu.memory_space<hbm>> -> memref<2097152x16xi32, #tpu.memory_space<hbm>>
      tpu.enqueue_indirect_dma source(%dma_start3A_150 : memref<2097152x16xi32, #tpu.memory_space<hbm>>) target(%dma_start3A_144 : memref<128x16xi32, #tpu.memory_space<vmem>>) offsets(%dma_start3A_147 : memref<128xi32, #tpu.memory_space<vmem>>) semaphore(%arg12 : memref<!tpu.dma_semaphore, #tpu.memory_space<semaphore_mem>>)
      %dma_start3A_151 = arith.constant 7 : i32
      %dma_start3A_152 = arith.constant 896 : i32
      %dma_start3A_153 = arith.constant 0 : i32
      %dma_start3A_154 = tpu.memref_slice %arg10[%dma_start3A_152, %dma_start3A_153] : memref<4096x16xi32, #tpu.memory_space<vmem>> -> memref<128x16xi32, #tpu.memory_space<vmem>>
      %dma_start3A_155 = arith.constant 0 : i32
      %dma_start3A_156 = tpu.memref_slice %arg8[%dma_start3A_151, %dma_start3A_155] : memref<32x128xi32, #tpu.memory_space<vmem>> -> memref<1x128xi32, #tpu.memory_space<vmem>>
      %dma_start3A_157 = tpu.memref_squeeze %dma_start3A_156 : memref<1x128xi32, #tpu.memory_space<vmem>> -> memref<128xi32, #tpu.memory_space<vmem>>
      %dma_start3A_158 = arith.constant 0 : i32
      %dma_start3A_159 = arith.constant 0 : i32
      %dma_start3A_160 = tpu.memref_slice %arg4[%dma_start3A_158, %dma_start3A_159] : memref<2097152x16xi32, #tpu.memory_space<hbm>> -> memref<2097152x16xi32, #tpu.memory_space<hbm>>
      tpu.enqueue_indirect_dma source(%dma_start3A_160 : memref<2097152x16xi32, #tpu.memory_space<hbm>>) target(%dma_start3A_154 : memref<128x16xi32, #tpu.memory_space<vmem>>) offsets(%dma_start3A_157 : memref<128xi32, #tpu.memory_space<vmem>>) semaphore(%arg12 : memref<!tpu.dma_semaphore, #tpu.memory_space<semaphore_mem>>)
      %dma_start3A_161 = arith.constant 8 : i32
      %dma_start3A_162 = arith.constant 1024 : i32
      %dma_start3A_163 = arith.constant 0 : i32
      %dma_start3A_164 = tpu.memref_slice %arg10[%dma_start3A_162, %dma_start3A_163] : memref<4096x16xi32, #tpu.memory_space<vmem>> -> memref<128x16xi32, #tpu.memory_space<vmem>>
      %dma_start3A_165 = arith.constant 0 : i32
      %dma_start3A_166 = tpu.memref_slice %arg8[%dma_start3A_161, %dma_start3A_165] : memref<32x128xi32, #tpu.memory_space<vmem>> -> memref<1x128xi32, #tpu.memory_space<vmem>>
      %dma_start3A_167 = tpu.memref_squeeze %dma_start3A_166 : memref<1x128xi32, #tpu.memory_space<vmem>> -> memref<128xi32, #tpu.memory_space<vmem>>
      %dma_start3A_168 = arith.constant 0 : i32
      %dma_start3A_169 = arith.constant 0 : i32
      %dma_start3A_170 = tpu.memref_slice %arg4[%dma_start3A_168, %dma_start3A_169] : memref<2097152x16xi32, #tpu.memory_space<hbm>> -> memref<2097152x16xi32, #tpu.memory_space<hbm>>
      tpu.enqueue_indirect_dma source(%dma_start3A_170 : memref<2097152x16xi32, #tpu.memory_space<hbm>>) target(%dma_start3A_164 : memref<128x16xi32, #tpu.memory_space<vmem>>) offsets(%dma_start3A_167 : memref<128xi32, #tpu.memory_space<vmem>>) semaphore(%arg12 : memref<!tpu.dma_semaphore, #tpu.memory_space<semaphore_mem>>)
      %dma_start3A_171 = arith.constant 9 : i32
      %dma_start3A_172 = arith.constant 1152 : i32
      %dma_start3A_173 = arith.constant 0 : i32
      %dma_start3A_174 = tpu.memref_slice %arg10[%dma_start3A_172, %dma_start3A_173] : memref<4096x16xi32, #tpu.memory_space<vmem>> -> memref<128x16xi32, #tpu.memory_space<vmem>>
      %dma_start3A_175 = arith.constant 0 : i32
      %dma_start3A_176 = tpu.memref_slice %arg8[%dma_start3A_171, %dma_start3A_175] : memref<32x128xi32, #tpu.memory_space<vmem>> -> memref<1x128xi32, #tpu.memory_space<vmem>>
      %dma_start3A_177 = tpu.memref_squeeze %dma_start3A_176 : memref<1x128xi32, #tpu.memory_space<vmem>> -> memref<128xi32, #tpu.memory_space<vmem>>
      %dma_start3A_178 = arith.constant 0 : i32
      %dma_start3A_179 = arith.constant 0 : i32
      %dma_start3A_180 = tpu.memref_slice %arg4[%dma_start3A_178, %dma_start3A_179] : memref<2097152x16xi32, #tpu.memory_space<hbm>> -> memref<2097152x16xi32, #tpu.memory_space<hbm>>
      tpu.enqueue_indirect_dma source(%dma_start3A_180 : memref<2097152x16xi32, #tpu.memory_space<hbm>>) target(%dma_start3A_174 : memref<128x16xi32, #tpu.memory_space<vmem>>) offsets(%dma_start3A_177 : memref<128xi32, #tpu.memory_space<vmem>>) semaphore(%arg12 : memref<!tpu.dma_semaphore, #tpu.memory_space<semaphore_mem>>)
      %dma_start3A_181 = arith.constant 10 : i32
      %dma_start3A_182 = arith.constant 1280 : i32
      %dma_start3A_183 = arith.constant 0 : i32
      %dma_start3A_184 = tpu.memref_slice %arg10[%dma_start3A_182, %dma_start3A_183] : memref<4096x16xi32, #tpu.memory_space<vmem>> -> memref<128x16xi32, #tpu.memory_space<vmem>>
      %dma_start3A_185 = arith.constant 0 : i32
      %dma_start3A_186 = tpu.memref_slice %arg8[%dma_start3A_181, %dma_start3A_185] : memref<32x128xi32, #tpu.memory_space<vmem>> -> memref<1x128xi32, #tpu.memory_space<vmem>>
      %dma_start3A_187 = tpu.memref_squeeze %dma_start3A_186 : memref<1x128xi32, #tpu.memory_space<vmem>> -> memref<128xi32, #tpu.memory_space<vmem>>
      %dma_start3A_188 = arith.constant 0 : i32
      %dma_start3A_189 = arith.constant 0 : i32
      %dma_start3A_190 = tpu.memref_slice %arg4[%dma_start3A_188, %dma_start3A_189] : memref<2097152x16xi32, #tpu.memory_space<hbm>> -> memref<2097152x16xi32, #tpu.memory_space<hbm>>
      tpu.enqueue_indirect_dma source(%dma_start3A_190 : memref<2097152x16xi32, #tpu.memory_space<hbm>>) target(%dma_start3A_184 : memref<128x16xi32, #tpu.memory_space<vmem>>) offsets(%dma_start3A_187 : memref<128xi32, #tpu.memory_space<vmem>>) semaphore(%arg12 : memref<!tpu.dma_semaphore, #tpu.memory_space<semaphore_mem>>)
      %dma_start3A_191 = arith.constant 11 : i32
      %dma_start3A_192 = arith.constant 1408 : i32
      %dma_start3A_193 = arith.constant 0 : i32
      %dma_start3A_194 = tpu.memref_slice %arg10[%dma_start3A_192, %dma_start3A_193] : memref<4096x16xi32, #tpu.memory_space<vmem>> -> memref<128x16xi32, #tpu.memory_space<vmem>>
      %dma_start3A_195 = arith.constant 0 : i32
      %dma_start3A_196 = tpu.memref_slice %arg8[%dma_start3A_191, %dma_start3A_195] : memref<32x128xi32, #tpu.memory_space<vmem>> -> memref<1x128xi32, #tpu.memory_space<vmem>>
      %dma_start3A_197 = tpu.memref_squeeze %dma_start3A_196 : memref<1x128xi32, #tpu.memory_space<vmem>> -> memref<128xi32, #tpu.memory_space<vmem>>
      %dma_start3A_198 = arith.constant 0 : i32
      %dma_start3A_199 = arith.constant 0 : i32
      %dma_start3A_200 = tpu.memref_slice %arg4[%dma_start3A_198, %dma_start3A_199] : memref<2097152x16xi32, #tpu.memory_space<hbm>> -> memref<2097152x16xi32, #tpu.memory_space<hbm>>
      tpu.enqueue_indirect_dma source(%dma_start3A_200 : memref<2097152x16xi32, #tpu.memory_space<hbm>>) target(%dma_start3A_194 : memref<128x16xi32, #tpu.memory_space<vmem>>) offsets(%dma_start3A_197 : memref<128xi32, #tpu.memory_space<vmem>>) semaphore(%arg12 : memref<!tpu.dma_semaphore, #tpu.memory_space<semaphore_mem>>)
      %dma_start3A_201 = arith.constant 12 : i32
      %dma_start3A_202 = arith.constant 1536 : i32
      %dma_start3A_203 = arith.constant 0 : i32
      %dma_start3A_204 = tpu.memref_slice %arg10[%dma_start3A_202, %dma_start3A_203] : memref<4096x16xi32, #tpu.memory_space<vmem>> -> memref<128x16xi32, #tpu.memory_space<vmem>>
      %dma_start3A_205 = arith.constant 0 : i32
      %dma_start3A_206 = tpu.memref_slice %arg8[%dma_start3A_201, %dma_start3A_205] : memref<32x128xi32, #tpu.memory_space<vmem>> -> memref<1x128xi32, #tpu.memory_space<vmem>>
      %dma_start3A_207 = tpu.memref_squeeze %dma_start3A_206 : memref<1x128xi32, #tpu.memory_space<vmem>> -> memref<128xi32, #tpu.memory_space<vmem>>
      %dma_start3A_208 = arith.constant 0 : i32
      %dma_start3A_209 = arith.constant 0 : i32
      %dma_start3A_210 = tpu.memref_slice %arg4[%dma_start3A_208, %dma_start3A_209] : memref<2097152x16xi32, #tpu.memory_space<hbm>> -> memref<2097152x16xi32, #tpu.memory_space<hbm>>
      tpu.enqueue_indirect_dma source(%dma_start3A_210 : memref<2097152x16xi32, #tpu.memory_space<hbm>>) target(%dma_start3A_204 : memref<128x16xi32, #tpu.memory_space<vmem>>) offsets(%dma_start3A_207 : memref<128xi32, #tpu.memory_space<vmem>>) semaphore(%arg12 : memref<!tpu.dma_semaphore, #tpu.memory_space<semaphore_mem>>)
      %dma_start3A_211 = arith.constant 13 : i32
      %dma_start3A_212 = arith.constant 1664 : i32
      %dma_start3A_213 = arith.constant 0 : i32
      %dma_start3A_214 = tpu.memref_slice %arg10[%dma_start3A_212, %dma_start3A_213] : memref<4096x16xi32, #tpu.memory_space<vmem>> -> memref<128x16xi32, #tpu.memory_space<vmem>>
      %dma_start3A_215 = arith.constant 0 : i32
      %dma_start3A_216 = tpu.memref_slice %arg8[%dma_start3A_211, %dma_start3A_215] : memref<32x128xi32, #tpu.memory_space<vmem>> -> memref<1x128xi32, #tpu.memory_space<vmem>>
      %dma_start3A_217 = tpu.memref_squeeze %dma_start3A_216 : memref<1x128xi32, #tpu.memory_space<vmem>> -> memref<128xi32, #tpu.memory_space<vmem>>
      %dma_start3A_218 = arith.constant 0 : i32
      %dma_start3A_219 = arith.constant 0 : i32
      %dma_start3A_220 = tpu.memref_slice %arg4[%dma_start3A_218, %dma_start3A_219] : memref<2097152x16xi32, #tpu.memory_space<hbm>> -> memref<2097152x16xi32, #tpu.memory_space<hbm>>
      tpu.enqueue_indirect_dma source(%dma_start3A_220 : memref<2097152x16xi32, #tpu.memory_space<hbm>>) target(%dma_start3A_214 : memref<128x16xi32, #tpu.memory_space<vmem>>) offsets(%dma_start3A_217 : memref<128xi32, #tpu.memory_space<vmem>>) semaphore(%arg12 : memref<!tpu.dma_semaphore, #tpu.memory_space<semaphore_mem>>)
      %dma_start3A_221 = arith.constant 14 : i32
      %dma_start3A_222 = arith.constant 1792 : i32
      %dma_start3A_223 = arith.constant 0 : i32
      %dma_start3A_224 = tpu.memref_slice %arg10[%dma_start3A_222, %dma_start3A_223] : memref<4096x16xi32, #tpu.memory_space<vmem>> -> memref<128x16xi32, #tpu.memory_space<vmem>>
      %dma_start3A_225 = arith.constant 0 : i32
      %dma_start3A_226 = tpu.memref_slice %arg8[%dma_start3A_221, %dma_start3A_225] : memref<32x128xi32, #tpu.memory_space<vmem>> -> memref<1x128xi32, #tpu.memory_space<vmem>>
      %dma_start3A_227 = tpu.memref_squeeze %dma_start3A_226 : memref<1x128xi32, #tpu.memory_space<vmem>> -> memref<128xi32, #tpu.memory_space<vmem>>
      %dma_start3A_228 = arith.constant 0 : i32
      %dma_start3A_229 = arith.constant 0 : i32
      %dma_start3A_230 = tpu.memref_slice %arg4[%dma_start3A_228, %dma_start3A_229] : memref<2097152x16xi32, #tpu.memory_space<hbm>> -> memref<2097152x16xi32, #tpu.memory_space<hbm>>
      tpu.enqueue_indirect_dma source(%dma_start3A_230 : memref<2097152x16xi32, #tpu.memory_space<hbm>>) target(%dma_start3A_224 : memref<128x16xi32, #tpu.memory_space<vmem>>) offsets(%dma_start3A_227 : memref<128xi32, #tpu.memory_space<vmem>>) semaphore(%arg12 : memref<!tpu.dma_semaphore, #tpu.memory_space<semaphore_mem>>)
      %dma_start3A_231 = arith.constant 15 : i32
      %dma_start3A_232 = arith.constant 1920 : i32
      %dma_start3A_233 = arith.constant 0 : i32
      %dma_start3A_234 = tpu.memref_slice %arg10[%dma_start3A_232, %dma_start3A_233] : memref<4096x16xi32, #tpu.memory_space<vmem>> -> memref<128x16xi32, #tpu.memory_space<vmem>>
      %dma_start3A_235 = arith.constant 0 : i32
      %dma_start3A_236 = tpu.memref_slice %arg8[%dma_start3A_231, %dma_start3A_235] : memref<32x128xi32, #tpu.memory_space<vmem>> -> memref<1x128xi32, #tpu.memory_space<vmem>>
      %dma_start3A_237 = tpu.memref_squeeze %dma_start3A_236 : memref<1x128xi32, #tpu.memory_space<vmem>> -> memref<128xi32, #tpu.memory_space<vmem>>
      %dma_start3A_238 = arith.constant 0 : i32
      %dma_start3A_239 = arith.constant 0 : i32
      %dma_start3A_240 = tpu.memref_slice %arg4[%dma_start3A_238, %dma_start3A_239] : memref<2097152x16xi32, #tpu.memory_space<hbm>> -> memref<2097152x16xi32, #tpu.memory_space<hbm>>
      tpu.enqueue_indirect_dma source(%dma_start3A_240 : memref<2097152x16xi32, #tpu.memory_space<hbm>>) target(%dma_start3A_234 : memref<128x16xi32, #tpu.memory_space<vmem>>) offsets(%dma_start3A_237 : memref<128xi32, #tpu.memory_space<vmem>>) semaphore(%arg12 : memref<!tpu.dma_semaphore, #tpu.memory_space<semaphore_mem>>)
      %broadcast_in_dim3A_241 = arith.constant 1.000000e+00 : f32
      %broadcast_in_dim3A_242 = vector.broadcast %broadcast_in_dim3A_241 : f32 to vector<16xf32>
      %broadcast_in_dim3A_243 = arith.constant 0.000000e+00 : f32
      %broadcast_in_dim3A_244 = vector.broadcast %broadcast_in_dim3A_243 : f32 to vector<16xf32>
      %broadcast_in_dim3A_245 = arith.constant 0.000000e+00 : f32
      %broadcast_in_dim3A_246 = vector.broadcast %broadcast_in_dim3A_245 : f32 to vector<16xf32>
      %broadcast_in_dim3A_247 = arith.constant 0.000000e+00 : f32
      %broadcast_in_dim3A_248 = vector.broadcast %broadcast_in_dim3A_247 : f32 to vector<16xf32>
      %scan3A_249 = arith.constant 0 : i32
      %scan3A_250 = arith.constant 4 : i32
      %scan3A_251 = arith.addi %scan3A_249, %scan3A_250 : i32
      %scan3A_252 = arith.constant 1 : i32
      %scan3A_253:4 = scf.for %scan3A_266 = %scan3A_249 to %scan3A_251 step %scan3A_252 iter_args(%scan3A_267 = %broadcast_in_dim3A_242, %scan3A_268 = %broadcast_in_dim3A_244, %scan3A_269 = %broadcast_in_dim3A_246, %scan3A_270 = %broadcast_in_dim3A_248) -> (vector<16xf32>, vector<16xf32>, vector<16xf32>, vector<16xf32>)  : i32 {
        %and3A = arith.constant 1 : i32
        %and3A_271 = arith.andi %scan3A_266, %and3A : i32
        %lt3A = arith.constant 3 : i32
        %lt3A_272 = arith.cmpi slt, %scan3A_266, %lt3A : i32
        %convert_element_type3A = arith.extui %lt3A_272 : i1 to i32
        %cond3A = arith.constant 0 : i32
        %cond3A_273 = arith.cmpi ne, %convert_element_type3A, %cond3A : i32
        scf.if %cond3A_273 {
          %add3A_599 = arith.constant 1 : i32
          %add3A_600 = arith.addi %scan3A_266, %add3A_599 : i32
          %sub3A_601 = arith.constant 1 : i32
          %sub3A_602 = arith.subi %sub3A_601, %and3A_271 : i32
          %mul3A_603 = arith.constant 16 : i32
          %mul3A_604 = arith.muli %add3A_600, %mul3A_603 : i32
          %scan3A_605 = arith.constant 0 : i32
          %scan3A_606 = arith.constant 0 : i32
          %scan3A_607 = arith.constant 16 : i32
          %scan3A_608 = arith.addi %scan3A_606, %scan3A_607 : i32
          %scan3A_609 = arith.constant 1 : i32
          %scan3A_610 = scf.for %scan3A_934 = %scan3A_606 to %scan3A_608 step %scan3A_609 iter_args(%scan3A_935 = %scan3A_605) -> (i32)  : i32 {
            %add3A_936 = arith.addi %mul3A_604, %scan3A_934 : i32
            %broadcast_in_dim3A_937 = vector.broadcast %add3A_936 : i32 to vector<16xi32>
            %convert_element_type3A_938 = arith.sitofp %broadcast_in_dim3A_937 : vector<16xi32> to vector<16xf32>
            %mul3A_939 = arith.constant 0.0619047619 : f32
            %mul3A_940 = vector.broadcast %mul3A_939 : f32 to vector<16xf32>
            %mul3A_941 = arith.mulf %convert_element_type3A_938, %mul3A_940 : vector<16xf32>
            %add3A_942 = arith.constant 1.000000e-01 : f32
            %add3A_943 = vector.broadcast %add3A_942 : f32 to vector<16xf32>
            %add3A_944 = arith.addf %mul3A_941, %add3A_943 : vector<16xf32>
            %mul3A_945 = arith.mulf %get3A_28, %add3A_944 : vector<16xf32>
            %add3A_946 = arith.addf %get3A_16, %mul3A_945 : vector<16xf32>
            %add3A_947 = arith.constant 1.000000e+00 : f32
            %add3A_948 = vector.broadcast %add3A_947 : f32 to vector<16xf32>
            %add3A_949 = arith.addf %add3A_946, %add3A_948 : vector<16xf32>
            %mul3A_950 = arith.constant 6.350000e+01 : f32
            %mul3A_951 = vector.broadcast %mul3A_950 : f32 to vector<16xf32>
            %mul3A_952 = arith.mulf %add3A_949, %mul3A_951 : vector<16xf32>
            %convert_element_type3A_953 = arith.fptosi %mul3A_952 : vector<16xf32> to vector<16xi32>
            %convert_element_type3A_954 = arith.sitofp %convert_element_type3A_953 : vector<16xi32> to vector<16xf32>
            %gt3A = arith.cmpf ogt, %convert_element_type3A_954, %mul3A_952 : vector<16xf32>
            %sub3A_955 = arith.constant 1 : i32
            %sub3A_956 = vector.broadcast %sub3A_955 : i32 to vector<16xi32>
            %sub3A_957 = arith.subi %convert_element_type3A_953, %sub3A_956 : vector<16xi32>
            %select_n3A = arith.select %gt3A, %sub3A_957, %convert_element_type3A_953 : vector<16xi1>, vector<16xi32>
            %convert_element_type3A_958 = arith.sitofp %select_n3A : vector<16xi32> to vector<16xf32>
            %sub3A_959 = arith.subf %mul3A_952, %convert_element_type3A_958 : vector<16xf32>
            %jit3A = arith.constant 0 : i32
            %jit3A_960 = arith.constant 127 : i32
            %max3A = vector.broadcast %jit3A : i32 to vector<16xi32>
            %max3A_961 = arith.maxsi %max3A, %select_n3A : vector<16xi32>
            %min3A = vector.broadcast %jit3A_960 : i32 to vector<16xi32>
            %min3A_962 = arith.minsi %min3A, %max3A_961 : vector<16xi32>
            %add3A_963 = arith.constant 1 : i32
            %add3A_964 = vector.broadcast %add3A_963 : i32 to vector<16xi32>
            %add3A_965 = arith.addi %select_n3A, %add3A_964 : vector<16xi32>
            %jit3A_966 = arith.constant 0 : i32
            %jit3A_967 = arith.constant 127 : i32
            %max3A_968 = vector.broadcast %jit3A_966 : i32 to vector<16xi32>
            %max3A_969 = arith.maxsi %max3A_968, %add3A_965 : vector<16xi32>
            %min3A_970 = vector.broadcast %jit3A_967 : i32 to vector<16xi32>
            %min3A_971 = arith.minsi %min3A_970, %max3A_969 : vector<16xi32>
            %mul3A_972 = arith.mulf %get3A_32, %add3A_944 : vector<16xf32>
            %add3A_973 = arith.addf %get3A_20, %mul3A_972 : vector<16xf32>
            %add3A_974 = arith.constant 1.000000e+00 : f32
            %add3A_975 = vector.broadcast %add3A_974 : f32 to vector<16xf32>
            %add3A_976 = arith.addf %add3A_973, %add3A_975 : vector<16xf32>
            %mul3A_977 = arith.constant 6.350000e+01 : f32
            %mul3A_978 = vector.broadcast %mul3A_977 : f32 to vector<16xf32>
            %mul3A_979 = arith.mulf %add3A_976, %mul3A_978 : vector<16xf32>
            %convert_element_type3A_980 = arith.fptosi %mul3A_979 : vector<16xf32> to vector<16xi32>
            %convert_element_type3A_981 = arith.sitofp %convert_element_type3A_980 : vector<16xi32> to vector<16xf32>
            %gt3A_982 = arith.cmpf ogt, %convert_element_type3A_981, %mul3A_979 : vector<16xf32>
            %sub3A_983 = arith.constant 1 : i32
            %sub3A_984 = vector.broadcast %sub3A_983 : i32 to vector<16xi32>
            %sub3A_985 = arith.subi %convert_element_type3A_980, %sub3A_984 : vector<16xi32>
            %select_n3A_986 = arith.select %gt3A_982, %sub3A_985, %convert_element_type3A_980 : vector<16xi1>, vector<16xi32>
            %convert_element_type3A_987 = arith.sitofp %select_n3A_986 : vector<16xi32> to vector<16xf32>
            %sub3A_988 = arith.subf %mul3A_979, %convert_element_type3A_987 : vector<16xf32>
            %jit3A_989 = arith.constant 0 : i32
            %jit3A_990 = arith.constant 127 : i32
            %max3A_991 = vector.broadcast %jit3A_989 : i32 to vector<16xi32>
            %max3A_992 = arith.maxsi %max3A_991, %select_n3A_986 : vector<16xi32>
            %min3A_993 = vector.broadcast %jit3A_990 : i32 to vector<16xi32>
            %min3A_994 = arith.minsi %min3A_993, %max3A_992 : vector<16xi32>
            %add3A_995 = arith.constant 1 : i32
            %add3A_996 = vector.broadcast %add3A_995 : i32 to vector<16xi32>
            %add3A_997 = arith.addi %select_n3A_986, %add3A_996 : vector<16xi32>
            %jit3A_998 = arith.constant 0 : i32
            %jit3A_999 = arith.constant 127 : i32
            %max3A_1000 = vector.broadcast %jit3A_998 : i32 to vector<16xi32>
            %max3A_1001 = arith.maxsi %max3A_1000, %add3A_997 : vector<16xi32>
            %min3A_1002 = vector.broadcast %jit3A_999 : i32 to vector<16xi32>
            %min3A_1003 = arith.minsi %min3A_1002, %max3A_1001 : vector<16xi32>
            %mul3A_1004 = arith.mulf %get3A_36, %add3A_944 : vector<16xf32>
            %add3A_1005 = arith.addf %get3A_24, %mul3A_1004 : vector<16xf32>
            %add3A_1006 = arith.constant 1.000000e+00 : f32
            %add3A_1007 = vector.broadcast %add3A_1006 : f32 to vector<16xf32>
            %add3A_1008 = arith.addf %add3A_1005, %add3A_1007 : vector<16xf32>
            %mul3A_1009 = arith.constant 6.350000e+01 : f32
            %mul3A_1010 = vector.broadcast %mul3A_1009 : f32 to vector<16xf32>
            %mul3A_1011 = arith.mulf %add3A_1008, %mul3A_1010 : vector<16xf32>
            %convert_element_type3A_1012 = arith.fptosi %mul3A_1011 : vector<16xf32> to vector<16xi32>
            %convert_element_type3A_1013 = arith.sitofp %convert_element_type3A_1012 : vector<16xi32> to vector<16xf32>
            %gt3A_1014 = arith.cmpf ogt, %convert_element_type3A_1013, %mul3A_1011 : vector<16xf32>
            %sub3A_1015 = arith.constant 1 : i32
            %sub3A_1016 = vector.broadcast %sub3A_1015 : i32 to vector<16xi32>
            %sub3A_1017 = arith.subi %convert_element_type3A_1012, %sub3A_1016 : vector<16xi32>
            %select_n3A_1018 = arith.select %gt3A_1014, %sub3A_1017, %convert_element_type3A_1012 : vector<16xi1>, vector<16xi32>
            %convert_element_type3A_1019 = arith.sitofp %select_n3A_1018 : vector<16xi32> to vector<16xf32>
            %sub3A_1020 = arith.subf %mul3A_1011, %convert_element_type3A_1019 : vector<16xf32>
            %jit3A_1021 = arith.constant 0 : i32
            %jit3A_1022 = arith.constant 127 : i32
            %max3A_1023 = vector.broadcast %jit3A_1021 : i32 to vector<16xi32>
            %max3A_1024 = arith.maxsi %max3A_1023, %select_n3A_1018 : vector<16xi32>
            %min3A_1025 = vector.broadcast %jit3A_1022 : i32 to vector<16xi32>
            %min3A_1026 = arith.minsi %min3A_1025, %max3A_1024 : vector<16xi32>
            %add3A_1027 = arith.constant 1 : i32
            %add3A_1028 = vector.broadcast %add3A_1027 : i32 to vector<16xi32>
            %add3A_1029 = arith.addi %select_n3A_1018, %add3A_1028 : vector<16xi32>
            %jit3A_1030 = arith.constant 0 : i32
            %jit3A_1031 = arith.constant 127 : i32
            %max3A_1032 = vector.broadcast %jit3A_1030 : i32 to vector<16xi32>
            %max3A_1033 = arith.maxsi %max3A_1032, %add3A_1029 : vector<16xi32>
            %min3A_1034 = vector.broadcast %jit3A_1031 : i32 to vector<16xi32>
            %min3A_1035 = arith.minsi %min3A_1034, %max3A_1033 : vector<16xi32>
            %mul3A_1036 = arith.constant 16384 : i32
            %mul3A_1037 = vector.broadcast %mul3A_1036 : i32 to vector<16xi32>
            %mul3A_1038 = arith.muli %min3A_962, %mul3A_1037 : vector<16xi32>
            %mul3A_1039 = arith.constant 16384 : i32
            %mul3A_1040 = vector.broadcast %mul3A_1039 : i32 to vector<16xi32>
            %mul3A_1041 = arith.muli %min3A_971, %mul3A_1040 : vector<16xi32>
            %mul3A_1042 = arith.constant 128 : i32
            %mul3A_1043 = vector.broadcast %mul3A_1042 : i32 to vector<16xi32>
            %mul3A_1044 = arith.muli %min3A_994, %mul3A_1043 : vector<16xi32>
            %mul3A_1045 = arith.constant 128 : i32
            %mul3A_1046 = vector.broadcast %mul3A_1045 : i32 to vector<16xi32>
            %mul3A_1047 = arith.muli %min3A_1003, %mul3A_1046 : vector<16xi32>
            %sub3A_1048 = arith.constant 1.000000e+00 : f32
            %sub3A_1049 = vector.broadcast %sub3A_1048 : f32 to vector<16xf32>
            %sub3A_1050 = arith.subf %sub3A_1049, %sub3A_959 : vector<16xf32>
            %sub3A_1051 = arith.constant 1.000000e+00 : f32
            %sub3A_1052 = vector.broadcast %sub3A_1051 : f32 to vector<16xf32>
            %sub3A_1053 = arith.subf %sub3A_1052, %sub3A_988 : vector<16xf32>
            %sub3A_1054 = arith.constant 1.000000e+00 : f32
            %sub3A_1055 = vector.broadcast %sub3A_1054 : f32 to vector<16xf32>
            %sub3A_1056 = arith.subf %sub3A_1055, %sub3A_1020 : vector<16xf32>
            %add3A_1057 = arith.addi %mul3A_1038, %mul3A_1044 : vector<16xi32>
            %add3A_1058 = arith.addi %add3A_1057, %min3A_1026 : vector<16xi32>
            %mul3A_1059 = arith.mulf %sub3A_1050, %sub3A_1053 : vector<16xf32>
            %mul3A_1060 = arith.mulf %mul3A_1059, %sub3A_1056 : vector<16xf32>
            %mul3A_1061 = arith.constant 16 : i32
            %mul3A_1062 = arith.muli %sub3A_602, %mul3A_1061 : i32
            %add3A_1063 = arith.addi %mul3A_1062, %scan3A_934 : i32
            %swap3A = arith.index_cast %add3A_1063 : i32 to index
            %swap3A_1064 = arith.constant 0 : index
            %swap3A_1065 = tpu.vector_load %arg8[%swap3A, %swap3A_1064] {strides = array<i32>} : memref<32x128xi32, #tpu.memory_space<vmem>>, vector<16xi32>,
            tpu.vector_store %arg8[%swap3A, %swap3A_1064], %add3A_1058 {strides = array<i32>} : memref<32x128xi32, #tpu.memory_space<vmem>>, vector<16xi32>,
            %mul3A_1066 = arith.constant 16 : i32
            %mul3A_1067 = arith.muli %sub3A_602, %mul3A_1066 : i32
            %add3A_1068 = arith.addi %mul3A_1067, %scan3A_934 : i32
            %swap3A_1069 = arith.index_cast %add3A_1068 : i32 to index
            %swap3A_1070 = arith.constant 0 : index
            %swap3A_1071 = tpu.vector_load %arg9[%swap3A_1069, %swap3A_1070] {strides = array<i32>} : memref<32x128xf32, #tpu.memory_space<vmem>>, vector<16xf32>,
            tpu.vector_store %arg9[%swap3A_1069, %swap3A_1070], %mul3A_1060 {strides = array<i32>} : memref<32x128xf32, #tpu.memory_space<vmem>>, vector<16xf32>,
            %add3A_1072 = arith.addi %mul3A_1038, %mul3A_1044 : vector<16xi32>
            %add3A_1073 = arith.addi %add3A_1072, %min3A_1035 : vector<16xi32>
            %mul3A_1074 = arith.mulf %sub3A_1050, %sub3A_1053 : vector<16xf32>
            %mul3A_1075 = arith.mulf %mul3A_1074, %sub3A_1020 : vector<16xf32>
            %mul3A_1076 = arith.constant 16 : i32
            %mul3A_1077 = arith.muli %sub3A_602, %mul3A_1076 : i32
            %add3A_1078 = arith.addi %mul3A_1077, %scan3A_934 : i32
            %swap3A_1079 = arith.index_cast %add3A_1078 : i32 to index
            %swap3A_1080 = arith.constant 16 : index
            %swap3A_1081 = tpu.vector_load %arg8[%swap3A_1079, %swap3A_1080] {strides = array<i32>} : memref<32x128xi32, #tpu.memory_space<vmem>>, vector<16xi32>,
            tpu.vector_store %arg8[%swap3A_1079, %swap3A_1080], %add3A_1073 {strides = array<i32>} : memref<32x128xi32, #tpu.memory_space<vmem>>, vector<16xi32>,
            %mul3A_1082 = arith.constant 16 : i32
            %mul3A_1083 = arith.muli %sub3A_602, %mul3A_1082 : i32
            %add3A_1084 = arith.addi %mul3A_1083, %scan3A_934 : i32
            %swap3A_1085 = arith.index_cast %add3A_1084 : i32 to index
            %swap3A_1086 = arith.constant 16 : index
            %swap3A_1087 = tpu.vector_load %arg9[%swap3A_1085, %swap3A_1086] {strides = array<i32>} : memref<32x128xf32, #tpu.memory_space<vmem>>, vector<16xf32>,
            tpu.vector_store %arg9[%swap3A_1085, %swap3A_1086], %mul3A_1075 {strides = array<i32>} : memref<32x128xf32, #tpu.memory_space<vmem>>, vector<16xf32>,
            %add3A_1088 = arith.addi %mul3A_1038, %mul3A_1047 : vector<16xi32>
            %add3A_1089 = arith.addi %add3A_1088, %min3A_1026 : vector<16xi32>
            %mul3A_1090 = arith.mulf %sub3A_1050, %sub3A_988 : vector<16xf32>
            %mul3A_1091 = arith.mulf %mul3A_1090, %sub3A_1056 : vector<16xf32>
            %mul3A_1092 = arith.constant 16 : i32
            %mul3A_1093 = arith.muli %sub3A_602, %mul3A_1092 : i32
            %add3A_1094 = arith.addi %mul3A_1093, %scan3A_934 : i32
            %swap3A_1095 = arith.index_cast %add3A_1094 : i32 to index
            %swap3A_1096 = arith.constant 32 : index
            %swap3A_1097 = tpu.vector_load %arg8[%swap3A_1095, %swap3A_1096] {strides = array<i32>} : memref<32x128xi32, #tpu.memory_space<vmem>>, vector<16xi32>,
            tpu.vector_store %arg8[%swap3A_1095, %swap3A_1096], %add3A_1089 {strides = array<i32>} : memref<32x128xi32, #tpu.memory_space<vmem>>, vector<16xi32>,
            %mul3A_1098 = arith.constant 16 : i32
            %mul3A_1099 = arith.muli %sub3A_602, %mul3A_1098 : i32
            %add3A_1100 = arith.addi %mul3A_1099, %scan3A_934 : i32
            %swap3A_1101 = arith.index_cast %add3A_1100 : i32 to index
            %swap3A_1102 = arith.constant 32 : index
            %swap3A_1103 = tpu.vector_load %arg9[%swap3A_1101, %swap3A_1102] {strides = array<i32>} : memref<32x128xf32, #tpu.memory_space<vmem>>, vector<16xf32>,
            tpu.vector_store %arg9[%swap3A_1101, %swap3A_1102], %mul3A_1091 {strides = array<i32>} : memref<32x128xf32, #tpu.memory_space<vmem>>, vector<16xf32>,
            %add3A_1104 = arith.addi %mul3A_1038, %mul3A_1047 : vector<16xi32>
            %add3A_1105 = arith.addi %add3A_1104, %min3A_1035 : vector<16xi32>
            %mul3A_1106 = arith.mulf %sub3A_1050, %sub3A_988 : vector<16xf32>
            %mul3A_1107 = arith.mulf %mul3A_1106, %sub3A_1020 : vector<16xf32>
            %mul3A_1108 = arith.constant 16 : i32
            %mul3A_1109 = arith.muli %sub3A_602, %mul3A_1108 : i32
            %add3A_1110 = arith.addi %mul3A_1109, %scan3A_934 : i32
            %swap3A_1111 = arith.index_cast %add3A_1110 : i32 to index
            %swap3A_1112 = arith.constant 48 : index
            %swap3A_1113 = tpu.vector_load %arg8[%swap3A_1111, %swap3A_1112] {strides = array<i32>} : memref<32x128xi32, #tpu.memory_space<vmem>>, vector<16xi32>,
            tpu.vector_store %arg8[%swap3A_1111, %swap3A_1112], %add3A_1105 {strides = array<i32>} : memref<32x128xi32, #tpu.memory_space<vmem>>, vector<16xi32>,
            %mul3A_1114 = arith.constant 16 : i32
            %mul3A_1115 = arith.muli %sub3A_602, %mul3A_1114 : i32
            %add3A_1116 = arith.addi %mul3A_1115, %scan3A_934 : i32
            %swap3A_1117 = arith.index_cast %add3A_1116 : i32 to index
            %swap3A_1118 = arith.constant 48 : index
            %swap3A_1119 = tpu.vector_load %arg9[%swap3A_1117, %swap3A_1118] {strides = array<i32>} : memref<32x128xf32, #tpu.memory_space<vmem>>, vector<16xf32>,
            tpu.vector_store %arg9[%swap3A_1117, %swap3A_1118], %mul3A_1107 {strides = array<i32>} : memref<32x128xf32, #tpu.memory_space<vmem>>, vector<16xf32>,
            %add3A_1120 = arith.addi %mul3A_1041, %mul3A_1044 : vector<16xi32>
            %add3A_1121 = arith.addi %add3A_1120, %min3A_1026 : vector<16xi32>
            %mul3A_1122 = arith.mulf %sub3A_959, %sub3A_1053 : vector<16xf32>
            %mul3A_1123 = arith.mulf %mul3A_1122, %sub3A_1056 : vector<16xf32>
            %mul3A_1124 = arith.constant 16 : i32
            %mul3A_1125 = arith.muli %sub3A_602, %mul3A_1124 : i32
            %add3A_1126 = arith.addi %mul3A_1125, %scan3A_934 : i32
            %swap3A_1127 = arith.index_cast %add3A_1126 : i32 to index
            %swap3A_1128 = arith.constant 64 : index
            %swap3A_1129 = tpu.vector_load %arg8[%swap3A_1127, %swap3A_1128] {strides = array<i32>} : memref<32x128xi32, #tpu.memory_space<vmem>>, vector<16xi32>,
            tpu.vector_store %arg8[%swap3A_1127, %swap3A_1128], %add3A_1121 {strides = array<i32>} : memref<32x128xi32, #tpu.memory_space<vmem>>, vector<16xi32>,
            %mul3A_1130 = arith.constant 16 : i32
            %mul3A_1131 = arith.muli %sub3A_602, %mul3A_1130 : i32
            %add3A_1132 = arith.addi %mul3A_1131, %scan3A_934 : i32
            %swap3A_1133 = arith.index_cast %add3A_1132 : i32 to index
            %swap3A_1134 = arith.constant 64 : index
            %swap3A_1135 = tpu.vector_load %arg9[%swap3A_1133, %swap3A_1134] {strides = array<i32>} : memref<32x128xf32, #tpu.memory_space<vmem>>, vector<16xf32>,
            tpu.vector_store %arg9[%swap3A_1133, %swap3A_1134], %mul3A_1123 {strides = array<i32>} : memref<32x128xf32, #tpu.memory_space<vmem>>, vector<16xf32>,
            %add3A_1136 = arith.addi %mul3A_1041, %mul3A_1044 : vector<16xi32>
            %add3A_1137 = arith.addi %add3A_1136, %min3A_1035 : vector<16xi32>
            %mul3A_1138 = arith.mulf %sub3A_959, %sub3A_1053 : vector<16xf32>
            %mul3A_1139 = arith.mulf %mul3A_1138, %sub3A_1020 : vector<16xf32>
            %mul3A_1140 = arith.constant 16 : i32
            %mul3A_1141 = arith.muli %sub3A_602, %mul3A_1140 : i32
            %add3A_1142 = arith.addi %mul3A_1141, %scan3A_934 : i32
            %swap3A_1143 = arith.index_cast %add3A_1142 : i32 to index
            %swap3A_1144 = arith.constant 80 : index
            %swap3A_1145 = tpu.vector_load %arg8[%swap3A_1143, %swap3A_1144] {strides = array<i32>} : memref<32x128xi32, #tpu.memory_space<vmem>>, vector<16xi32>,
            tpu.vector_store %arg8[%swap3A_1143, %swap3A_1144], %add3A_1137 {strides = array<i32>} : memref<32x128xi32, #tpu.memory_space<vmem>>, vector<16xi32>,
            %mul3A_1146 = arith.constant 16 : i32
            %mul3A_1147 = arith.muli %sub3A_602, %mul3A_1146 : i32
            %add3A_1148 = arith.addi %mul3A_1147, %scan3A_934 : i32
            %swap3A_1149 = arith.index_cast %add3A_1148 : i32 to index
            %swap3A_1150 = arith.constant 80 : index
            %swap3A_1151 = tpu.vector_load %arg9[%swap3A_1149, %swap3A_1150] {strides = array<i32>} : memref<32x128xf32, #tpu.memory_space<vmem>>, vector<16xf32>,
            tpu.vector_store %arg9[%swap3A_1149, %swap3A_1150], %mul3A_1139 {strides = array<i32>} : memref<32x128xf32, #tpu.memory_space<vmem>>, vector<16xf32>,
            %add3A_1152 = arith.addi %mul3A_1041, %mul3A_1047 : vector<16xi32>
            %add3A_1153 = arith.addi %add3A_1152, %min3A_1026 : vector<16xi32>
            %mul3A_1154 = arith.mulf %sub3A_959, %sub3A_988 : vector<16xf32>
            %mul3A_1155 = arith.mulf %mul3A_1154, %sub3A_1056 : vector<16xf32>
            %mul3A_1156 = arith.constant 16 : i32
            %mul3A_1157 = arith.muli %sub3A_602, %mul3A_1156 : i32
            %add3A_1158 = arith.addi %mul3A_1157, %scan3A_934 : i32
            %swap3A_1159 = arith.index_cast %add3A_1158 : i32 to index
            %swap3A_1160 = arith.constant 96 : index
            %swap3A_1161 = tpu.vector_load %arg8[%swap3A_1159, %swap3A_1160] {strides = array<i32>} : memref<32x128xi32, #tpu.memory_space<vmem>>, vector<16xi32>,
            tpu.vector_store %arg8[%swap3A_1159, %swap3A_1160], %add3A_1153 {strides = array<i32>} : memref<32x128xi32, #tpu.memory_space<vmem>>, vector<16xi32>,
            %mul3A_1162 = arith.constant 16 : i32
            %mul3A_1163 = arith.muli %sub3A_602, %mul3A_1162 : i32
            %add3A_1164 = arith.addi %mul3A_1163, %scan3A_934 : i32
            %swap3A_1165 = arith.index_cast %add3A_1164 : i32 to index
            %swap3A_1166 = arith.constant 96 : index
            %swap3A_1167 = tpu.vector_load %arg9[%swap3A_1165, %swap3A_1166] {strides = array<i32>} : memref<32x128xf32, #tpu.memory_space<vmem>>, vector<16xf32>,
            tpu.vector_store %arg9[%swap3A_1165, %swap3A_1166], %mul3A_1155 {strides = array<i32>} : memref<32x128xf32, #tpu.memory_space<vmem>>, vector<16xf32>,
            %add3A_1168 = arith.addi %mul3A_1041, %mul3A_1047 : vector<16xi32>
            %add3A_1169 = arith.addi %add3A_1168, %min3A_1035 : vector<16xi32>
            %mul3A_1170 = arith.mulf %sub3A_959, %sub3A_988 : vector<16xf32>
            %mul3A_1171 = arith.mulf %mul3A_1170, %sub3A_1020 : vector<16xf32>
            %mul3A_1172 = arith.constant 16 : i32
            %mul3A_1173 = arith.muli %sub3A_602, %mul3A_1172 : i32
            %add3A_1174 = arith.addi %mul3A_1173, %scan3A_934 : i32
            %swap3A_1175 = arith.index_cast %add3A_1174 : i32 to index
            %swap3A_1176 = arith.constant 112 : index
            %swap3A_1177 = tpu.vector_load %arg8[%swap3A_1175, %swap3A_1176] {strides = array<i32>} : memref<32x128xi32, #tpu.memory_space<vmem>>, vector<16xi32>,
            tpu.vector_store %arg8[%swap3A_1175, %swap3A_1176], %add3A_1169 {strides = array<i32>} : memref<32x128xi32, #tpu.memory_space<vmem>>, vector<16xi32>,
            %mul3A_1178 = arith.constant 16 : i32
            %mul3A_1179 = arith.muli %sub3A_602, %mul3A_1178 : i32
            %add3A_1180 = arith.addi %mul3A_1179, %scan3A_934 : i32
            %swap3A_1181 = arith.index_cast %add3A_1180 : i32 to index
            %swap3A_1182 = arith.constant 112 : index
            %swap3A_1183 = tpu.vector_load %arg9[%swap3A_1181, %swap3A_1182] {strides = array<i32>} : memref<32x128xf32, #tpu.memory_space<vmem>>, vector<16xf32>,
            tpu.vector_store %arg9[%swap3A_1181, %swap3A_1182], %mul3A_1171 {strides = array<i32>} : memref<32x128xf32, #tpu.memory_space<vmem>>, vector<16xf32>,
            %scan3A_1184 = arith.constant 0 : i32
            scf.yield %scan3A_1184 : i32
          }
          %scan3A_611 = arith.constant 16 : i32
          %sub3A_612 = arith.constant 1 : i32
          %sub3A_613 = arith.subi %sub3A_612, %and3A_271 : i32
          %mul3A_614 = arith.constant 16 : i32
          %mul3A_615 = arith.muli %sub3A_613, %mul3A_614 : i32
          %add3A_616 = arith.constant 0 : i32
          %add3A_617 = arith.addi %mul3A_615, %add3A_616 : i32
          %mul3A_618 = arith.constant 16 : i32
          %mul3A_619 = arith.muli %sub3A_613, %mul3A_618 : i32
          %add3A_620 = arith.constant 0 : i32
          %add3A_621 = arith.addi %mul3A_619, %add3A_620 : i32
          %mul3A_622 = arith.constant 8 : i32
          %mul3A_623 = arith.muli %add3A_621, %mul3A_622 : i32
          %mul3A_624 = arith.constant 16 : i32
          %mul3A_625 = arith.muli %mul3A_623, %mul3A_624 : i32
          %mul3A_626 = arith.constant 16 : i32
          %mul3A_627 = arith.muli %sub3A_613, %mul3A_626 : i32
          %add3A_628 = arith.constant 1 : i32
          %add3A_629 = arith.addi %mul3A_627, %add3A_628 : i32
          %mul3A_630 = arith.constant 16 : i32
          %mul3A_631 = arith.muli %sub3A_613, %mul3A_630 : i32
          %add3A_632 = arith.constant 1 : i32
          %add3A_633 = arith.addi %mul3A_631, %add3A_632 : i32
          %mul3A_634 = arith.constant 8 : i32
          %mul3A_635 = arith.muli %add3A_633, %mul3A_634 : i32
          %mul3A_636 = arith.constant 16 : i32
          %mul3A_637 = arith.muli %mul3A_635, %mul3A_636 : i32
          %mul3A_638 = arith.constant 16 : i32
          %mul3A_639 = arith.muli %sub3A_613, %mul3A_638 : i32
          %add3A_640 = arith.constant 2 : i32
          %add3A_641 = arith.addi %mul3A_639, %add3A_640 : i32
          %mul3A_642 = arith.constant 16 : i32
          %mul3A_643 = arith.muli %sub3A_613, %mul3A_642 : i32
          %add3A_644 = arith.constant 2 : i32
          %add3A_645 = arith.addi %mul3A_643, %add3A_644 : i32
          %mul3A_646 = arith.constant 8 : i32
          %mul3A_647 = arith.muli %add3A_645, %mul3A_646 : i32
          %mul3A_648 = arith.constant 16 : i32
          %mul3A_649 = arith.muli %mul3A_647, %mul3A_648 : i32
          %mul3A_650 = arith.constant 16 : i32
          %mul3A_651 = arith.muli %sub3A_613, %mul3A_650 : i32
          %add3A_652 = arith.constant 3 : i32
          %add3A_653 = arith.addi %mul3A_651, %add3A_652 : i32
          %mul3A_654 = arith.constant 16 : i32
          %mul3A_655 = arith.muli %sub3A_613, %mul3A_654 : i32
          %add3A_656 = arith.constant 3 : i32
          %add3A_657 = arith.addi %mul3A_655, %add3A_656 : i32
          %mul3A_658 = arith.constant 8 : i32
          %mul3A_659 = arith.muli %add3A_657, %mul3A_658 : i32
          %mul3A_660 = arith.constant 16 : i32
          %mul3A_661 = arith.muli %mul3A_659, %mul3A_660 : i32
          %mul3A_662 = arith.constant 16 : i32
          %mul3A_663 = arith.muli %sub3A_613, %mul3A_662 : i32
          %add3A_664 = arith.constant 4 : i32
          %add3A_665 = arith.addi %mul3A_663, %add3A_664 : i32
          %mul3A_666 = arith.constant 16 : i32
          %mul3A_667 = arith.muli %sub3A_613, %mul3A_666 : i32
          %add3A_668 = arith.constant 4 : i32
          %add3A_669 = arith.addi %mul3A_667, %add3A_668 : i32
          %mul3A_670 = arith.constant 8 : i32
          %mul3A_671 = arith.muli %add3A_669, %mul3A_670 : i32
          %mul3A_672 = arith.constant 16 : i32
          %mul3A_673 = arith.muli %mul3A_671, %mul3A_672 : i32
          %mul3A_674 = arith.constant 16 : i32
          %mul3A_675 = arith.muli %sub3A_613, %mul3A_674 : i32
          %add3A_676 = arith.constant 5 : i32
          %add3A_677 = arith.addi %mul3A_675, %add3A_676 : i32
          %mul3A_678 = arith.constant 16 : i32
          %mul3A_679 = arith.muli %sub3A_613, %mul3A_678 : i32
          %add3A_680 = arith.constant 5 : i32
          %add3A_681 = arith.addi %mul3A_679, %add3A_680 : i32
          %mul3A_682 = arith.constant 8 : i32
          %mul3A_683 = arith.muli %add3A_681, %mul3A_682 : i32
          %mul3A_684 = arith.constant 16 : i32
          %mul3A_685 = arith.muli %mul3A_683, %mul3A_684 : i32
          %mul3A_686 = arith.constant 16 : i32
          %mul3A_687 = arith.muli %sub3A_613, %mul3A_686 : i32
          %add3A_688 = arith.constant 6 : i32
          %add3A_689 = arith.addi %mul3A_687, %add3A_688 : i32
          %mul3A_690 = arith.constant 16 : i32
          %mul3A_691 = arith.muli %sub3A_613, %mul3A_690 : i32
          %add3A_692 = arith.constant 6 : i32
          %add3A_693 = arith.addi %mul3A_691, %add3A_692 : i32
          %mul3A_694 = arith.constant 8 : i32
          %mul3A_695 = arith.muli %add3A_693, %mul3A_694 : i32
          %mul3A_696 = arith.constant 16 : i32
          %mul3A_697 = arith.muli %mul3A_695, %mul3A_696 : i32
          %mul3A_698 = arith.constant 16 : i32
          %mul3A_699 = arith.muli %sub3A_613, %mul3A_698 : i32
          %add3A_700 = arith.constant 7 : i32
          %add3A_701 = arith.addi %mul3A_699, %add3A_700 : i32
          %mul3A_702 = arith.constant 16 : i32
          %mul3A_703 = arith.muli %sub3A_613, %mul3A_702 : i32
          %add3A_704 = arith.constant 7 : i32
          %add3A_705 = arith.addi %mul3A_703, %add3A_704 : i32
          %mul3A_706 = arith.constant 8 : i32
          %mul3A_707 = arith.muli %add3A_705, %mul3A_706 : i32
          %mul3A_708 = arith.constant 16 : i32
          %mul3A_709 = arith.muli %mul3A_707, %mul3A_708 : i32
          %mul3A_710 = arith.constant 16 : i32
          %mul3A_711 = arith.muli %sub3A_613, %mul3A_710 : i32
          %add3A_712 = arith.constant 8 : i32
          %add3A_713 = arith.addi %mul3A_711, %add3A_712 : i32
          %mul3A_714 = arith.constant 16 : i32
          %mul3A_715 = arith.muli %sub3A_613, %mul3A_714 : i32
          %add3A_716 = arith.constant 8 : i32
          %add3A_717 = arith.addi %mul3A_715, %add3A_716 : i32
          %mul3A_718 = arith.constant 8 : i32
          %mul3A_719 = arith.muli %add3A_717, %mul3A_718 : i32
          %mul3A_720 = arith.constant 16 : i32
          %mul3A_721 = arith.muli %mul3A_719, %mul3A_720 : i32
          %mul3A_722 = arith.constant 16 : i32
          %mul3A_723 = arith.muli %sub3A_613, %mul3A_722 : i32
          %add3A_724 = arith.constant 9 : i32
          %add3A_725 = arith.addi %mul3A_723, %add3A_724 : i32
          %mul3A_726 = arith.constant 16 : i32
          %mul3A_727 = arith.muli %sub3A_613, %mul3A_726 : i32
          %add3A_728 = arith.constant 9 : i32
          %add3A_729 = arith.addi %mul3A_727, %add3A_728 : i32
          %mul3A_730 = arith.constant 8 : i32
          %mul3A_731 = arith.muli %add3A_729, %mul3A_730 : i32
          %mul3A_732 = arith.constant 16 : i32
          %mul3A_733 = arith.muli %mul3A_731, %mul3A_732 : i32
          %mul3A_734 = arith.constant 16 : i32
          %mul3A_735 = arith.muli %sub3A_613, %mul3A_734 : i32
          %add3A_736 = arith.constant 10 : i32
          %add3A_737 = arith.addi %mul3A_735, %add3A_736 : i32
          %mul3A_738 = arith.constant 16 : i32
          %mul3A_739 = arith.muli %sub3A_613, %mul3A_738 : i32
          %add3A_740 = arith.constant 10 : i32
          %add3A_741 = arith.addi %mul3A_739, %add3A_740 : i32
          %mul3A_742 = arith.constant 8 : i32
          %mul3A_743 = arith.muli %add3A_741, %mul3A_742 : i32
          %mul3A_744 = arith.constant 16 : i32
          %mul3A_745 = arith.muli %mul3A_743, %mul3A_744 : i32
          %mul3A_746 = arith.constant 16 : i32
          %mul3A_747 = arith.muli %sub3A_613, %mul3A_746 : i32
          %add3A_748 = arith.constant 11 : i32
          %add3A_749 = arith.addi %mul3A_747, %add3A_748 : i32
          %mul3A_750 = arith.constant 16 : i32
          %mul3A_751 = arith.muli %sub3A_613, %mul3A_750 : i32
          %add3A_752 = arith.constant 11 : i32
          %add3A_753 = arith.addi %mul3A_751, %add3A_752 : i32
          %mul3A_754 = arith.constant 8 : i32
          %mul3A_755 = arith.muli %add3A_753, %mul3A_754 : i32
          %mul3A_756 = arith.constant 16 : i32
          %mul3A_757 = arith.muli %mul3A_755, %mul3A_756 : i32
          %mul3A_758 = arith.constant 16 : i32
          %mul3A_759 = arith.muli %sub3A_613, %mul3A_758 : i32
          %add3A_760 = arith.constant 12 : i32
          %add3A_761 = arith.addi %mul3A_759, %add3A_760 : i32
          %mul3A_762 = arith.constant 16 : i32
          %mul3A_763 = arith.muli %sub3A_613, %mul3A_762 : i32
          %add3A_764 = arith.constant 12 : i32
          %add3A_765 = arith.addi %mul3A_763, %add3A_764 : i32
          %mul3A_766 = arith.constant 8 : i32
          %mul3A_767 = arith.muli %add3A_765, %mul3A_766 : i32
          %mul3A_768 = arith.constant 16 : i32
          %mul3A_769 = arith.muli %mul3A_767, %mul3A_768 : i32
          %mul3A_770 = arith.constant 16 : i32
          %mul3A_771 = arith.muli %sub3A_613, %mul3A_770 : i32
          %add3A_772 = arith.constant 13 : i32
          %add3A_773 = arith.addi %mul3A_771, %add3A_772 : i32
          %mul3A_774 = arith.constant 16 : i32
          %mul3A_775 = arith.muli %sub3A_613, %mul3A_774 : i32
          %add3A_776 = arith.constant 13 : i32
          %add3A_777 = arith.addi %mul3A_775, %add3A_776 : i32
          %mul3A_778 = arith.constant 8 : i32
          %mul3A_779 = arith.muli %add3A_777, %mul3A_778 : i32
          %mul3A_780 = arith.constant 16 : i32
          %mul3A_781 = arith.muli %mul3A_779, %mul3A_780 : i32
          %mul3A_782 = arith.constant 16 : i32
          %mul3A_783 = arith.muli %sub3A_613, %mul3A_782 : i32
          %add3A_784 = arith.constant 14 : i32
          %add3A_785 = arith.addi %mul3A_783, %add3A_784 : i32
          %mul3A_786 = arith.constant 16 : i32
          %mul3A_787 = arith.muli %sub3A_613, %mul3A_786 : i32
          %add3A_788 = arith.constant 14 : i32
          %add3A_789 = arith.addi %mul3A_787, %add3A_788 : i32
          %mul3A_790 = arith.constant 8 : i32
          %mul3A_791 = arith.muli %add3A_789, %mul3A_790 : i32
          %mul3A_792 = arith.constant 16 : i32
          %mul3A_793 = arith.muli %mul3A_791, %mul3A_792 : i32
          %mul3A_794 = arith.constant 16 : i32
          %mul3A_795 = arith.muli %sub3A_613, %mul3A_794 : i32
          %add3A_796 = arith.constant 15 : i32
          %add3A_797 = arith.addi %mul3A_795, %add3A_796 : i32
          %mul3A_798 = arith.constant 16 : i32
          %mul3A_799 = arith.muli %sub3A_613, %mul3A_798 : i32
          %add3A_800 = arith.constant 15 : i32
          %add3A_801 = arith.addi %mul3A_799, %add3A_800 : i32
          %mul3A_802 = arith.constant 8 : i32
          %mul3A_803 = arith.muli %add3A_801, %mul3A_802 : i32
          %mul3A_804 = arith.constant 16 : i32
          %mul3A_805 = arith.muli %mul3A_803, %mul3A_804 : i32
          %dma_start3A_806 = arith.constant 0 : i32
          %dma_start3A_807 = tpu.memref_slice %arg10[%mul3A_625, %dma_start3A_806] : memref<4096x16xi32, #tpu.memory_space<vmem>> -> memref<128x16xi32, #tpu.memory_space<vmem>>
          %dma_start3A_808 = arith.constant 0 : i32
          %dma_start3A_809 = tpu.memref_slice %arg8[%add3A_617, %dma_start3A_808] : memref<32x128xi32, #tpu.memory_space<vmem>> -> memref<1x128xi32, #tpu.memory_space<vmem>>
          %dma_start3A_810 = tpu.memref_squeeze %dma_start3A_809 : memref<1x128xi32, #tpu.memory_space<vmem>> -> memref<128xi32, #tpu.memory_space<vmem>>
          %dma_start3A_811 = arith.constant 0 : i32
          %dma_start3A_812 = arith.constant 0 : i32
          %dma_start3A_813 = tpu.memref_slice %arg4[%dma_start3A_811, %dma_start3A_812] : memref<2097152x16xi32, #tpu.memory_space<hbm>> -> memref<2097152x16xi32, #tpu.memory_space<hbm>>
          tpu.enqueue_indirect_dma source(%dma_start3A_813 : memref<2097152x16xi32, #tpu.memory_space<hbm>>) target(%dma_start3A_807 : memref<128x16xi32, #tpu.memory_space<vmem>>) offsets(%dma_start3A_810 : memref<128xi32, #tpu.memory_space<vmem>>) semaphore(%arg12 : memref<!tpu.dma_semaphore, #tpu.memory_space<semaphore_mem>>)
          %dma_start3A_814 = arith.constant 0 : i32
          %dma_start3A_815 = tpu.memref_slice %arg10[%mul3A_637, %dma_start3A_814] : memref<4096x16xi32, #tpu.memory_space<vmem>> -> memref<128x16xi32, #tpu.memory_space<vmem>>
          %dma_start3A_816 = arith.constant 0 : i32
          %dma_start3A_817 = tpu.memref_slice %arg8[%add3A_629, %dma_start3A_816] : memref<32x128xi32, #tpu.memory_space<vmem>> -> memref<1x128xi32, #tpu.memory_space<vmem>>
          %dma_start3A_818 = tpu.memref_squeeze %dma_start3A_817 : memref<1x128xi32, #tpu.memory_space<vmem>> -> memref<128xi32, #tpu.memory_space<vmem>>
          %dma_start3A_819 = arith.constant 0 : i32
          %dma_start3A_820 = arith.constant 0 : i32
          %dma_start3A_821 = tpu.memref_slice %arg4[%dma_start3A_819, %dma_start3A_820] : memref<2097152x16xi32, #tpu.memory_space<hbm>> -> memref<2097152x16xi32, #tpu.memory_space<hbm>>
          tpu.enqueue_indirect_dma source(%dma_start3A_821 : memref<2097152x16xi32, #tpu.memory_space<hbm>>) target(%dma_start3A_815 : memref<128x16xi32, #tpu.memory_space<vmem>>) offsets(%dma_start3A_818 : memref<128xi32, #tpu.memory_space<vmem>>) semaphore(%arg12 : memref<!tpu.dma_semaphore, #tpu.memory_space<semaphore_mem>>)
          %dma_start3A_822 = arith.constant 0 : i32
          %dma_start3A_823 = tpu.memref_slice %arg10[%mul3A_649, %dma_start3A_822] : memref<4096x16xi32, #tpu.memory_space<vmem>> -> memref<128x16xi32, #tpu.memory_space<vmem>>
          %dma_start3A_824 = arith.constant 0 : i32
          %dma_start3A_825 = tpu.memref_slice %arg8[%add3A_641, %dma_start3A_824] : memref<32x128xi32, #tpu.memory_space<vmem>> -> memref<1x128xi32, #tpu.memory_space<vmem>>
          %dma_start3A_826 = tpu.memref_squeeze %dma_start3A_825 : memref<1x128xi32, #tpu.memory_space<vmem>> -> memref<128xi32, #tpu.memory_space<vmem>>
          %dma_start3A_827 = arith.constant 0 : i32
          %dma_start3A_828 = arith.constant 0 : i32
          %dma_start3A_829 = tpu.memref_slice %arg4[%dma_start3A_827, %dma_start3A_828] : memref<2097152x16xi32, #tpu.memory_space<hbm>> -> memref<2097152x16xi32, #tpu.memory_space<hbm>>
          tpu.enqueue_indirect_dma source(%dma_start3A_829 : memref<2097152x16xi32, #tpu.memory_space<hbm>>) target(%dma_start3A_823 : memref<128x16xi32, #tpu.memory_space<vmem>>) offsets(%dma_start3A_826 : memref<128xi32, #tpu.memory_space<vmem>>) semaphore(%arg12 : memref<!tpu.dma_semaphore, #tpu.memory_space<semaphore_mem>>)
          %dma_start3A_830 = arith.constant 0 : i32
          %dma_start3A_831 = tpu.memref_slice %arg10[%mul3A_661, %dma_start3A_830] : memref<4096x16xi32, #tpu.memory_space<vmem>> -> memref<128x16xi32, #tpu.memory_space<vmem>>
          %dma_start3A_832 = arith.constant 0 : i32
          %dma_start3A_833 = tpu.memref_slice %arg8[%add3A_653, %dma_start3A_832] : memref<32x128xi32, #tpu.memory_space<vmem>> -> memref<1x128xi32, #tpu.memory_space<vmem>>
          %dma_start3A_834 = tpu.memref_squeeze %dma_start3A_833 : memref<1x128xi32, #tpu.memory_space<vmem>> -> memref<128xi32, #tpu.memory_space<vmem>>
          %dma_start3A_835 = arith.constant 0 : i32
          %dma_start3A_836 = arith.constant 0 : i32
          %dma_start3A_837 = tpu.memref_slice %arg4[%dma_start3A_835, %dma_start3A_836] : memref<2097152x16xi32, #tpu.memory_space<hbm>> -> memref<2097152x16xi32, #tpu.memory_space<hbm>>
          tpu.enqueue_indirect_dma source(%dma_start3A_837 : memref<2097152x16xi32, #tpu.memory_space<hbm>>) target(%dma_start3A_831 : memref<128x16xi32, #tpu.memory_space<vmem>>) offsets(%dma_start3A_834 : memref<128xi32, #tpu.memory_space<vmem>>) semaphore(%arg12 : memref<!tpu.dma_semaphore, #tpu.memory_space<semaphore_mem>>)
          %dma_start3A_838 = arith.constant 0 : i32
          %dma_start3A_839 = tpu.memref_slice %arg10[%mul3A_673, %dma_start3A_838] : memref<4096x16xi32, #tpu.memory_space<vmem>> -> memref<128x16xi32, #tpu.memory_space<vmem>>
          %dma_start3A_840 = arith.constant 0 : i32
          %dma_start3A_841 = tpu.memref_slice %arg8[%add3A_665, %dma_start3A_840] : memref<32x128xi32, #tpu.memory_space<vmem>> -> memref<1x128xi32, #tpu.memory_space<vmem>>
          %dma_start3A_842 = tpu.memref_squeeze %dma_start3A_841 : memref<1x128xi32, #tpu.memory_space<vmem>> -> memref<128xi32, #tpu.memory_space<vmem>>
          %dma_start3A_843 = arith.constant 0 : i32
          %dma_start3A_844 = arith.constant 0 : i32
          %dma_start3A_845 = tpu.memref_slice %arg4[%dma_start3A_843, %dma_start3A_844] : memref<2097152x16xi32, #tpu.memory_space<hbm>> -> memref<2097152x16xi32, #tpu.memory_space<hbm>>
          tpu.enqueue_indirect_dma source(%dma_start3A_845 : memref<2097152x16xi32, #tpu.memory_space<hbm>>) target(%dma_start3A_839 : memref<128x16xi32, #tpu.memory_space<vmem>>) offsets(%dma_start3A_842 : memref<128xi32, #tpu.memory_space<vmem>>) semaphore(%arg12 : memref<!tpu.dma_semaphore, #tpu.memory_space<semaphore_mem>>)
          %dma_start3A_846 = arith.constant 0 : i32
          %dma_start3A_847 = tpu.memref_slice %arg10[%mul3A_685, %dma_start3A_846] : memref<4096x16xi32, #tpu.memory_space<vmem>> -> memref<128x16xi32, #tpu.memory_space<vmem>>
          %dma_start3A_848 = arith.constant 0 : i32
          %dma_start3A_849 = tpu.memref_slice %arg8[%add3A_677, %dma_start3A_848] : memref<32x128xi32, #tpu.memory_space<vmem>> -> memref<1x128xi32, #tpu.memory_space<vmem>>
          %dma_start3A_850 = tpu.memref_squeeze %dma_start3A_849 : memref<1x128xi32, #tpu.memory_space<vmem>> -> memref<128xi32, #tpu.memory_space<vmem>>
          %dma_start3A_851 = arith.constant 0 : i32
          %dma_start3A_852 = arith.constant 0 : i32
          %dma_start3A_853 = tpu.memref_slice %arg4[%dma_start3A_851, %dma_start3A_852] : memref<2097152x16xi32, #tpu.memory_space<hbm>> -> memref<2097152x16xi32, #tpu.memory_space<hbm>>
          tpu.enqueue_indirect_dma source(%dma_start3A_853 : memref<2097152x16xi32, #tpu.memory_space<hbm>>) target(%dma_start3A_847 : memref<128x16xi32, #tpu.memory_space<vmem>>) offsets(%dma_start3A_850 : memref<128xi32, #tpu.memory_space<vmem>>) semaphore(%arg12 : memref<!tpu.dma_semaphore, #tpu.memory_space<semaphore_mem>>)
          %dma_start3A_854 = arith.constant 0 : i32
          %dma_start3A_855 = tpu.memref_slice %arg10[%mul3A_697, %dma_start3A_854] : memref<4096x16xi32, #tpu.memory_space<vmem>> -> memref<128x16xi32, #tpu.memory_space<vmem>>
          %dma_start3A_856 = arith.constant 0 : i32
          %dma_start3A_857 = tpu.memref_slice %arg8[%add3A_689, %dma_start3A_856] : memref<32x128xi32, #tpu.memory_space<vmem>> -> memref<1x128xi32, #tpu.memory_space<vmem>>
          %dma_start3A_858 = tpu.memref_squeeze %dma_start3A_857 : memref<1x128xi32, #tpu.memory_space<vmem>> -> memref<128xi32, #tpu.memory_space<vmem>>
          %dma_start3A_859 = arith.constant 0 : i32
          %dma_start3A_860 = arith.constant 0 : i32
          %dma_start3A_861 = tpu.memref_slice %arg4[%dma_start3A_859, %dma_start3A_860] : memref<2097152x16xi32, #tpu.memory_space<hbm>> -> memref<2097152x16xi32, #tpu.memory_space<hbm>>
          tpu.enqueue_indirect_dma source(%dma_start3A_861 : memref<2097152x16xi32, #tpu.memory_space<hbm>>) target(%dma_start3A_855 : memref<128x16xi32, #tpu.memory_space<vmem>>) offsets(%dma_start3A_858 : memref<128xi32, #tpu.memory_space<vmem>>) semaphore(%arg12 : memref<!tpu.dma_semaphore, #tpu.memory_space<semaphore_mem>>)
          %dma_start3A_862 = arith.constant 0 : i32
          %dma_start3A_863 = tpu.memref_slice %arg10[%mul3A_709, %dma_start3A_862] : memref<4096x16xi32, #tpu.memory_space<vmem>> -> memref<128x16xi32, #tpu.memory_space<vmem>>
          %dma_start3A_864 = arith.constant 0 : i32
          %dma_start3A_865 = tpu.memref_slice %arg8[%add3A_701, %dma_start3A_864] : memref<32x128xi32, #tpu.memory_space<vmem>> -> memref<1x128xi32, #tpu.memory_space<vmem>>
          %dma_start3A_866 = tpu.memref_squeeze %dma_start3A_865 : memref<1x128xi32, #tpu.memory_space<vmem>> -> memref<128xi32, #tpu.memory_space<vmem>>
          %dma_start3A_867 = arith.constant 0 : i32
          %dma_start3A_868 = arith.constant 0 : i32
          %dma_start3A_869 = tpu.memref_slice %arg4[%dma_start3A_867, %dma_start3A_868] : memref<2097152x16xi32, #tpu.memory_space<hbm>> -> memref<2097152x16xi32, #tpu.memory_space<hbm>>
          tpu.enqueue_indirect_dma source(%dma_start3A_869 : memref<2097152x16xi32, #tpu.memory_space<hbm>>) target(%dma_start3A_863 : memref<128x16xi32, #tpu.memory_space<vmem>>) offsets(%dma_start3A_866 : memref<128xi32, #tpu.memory_space<vmem>>) semaphore(%arg12 : memref<!tpu.dma_semaphore, #tpu.memory_space<semaphore_mem>>)
          %dma_start3A_870 = arith.constant 0 : i32
          %dma_start3A_871 = tpu.memref_slice %arg10[%mul3A_721, %dma_start3A_870] : memref<4096x16xi32, #tpu.memory_space<vmem>> -> memref<128x16xi32, #tpu.memory_space<vmem>>
          %dma_start3A_872 = arith.constant 0 : i32
          %dma_start3A_873 = tpu.memref_slice %arg8[%add3A_713, %dma_start3A_872] : memref<32x128xi32, #tpu.memory_space<vmem>> -> memref<1x128xi32, #tpu.memory_space<vmem>>
          %dma_start3A_874 = tpu.memref_squeeze %dma_start3A_873 : memref<1x128xi32, #tpu.memory_space<vmem>> -> memref<128xi32, #tpu.memory_space<vmem>>
          %dma_start3A_875 = arith.constant 0 : i32
          %dma_start3A_876 = arith.constant 0 : i32
          %dma_start3A_877 = tpu.memref_slice %arg4[%dma_start3A_875, %dma_start3A_876] : memref<2097152x16xi32, #tpu.memory_space<hbm>> -> memref<2097152x16xi32, #tpu.memory_space<hbm>>
          tpu.enqueue_indirect_dma source(%dma_start3A_877 : memref<2097152x16xi32, #tpu.memory_space<hbm>>) target(%dma_start3A_871 : memref<128x16xi32, #tpu.memory_space<vmem>>) offsets(%dma_start3A_874 : memref<128xi32, #tpu.memory_space<vmem>>) semaphore(%arg12 : memref<!tpu.dma_semaphore, #tpu.memory_space<semaphore_mem>>)
          %dma_start3A_878 = arith.constant 0 : i32
          %dma_start3A_879 = tpu.memref_slice %arg10[%mul3A_733, %dma_start3A_878] : memref<4096x16xi32, #tpu.memory_space<vmem>> -> memref<128x16xi32, #tpu.memory_space<vmem>>
          %dma_start3A_880 = arith.constant 0 : i32
          %dma_start3A_881 = tpu.memref_slice %arg8[%add3A_725, %dma_start3A_880] : memref<32x128xi32, #tpu.memory_space<vmem>> -> memref<1x128xi32, #tpu.memory_space<vmem>>
          %dma_start3A_882 = tpu.memref_squeeze %dma_start3A_881 : memref<1x128xi32, #tpu.memory_space<vmem>> -> memref<128xi32, #tpu.memory_space<vmem>>
          %dma_start3A_883 = arith.constant 0 : i32
          %dma_start3A_884 = arith.constant 0 : i32
          %dma_start3A_885 = tpu.memref_slice %arg4[%dma_start3A_883, %dma_start3A_884] : memref<2097152x16xi32, #tpu.memory_space<hbm>> -> memref<2097152x16xi32, #tpu.memory_space<hbm>>
          tpu.enqueue_indirect_dma source(%dma_start3A_885 : memref<2097152x16xi32, #tpu.memory_space<hbm>>) target(%dma_start3A_879 : memref<128x16xi32, #tpu.memory_space<vmem>>) offsets(%dma_start3A_882 : memref<128xi32, #tpu.memory_space<vmem>>) semaphore(%arg12 : memref<!tpu.dma_semaphore, #tpu.memory_space<semaphore_mem>>)
          %dma_start3A_886 = arith.constant 0 : i32
          %dma_start3A_887 = tpu.memref_slice %arg10[%mul3A_745, %dma_start3A_886] : memref<4096x16xi32, #tpu.memory_space<vmem>> -> memref<128x16xi32, #tpu.memory_space<vmem>>
          %dma_start3A_888 = arith.constant 0 : i32
          %dma_start3A_889 = tpu.memref_slice %arg8[%add3A_737, %dma_start3A_888] : memref<32x128xi32, #tpu.memory_space<vmem>> -> memref<1x128xi32, #tpu.memory_space<vmem>>
          %dma_start3A_890 = tpu.memref_squeeze %dma_start3A_889 : memref<1x128xi32, #tpu.memory_space<vmem>> -> memref<128xi32, #tpu.memory_space<vmem>>
          %dma_start3A_891 = arith.constant 0 : i32
          %dma_start3A_892 = arith.constant 0 : i32
          %dma_start3A_893 = tpu.memref_slice %arg4[%dma_start3A_891, %dma_start3A_892] : memref<2097152x16xi32, #tpu.memory_space<hbm>> -> memref<2097152x16xi32, #tpu.memory_space<hbm>>
          tpu.enqueue_indirect_dma source(%dma_start3A_893 : memref<2097152x16xi32, #tpu.memory_space<hbm>>) target(%dma_start3A_887 : memref<128x16xi32, #tpu.memory_space<vmem>>) offsets(%dma_start3A_890 : memref<128xi32, #tpu.memory_space<vmem>>) semaphore(%arg12 : memref<!tpu.dma_semaphore, #tpu.memory_space<semaphore_mem>>)
          %dma_start3A_894 = arith.constant 0 : i32
          %dma_start3A_895 = tpu.memref_slice %arg10[%mul3A_757, %dma_start3A_894] : memref<4096x16xi32, #tpu.memory_space<vmem>> -> memref<128x16xi32, #tpu.memory_space<vmem>>
          %dma_start3A_896 = arith.constant 0 : i32
          %dma_start3A_897 = tpu.memref_slice %arg8[%add3A_749, %dma_start3A_896] : memref<32x128xi32, #tpu.memory_space<vmem>> -> memref<1x128xi32, #tpu.memory_space<vmem>>
          %dma_start3A_898 = tpu.memref_squeeze %dma_start3A_897 : memref<1x128xi32, #tpu.memory_space<vmem>> -> memref<128xi32, #tpu.memory_space<vmem>>
          %dma_start3A_899 = arith.constant 0 : i32
          %dma_start3A_900 = arith.constant 0 : i32
          %dma_start3A_901 = tpu.memref_slice %arg4[%dma_start3A_899, %dma_start3A_900] : memref<2097152x16xi32, #tpu.memory_space<hbm>> -> memref<2097152x16xi32, #tpu.memory_space<hbm>>
          tpu.enqueue_indirect_dma source(%dma_start3A_901 : memref<2097152x16xi32, #tpu.memory_space<hbm>>) target(%dma_start3A_895 : memref<128x16xi32, #tpu.memory_space<vmem>>) offsets(%dma_start3A_898 : memref<128xi32, #tpu.memory_space<vmem>>) semaphore(%arg12 : memref<!tpu.dma_semaphore, #tpu.memory_space<semaphore_mem>>)
          %dma_start3A_902 = arith.constant 0 : i32
          %dma_start3A_903 = tpu.memref_slice %arg10[%mul3A_769, %dma_start3A_902] : memref<4096x16xi32, #tpu.memory_space<vmem>> -> memref<128x16xi32, #tpu.memory_space<vmem>>
          %dma_start3A_904 = arith.constant 0 : i32
          %dma_start3A_905 = tpu.memref_slice %arg8[%add3A_761, %dma_start3A_904] : memref<32x128xi32, #tpu.memory_space<vmem>> -> memref<1x128xi32, #tpu.memory_space<vmem>>
          %dma_start3A_906 = tpu.memref_squeeze %dma_start3A_905 : memref<1x128xi32, #tpu.memory_space<vmem>> -> memref<128xi32, #tpu.memory_space<vmem>>
          %dma_start3A_907 = arith.constant 0 : i32
          %dma_start3A_908 = arith.constant 0 : i32
          %dma_start3A_909 = tpu.memref_slice %arg4[%dma_start3A_907, %dma_start3A_908] : memref<2097152x16xi32, #tpu.memory_space<hbm>> -> memref<2097152x16xi32, #tpu.memory_space<hbm>>
          tpu.enqueue_indirect_dma source(%dma_start3A_909 : memref<2097152x16xi32, #tpu.memory_space<hbm>>) target(%dma_start3A_903 : memref<128x16xi32, #tpu.memory_space<vmem>>) offsets(%dma_start3A_906 : memref<128xi32, #tpu.memory_space<vmem>>) semaphore(%arg12 : memref<!tpu.dma_semaphore, #tpu.memory_space<semaphore_mem>>)
          %dma_start3A_910 = arith.constant 0 : i32
          %dma_start3A_911 = tpu.memref_slice %arg10[%mul3A_781, %dma_start3A_910] : memref<4096x16xi32, #tpu.memory_space<vmem>> -> memref<128x16xi32, #tpu.memory_space<vmem>>
          %dma_start3A_912 = arith.constant 0 : i32
          %dma_start3A_913 = tpu.memref_slice %arg8[%add3A_773, %dma_start3A_912] : memref<32x128xi32, #tpu.memory_space<vmem>> -> memref<1x128xi32, #tpu.memory_space<vmem>>
          %dma_start3A_914 = tpu.memref_squeeze %dma_start3A_913 : memref<1x128xi32, #tpu.memory_space<vmem>> -> memref<128xi32, #tpu.memory_space<vmem>>
          %dma_start3A_915 = arith.constant 0 : i32
          %dma_start3A_916 = arith.constant 0 : i32
          %dma_start3A_917 = tpu.memref_slice %arg4[%dma_start3A_915, %dma_start3A_916] : memref<2097152x16xi32, #tpu.memory_space<hbm>> -> memref<2097152x16xi32, #tpu.memory_space<hbm>>
          tpu.enqueue_indirect_dma source(%dma_start3A_917 : memref<2097152x16xi32, #tpu.memory_space<hbm>>) target(%dma_start3A_911 : memref<128x16xi32, #tpu.memory_space<vmem>>) offsets(%dma_start3A_914 : memref<128xi32, #tpu.memory_space<vmem>>) semaphore(%arg12 : memref<!tpu.dma_semaphore, #tpu.memory_space<semaphore_mem>>)
          %dma_start3A_918 = arith.constant 0 : i32
          %dma_start3A_919 = tpu.memref_slice %arg10[%mul3A_793, %dma_start3A_918] : memref<4096x16xi32, #tpu.memory_space<vmem>> -> memref<128x16xi32, #tpu.memory_space<vmem>>
          %dma_start3A_920 = arith.constant 0 : i32
          %dma_start3A_921 = tpu.memref_slice %arg8[%add3A_785, %dma_start3A_920] : memref<32x128xi32, #tpu.memory_space<vmem>> -> memref<1x128xi32, #tpu.memory_space<vmem>>
          %dma_start3A_922 = tpu.memref_squeeze %dma_start3A_921 : memref<1x128xi32, #tpu.memory_space<vmem>> -> memref<128xi32, #tpu.memory_space<vmem>>
          %dma_start3A_923 = arith.constant 0 : i32
          %dma_start3A_924 = arith.constant 0 : i32
          %dma_start3A_925 = tpu.memref_slice %arg4[%dma_start3A_923, %dma_start3A_924] : memref<2097152x16xi32, #tpu.memory_space<hbm>> -> memref<2097152x16xi32, #tpu.memory_space<hbm>>
          tpu.enqueue_indirect_dma source(%dma_start3A_925 : memref<2097152x16xi32, #tpu.memory_space<hbm>>) target(%dma_start3A_919 : memref<128x16xi32, #tpu.memory_space<vmem>>) offsets(%dma_start3A_922 : memref<128xi32, #tpu.memory_space<vmem>>) semaphore(%arg12 : memref<!tpu.dma_semaphore, #tpu.memory_space<semaphore_mem>>)
          %dma_start3A_926 = arith.constant 0 : i32
          %dma_start3A_927 = tpu.memref_slice %arg10[%mul3A_805, %dma_start3A_926] : memref<4096x16xi32, #tpu.memory_space<vmem>> -> memref<128x16xi32, #tpu.memory_space<vmem>>
          %dma_start3A_928 = arith.constant 0 : i32
          %dma_start3A_929 = tpu.memref_slice %arg8[%add3A_797, %dma_start3A_928] : memref<32x128xi32, #tpu.memory_space<vmem>> -> memref<1x128xi32, #tpu.memory_space<vmem>>
          %dma_start3A_930 = tpu.memref_squeeze %dma_start3A_929 : memref<1x128xi32, #tpu.memory_space<vmem>> -> memref<128xi32, #tpu.memory_space<vmem>>
          %dma_start3A_931 = arith.constant 0 : i32
          %dma_start3A_932 = arith.constant 0 : i32
          %dma_start3A_933 = tpu.memref_slice %arg4[%dma_start3A_931, %dma_start3A_932] : memref<2097152x16xi32, #tpu.memory_space<hbm>> -> memref<2097152x16xi32, #tpu.memory_space<hbm>>
          tpu.enqueue_indirect_dma source(%dma_start3A_933 : memref<2097152x16xi32, #tpu.memory_space<hbm>>) target(%dma_start3A_927 : memref<128x16xi32, #tpu.memory_space<vmem>>) offsets(%dma_start3A_930 : memref<128xi32, #tpu.memory_space<vmem>>) semaphore(%arg12 : memref<!tpu.dma_semaphore, #tpu.memory_space<semaphore_mem>>)
        } else {
        }
        %mul3A_274 = arith.constant 16 : i32
        %mul3A_275 = arith.muli %and3A_271, %mul3A_274 : i32
        %add3A_276 = arith.constant 0 : i32
        %add3A_277 = arith.addi %mul3A_275, %add3A_276 : i32
        %mul3A_278 = arith.constant 16 : i32
        %mul3A_279 = arith.muli %and3A_271, %mul3A_278 : i32
        %add3A_280 = arith.constant 0 : i32
        %add3A_281 = arith.addi %mul3A_279, %add3A_280 : i32
        %mul3A_282 = arith.constant 8 : i32
        %mul3A_283 = arith.muli %add3A_281, %mul3A_282 : i32
        %mul3A_284 = arith.constant 16 : i32
        %mul3A_285 = arith.muli %mul3A_283, %mul3A_284 : i32
        %mul3A_286 = arith.constant 16 : i32
        %mul3A_287 = arith.muli %and3A_271, %mul3A_286 : i32
        %add3A_288 = arith.constant 1 : i32
        %add3A_289 = arith.addi %mul3A_287, %add3A_288 : i32
        %mul3A_290 = arith.constant 16 : i32
        %mul3A_291 = arith.muli %and3A_271, %mul3A_290 : i32
        %add3A_292 = arith.constant 1 : i32
        %add3A_293 = arith.addi %mul3A_291, %add3A_292 : i32
        %mul3A_294 = arith.constant 8 : i32
        %mul3A_295 = arith.muli %add3A_293, %mul3A_294 : i32
        %mul3A_296 = arith.constant 16 : i32
        %mul3A_297 = arith.muli %mul3A_295, %mul3A_296 : i32
        %mul3A_298 = arith.constant 16 : i32
        %mul3A_299 = arith.muli %and3A_271, %mul3A_298 : i32
        %add3A_300 = arith.constant 2 : i32
        %add3A_301 = arith.addi %mul3A_299, %add3A_300 : i32
        %mul3A_302 = arith.constant 16 : i32
        %mul3A_303 = arith.muli %and3A_271, %mul3A_302 : i32
        %add3A_304 = arith.constant 2 : i32
        %add3A_305 = arith.addi %mul3A_303, %add3A_304 : i32
        %mul3A_306 = arith.constant 8 : i32
        %mul3A_307 = arith.muli %add3A_305, %mul3A_306 : i32
        %mul3A_308 = arith.constant 16 : i32
        %mul3A_309 = arith.muli %mul3A_307, %mul3A_308 : i32
        %mul3A_310 = arith.constant 16 : i32
        %mul3A_311 = arith.muli %and3A_271, %mul3A_310 : i32
        %add3A_312 = arith.constant 3 : i32
        %add3A_313 = arith.addi %mul3A_311, %add3A_312 : i32
        %mul3A_314 = arith.constant 16 : i32
        %mul3A_315 = arith.muli %and3A_271, %mul3A_314 : i32
        %add3A_316 = arith.constant 3 : i32
        %add3A_317 = arith.addi %mul3A_315, %add3A_316 : i32
        %mul3A_318 = arith.constant 8 : i32
        %mul3A_319 = arith.muli %add3A_317, %mul3A_318 : i32
        %mul3A_320 = arith.constant 16 : i32
        %mul3A_321 = arith.muli %mul3A_319, %mul3A_320 : i32
        %mul3A_322 = arith.constant 16 : i32
        %mul3A_323 = arith.muli %and3A_271, %mul3A_322 : i32
        %add3A_324 = arith.constant 4 : i32
        %add3A_325 = arith.addi %mul3A_323, %add3A_324 : i32
        %mul3A_326 = arith.constant 16 : i32
        %mul3A_327 = arith.muli %and3A_271, %mul3A_326 : i32
        %add3A_328 = arith.constant 4 : i32
        %add3A_329 = arith.addi %mul3A_327, %add3A_328 : i32
        %mul3A_330 = arith.constant 8 : i32
        %mul3A_331 = arith.muli %add3A_329, %mul3A_330 : i32
        %mul3A_332 = arith.constant 16 : i32
        %mul3A_333 = arith.muli %mul3A_331, %mul3A_332 : i32
        %mul3A_334 = arith.constant 16 : i32
        %mul3A_335 = arith.muli %and3A_271, %mul3A_334 : i32
        %add3A_336 = arith.constant 5 : i32
        %add3A_337 = arith.addi %mul3A_335, %add3A_336 : i32
        %mul3A_338 = arith.constant 16 : i32
        %mul3A_339 = arith.muli %and3A_271, %mul3A_338 : i32
        %add3A_340 = arith.constant 5 : i32
        %add3A_341 = arith.addi %mul3A_339, %add3A_340 : i32
        %mul3A_342 = arith.constant 8 : i32
        %mul3A_343 = arith.muli %add3A_341, %mul3A_342 : i32
        %mul3A_344 = arith.constant 16 : i32
        %mul3A_345 = arith.muli %mul3A_343, %mul3A_344 : i32
        %mul3A_346 = arith.constant 16 : i32
        %mul3A_347 = arith.muli %and3A_271, %mul3A_346 : i32
        %add3A_348 = arith.constant 6 : i32
        %add3A_349 = arith.addi %mul3A_347, %add3A_348 : i32
        %mul3A_350 = arith.constant 16 : i32
        %mul3A_351 = arith.muli %and3A_271, %mul3A_350 : i32
        %add3A_352 = arith.constant 6 : i32
        %add3A_353 = arith.addi %mul3A_351, %add3A_352 : i32
        %mul3A_354 = arith.constant 8 : i32
        %mul3A_355 = arith.muli %add3A_353, %mul3A_354 : i32
        %mul3A_356 = arith.constant 16 : i32
        %mul3A_357 = arith.muli %mul3A_355, %mul3A_356 : i32
        %mul3A_358 = arith.constant 16 : i32
        %mul3A_359 = arith.muli %and3A_271, %mul3A_358 : i32
        %add3A_360 = arith.constant 7 : i32
        %add3A_361 = arith.addi %mul3A_359, %add3A_360 : i32
        %mul3A_362 = arith.constant 16 : i32
        %mul3A_363 = arith.muli %and3A_271, %mul3A_362 : i32
        %add3A_364 = arith.constant 7 : i32
        %add3A_365 = arith.addi %mul3A_363, %add3A_364 : i32
        %mul3A_366 = arith.constant 8 : i32
        %mul3A_367 = arith.muli %add3A_365, %mul3A_366 : i32
        %mul3A_368 = arith.constant 16 : i32
        %mul3A_369 = arith.muli %mul3A_367, %mul3A_368 : i32
        %mul3A_370 = arith.constant 16 : i32
        %mul3A_371 = arith.muli %and3A_271, %mul3A_370 : i32
        %add3A_372 = arith.constant 8 : i32
        %add3A_373 = arith.addi %mul3A_371, %add3A_372 : i32
        %mul3A_374 = arith.constant 16 : i32
        %mul3A_375 = arith.muli %and3A_271, %mul3A_374 : i32
        %add3A_376 = arith.constant 8 : i32
        %add3A_377 = arith.addi %mul3A_375, %add3A_376 : i32
        %mul3A_378 = arith.constant 8 : i32
        %mul3A_379 = arith.muli %add3A_377, %mul3A_378 : i32
        %mul3A_380 = arith.constant 16 : i32
        %mul3A_381 = arith.muli %mul3A_379, %mul3A_380 : i32
        %mul3A_382 = arith.constant 16 : i32
        %mul3A_383 = arith.muli %and3A_271, %mul3A_382 : i32
        %add3A_384 = arith.constant 9 : i32
        %add3A_385 = arith.addi %mul3A_383, %add3A_384 : i32
        %mul3A_386 = arith.constant 16 : i32
        %mul3A_387 = arith.muli %and3A_271, %mul3A_386 : i32
        %add3A_388 = arith.constant 9 : i32
        %add3A_389 = arith.addi %mul3A_387, %add3A_388 : i32
        %mul3A_390 = arith.constant 8 : i32
        %mul3A_391 = arith.muli %add3A_389, %mul3A_390 : i32
        %mul3A_392 = arith.constant 16 : i32
        %mul3A_393 = arith.muli %mul3A_391, %mul3A_392 : i32
        %mul3A_394 = arith.constant 16 : i32
        %mul3A_395 = arith.muli %and3A_271, %mul3A_394 : i32
        %add3A_396 = arith.constant 10 : i32
        %add3A_397 = arith.addi %mul3A_395, %add3A_396 : i32
        %mul3A_398 = arith.constant 16 : i32
        %mul3A_399 = arith.muli %and3A_271, %mul3A_398 : i32
        %add3A_400 = arith.constant 10 : i32
        %add3A_401 = arith.addi %mul3A_399, %add3A_400 : i32
        %mul3A_402 = arith.constant 8 : i32
        %mul3A_403 = arith.muli %add3A_401, %mul3A_402 : i32
        %mul3A_404 = arith.constant 16 : i32
        %mul3A_405 = arith.muli %mul3A_403, %mul3A_404 : i32
        %mul3A_406 = arith.constant 16 : i32
        %mul3A_407 = arith.muli %and3A_271, %mul3A_406 : i32
        %add3A_408 = arith.constant 11 : i32
        %add3A_409 = arith.addi %mul3A_407, %add3A_408 : i32
        %mul3A_410 = arith.constant 16 : i32
        %mul3A_411 = arith.muli %and3A_271, %mul3A_410 : i32
        %add3A_412 = arith.constant 11 : i32
        %add3A_413 = arith.addi %mul3A_411, %add3A_412 : i32
        %mul3A_414 = arith.constant 8 : i32
        %mul3A_415 = arith.muli %add3A_413, %mul3A_414 : i32
        %mul3A_416 = arith.constant 16 : i32
        %mul3A_417 = arith.muli %mul3A_415, %mul3A_416 : i32
        %mul3A_418 = arith.constant 16 : i32
        %mul3A_419 = arith.muli %and3A_271, %mul3A_418 : i32
        %add3A_420 = arith.constant 12 : i32
        %add3A_421 = arith.addi %mul3A_419, %add3A_420 : i32
        %mul3A_422 = arith.constant 16 : i32
        %mul3A_423 = arith.muli %and3A_271, %mul3A_422 : i32
        %add3A_424 = arith.constant 12 : i32
        %add3A_425 = arith.addi %mul3A_423, %add3A_424 : i32
        %mul3A_426 = arith.constant 8 : i32
        %mul3A_427 = arith.muli %add3A_425, %mul3A_426 : i32
        %mul3A_428 = arith.constant 16 : i32
        %mul3A_429 = arith.muli %mul3A_427, %mul3A_428 : i32
        %mul3A_430 = arith.constant 16 : i32
        %mul3A_431 = arith.muli %and3A_271, %mul3A_430 : i32
        %add3A_432 = arith.constant 13 : i32
        %add3A_433 = arith.addi %mul3A_431, %add3A_432 : i32
        %mul3A_434 = arith.constant 16 : i32
        %mul3A_435 = arith.muli %and3A_271, %mul3A_434 : i32
        %add3A_436 = arith.constant 13 : i32
        %add3A_437 = arith.addi %mul3A_435, %add3A_436 : i32
        %mul3A_438 = arith.constant 8 : i32
        %mul3A_439 = arith.muli %add3A_437, %mul3A_438 : i32
        %mul3A_440 = arith.constant 16 : i32
        %mul3A_441 = arith.muli %mul3A_439, %mul3A_440 : i32
        %mul3A_442 = arith.constant 16 : i32
        %mul3A_443 = arith.muli %and3A_271, %mul3A_442 : i32
        %add3A_444 = arith.constant 14 : i32
        %add3A_445 = arith.addi %mul3A_443, %add3A_444 : i32
        %mul3A_446 = arith.constant 16 : i32
        %mul3A_447 = arith.muli %and3A_271, %mul3A_446 : i32
        %add3A_448 = arith.constant 14 : i32
        %add3A_449 = arith.addi %mul3A_447, %add3A_448 : i32
        %mul3A_450 = arith.constant 8 : i32
        %mul3A_451 = arith.muli %add3A_449, %mul3A_450 : i32
        %mul3A_452 = arith.constant 16 : i32
        %mul3A_453 = arith.muli %mul3A_451, %mul3A_452 : i32
        %mul3A_454 = arith.constant 16 : i32
        %mul3A_455 = arith.muli %and3A_271, %mul3A_454 : i32
        %add3A_456 = arith.constant 15 : i32
        %add3A_457 = arith.addi %mul3A_455, %add3A_456 : i32
        %mul3A_458 = arith.constant 16 : i32
        %mul3A_459 = arith.muli %and3A_271, %mul3A_458 : i32
        %add3A_460 = arith.constant 15 : i32
        %add3A_461 = arith.addi %mul3A_459, %add3A_460 : i32
        %mul3A_462 = arith.constant 8 : i32
        %mul3A_463 = arith.muli %add3A_461, %mul3A_462 : i32
        %mul3A_464 = arith.constant 16 : i32
        %mul3A_465 = arith.muli %mul3A_463, %mul3A_464 : i32
        %dma_wait3A = arith.constant 0 : i32
        %dma_wait3A_466 = tpu.memref_slice %arg10[%mul3A_285, %dma_wait3A] : memref<4096x16xi32, #tpu.memory_space<vmem>> -> memref<128x16xi32, #tpu.memory_space<vmem>>
        %dma_wait3A_467 = arith.constant 0 : i32
        %dma_wait3A_468 = tpu.memref_slice %arg8[%add3A_277, %dma_wait3A_467] : memref<32x128xi32, #tpu.memory_space<vmem>> -> memref<1x128xi32, #tpu.memory_space<vmem>>
        %dma_wait3A_469 = tpu.memref_squeeze %dma_wait3A_468 : memref<1x128xi32, #tpu.memory_space<vmem>> -> memref<128xi32, #tpu.memory_space<vmem>>
        %dma_wait3A_470 = arith.constant 0 : i32
        %dma_wait3A_471 = arith.constant 0 : i32
        %dma_wait3A_472 = tpu.memref_slice %arg4[%dma_wait3A_470, %dma_wait3A_471] : memref<2097152x16xi32, #tpu.memory_space<hbm>> -> memref<2097152x16xi32, #tpu.memory_space<hbm>>
        tpu.wait_indirect_dma semaphore(%arg12 : memref<!tpu.dma_semaphore, #tpu.memory_space<semaphore_mem>>) src(%dma_wait3A_472 : memref<2097152x16xi32, #tpu.memory_space<hbm>>) dst(%dma_wait3A_466 : memref<128x16xi32, #tpu.memory_space<vmem>>)
        %dma_wait3A_473 = arith.constant 0 : i32
        %dma_wait3A_474 = tpu.memref_slice %arg10[%mul3A_297, %dma_wait3A_473] : memref<4096x16xi32, #tpu.memory_space<vmem>> -> memref<128x16xi32, #tpu.memory_space<vmem>>
        %dma_wait3A_475 = arith.constant 0 : i32
        %dma_wait3A_476 = tpu.memref_slice %arg8[%add3A_289, %dma_wait3A_475] : memref<32x128xi32, #tpu.memory_space<vmem>> -> memref<1x128xi32, #tpu.memory_space<vmem>>
        %dma_wait3A_477 = tpu.memref_squeeze %dma_wait3A_476 : memref<1x128xi32, #tpu.memory_space<vmem>> -> memref<128xi32, #tpu.memory_space<vmem>>
        %dma_wait3A_478 = arith.constant 0 : i32
        %dma_wait3A_479 = arith.constant 0 : i32
        %dma_wait3A_480 = tpu.memref_slice %arg4[%dma_wait3A_478, %dma_wait3A_479] : memref<2097152x16xi32, #tpu.memory_space<hbm>> -> memref<2097152x16xi32, #tpu.memory_space<hbm>>
        tpu.wait_indirect_dma semaphore(%arg12 : memref<!tpu.dma_semaphore, #tpu.memory_space<semaphore_mem>>) src(%dma_wait3A_480 : memref<2097152x16xi32, #tpu.memory_space<hbm>>) dst(%dma_wait3A_474 : memref<128x16xi32, #tpu.memory_space<vmem>>)
        %dma_wait3A_481 = arith.constant 0 : i32
        %dma_wait3A_482 = tpu.memref_slice %arg10[%mul3A_309, %dma_wait3A_481] : memref<4096x16xi32, #tpu.memory_space<vmem>> -> memref<128x16xi32, #tpu.memory_space<vmem>>
        %dma_wait3A_483 = arith.constant 0 : i32
        %dma_wait3A_484 = tpu.memref_slice %arg8[%add3A_301, %dma_wait3A_483] : memref<32x128xi32, #tpu.memory_space<vmem>> -> memref<1x128xi32, #tpu.memory_space<vmem>>
        %dma_wait3A_485 = tpu.memref_squeeze %dma_wait3A_484 : memref<1x128xi32, #tpu.memory_space<vmem>> -> memref<128xi32, #tpu.memory_space<vmem>>
        %dma_wait3A_486 = arith.constant 0 : i32
        %dma_wait3A_487 = arith.constant 0 : i32
        %dma_wait3A_488 = tpu.memref_slice %arg4[%dma_wait3A_486, %dma_wait3A_487] : memref<2097152x16xi32, #tpu.memory_space<hbm>> -> memref<2097152x16xi32, #tpu.memory_space<hbm>>
        tpu.wait_indirect_dma semaphore(%arg12 : memref<!tpu.dma_semaphore, #tpu.memory_space<semaphore_mem>>) src(%dma_wait3A_488 : memref<2097152x16xi32, #tpu.memory_space<hbm>>) dst(%dma_wait3A_482 : memref<128x16xi32, #tpu.memory_space<vmem>>)
        %dma_wait3A_489 = arith.constant 0 : i32
        %dma_wait3A_490 = tpu.memref_slice %arg10[%mul3A_321, %dma_wait3A_489] : memref<4096x16xi32, #tpu.memory_space<vmem>> -> memref<128x16xi32, #tpu.memory_space<vmem>>
        %dma_wait3A_491 = arith.constant 0 : i32
        %dma_wait3A_492 = tpu.memref_slice %arg8[%add3A_313, %dma_wait3A_491] : memref<32x128xi32, #tpu.memory_space<vmem>> -> memref<1x128xi32, #tpu.memory_space<vmem>>
        %dma_wait3A_493 = tpu.memref_squeeze %dma_wait3A_492 : memref<1x128xi32, #tpu.memory_space<vmem>> -> memref<128xi32, #tpu.memory_space<vmem>>
        %dma_wait3A_494 = arith.constant 0 : i32
        %dma_wait3A_495 = arith.constant 0 : i32
        %dma_wait3A_496 = tpu.memref_slice %arg4[%dma_wait3A_494, %dma_wait3A_495] : memref<2097152x16xi32, #tpu.memory_space<hbm>> -> memref<2097152x16xi32, #tpu.memory_space<hbm>>
        tpu.wait_indirect_dma semaphore(%arg12 : memref<!tpu.dma_semaphore, #tpu.memory_space<semaphore_mem>>) src(%dma_wait3A_496 : memref<2097152x16xi32, #tpu.memory_space<hbm>>) dst(%dma_wait3A_490 : memref<128x16xi32, #tpu.memory_space<vmem>>)
        %dma_wait3A_497 = arith.constant 0 : i32
        %dma_wait3A_498 = tpu.memref_slice %arg10[%mul3A_333, %dma_wait3A_497] : memref<4096x16xi32, #tpu.memory_space<vmem>> -> memref<128x16xi32, #tpu.memory_space<vmem>>
        %dma_wait3A_499 = arith.constant 0 : i32
        %dma_wait3A_500 = tpu.memref_slice %arg8[%add3A_325, %dma_wait3A_499] : memref<32x128xi32, #tpu.memory_space<vmem>> -> memref<1x128xi32, #tpu.memory_space<vmem>>
        %dma_wait3A_501 = tpu.memref_squeeze %dma_wait3A_500 : memref<1x128xi32, #tpu.memory_space<vmem>> -> memref<128xi32, #tpu.memory_space<vmem>>
        %dma_wait3A_502 = arith.constant 0 : i32
        %dma_wait3A_503 = arith.constant 0 : i32
        %dma_wait3A_504 = tpu.memref_slice %arg4[%dma_wait3A_502, %dma_wait3A_503] : memref<2097152x16xi32, #tpu.memory_space<hbm>> -> memref<2097152x16xi32, #tpu.memory_space<hbm>>
        tpu.wait_indirect_dma semaphore(%arg12 : memref<!tpu.dma_semaphore, #tpu.memory_space<semaphore_mem>>) src(%dma_wait3A_504 : memref<2097152x16xi32, #tpu.memory_space<hbm>>) dst(%dma_wait3A_498 : memref<128x16xi32, #tpu.memory_space<vmem>>)
        %dma_wait3A_505 = arith.constant 0 : i32
        %dma_wait3A_506 = tpu.memref_slice %arg10[%mul3A_345, %dma_wait3A_505] : memref<4096x16xi32, #tpu.memory_space<vmem>> -> memref<128x16xi32, #tpu.memory_space<vmem>>
        %dma_wait3A_507 = arith.constant 0 : i32
        %dma_wait3A_508 = tpu.memref_slice %arg8[%add3A_337, %dma_wait3A_507] : memref<32x128xi32, #tpu.memory_space<vmem>> -> memref<1x128xi32, #tpu.memory_space<vmem>>
        %dma_wait3A_509 = tpu.memref_squeeze %dma_wait3A_508 : memref<1x128xi32, #tpu.memory_space<vmem>> -> memref<128xi32, #tpu.memory_space<vmem>>
        %dma_wait3A_510 = arith.constant 0 : i32
        %dma_wait3A_511 = arith.constant 0 : i32
        %dma_wait3A_512 = tpu.memref_slice %arg4[%dma_wait3A_510, %dma_wait3A_511] : memref<2097152x16xi32, #tpu.memory_space<hbm>> -> memref<2097152x16xi32, #tpu.memory_space<hbm>>
        tpu.wait_indirect_dma semaphore(%arg12 : memref<!tpu.dma_semaphore, #tpu.memory_space<semaphore_mem>>) src(%dma_wait3A_512 : memref<2097152x16xi32, #tpu.memory_space<hbm>>) dst(%dma_wait3A_506 : memref<128x16xi32, #tpu.memory_space<vmem>>)
        %dma_wait3A_513 = arith.constant 0 : i32
        %dma_wait3A_514 = tpu.memref_slice %arg10[%mul3A_357, %dma_wait3A_513] : memref<4096x16xi32, #tpu.memory_space<vmem>> -> memref<128x16xi32, #tpu.memory_space<vmem>>
        %dma_wait3A_515 = arith.constant 0 : i32
        %dma_wait3A_516 = tpu.memref_slice %arg8[%add3A_349, %dma_wait3A_515] : memref<32x128xi32, #tpu.memory_space<vmem>> -> memref<1x128xi32, #tpu.memory_space<vmem>>
        %dma_wait3A_517 = tpu.memref_squeeze %dma_wait3A_516 : memref<1x128xi32, #tpu.memory_space<vmem>> -> memref<128xi32, #tpu.memory_space<vmem>>
        %dma_wait3A_518 = arith.constant 0 : i32
        %dma_wait3A_519 = arith.constant 0 : i32
        %dma_wait3A_520 = tpu.memref_slice %arg4[%dma_wait3A_518, %dma_wait3A_519] : memref<2097152x16xi32, #tpu.memory_space<hbm>> -> memref<2097152x16xi32, #tpu.memory_space<hbm>>
        tpu.wait_indirect_dma semaphore(%arg12 : memref<!tpu.dma_semaphore, #tpu.memory_space<semaphore_mem>>) src(%dma_wait3A_520 : memref<2097152x16xi32, #tpu.memory_space<hbm>>) dst(%dma_wait3A_514 : memref<128x16xi32, #tpu.memory_space<vmem>>)
        %dma_wait3A_521 = arith.constant 0 : i32
        %dma_wait3A_522 = tpu.memref_slice %arg10[%mul3A_369, %dma_wait3A_521] : memref<4096x16xi32, #tpu.memory_space<vmem>> -> memref<128x16xi32, #tpu.memory_space<vmem>>
        %dma_wait3A_523 = arith.constant 0 : i32
        %dma_wait3A_524 = tpu.memref_slice %arg8[%add3A_361, %dma_wait3A_523] : memref<32x128xi32, #tpu.memory_space<vmem>> -> memref<1x128xi32, #tpu.memory_space<vmem>>
        %dma_wait3A_525 = tpu.memref_squeeze %dma_wait3A_524 : memref<1x128xi32, #tpu.memory_space<vmem>> -> memref<128xi32, #tpu.memory_space<vmem>>
        %dma_wait3A_526 = arith.constant 0 : i32
        %dma_wait3A_527 = arith.constant 0 : i32
        %dma_wait3A_528 = tpu.memref_slice %arg4[%dma_wait3A_526, %dma_wait3A_527] : memref<2097152x16xi32, #tpu.memory_space<hbm>> -> memref<2097152x16xi32, #tpu.memory_space<hbm>>
        tpu.wait_indirect_dma semaphore(%arg12 : memref<!tpu.dma_semaphore, #tpu.memory_space<semaphore_mem>>) src(%dma_wait3A_528 : memref<2097152x16xi32, #tpu.memory_space<hbm>>) dst(%dma_wait3A_522 : memref<128x16xi32, #tpu.memory_space<vmem>>)
        %dma_wait3A_529 = arith.constant 0 : i32
        %dma_wait3A_530 = tpu.memref_slice %arg10[%mul3A_381, %dma_wait3A_529] : memref<4096x16xi32, #tpu.memory_space<vmem>> -> memref<128x16xi32, #tpu.memory_space<vmem>>
        %dma_wait3A_531 = arith.constant 0 : i32
        %dma_wait3A_532 = tpu.memref_slice %arg8[%add3A_373, %dma_wait3A_531] : memref<32x128xi32, #tpu.memory_space<vmem>> -> memref<1x128xi32, #tpu.memory_space<vmem>>
        %dma_wait3A_533 = tpu.memref_squeeze %dma_wait3A_532 : memref<1x128xi32, #tpu.memory_space<vmem>> -> memref<128xi32, #tpu.memory_space<vmem>>
        %dma_wait3A_534 = arith.constant 0 : i32
        %dma_wait3A_535 = arith.constant 0 : i32
        %dma_wait3A_536 = tpu.memref_slice %arg4[%dma_wait3A_534, %dma_wait3A_535] : memref<2097152x16xi32, #tpu.memory_space<hbm>> -> memref<2097152x16xi32, #tpu.memory_space<hbm>>
        tpu.wait_indirect_dma semaphore(%arg12 : memref<!tpu.dma_semaphore, #tpu.memory_space<semaphore_mem>>) src(%dma_wait3A_536 : memref<2097152x16xi32, #tpu.memory_space<hbm>>) dst(%dma_wait3A_530 : memref<128x16xi32, #tpu.memory_space<vmem>>)
        %dma_wait3A_537 = arith.constant 0 : i32
        %dma_wait3A_538 = tpu.memref_slice %arg10[%mul3A_393, %dma_wait3A_537] : memref<4096x16xi32, #tpu.memory_space<vmem>> -> memref<128x16xi32, #tpu.memory_space<vmem>>
        %dma_wait3A_539 = arith.constant 0 : i32
        %dma_wait3A_540 = tpu.memref_slice %arg8[%add3A_385, %dma_wait3A_539] : memref<32x128xi32, #tpu.memory_space<vmem>> -> memref<1x128xi32, #tpu.memory_space<vmem>>
        %dma_wait3A_541 = tpu.memref_squeeze %dma_wait3A_540 : memref<1x128xi32, #tpu.memory_space<vmem>> -> memref<128xi32, #tpu.memory_space<vmem>>
        %dma_wait3A_542 = arith.constant 0 : i32
        %dma_wait3A_543 = arith.constant 0 : i32
        %dma_wait3A_544 = tpu.memref_slice %arg4[%dma_wait3A_542, %dma_wait3A_543] : memref<2097152x16xi32, #tpu.memory_space<hbm>> -> memref<2097152x16xi32, #tpu.memory_space<hbm>>
        tpu.wait_indirect_dma semaphore(%arg12 : memref<!tpu.dma_semaphore, #tpu.memory_space<semaphore_mem>>) src(%dma_wait3A_544 : memref<2097152x16xi32, #tpu.memory_space<hbm>>) dst(%dma_wait3A_538 : memref<128x16xi32, #tpu.memory_space<vmem>>)
        %dma_wait3A_545 = arith.constant 0 : i32
        %dma_wait3A_546 = tpu.memref_slice %arg10[%mul3A_405, %dma_wait3A_545] : memref<4096x16xi32, #tpu.memory_space<vmem>> -> memref<128x16xi32, #tpu.memory_space<vmem>>
        %dma_wait3A_547 = arith.constant 0 : i32
        %dma_wait3A_548 = tpu.memref_slice %arg8[%add3A_397, %dma_wait3A_547] : memref<32x128xi32, #tpu.memory_space<vmem>> -> memref<1x128xi32, #tpu.memory_space<vmem>>
        %dma_wait3A_549 = tpu.memref_squeeze %dma_wait3A_548 : memref<1x128xi32, #tpu.memory_space<vmem>> -> memref<128xi32, #tpu.memory_space<vmem>>
        %dma_wait3A_550 = arith.constant 0 : i32
        %dma_wait3A_551 = arith.constant 0 : i32
        %dma_wait3A_552 = tpu.memref_slice %arg4[%dma_wait3A_550, %dma_wait3A_551] : memref<2097152x16xi32, #tpu.memory_space<hbm>> -> memref<2097152x16xi32, #tpu.memory_space<hbm>>
        tpu.wait_indirect_dma semaphore(%arg12 : memref<!tpu.dma_semaphore, #tpu.memory_space<semaphore_mem>>) src(%dma_wait3A_552 : memref<2097152x16xi32, #tpu.memory_space<hbm>>) dst(%dma_wait3A_546 : memref<128x16xi32, #tpu.memory_space<vmem>>)
        %dma_wait3A_553 = arith.constant 0 : i32
        %dma_wait3A_554 = tpu.memref_slice %arg10[%mul3A_417, %dma_wait3A_553] : memref<4096x16xi32, #tpu.memory_space<vmem>> -> memref<128x16xi32, #tpu.memory_space<vmem>>
        %dma_wait3A_555 = arith.constant 0 : i32
        %dma_wait3A_556 = tpu.memref_slice %arg8[%add3A_409, %dma_wait3A_555] : memref<32x128xi32, #tpu.memory_space<vmem>> -> memref<1x128xi32, #tpu.memory_space<vmem>>
        %dma_wait3A_557 = tpu.memref_squeeze %dma_wait3A_556 : memref<1x128xi32, #tpu.memory_space<vmem>> -> memref<128xi32, #tpu.memory_space<vmem>>
        %dma_wait3A_558 = arith.constant 0 : i32
        %dma_wait3A_559 = arith.constant 0 : i32
        %dma_wait3A_560 = tpu.memref_slice %arg4[%dma_wait3A_558, %dma_wait3A_559] : memref<2097152x16xi32, #tpu.memory_space<hbm>> -> memref<2097152x16xi32, #tpu.memory_space<hbm>>
        tpu.wait_indirect_dma semaphore(%arg12 : memref<!tpu.dma_semaphore, #tpu.memory_space<semaphore_mem>>) src(%dma_wait3A_560 : memref<2097152x16xi32, #tpu.memory_space<hbm>>) dst(%dma_wait3A_554 : memref<128x16xi32, #tpu.memory_space<vmem>>)
        %dma_wait3A_561 = arith.constant 0 : i32
        %dma_wait3A_562 = tpu.memref_slice %arg10[%mul3A_429, %dma_wait3A_561] : memref<4096x16xi32, #tpu.memory_space<vmem>> -> memref<128x16xi32, #tpu.memory_space<vmem>>
        %dma_wait3A_563 = arith.constant 0 : i32
        %dma_wait3A_564 = tpu.memref_slice %arg8[%add3A_421, %dma_wait3A_563] : memref<32x128xi32, #tpu.memory_space<vmem>> -> memref<1x128xi32, #tpu.memory_space<vmem>>
        %dma_wait3A_565 = tpu.memref_squeeze %dma_wait3A_564 : memref<1x128xi32, #tpu.memory_space<vmem>> -> memref<128xi32, #tpu.memory_space<vmem>>
        %dma_wait3A_566 = arith.constant 0 : i32
        %dma_wait3A_567 = arith.constant 0 : i32
        %dma_wait3A_568 = tpu.memref_slice %arg4[%dma_wait3A_566, %dma_wait3A_567] : memref<2097152x16xi32, #tpu.memory_space<hbm>> -> memref<2097152x16xi32, #tpu.memory_space<hbm>>
        tpu.wait_indirect_dma semaphore(%arg12 : memref<!tpu.dma_semaphore, #tpu.memory_space<semaphore_mem>>) src(%dma_wait3A_568 : memref<2097152x16xi32, #tpu.memory_space<hbm>>) dst(%dma_wait3A_562 : memref<128x16xi32, #tpu.memory_space<vmem>>)
        %dma_wait3A_569 = arith.constant 0 : i32
        %dma_wait3A_570 = tpu.memref_slice %arg10[%mul3A_441, %dma_wait3A_569] : memref<4096x16xi32, #tpu.memory_space<vmem>> -> memref<128x16xi32, #tpu.memory_space<vmem>>
        %dma_wait3A_571 = arith.constant 0 : i32
        %dma_wait3A_572 = tpu.memref_slice %arg8[%add3A_433, %dma_wait3A_571] : memref<32x128xi32, #tpu.memory_space<vmem>> -> memref<1x128xi32, #tpu.memory_space<vmem>>
        %dma_wait3A_573 = tpu.memref_squeeze %dma_wait3A_572 : memref<1x128xi32, #tpu.memory_space<vmem>> -> memref<128xi32, #tpu.memory_space<vmem>>
        %dma_wait3A_574 = arith.constant 0 : i32
        %dma_wait3A_575 = arith.constant 0 : i32
        %dma_wait3A_576 = tpu.memref_slice %arg4[%dma_wait3A_574, %dma_wait3A_575] : memref<2097152x16xi32, #tpu.memory_space<hbm>> -> memref<2097152x16xi32, #tpu.memory_space<hbm>>
        tpu.wait_indirect_dma semaphore(%arg12 : memref<!tpu.dma_semaphore, #tpu.memory_space<semaphore_mem>>) src(%dma_wait3A_576 : memref<2097152x16xi32, #tpu.memory_space<hbm>>) dst(%dma_wait3A_570 : memref<128x16xi32, #tpu.memory_space<vmem>>)
        %dma_wait3A_577 = arith.constant 0 : i32
        %dma_wait3A_578 = tpu.memref_slice %arg10[%mul3A_453, %dma_wait3A_577] : memref<4096x16xi32, #tpu.memory_space<vmem>> -> memref<128x16xi32, #tpu.memory_space<vmem>>
        %dma_wait3A_579 = arith.constant 0 : i32
        %dma_wait3A_580 = tpu.memref_slice %arg8[%add3A_445, %dma_wait3A_579] : memref<32x128xi32, #tpu.memory_space<vmem>> -> memref<1x128xi32, #tpu.memory_space<vmem>>
        %dma_wait3A_581 = tpu.memref_squeeze %dma_wait3A_580 : memref<1x128xi32, #tpu.memory_space<vmem>> -> memref<128xi32, #tpu.memory_space<vmem>>
        %dma_wait3A_582 = arith.constant 0 : i32
        %dma_wait3A_583 = arith.constant 0 : i32
        %dma_wait3A_584 = tpu.memref_slice %arg4[%dma_wait3A_582, %dma_wait3A_583] : memref<2097152x16xi32, #tpu.memory_space<hbm>> -> memref<2097152x16xi32, #tpu.memory_space<hbm>>
        tpu.wait_indirect_dma semaphore(%arg12 : memref<!tpu.dma_semaphore, #tpu.memory_space<semaphore_mem>>) src(%dma_wait3A_584 : memref<2097152x16xi32, #tpu.memory_space<hbm>>) dst(%dma_wait3A_578 : memref<128x16xi32, #tpu.memory_space<vmem>>)
        %dma_wait3A_585 = arith.constant 0 : i32
        %dma_wait3A_586 = tpu.memref_slice %arg10[%mul3A_465, %dma_wait3A_585] : memref<4096x16xi32, #tpu.memory_space<vmem>> -> memref<128x16xi32, #tpu.memory_space<vmem>>
        %dma_wait3A_587 = arith.constant 0 : i32
        %dma_wait3A_588 = tpu.memref_slice %arg8[%add3A_457, %dma_wait3A_587] : memref<32x128xi32, #tpu.memory_space<vmem>> -> memref<1x128xi32, #tpu.memory_space<vmem>>
        %dma_wait3A_589 = tpu.memref_squeeze %dma_wait3A_588 : memref<1x128xi32, #tpu.memory_space<vmem>> -> memref<128xi32, #tpu.memory_space<vmem>>
        %dma_wait3A_590 = arith.constant 0 : i32
        %dma_wait3A_591 = arith.constant 0 : i32
        %dma_wait3A_592 = tpu.memref_slice %arg4[%dma_wait3A_590, %dma_wait3A_591] : memref<2097152x16xi32, #tpu.memory_space<hbm>> -> memref<2097152x16xi32, #tpu.memory_space<hbm>>
        tpu.wait_indirect_dma semaphore(%arg12 : memref<!tpu.dma_semaphore, #tpu.memory_space<semaphore_mem>>) src(%dma_wait3A_592 : memref<2097152x16xi32, #tpu.memory_space<hbm>>) dst(%dma_wait3A_586 : memref<128x16xi32, #tpu.memory_space<vmem>>)
        %scan3A_593 = arith.constant 0 : i32
        %scan3A_594 = arith.constant 16 : i32
        %scan3A_595 = arith.addi %scan3A_593, %scan3A_594 : i32
        %scan3A_596 = arith.constant 1 : i32
        %scan3A_597:4 = scf.for %scan3A_599 = %scan3A_593 to %scan3A_595 step %scan3A_596 iter_args(%scan3A_600 = %scan3A_267, %scan3A_601 = %scan3A_268, %scan3A_602 = %scan3A_269, %scan3A_603 = %scan3A_270) -> (vector<16xf32>, vector<16xf32>, vector<16xf32>, vector<16xf32>)  : i32 {
          %broadcast_in_dim3A_604 = arith.constant 0.000000e+00 : f32
          %broadcast_in_dim3A_605 = vector.broadcast %broadcast_in_dim3A_604 : f32 to vector<16xf32>
          %broadcast_in_dim3A_606 = arith.constant 0.000000e+00 : f32
          %broadcast_in_dim3A_607 = vector.broadcast %broadcast_in_dim3A_606 : f32 to vector<16xf32>
          %broadcast_in_dim3A_608 = arith.constant 0.000000e+00 : f32
          %broadcast_in_dim3A_609 = vector.broadcast %broadcast_in_dim3A_608 : f32 to vector<16xf32>
          %broadcast_in_dim3A_610 = arith.constant 0.000000e+00 : f32
          %broadcast_in_dim3A_611 = vector.broadcast %broadcast_in_dim3A_610 : f32 to vector<16xf32>
          %mul3A_612 = arith.constant 16 : i32
          %mul3A_613 = arith.muli %and3A_271, %mul3A_612 : i32
          %add3A_614 = arith.addi %mul3A_613, %scan3A_599 : i32
          %mul3A_615 = arith.constant 128 : i32
          %mul3A_616 = arith.muli %add3A_614, %mul3A_615 : i32
          %mul3A_617 = arith.constant 16 : i32
          %mul3A_618 = arith.muli %and3A_271, %mul3A_617 : i32
          %add3A_619 = arith.addi %mul3A_618, %scan3A_599 : i32
          %get3A_620 = arith.index_cast %add3A_619 : i32 to index
          %get3A_621 = arith.constant 0 : index
          %get3A_622 = tpu.vector_load %arg9[%get3A_620, %get3A_621] {strides = array<i32>} : memref<32x128xf32, #tpu.memory_space<vmem>>, vector<16xf32>,
          %add3A_623 = arith.constant 0 : i32
          %add3A_624 = arith.addi %mul3A_616, %add3A_623 : i32
          %add3A_625 = vector.broadcast %add3A_624 : i32 to vector<16xi32>
          %add3A_626 = arith.addi %add3A_625, %iota3A : vector<16xi32>
          %broadcast_in_dim3A_627 = arith.constant 0 : i32
          %broadcast_in_dim3A_628 = vector.broadcast %broadcast_in_dim3A_627 : i32 to vector<16xi32>
          %gather3A = tpu.vector_load_idx %arg10[%add3A_626, %broadcast_in_dim3A_628] : memref<4096x16xi32, #tpu.memory_space<vmem>>[vector<16xi32>, vector<16xi32>], vector<16xi32>,
          %bitcast3A = vector.bitcast %gather3A : vector<16xi32> to vector<16xf32>
          %mul3A_629 = arith.mulf %get3A_622, %bitcast3A : vector<16xf32>
          %add3A_630 = arith.addf %broadcast_in_dim3A_605, %mul3A_629 : vector<16xf32>
          %broadcast_in_dim3A_631 = arith.constant 0.000000e+00 : f32
          %broadcast_in_dim3A_632 = vector.broadcast %broadcast_in_dim3A_631 : f32 to vector<16xf32>
          %broadcast_in_dim3A_633 = arith.constant 0.000000e+00 : f32
          %broadcast_in_dim3A_634 = vector.broadcast %broadcast_in_dim3A_633 : f32 to vector<16xf32>
          %broadcast_in_dim3A_635 = arith.constant 0.000000e+00 : f32
          %broadcast_in_dim3A_636 = vector.broadcast %broadcast_in_dim3A_635 : f32 to vector<16xf32>
          %broadcast_in_dim3A_637 = arith.constant 1 : i32
          %broadcast_in_dim3A_638 = vector.broadcast %broadcast_in_dim3A_637 : i32 to vector<16xi32>
          %gather3A_639 = tpu.vector_load_idx %arg10[%add3A_626, %broadcast_in_dim3A_638] : memref<4096x16xi32, #tpu.memory_space<vmem>>[vector<16xi32>, vector<16xi32>], vector<16xi32>,
          %bitcast3A_640 = vector.bitcast %gather3A_639 : vector<16xi32> to vector<32xbf16>
          %unpack3A = tpu.unpack_subelements %bitcast3A_640, 0 {pack_format = #tpu.pack_format<interleaved>} : vector<32xbf16> -> vector<16xf32>
          %unpack3A_641 = tpu.unpack_subelements %bitcast3A_640, 1 {pack_format = #tpu.pack_format<interleaved>} : vector<32xbf16> -> vector<16xf32>
          %mul3A_642 = arith.mulf %broadcast_in_dim3A_37, %unpack3A : vector<16xf32>
          %add3A_643 = arith.addf %broadcast_in_dim3A_632, %mul3A_642 : vector<16xf32>
          %mul3A_644 = arith.mulf %mul3A_40, %unpack3A_641 : vector<16xf32>
          %add3A_645 = arith.addf %add3A_643, %mul3A_644 : vector<16xf32>
          %broadcast_in_dim3A_646 = arith.constant 2 : i32
          %broadcast_in_dim3A_647 = vector.broadcast %broadcast_in_dim3A_646 : i32 to vector<16xi32>
          %gather3A_648 = tpu.vector_load_idx %arg10[%add3A_626, %broadcast_in_dim3A_647] : memref<4096x16xi32, #tpu.memory_space<vmem>>[vector<16xi32>, vector<16xi32>], vector<16xi32>,
          %bitcast3A_649 = vector.bitcast %gather3A_648 : vector<16xi32> to vector<32xbf16>
          %unpack3A_650 = tpu.unpack_subelements %bitcast3A_649, 0 {pack_format = #tpu.pack_format<interleaved>} : vector<32xbf16> -> vector<16xf32>
          %unpack3A_651 = tpu.unpack_subelements %bitcast3A_649, 1 {pack_format = #tpu.pack_format<interleaved>} : vector<32xbf16> -> vector<16xf32>
          %mul3A_652 = arith.mulf %mul3A_43, %unpack3A_650 : vector<16xf32>
          %add3A_653 = arith.addf %add3A_645, %mul3A_652 : vector<16xf32>
          %mul3A_654 = arith.mulf %mul3A_46, %unpack3A_651 : vector<16xf32>
          %add3A_655 = arith.addf %add3A_653, %mul3A_654 : vector<16xf32>
          %broadcast_in_dim3A_656 = arith.constant 3 : i32
          %broadcast_in_dim3A_657 = vector.broadcast %broadcast_in_dim3A_656 : i32 to vector<16xi32>
          %gather3A_658 = tpu.vector_load_idx %arg10[%add3A_626, %broadcast_in_dim3A_657] : memref<4096x16xi32, #tpu.memory_space<vmem>>[vector<16xi32>, vector<16xi32>], vector<16xi32>,
          %bitcast3A_659 = vector.bitcast %gather3A_658 : vector<16xi32> to vector<32xbf16>
          %unpack3A_660 = tpu.unpack_subelements %bitcast3A_659, 0 {pack_format = #tpu.pack_format<interleaved>} : vector<32xbf16> -> vector<16xf32>
          %unpack3A_661 = tpu.unpack_subelements %bitcast3A_659, 1 {pack_format = #tpu.pack_format<interleaved>} : vector<32xbf16> -> vector<16xf32>
          %mul3A_662 = arith.mulf %mul3A_50, %unpack3A_660 : vector<16xf32>
          %add3A_663 = arith.addf %add3A_655, %mul3A_662 : vector<16xf32>
          %mul3A_664 = arith.mulf %mul3A_54, %unpack3A_661 : vector<16xf32>
          %add3A_665 = arith.addf %add3A_663, %mul3A_664 : vector<16xf32>
          %broadcast_in_dim3A_666 = arith.constant 4 : i32
          %broadcast_in_dim3A_667 = vector.broadcast %broadcast_in_dim3A_666 : i32 to vector<16xi32>
          %gather3A_668 = tpu.vector_load_idx %arg10[%add3A_626, %broadcast_in_dim3A_667] : memref<4096x16xi32, #tpu.memory_space<vmem>>[vector<16xi32>, vector<16xi32>], vector<16xi32>,
          %bitcast3A_669 = vector.bitcast %gather3A_668 : vector<16xi32> to vector<32xbf16>
          %unpack3A_670 = tpu.unpack_subelements %bitcast3A_669, 0 {pack_format = #tpu.pack_format<interleaved>} : vector<32xbf16> -> vector<16xf32>
          %unpack3A_671 = tpu.unpack_subelements %bitcast3A_669, 1 {pack_format = #tpu.pack_format<interleaved>} : vector<32xbf16> -> vector<16xf32>
          %mul3A_672 = arith.mulf %mul3A_64, %unpack3A_670 : vector<16xf32>
          %add3A_673 = arith.addf %add3A_665, %mul3A_672 : vector<16xf32>
          %mul3A_674 = arith.mulf %mul3A_68, %unpack3A_671 : vector<16xf32>
          %add3A_675 = arith.addf %add3A_673, %mul3A_674 : vector<16xf32>
          %broadcast_in_dim3A_676 = arith.constant 5 : i32
          %broadcast_in_dim3A_677 = vector.broadcast %broadcast_in_dim3A_676 : i32 to vector<16xi32>
          %gather3A_678 = tpu.vector_load_idx %arg10[%add3A_626, %broadcast_in_dim3A_677] : memref<4096x16xi32, #tpu.memory_space<vmem>>[vector<16xi32>, vector<16xi32>], vector<16xi32>,
          %bitcast3A_679 = vector.bitcast %gather3A_678 : vector<16xi32> to vector<32xbf16>
          %unpack3A_680 = tpu.unpack_subelements %bitcast3A_679, 0 {pack_format = #tpu.pack_format<interleaved>} : vector<32xbf16> -> vector<16xf32>
          %unpack3A_681 = tpu.unpack_subelements %bitcast3A_679, 1 {pack_format = #tpu.pack_format<interleaved>} : vector<32xbf16> -> vector<16xf32>
          %mul3A_682 = arith.mulf %mul3A_74, %unpack3A_680 : vector<16xf32>
          %add3A_683 = arith.addf %add3A_675, %mul3A_682 : vector<16xf32>
          %mul3A_684 = arith.mulf %broadcast_in_dim3A_37, %unpack3A_681 : vector<16xf32>
          %add3A_685 = arith.addf %broadcast_in_dim3A_634, %mul3A_684 : vector<16xf32>
          %broadcast_in_dim3A_686 = arith.constant 6 : i32
          %broadcast_in_dim3A_687 = vector.broadcast %broadcast_in_dim3A_686 : i32 to vector<16xi32>
          %gather3A_688 = tpu.vector_load_idx %arg10[%add3A_626, %broadcast_in_dim3A_687] : memref<4096x16xi32, #tpu.memory_space<vmem>>[vector<16xi32>, vector<16xi32>], vector<16xi32>,
          %bitcast3A_689 = vector.bitcast %gather3A_688 : vector<16xi32> to vector<32xbf16>
          %unpack3A_690 = tpu.unpack_subelements %bitcast3A_689, 0 {pack_format = #tpu.pack_format<interleaved>} : vector<32xbf16> -> vector<16xf32>
          %unpack3A_691 = tpu.unpack_subelements %bitcast3A_689, 1 {pack_format = #tpu.pack_format<interleaved>} : vector<32xbf16> -> vector<16xf32>
          %mul3A_692 = arith.mulf %mul3A_40, %unpack3A_690 : vector<16xf32>
          %add3A_693 = arith.addf %add3A_685, %mul3A_692 : vector<16xf32>
          %mul3A_694 = arith.mulf %mul3A_43, %unpack3A_691 : vector<16xf32>
          %add3A_695 = arith.addf %add3A_693, %mul3A_694 : vector<16xf32>
          %broadcast_in_dim3A_696 = arith.constant 7 : i32
          %broadcast_in_dim3A_697 = vector.broadcast %broadcast_in_dim3A_696 : i32 to vector<16xi32>
          %gather3A_698 = tpu.vector_load_idx %arg10[%add3A_626, %broadcast_in_dim3A_697] : memref<4096x16xi32, #tpu.memory_space<vmem>>[vector<16xi32>, vector<16xi32>], vector<16xi32>,
          %bitcast3A_699 = vector.bitcast %gather3A_698 : vector<16xi32> to vector<32xbf16>
          %unpack3A_700 = tpu.unpack_subelements %bitcast3A_699, 0 {pack_format = #tpu.pack_format<interleaved>} : vector<32xbf16> -> vector<16xf32>
          %unpack3A_701 = tpu.unpack_subelements %bitcast3A_699, 1 {pack_format = #tpu.pack_format<interleaved>} : vector<32xbf16> -> vector<16xf32>
          %mul3A_702 = arith.mulf %mul3A_46, %unpack3A_700 : vector<16xf32>
          %add3A_703 = arith.addf %add3A_695, %mul3A_702 : vector<16xf32>
          %mul3A_704 = arith.mulf %mul3A_50, %unpack3A_701 : vector<16xf32>
          %add3A_705 = arith.addf %add3A_703, %mul3A_704 : vector<16xf32>
          %broadcast_in_dim3A_706 = arith.constant 8 : i32
          %broadcast_in_dim3A_707 = vector.broadcast %broadcast_in_dim3A_706 : i32 to vector<16xi32>
          %gather3A_708 = tpu.vector_load_idx %arg10[%add3A_626, %broadcast_in_dim3A_707] : memref<4096x16xi32, #tpu.memory_space<vmem>>[vector<16xi32>, vector<16xi32>], vector<16xi32>,
          %bitcast3A_709 = vector.bitcast %gather3A_708 : vector<16xi32> to vector<32xbf16>
          %unpack3A_710 = tpu.unpack_subelements %bitcast3A_709, 0 {pack_format = #tpu.pack_format<interleaved>} : vector<32xbf16> -> vector<16xf32>
          %unpack3A_711 = tpu.unpack_subelements %bitcast3A_709, 1 {pack_format = #tpu.pack_format<interleaved>} : vector<32xbf16> -> vector<16xf32>
          %mul3A_712 = arith.mulf %mul3A_54, %unpack3A_710 : vector<16xf32>
          %add3A_713 = arith.addf %add3A_705, %mul3A_712 : vector<16xf32>
          %mul3A_714 = arith.mulf %mul3A_64, %unpack3A_711 : vector<16xf32>
          %add3A_715 = arith.addf %add3A_713, %mul3A_714 : vector<16xf32>
          %broadcast_in_dim3A_716 = arith.constant 9 : i32
          %broadcast_in_dim3A_717 = vector.broadcast %broadcast_in_dim3A_716 : i32 to vector<16xi32>
          %gather3A_718 = tpu.vector_load_idx %arg10[%add3A_626, %broadcast_in_dim3A_717] : memref<4096x16xi32, #tpu.memory_space<vmem>>[vector<16xi32>, vector<16xi32>], vector<16xi32>,
          %bitcast3A_719 = vector.bitcast %gather3A_718 : vector<16xi32> to vector<32xbf16>
          %unpack3A_720 = tpu.unpack_subelements %bitcast3A_719, 0 {pack_format = #tpu.pack_format<interleaved>} : vector<32xbf16> -> vector<16xf32>
          %unpack3A_721 = tpu.unpack_subelements %bitcast3A_719, 1 {pack_format = #tpu.pack_format<interleaved>} : vector<32xbf16> -> vector<16xf32>
          %mul3A_722 = arith.mulf %mul3A_68, %unpack3A_720 : vector<16xf32>
          %add3A_723 = arith.addf %add3A_715, %mul3A_722 : vector<16xf32>
          %mul3A_724 = arith.mulf %mul3A_74, %unpack3A_721 : vector<16xf32>
          %add3A_725 = arith.addf %add3A_723, %mul3A_724 : vector<16xf32>
          %broadcast_in_dim3A_726 = arith.constant 10 : i32
          %broadcast_in_dim3A_727 = vector.broadcast %broadcast_in_dim3A_726 : i32 to vector<16xi32>
          %gather3A_728 = tpu.vector_load_idx %arg10[%add3A_626, %broadcast_in_dim3A_727] : memref<4096x16xi32, #tpu.memory_space<vmem>>[vector<16xi32>, vector<16xi32>], vector<16xi32>,
          %bitcast3A_729 = vector.bitcast %gather3A_728 : vector<16xi32> to vector<32xbf16>
          %unpack3A_730 = tpu.unpack_subelements %bitcast3A_729, 0 {pack_format = #tpu.pack_format<interleaved>} : vector<32xbf16> -> vector<16xf32>
          %unpack3A_731 = tpu.unpack_subelements %bitcast3A_729, 1 {pack_format = #tpu.pack_format<interleaved>} : vector<32xbf16> -> vector<16xf32>
          %mul3A_732 = arith.mulf %broadcast_in_dim3A_37, %unpack3A_730 : vector<16xf32>
          %add3A_733 = arith.addf %broadcast_in_dim3A_636, %mul3A_732 : vector<16xf32>
          %mul3A_734 = arith.mulf %mul3A_40, %unpack3A_731 : vector<16xf32>
          %add3A_735 = arith.addf %add3A_733, %mul3A_734 : vector<16xf32>
          %broadcast_in_dim3A_736 = arith.constant 11 : i32
          %broadcast_in_dim3A_737 = vector.broadcast %broadcast_in_dim3A_736 : i32 to vector<16xi32>
          %gather3A_738 = tpu.vector_load_idx %arg10[%add3A_626, %broadcast_in_dim3A_737] : memref<4096x16xi32, #tpu.memory_space<vmem>>[vector<16xi32>, vector<16xi32>], vector<16xi32>,
          %bitcast3A_739 = vector.bitcast %gather3A_738 : vector<16xi32> to vector<32xbf16>
          %unpack3A_740 = tpu.unpack_subelements %bitcast3A_739, 0 {pack_format = #tpu.pack_format<interleaved>} : vector<32xbf16> -> vector<16xf32>
          %unpack3A_741 = tpu.unpack_subelements %bitcast3A_739, 1 {pack_format = #tpu.pack_format<interleaved>} : vector<32xbf16> -> vector<16xf32>
          %mul3A_742 = arith.mulf %mul3A_43, %unpack3A_740 : vector<16xf32>
          %add3A_743 = arith.addf %add3A_735, %mul3A_742 : vector<16xf32>
          %mul3A_744 = arith.mulf %mul3A_46, %unpack3A_741 : vector<16xf32>
          %add3A_745 = arith.addf %add3A_743, %mul3A_744 : vector<16xf32>
          %broadcast_in_dim3A_746 = arith.constant 12 : i32
          %broadcast_in_dim3A_747 = vector.broadcast %broadcast_in_dim3A_746 : i32 to vector<16xi32>
          %gather3A_748 = tpu.vector_load_idx %arg10[%add3A_626, %broadcast_in_dim3A_747] : memref<4096x16xi32, #tpu.memory_space<vmem>>[vector<16xi32>, vector<16xi32>], vector<16xi32>,
          %bitcast3A_749 = vector.bitcast %gather3A_748 : vector<16xi32> to vector<32xbf16>
          %unpack3A_750 = tpu.unpack_subelements %bitcast3A_749, 0 {pack_format = #tpu.pack_format<interleaved>} : vector<32xbf16> -> vector<16xf32>
          %unpack3A_751 = tpu.unpack_subelements %bitcast3A_749, 1 {pack_format = #tpu.pack_format<interleaved>} : vector<32xbf16> -> vector<16xf32>
          %mul3A_752 = arith.mulf %mul3A_50, %unpack3A_750 : vector<16xf32>
          %add3A_753 = arith.addf %add3A_745, %mul3A_752 : vector<16xf32>
          %mul3A_754 = arith.mulf %mul3A_54, %unpack3A_751 : vector<16xf32>
          %add3A_755 = arith.addf %add3A_753, %mul3A_754 : vector<16xf32>
          %broadcast_in_dim3A_756 = arith.constant 13 : i32
          %broadcast_in_dim3A_757 = vector.broadcast %broadcast_in_dim3A_756 : i32 to vector<16xi32>
          %gather3A_758 = tpu.vector_load_idx %arg10[%add3A_626, %broadcast_in_dim3A_757] : memref<4096x16xi32, #tpu.memory_space<vmem>>[vector<16xi32>, vector<16xi32>], vector<16xi32>,
          %bitcast3A_759 = vector.bitcast %gather3A_758 : vector<16xi32> to vector<32xbf16>
          %unpack3A_760 = tpu.unpack_subelements %bitcast3A_759, 0 {pack_format = #tpu.pack_format<interleaved>} : vector<32xbf16> -> vector<16xf32>
          %unpack3A_761 = tpu.unpack_subelements %bitcast3A_759, 1 {pack_format = #tpu.pack_format<interleaved>} : vector<32xbf16> -> vector<16xf32>
          %mul3A_762 = arith.mulf %mul3A_64, %unpack3A_760 : vector<16xf32>
          %add3A_763 = arith.addf %add3A_755, %mul3A_762 : vector<16xf32>
          %mul3A_764 = arith.mulf %mul3A_68, %unpack3A_761 : vector<16xf32>
          %add3A_765 = arith.addf %add3A_763, %mul3A_764 : vector<16xf32>
          %broadcast_in_dim3A_766 = arith.constant 14 : i32
          %broadcast_in_dim3A_767 = vector.broadcast %broadcast_in_dim3A_766 : i32 to vector<16xi32>
          %gather3A_768 = tpu.vector_load_idx %arg10[%add3A_626, %broadcast_in_dim3A_767] : memref<4096x16xi32, #tpu.memory_space<vmem>>[vector<16xi32>, vector<16xi32>], vector<16xi32>,
          %bitcast3A_769 = vector.bitcast %gather3A_768 : vector<16xi32> to vector<32xbf16>
          %unpack3A_770 = tpu.unpack_subelements %bitcast3A_769, 0 {pack_format = #tpu.pack_format<interleaved>} : vector<32xbf16> -> vector<16xf32>
          %unpack3A_771 = tpu.unpack_subelements %bitcast3A_769, 1 {pack_format = #tpu.pack_format<interleaved>} : vector<32xbf16> -> vector<16xf32>
          %mul3A_772 = arith.mulf %mul3A_74, %unpack3A_770 : vector<16xf32>
          %add3A_773 = arith.addf %add3A_765, %mul3A_772 : vector<16xf32>
          %mul3A_774 = arith.mulf %get3A_622, %add3A_683 : vector<16xf32>
          %add3A_775 = arith.addf %broadcast_in_dim3A_607, %mul3A_774 : vector<16xf32>
          %mul3A_776 = arith.mulf %get3A_622, %add3A_725 : vector<16xf32>
          %add3A_777 = arith.addf %broadcast_in_dim3A_609, %mul3A_776 : vector<16xf32>
          %mul3A_778 = arith.mulf %get3A_622, %add3A_773 : vector<16xf32>
          %add3A_779 = arith.addf %broadcast_in_dim3A_611, %mul3A_778 : vector<16xf32>
          %mul3A_780 = arith.constant 16 : i32
          %mul3A_781 = arith.muli %and3A_271, %mul3A_780 : i32
          %add3A_782 = arith.addi %mul3A_781, %scan3A_599 : i32
          %get3A_783 = arith.index_cast %add3A_782 : i32 to index
          %get3A_784 = arith.constant 16 : index
          %get3A_785 = tpu.vector_load %arg9[%get3A_783, %get3A_784] {strides = array<i32>} : memref<32x128xf32, #tpu.memory_space<vmem>>, vector<16xf32>,
          %add3A_786 = arith.constant 16 : i32
          %add3A_787 = arith.addi %mul3A_616, %add3A_786 : i32
          %add3A_788 = vector.broadcast %add3A_787 : i32 to vector<16xi32>
          %add3A_789 = arith.addi %add3A_788, %iota3A : vector<16xi32>
          %broadcast_in_dim3A_790 = arith.constant 0 : i32
          %broadcast_in_dim3A_791 = vector.broadcast %broadcast_in_dim3A_790 : i32 to vector<16xi32>
          %gather3A_792 = tpu.vector_load_idx %arg10[%add3A_789, %broadcast_in_dim3A_791] : memref<4096x16xi32, #tpu.memory_space<vmem>>[vector<16xi32>, vector<16xi32>], vector<16xi32>,
          %bitcast3A_793 = vector.bitcast %gather3A_792 : vector<16xi32> to vector<16xf32>
          %mul3A_794 = arith.mulf %get3A_785, %bitcast3A_793 : vector<16xf32>
          %add3A_795 = arith.addf %add3A_630, %mul3A_794 : vector<16xf32>
          %broadcast_in_dim3A_796 = arith.constant 0.000000e+00 : f32
          %broadcast_in_dim3A_797 = vector.broadcast %broadcast_in_dim3A_796 : f32 to vector<16xf32>
          %broadcast_in_dim3A_798 = arith.constant 0.000000e+00 : f32
          %broadcast_in_dim3A_799 = vector.broadcast %broadcast_in_dim3A_798 : f32 to vector<16xf32>
          %broadcast_in_dim3A_800 = arith.constant 0.000000e+00 : f32
          %broadcast_in_dim3A_801 = vector.broadcast %broadcast_in_dim3A_800 : f32 to vector<16xf32>
          %broadcast_in_dim3A_802 = arith.constant 1 : i32
          %broadcast_in_dim3A_803 = vector.broadcast %broadcast_in_dim3A_802 : i32 to vector<16xi32>
          %gather3A_804 = tpu.vector_load_idx %arg10[%add3A_789, %broadcast_in_dim3A_803] : memref<4096x16xi32, #tpu.memory_space<vmem>>[vector<16xi32>, vector<16xi32>], vector<16xi32>,
          %bitcast3A_805 = vector.bitcast %gather3A_804 : vector<16xi32> to vector<32xbf16>
          %unpack3A_806 = tpu.unpack_subelements %bitcast3A_805, 0 {pack_format = #tpu.pack_format<interleaved>} : vector<32xbf16> -> vector<16xf32>
          %unpack3A_807 = tpu.unpack_subelements %bitcast3A_805, 1 {pack_format = #tpu.pack_format<interleaved>} : vector<32xbf16> -> vector<16xf32>
          %mul3A_808 = arith.mulf %broadcast_in_dim3A_37, %unpack3A_806 : vector<16xf32>
          %add3A_809 = arith.addf %broadcast_in_dim3A_797, %mul3A_808 : vector<16xf32>
          %mul3A_810 = arith.mulf %mul3A_40, %unpack3A_807 : vector<16xf32>
          %add3A_811 = arith.addf %add3A_809, %mul3A_810 : vector<16xf32>
          %broadcast_in_dim3A_812 = arith.constant 2 : i32
          %broadcast_in_dim3A_813 = vector.broadcast %broadcast_in_dim3A_812 : i32 to vector<16xi32>
          %gather3A_814 = tpu.vector_load_idx %arg10[%add3A_789, %broadcast_in_dim3A_813] : memref<4096x16xi32, #tpu.memory_space<vmem>>[vector<16xi32>, vector<16xi32>], vector<16xi32>,
          %bitcast3A_815 = vector.bitcast %gather3A_814 : vector<16xi32> to vector<32xbf16>
          %unpack3A_816 = tpu.unpack_subelements %bitcast3A_815, 0 {pack_format = #tpu.pack_format<interleaved>} : vector<32xbf16> -> vector<16xf32>
          %unpack3A_817 = tpu.unpack_subelements %bitcast3A_815, 1 {pack_format = #tpu.pack_format<interleaved>} : vector<32xbf16> -> vector<16xf32>
          %mul3A_818 = arith.mulf %mul3A_43, %unpack3A_816 : vector<16xf32>
          %add3A_819 = arith.addf %add3A_811, %mul3A_818 : vector<16xf32>
          %mul3A_820 = arith.mulf %mul3A_46, %unpack3A_817 : vector<16xf32>
          %add3A_821 = arith.addf %add3A_819, %mul3A_820 : vector<16xf32>
          %broadcast_in_dim3A_822 = arith.constant 3 : i32
          %broadcast_in_dim3A_823 = vector.broadcast %broadcast_in_dim3A_822 : i32 to vector<16xi32>
          %gather3A_824 = tpu.vector_load_idx %arg10[%add3A_789, %broadcast_in_dim3A_823] : memref<4096x16xi32, #tpu.memory_space<vmem>>[vector<16xi32>, vector<16xi32>], vector<16xi32>,
          %bitcast3A_825 = vector.bitcast %gather3A_824 : vector<16xi32> to vector<32xbf16>
          %unpack3A_826 = tpu.unpack_subelements %bitcast3A_825, 0 {pack_format = #tpu.pack_format<interleaved>} : vector<32xbf16> -> vector<16xf32>
          %unpack3A_827 = tpu.unpack_subelements %bitcast3A_825, 1 {pack_format = #tpu.pack_format<interleaved>} : vector<32xbf16> -> vector<16xf32>
          %mul3A_828 = arith.mulf %mul3A_50, %unpack3A_826 : vector<16xf32>
          %add3A_829 = arith.addf %add3A_821, %mul3A_828 : vector<16xf32>
          %mul3A_830 = arith.mulf %mul3A_54, %unpack3A_827 : vector<16xf32>
          %add3A_831 = arith.addf %add3A_829, %mul3A_830 : vector<16xf32>
          %broadcast_in_dim3A_832 = arith.constant 4 : i32
          %broadcast_in_dim3A_833 = vector.broadcast %broadcast_in_dim3A_832 : i32 to vector<16xi32>
          %gather3A_834 = tpu.vector_load_idx %arg10[%add3A_789, %broadcast_in_dim3A_833] : memref<4096x16xi32, #tpu.memory_space<vmem>>[vector<16xi32>, vector<16xi32>], vector<16xi32>,
          %bitcast3A_835 = vector.bitcast %gather3A_834 : vector<16xi32> to vector<32xbf16>
          %unpack3A_836 = tpu.unpack_subelements %bitcast3A_835, 0 {pack_format = #tpu.pack_format<interleaved>} : vector<32xbf16> -> vector<16xf32>
          %unpack3A_837 = tpu.unpack_subelements %bitcast3A_835, 1 {pack_format = #tpu.pack_format<interleaved>} : vector<32xbf16> -> vector<16xf32>
          %mul3A_838 = arith.mulf %mul3A_64, %unpack3A_836 : vector<16xf32>
          %add3A_839 = arith.addf %add3A_831, %mul3A_838 : vector<16xf32>
          %mul3A_840 = arith.mulf %mul3A_68, %unpack3A_837 : vector<16xf32>
          %add3A_841 = arith.addf %add3A_839, %mul3A_840 : vector<16xf32>
          %broadcast_in_dim3A_842 = arith.constant 5 : i32
          %broadcast_in_dim3A_843 = vector.broadcast %broadcast_in_dim3A_842 : i32 to vector<16xi32>
          %gather3A_844 = tpu.vector_load_idx %arg10[%add3A_789, %broadcast_in_dim3A_843] : memref<4096x16xi32, #tpu.memory_space<vmem>>[vector<16xi32>, vector<16xi32>], vector<16xi32>,
          %bitcast3A_845 = vector.bitcast %gather3A_844 : vector<16xi32> to vector<32xbf16>
          %unpack3A_846 = tpu.unpack_subelements %bitcast3A_845, 0 {pack_format = #tpu.pack_format<interleaved>} : vector<32xbf16> -> vector<16xf32>
          %unpack3A_847 = tpu.unpack_subelements %bitcast3A_845, 1 {pack_format = #tpu.pack_format<interleaved>} : vector<32xbf16> -> vector<16xf32>
          %mul3A_848 = arith.mulf %mul3A_74, %unpack3A_846 : vector<16xf32>
          %add3A_849 = arith.addf %add3A_841, %mul3A_848 : vector<16xf32>
          %mul3A_850 = arith.mulf %broadcast_in_dim3A_37, %unpack3A_847 : vector<16xf32>
          %add3A_851 = arith.addf %broadcast_in_dim3A_799, %mul3A_850 : vector<16xf32>
          %broadcast_in_dim3A_852 = arith.constant 6 : i32
          %broadcast_in_dim3A_853 = vector.broadcast %broadcast_in_dim3A_852 : i32 to vector<16xi32>
          %gather3A_854 = tpu.vector_load_idx %arg10[%add3A_789, %broadcast_in_dim3A_853] : memref<4096x16xi32, #tpu.memory_space<vmem>>[vector<16xi32>, vector<16xi32>], vector<16xi32>,
          %bitcast3A_855 = vector.bitcast %gather3A_854 : vector<16xi32> to vector<32xbf16>
          %unpack3A_856 = tpu.unpack_subelements %bitcast3A_855, 0 {pack_format = #tpu.pack_format<interleaved>} : vector<32xbf16> -> vector<16xf32>
          %unpack3A_857 = tpu.unpack_subelements %bitcast3A_855, 1 {pack_format = #tpu.pack_format<interleaved>} : vector<32xbf16> -> vector<16xf32>
          %mul3A_858 = arith.mulf %mul3A_40, %unpack3A_856 : vector<16xf32>
          %add3A_859 = arith.addf %add3A_851, %mul3A_858 : vector<16xf32>
          %mul3A_860 = arith.mulf %mul3A_43, %unpack3A_857 : vector<16xf32>
          %add3A_861 = arith.addf %add3A_859, %mul3A_860 : vector<16xf32>
          %broadcast_in_dim3A_862 = arith.constant 7 : i32
          %broadcast_in_dim3A_863 = vector.broadcast %broadcast_in_dim3A_862 : i32 to vector<16xi32>
          %gather3A_864 = tpu.vector_load_idx %arg10[%add3A_789, %broadcast_in_dim3A_863] : memref<4096x16xi32, #tpu.memory_space<vmem>>[vector<16xi32>, vector<16xi32>], vector<16xi32>,
          %bitcast3A_865 = vector.bitcast %gather3A_864 : vector<16xi32> to vector<32xbf16>
          %unpack3A_866 = tpu.unpack_subelements %bitcast3A_865, 0 {pack_format = #tpu.pack_format<interleaved>} : vector<32xbf16> -> vector<16xf32>
          %unpack3A_867 = tpu.unpack_subelements %bitcast3A_865, 1 {pack_format = #tpu.pack_format<interleaved>} : vector<32xbf16> -> vector<16xf32>
          %mul3A_868 = arith.mulf %mul3A_46, %unpack3A_866 : vector<16xf32>
          %add3A_869 = arith.addf %add3A_861, %mul3A_868 : vector<16xf32>
          %mul3A_870 = arith.mulf %mul3A_50, %unpack3A_867 : vector<16xf32>
          %add3A_871 = arith.addf %add3A_869, %mul3A_870 : vector<16xf32>
          %broadcast_in_dim3A_872 = arith.constant 8 : i32
          %broadcast_in_dim3A_873 = vector.broadcast %broadcast_in_dim3A_872 : i32 to vector<16xi32>
          %gather3A_874 = tpu.vector_load_idx %arg10[%add3A_789, %broadcast_in_dim3A_873] : memref<4096x16xi32, #tpu.memory_space<vmem>>[vector<16xi32>, vector<16xi32>], vector<16xi32>,
          %bitcast3A_875 = vector.bitcast %gather3A_874 : vector<16xi32> to vector<32xbf16>
          %unpack3A_876 = tpu.unpack_subelements %bitcast3A_875, 0 {pack_format = #tpu.pack_format<interleaved>} : vector<32xbf16> -> vector<16xf32>
          %unpack3A_877 = tpu.unpack_subelements %bitcast3A_875, 1 {pack_format = #tpu.pack_format<interleaved>} : vector<32xbf16> -> vector<16xf32>
          %mul3A_878 = arith.mulf %mul3A_54, %unpack3A_876 : vector<16xf32>
          %add3A_879 = arith.addf %add3A_871, %mul3A_878 : vector<16xf32>
          %mul3A_880 = arith.mulf %mul3A_64, %unpack3A_877 : vector<16xf32>
          %add3A_881 = arith.addf %add3A_879, %mul3A_880 : vector<16xf32>
          %broadcast_in_dim3A_882 = arith.constant 9 : i32
          %broadcast_in_dim3A_883 = vector.broadcast %broadcast_in_dim3A_882 : i32 to vector<16xi32>
          %gather3A_884 = tpu.vector_load_idx %arg10[%add3A_789, %broadcast_in_dim3A_883] : memref<4096x16xi32, #tpu.memory_space<vmem>>[vector<16xi32>, vector<16xi32>], vector<16xi32>,
          %bitcast3A_885 = vector.bitcast %gather3A_884 : vector<16xi32> to vector<32xbf16>
          %unpack3A_886 = tpu.unpack_subelements %bitcast3A_885, 0 {pack_format = #tpu.pack_format<interleaved>} : vector<32xbf16> -> vector<16xf32>
          %unpack3A_887 = tpu.unpack_subelements %bitcast3A_885, 1 {pack_format = #tpu.pack_format<interleaved>} : vector<32xbf16> -> vector<16xf32>
          %mul3A_888 = arith.mulf %mul3A_68, %unpack3A_886 : vector<16xf32>
          %add3A_889 = arith.addf %add3A_881, %mul3A_888 : vector<16xf32>
          %mul3A_890 = arith.mulf %mul3A_74, %unpack3A_887 : vector<16xf32>
          %add3A_891 = arith.addf %add3A_889, %mul3A_890 : vector<16xf32>
          %broadcast_in_dim3A_892 = arith.constant 10 : i32
          %broadcast_in_dim3A_893 = vector.broadcast %broadcast_in_dim3A_892 : i32 to vector<16xi32>
          %gather3A_894 = tpu.vector_load_idx %arg10[%add3A_789, %broadcast_in_dim3A_893] : memref<4096x16xi32, #tpu.memory_space<vmem>>[vector<16xi32>, vector<16xi32>], vector<16xi32>,
          %bitcast3A_895 = vector.bitcast %gather3A_894 : vector<16xi32> to vector<32xbf16>
          %unpack3A_896 = tpu.unpack_subelements %bitcast3A_895, 0 {pack_format = #tpu.pack_format<interleaved>} : vector<32xbf16> -> vector<16xf32>
          %unpack3A_897 = tpu.unpack_subelements %bitcast3A_895, 1 {pack_format = #tpu.pack_format<interleaved>} : vector<32xbf16> -> vector<16xf32>
          %mul3A_898 = arith.mulf %broadcast_in_dim3A_37, %unpack3A_896 : vector<16xf32>
          %add3A_899 = arith.addf %broadcast_in_dim3A_801, %mul3A_898 : vector<16xf32>
          %mul3A_900 = arith.mulf %mul3A_40, %unpack3A_897 : vector<16xf32>
          %add3A_901 = arith.addf %add3A_899, %mul3A_900 : vector<16xf32>
          %broadcast_in_dim3A_902 = arith.constant 11 : i32
          %broadcast_in_dim3A_903 = vector.broadcast %broadcast_in_dim3A_902 : i32 to vector<16xi32>
          %gather3A_904 = tpu.vector_load_idx %arg10[%add3A_789, %broadcast_in_dim3A_903] : memref<4096x16xi32, #tpu.memory_space<vmem>>[vector<16xi32>, vector<16xi32>], vector<16xi32>,
          %bitcast3A_905 = vector.bitcast %gather3A_904 : vector<16xi32> to vector<32xbf16>
          %unpack3A_906 = tpu.unpack_subelements %bitcast3A_905, 0 {pack_format = #tpu.pack_format<interleaved>} : vector<32xbf16> -> vector<16xf32>
          %unpack3A_907 = tpu.unpack_subelements %bitcast3A_905, 1 {pack_format = #tpu.pack_format<interleaved>} : vector<32xbf16> -> vector<16xf32>
          %mul3A_908 = arith.mulf %mul3A_43, %unpack3A_906 : vector<16xf32>
          %add3A_909 = arith.addf %add3A_901, %mul3A_908 : vector<16xf32>
          %mul3A_910 = arith.mulf %mul3A_46, %unpack3A_907 : vector<16xf32>
          %add3A_911 = arith.addf %add3A_909, %mul3A_910 : vector<16xf32>
          %broadcast_in_dim3A_912 = arith.constant 12 : i32
          %broadcast_in_dim3A_913 = vector.broadcast %broadcast_in_dim3A_912 : i32 to vector<16xi32>
          %gather3A_914 = tpu.vector_load_idx %arg10[%add3A_789, %broadcast_in_dim3A_913] : memref<4096x16xi32, #tpu.memory_space<vmem>>[vector<16xi32>, vector<16xi32>], vector<16xi32>,
          %bitcast3A_915 = vector.bitcast %gather3A_914 : vector<16xi32> to vector<32xbf16>
          %unpack3A_916 = tpu.unpack_subelements %bitcast3A_915, 0 {pack_format = #tpu.pack_format<interleaved>} : vector<32xbf16> -> vector<16xf32>
          %unpack3A_917 = tpu.unpack_subelements %bitcast3A_915, 1 {pack_format = #tpu.pack_format<interleaved>} : vector<32xbf16> -> vector<16xf32>
          %mul3A_918 = arith.mulf %mul3A_50, %unpack3A_916 : vector<16xf32>
          %add3A_919 = arith.addf %add3A_911, %mul3A_918 : vector<16xf32>
          %mul3A_920 = arith.mulf %mul3A_54, %unpack3A_917 : vector<16xf32>
          %add3A_921 = arith.addf %add3A_919, %mul3A_920 : vector<16xf32>
          %broadcast_in_dim3A_922 = arith.constant 13 : i32
          %broadcast_in_dim3A_923 = vector.broadcast %broadcast_in_dim3A_922 : i32 to vector<16xi32>
          %gather3A_924 = tpu.vector_load_idx %arg10[%add3A_789, %broadcast_in_dim3A_923] : memref<4096x16xi32, #tpu.memory_space<vmem>>[vector<16xi32>, vector<16xi32>], vector<16xi32>,
          %bitcast3A_925 = vector.bitcast %gather3A_924 : vector<16xi32> to vector<32xbf16>
          %unpack3A_926 = tpu.unpack_subelements %bitcast3A_925, 0 {pack_format = #tpu.pack_format<interleaved>} : vector<32xbf16> -> vector<16xf32>
          %unpack3A_927 = tpu.unpack_subelements %bitcast3A_925, 1 {pack_format = #tpu.pack_format<interleaved>} : vector<32xbf16> -> vector<16xf32>
          %mul3A_928 = arith.mulf %mul3A_64, %unpack3A_926 : vector<16xf32>
          %add3A_929 = arith.addf %add3A_921, %mul3A_928 : vector<16xf32>
          %mul3A_930 = arith.mulf %mul3A_68, %unpack3A_927 : vector<16xf32>
          %add3A_931 = arith.addf %add3A_929, %mul3A_930 : vector<16xf32>
          %broadcast_in_dim3A_932 = arith.constant 14 : i32
          %broadcast_in_dim3A_933 = vector.broadcast %broadcast_in_dim3A_932 : i32 to vector<16xi32>
          %gather3A_934 = tpu.vector_load_idx %arg10[%add3A_789, %broadcast_in_dim3A_933] : memref<4096x16xi32, #tpu.memory_space<vmem>>[vector<16xi32>, vector<16xi32>], vector<16xi32>,
          %bitcast3A_935 = vector.bitcast %gather3A_934 : vector<16xi32> to vector<32xbf16>
          %unpack3A_936 = tpu.unpack_subelements %bitcast3A_935, 0 {pack_format = #tpu.pack_format<interleaved>} : vector<32xbf16> -> vector<16xf32>
          %unpack3A_937 = tpu.unpack_subelements %bitcast3A_935, 1 {pack_format = #tpu.pack_format<interleaved>} : vector<32xbf16> -> vector<16xf32>
          %mul3A_938 = arith.mulf %mul3A_74, %unpack3A_936 : vector<16xf32>
          %add3A_939 = arith.addf %add3A_931, %mul3A_938 : vector<16xf32>
          %mul3A_940 = arith.mulf %get3A_785, %add3A_849 : vector<16xf32>
          %add3A_941 = arith.addf %add3A_775, %mul3A_940 : vector<16xf32>
          %mul3A_942 = arith.mulf %get3A_785, %add3A_891 : vector<16xf32>
          %add3A_943 = arith.addf %add3A_777, %mul3A_942 : vector<16xf32>
          %mul3A_944 = arith.mulf %get3A_785, %add3A_939 : vector<16xf32>
          %add3A_945 = arith.addf %add3A_779, %mul3A_944 : vector<16xf32>
          %mul3A_946 = arith.constant 16 : i32
          %mul3A_947 = arith.muli %and3A_271, %mul3A_946 : i32
          %add3A_948 = arith.addi %mul3A_947, %scan3A_599 : i32
          %get3A_949 = arith.index_cast %add3A_948 : i32 to index
          %get3A_950 = arith.constant 32 : index
          %get3A_951 = tpu.vector_load %arg9[%get3A_949, %get3A_950] {strides = array<i32>} : memref<32x128xf32, #tpu.memory_space<vmem>>, vector<16xf32>,
          %add3A_952 = arith.constant 32 : i32
          %add3A_953 = arith.addi %mul3A_616, %add3A_952 : i32
          %add3A_954 = vector.broadcast %add3A_953 : i32 to vector<16xi32>
          %add3A_955 = arith.addi %add3A_954, %iota3A : vector<16xi32>
          %broadcast_in_dim3A_956 = arith.constant 0 : i32
          %broadcast_in_dim3A_957 = vector.broadcast %broadcast_in_dim3A_956 : i32 to vector<16xi32>
          %gather3A_958 = tpu.vector_load_idx %arg10[%add3A_955, %broadcast_in_dim3A_957] : memref<4096x16xi32, #tpu.memory_space<vmem>>[vector<16xi32>, vector<16xi32>], vector<16xi32>,
          %bitcast3A_959 = vector.bitcast %gather3A_958 : vector<16xi32> to vector<16xf32>
          %mul3A_960 = arith.mulf %get3A_951, %bitcast3A_959 : vector<16xf32>
          %add3A_961 = arith.addf %add3A_795, %mul3A_960 : vector<16xf32>
          %broadcast_in_dim3A_962 = arith.constant 0.000000e+00 : f32
          %broadcast_in_dim3A_963 = vector.broadcast %broadcast_in_dim3A_962 : f32 to vector<16xf32>
          %broadcast_in_dim3A_964 = arith.constant 0.000000e+00 : f32
          %broadcast_in_dim3A_965 = vector.broadcast %broadcast_in_dim3A_964 : f32 to vector<16xf32>
          %broadcast_in_dim3A_966 = arith.constant 0.000000e+00 : f32
          %broadcast_in_dim3A_967 = vector.broadcast %broadcast_in_dim3A_966 : f32 to vector<16xf32>
          %broadcast_in_dim3A_968 = arith.constant 1 : i32
          %broadcast_in_dim3A_969 = vector.broadcast %broadcast_in_dim3A_968 : i32 to vector<16xi32>
          %gather3A_970 = tpu.vector_load_idx %arg10[%add3A_955, %broadcast_in_dim3A_969] : memref<4096x16xi32, #tpu.memory_space<vmem>>[vector<16xi32>, vector<16xi32>], vector<16xi32>,
          %bitcast3A_971 = vector.bitcast %gather3A_970 : vector<16xi32> to vector<32xbf16>
          %unpack3A_972 = tpu.unpack_subelements %bitcast3A_971, 0 {pack_format = #tpu.pack_format<interleaved>} : vector<32xbf16> -> vector<16xf32>
          %unpack3A_973 = tpu.unpack_subelements %bitcast3A_971, 1 {pack_format = #tpu.pack_format<interleaved>} : vector<32xbf16> -> vector<16xf32>
          %mul3A_974 = arith.mulf %broadcast_in_dim3A_37, %unpack3A_972 : vector<16xf32>
          %add3A_975 = arith.addf %broadcast_in_dim3A_963, %mul3A_974 : vector<16xf32>
          %mul3A_976 = arith.mulf %mul3A_40, %unpack3A_973 : vector<16xf32>
          %add3A_977 = arith.addf %add3A_975, %mul3A_976 : vector<16xf32>
          %broadcast_in_dim3A_978 = arith.constant 2 : i32
          %broadcast_in_dim3A_979 = vector.broadcast %broadcast_in_dim3A_978 : i32 to vector<16xi32>
          %gather3A_980 = tpu.vector_load_idx %arg10[%add3A_955, %broadcast_in_dim3A_979] : memref<4096x16xi32, #tpu.memory_space<vmem>>[vector<16xi32>, vector<16xi32>], vector<16xi32>,
          %bitcast3A_981 = vector.bitcast %gather3A_980 : vector<16xi32> to vector<32xbf16>
          %unpack3A_982 = tpu.unpack_subelements %bitcast3A_981, 0 {pack_format = #tpu.pack_format<interleaved>} : vector<32xbf16> -> vector<16xf32>
          %unpack3A_983 = tpu.unpack_subelements %bitcast3A_981, 1 {pack_format = #tpu.pack_format<interleaved>} : vector<32xbf16> -> vector<16xf32>
          %mul3A_984 = arith.mulf %mul3A_43, %unpack3A_982 : vector<16xf32>
          %add3A_985 = arith.addf %add3A_977, %mul3A_984 : vector<16xf32>
          %mul3A_986 = arith.mulf %mul3A_46, %unpack3A_983 : vector<16xf32>
          %add3A_987 = arith.addf %add3A_985, %mul3A_986 : vector<16xf32>
          %broadcast_in_dim3A_988 = arith.constant 3 : i32
          %broadcast_in_dim3A_989 = vector.broadcast %broadcast_in_dim3A_988 : i32 to vector<16xi32>
          %gather3A_990 = tpu.vector_load_idx %arg10[%add3A_955, %broadcast_in_dim3A_989] : memref<4096x16xi32, #tpu.memory_space<vmem>>[vector<16xi32>, vector<16xi32>], vector<16xi32>,
          %bitcast3A_991 = vector.bitcast %gather3A_990 : vector<16xi32> to vector<32xbf16>
          %unpack3A_992 = tpu.unpack_subelements %bitcast3A_991, 0 {pack_format = #tpu.pack_format<interleaved>} : vector<32xbf16> -> vector<16xf32>
          %unpack3A_993 = tpu.unpack_subelements %bitcast3A_991, 1 {pack_format = #tpu.pack_format<interleaved>} : vector<32xbf16> -> vector<16xf32>
          %mul3A_994 = arith.mulf %mul3A_50, %unpack3A_992 : vector<16xf32>
          %add3A_995 = arith.addf %add3A_987, %mul3A_994 : vector<16xf32>
          %mul3A_996 = arith.mulf %mul3A_54, %unpack3A_993 : vector<16xf32>
          %add3A_997 = arith.addf %add3A_995, %mul3A_996 : vector<16xf32>
          %broadcast_in_dim3A_998 = arith.constant 4 : i32
          %broadcast_in_dim3A_999 = vector.broadcast %broadcast_in_dim3A_998 : i32 to vector<16xi32>
          %gather3A_1000 = tpu.vector_load_idx %arg10[%add3A_955, %broadcast_in_dim3A_999] : memref<4096x16xi32, #tpu.memory_space<vmem>>[vector<16xi32>, vector<16xi32>], vector<16xi32>,
          %bitcast3A_1001 = vector.bitcast %gather3A_1000 : vector<16xi32> to vector<32xbf16>
          %unpack3A_1002 = tpu.unpack_subelements %bitcast3A_1001, 0 {pack_format = #tpu.pack_format<interleaved>} : vector<32xbf16> -> vector<16xf32>
          %unpack3A_1003 = tpu.unpack_subelements %bitcast3A_1001, 1 {pack_format = #tpu.pack_format<interleaved>} : vector<32xbf16> -> vector<16xf32>
          %mul3A_1004 = arith.mulf %mul3A_64, %unpack3A_1002 : vector<16xf32>
          %add3A_1005 = arith.addf %add3A_997, %mul3A_1004 : vector<16xf32>
          %mul3A_1006 = arith.mulf %mul3A_68, %unpack3A_1003 : vector<16xf32>
          %add3A_1007 = arith.addf %add3A_1005, %mul3A_1006 : vector<16xf32>
          %broadcast_in_dim3A_1008 = arith.constant 5 : i32
          %broadcast_in_dim3A_1009 = vector.broadcast %broadcast_in_dim3A_1008 : i32 to vector<16xi32>
          %gather3A_1010 = tpu.vector_load_idx %arg10[%add3A_955, %broadcast_in_dim3A_1009] : memref<4096x16xi32, #tpu.memory_space<vmem>>[vector<16xi32>, vector<16xi32>], vector<16xi32>,
          %bitcast3A_1011 = vector.bitcast %gather3A_1010 : vector<16xi32> to vector<32xbf16>
          %unpack3A_1012 = tpu.unpack_subelements %bitcast3A_1011, 0 {pack_format = #tpu.pack_format<interleaved>} : vector<32xbf16> -> vector<16xf32>
          %unpack3A_1013 = tpu.unpack_subelements %bitcast3A_1011, 1 {pack_format = #tpu.pack_format<interleaved>} : vector<32xbf16> -> vector<16xf32>
          %mul3A_1014 = arith.mulf %mul3A_74, %unpack3A_1012 : vector<16xf32>
          %add3A_1015 = arith.addf %add3A_1007, %mul3A_1014 : vector<16xf32>
          %mul3A_1016 = arith.mulf %broadcast_in_dim3A_37, %unpack3A_1013 : vector<16xf32>
          %add3A_1017 = arith.addf %broadcast_in_dim3A_965, %mul3A_1016 : vector<16xf32>
          %broadcast_in_dim3A_1018 = arith.constant 6 : i32
          %broadcast_in_dim3A_1019 = vector.broadcast %broadcast_in_dim3A_1018 : i32 to vector<16xi32>
          %gather3A_1020 = tpu.vector_load_idx %arg10[%add3A_955, %broadcast_in_dim3A_1019] : memref<4096x16xi32, #tpu.memory_space<vmem>>[vector<16xi32>, vector<16xi32>], vector<16xi32>,
          %bitcast3A_1021 = vector.bitcast %gather3A_1020 : vector<16xi32> to vector<32xbf16>
          %unpack3A_1022 = tpu.unpack_subelements %bitcast3A_1021, 0 {pack_format = #tpu.pack_format<interleaved>} : vector<32xbf16> -> vector<16xf32>
          %unpack3A_1023 = tpu.unpack_subelements %bitcast3A_1021, 1 {pack_format = #tpu.pack_format<interleaved>} : vector<32xbf16> -> vector<16xf32>
          %mul3A_1024 = arith.mulf %mul3A_40, %unpack3A_1022 : vector<16xf32>
          %add3A_1025 = arith.addf %add3A_1017, %mul3A_1024 : vector<16xf32>
          %mul3A_1026 = arith.mulf %mul3A_43, %unpack3A_1023 : vector<16xf32>
          %add3A_1027 = arith.addf %add3A_1025, %mul3A_1026 : vector<16xf32>
          %broadcast_in_dim3A_1028 = arith.constant 7 : i32
          %broadcast_in_dim3A_1029 = vector.broadcast %broadcast_in_dim3A_1028 : i32 to vector<16xi32>
          %gather3A_1030 = tpu.vector_load_idx %arg10[%add3A_955, %broadcast_in_dim3A_1029] : memref<4096x16xi32, #tpu.memory_space<vmem>>[vector<16xi32>, vector<16xi32>], vector<16xi32>,
          %bitcast3A_1031 = vector.bitcast %gather3A_1030 : vector<16xi32> to vector<32xbf16>
          %unpack3A_1032 = tpu.unpack_subelements %bitcast3A_1031, 0 {pack_format = #tpu.pack_format<interleaved>} : vector<32xbf16> -> vector<16xf32>
          %unpack3A_1033 = tpu.unpack_subelements %bitcast3A_1031, 1 {pack_format = #tpu.pack_format<interleaved>} : vector<32xbf16> -> vector<16xf32>
          %mul3A_1034 = arith.mulf %mul3A_46, %unpack3A_1032 : vector<16xf32>
          %add3A_1035 = arith.addf %add3A_1027, %mul3A_1034 : vector<16xf32>
          %mul3A_1036 = arith.mulf %mul3A_50, %unpack3A_1033 : vector<16xf32>
          %add3A_1037 = arith.addf %add3A_1035, %mul3A_1036 : vector<16xf32>
          %broadcast_in_dim3A_1038 = arith.constant 8 : i32
          %broadcast_in_dim3A_1039 = vector.broadcast %broadcast_in_dim3A_1038 : i32 to vector<16xi32>
          %gather3A_1040 = tpu.vector_load_idx %arg10[%add3A_955, %broadcast_in_dim3A_1039] : memref<4096x16xi32, #tpu.memory_space<vmem>>[vector<16xi32>, vector<16xi32>], vector<16xi32>,
          %bitcast3A_1041 = vector.bitcast %gather3A_1040 : vector<16xi32> to vector<32xbf16>
          %unpack3A_1042 = tpu.unpack_subelements %bitcast3A_1041, 0 {pack_format = #tpu.pack_format<interleaved>} : vector<32xbf16> -> vector<16xf32>
          %unpack3A_1043 = tpu.unpack_subelements %bitcast3A_1041, 1 {pack_format = #tpu.pack_format<interleaved>} : vector<32xbf16> -> vector<16xf32>
          %mul3A_1044 = arith.mulf %mul3A_54, %unpack3A_1042 : vector<16xf32>
          %add3A_1045 = arith.addf %add3A_1037, %mul3A_1044 : vector<16xf32>
          %mul3A_1046 = arith.mulf %mul3A_64, %unpack3A_1043 : vector<16xf32>
          %add3A_1047 = arith.addf %add3A_1045, %mul3A_1046 : vector<16xf32>
          %broadcast_in_dim3A_1048 = arith.constant 9 : i32
          %broadcast_in_dim3A_1049 = vector.broadcast %broadcast_in_dim3A_1048 : i32 to vector<16xi32>
          %gather3A_1050 = tpu.vector_load_idx %arg10[%add3A_955, %broadcast_in_dim3A_1049] : memref<4096x16xi32, #tpu.memory_space<vmem>>[vector<16xi32>, vector<16xi32>], vector<16xi32>,
          %bitcast3A_1051 = vector.bitcast %gather3A_1050 : vector<16xi32> to vector<32xbf16>
          %unpack3A_1052 = tpu.unpack_subelements %bitcast3A_1051, 0 {pack_format = #tpu.pack_format<interleaved>} : vector<32xbf16> -> vector<16xf32>
          %unpack3A_1053 = tpu.unpack_subelements %bitcast3A_1051, 1 {pack_format = #tpu.pack_format<interleaved>} : vector<32xbf16> -> vector<16xf32>
          %mul3A_1054 = arith.mulf %mul3A_68, %unpack3A_1052 : vector<16xf32>
          %add3A_1055 = arith.addf %add3A_1047, %mul3A_1054 : vector<16xf32>
          %mul3A_1056 = arith.mulf %mul3A_74, %unpack3A_1053 : vector<16xf32>
          %add3A_1057 = arith.addf %add3A_1055, %mul3A_1056 : vector<16xf32>
          %broadcast_in_dim3A_1058 = arith.constant 10 : i32
          %broadcast_in_dim3A_1059 = vector.broadcast %broadcast_in_dim3A_1058 : i32 to vector<16xi32>
          %gather3A_1060 = tpu.vector_load_idx %arg10[%add3A_955, %broadcast_in_dim3A_1059] : memref<4096x16xi32, #tpu.memory_space<vmem>>[vector<16xi32>, vector<16xi32>], vector<16xi32>,
          %bitcast3A_1061 = vector.bitcast %gather3A_1060 : vector<16xi32> to vector<32xbf16>
          %unpack3A_1062 = tpu.unpack_subelements %bitcast3A_1061, 0 {pack_format = #tpu.pack_format<interleaved>} : vector<32xbf16> -> vector<16xf32>
          %unpack3A_1063 = tpu.unpack_subelements %bitcast3A_1061, 1 {pack_format = #tpu.pack_format<interleaved>} : vector<32xbf16> -> vector<16xf32>
          %mul3A_1064 = arith.mulf %broadcast_in_dim3A_37, %unpack3A_1062 : vector<16xf32>
          %add3A_1065 = arith.addf %broadcast_in_dim3A_967, %mul3A_1064 : vector<16xf32>
          %mul3A_1066 = arith.mulf %mul3A_40, %unpack3A_1063 : vector<16xf32>
          %add3A_1067 = arith.addf %add3A_1065, %mul3A_1066 : vector<16xf32>
          %broadcast_in_dim3A_1068 = arith.constant 11 : i32
          %broadcast_in_dim3A_1069 = vector.broadcast %broadcast_in_dim3A_1068 : i32 to vector<16xi32>
          %gather3A_1070 = tpu.vector_load_idx %arg10[%add3A_955, %broadcast_in_dim3A_1069] : memref<4096x16xi32, #tpu.memory_space<vmem>>[vector<16xi32>, vector<16xi32>], vector<16xi32>,
          %bitcast3A_1071 = vector.bitcast %gather3A_1070 : vector<16xi32> to vector<32xbf16>
          %unpack3A_1072 = tpu.unpack_subelements %bitcast3A_1071, 0 {pack_format = #tpu.pack_format<interleaved>} : vector<32xbf16> -> vector<16xf32>
          %unpack3A_1073 = tpu.unpack_subelements %bitcast3A_1071, 1 {pack_format = #tpu.pack_format<interleaved>} : vector<32xbf16> -> vector<16xf32>
          %mul3A_1074 = arith.mulf %mul3A_43, %unpack3A_1072 : vector<16xf32>
          %add3A_1075 = arith.addf %add3A_1067, %mul3A_1074 : vector<16xf32>
          %mul3A_1076 = arith.mulf %mul3A_46, %unpack3A_1073 : vector<16xf32>
          %add3A_1077 = arith.addf %add3A_1075, %mul3A_1076 : vector<16xf32>
          %broadcast_in_dim3A_1078 = arith.constant 12 : i32
          %broadcast_in_dim3A_1079 = vector.broadcast %broadcast_in_dim3A_1078 : i32 to vector<16xi32>
          %gather3A_1080 = tpu.vector_load_idx %arg10[%add3A_955, %broadcast_in_dim3A_1079] : memref<4096x16xi32, #tpu.memory_space<vmem>>[vector<16xi32>, vector<16xi32>], vector<16xi32>,
          %bitcast3A_1081 = vector.bitcast %gather3A_1080 : vector<16xi32> to vector<32xbf16>
          %unpack3A_1082 = tpu.unpack_subelements %bitcast3A_1081, 0 {pack_format = #tpu.pack_format<interleaved>} : vector<32xbf16> -> vector<16xf32>
          %unpack3A_1083 = tpu.unpack_subelements %bitcast3A_1081, 1 {pack_format = #tpu.pack_format<interleaved>} : vector<32xbf16> -> vector<16xf32>
          %mul3A_1084 = arith.mulf %mul3A_50, %unpack3A_1082 : vector<16xf32>
          %add3A_1085 = arith.addf %add3A_1077, %mul3A_1084 : vector<16xf32>
          %mul3A_1086 = arith.mulf %mul3A_54, %unpack3A_1083 : vector<16xf32>
          %add3A_1087 = arith.addf %add3A_1085, %mul3A_1086 : vector<16xf32>
          %broadcast_in_dim3A_1088 = arith.constant 13 : i32
          %broadcast_in_dim3A_1089 = vector.broadcast %broadcast_in_dim3A_1088 : i32 to vector<16xi32>
          %gather3A_1090 = tpu.vector_load_idx %arg10[%add3A_955, %broadcast_in_dim3A_1089] : memref<4096x16xi32, #tpu.memory_space<vmem>>[vector<16xi32>, vector<16xi32>], vector<16xi32>,
          %bitcast3A_1091 = vector.bitcast %gather3A_1090 : vector<16xi32> to vector<32xbf16>
          %unpack3A_1092 = tpu.unpack_subelements %bitcast3A_1091, 0 {pack_format = #tpu.pack_format<interleaved>} : vector<32xbf16> -> vector<16xf32>
          %unpack3A_1093 = tpu.unpack_subelements %bitcast3A_1091, 1 {pack_format = #tpu.pack_format<interleaved>} : vector<32xbf16> -> vector<16xf32>
          %mul3A_1094 = arith.mulf %mul3A_64, %unpack3A_1092 : vector<16xf32>
          %add3A_1095 = arith.addf %add3A_1087, %mul3A_1094 : vector<16xf32>
          %mul3A_1096 = arith.mulf %mul3A_68, %unpack3A_1093 : vector<16xf32>
          %add3A_1097 = arith.addf %add3A_1095, %mul3A_1096 : vector<16xf32>
          %broadcast_in_dim3A_1098 = arith.constant 14 : i32
          %broadcast_in_dim3A_1099 = vector.broadcast %broadcast_in_dim3A_1098 : i32 to vector<16xi32>
          %gather3A_1100 = tpu.vector_load_idx %arg10[%add3A_955, %broadcast_in_dim3A_1099] : memref<4096x16xi32, #tpu.memory_space<vmem>>[vector<16xi32>, vector<16xi32>], vector<16xi32>,
          %bitcast3A_1101 = vector.bitcast %gather3A_1100 : vector<16xi32> to vector<32xbf16>
          %unpack3A_1102 = tpu.unpack_subelements %bitcast3A_1101, 0 {pack_format = #tpu.pack_format<interleaved>} : vector<32xbf16> -> vector<16xf32>
          %unpack3A_1103 = tpu.unpack_subelements %bitcast3A_1101, 1 {pack_format = #tpu.pack_format<interleaved>} : vector<32xbf16> -> vector<16xf32>
          %mul3A_1104 = arith.mulf %mul3A_74, %unpack3A_1102 : vector<16xf32>
          %add3A_1105 = arith.addf %add3A_1097, %mul3A_1104 : vector<16xf32>
          %mul3A_1106 = arith.mulf %get3A_951, %add3A_1015 : vector<16xf32>
          %add3A_1107 = arith.addf %add3A_941, %mul3A_1106 : vector<16xf32>
          %mul3A_1108 = arith.mulf %get3A_951, %add3A_1057 : vector<16xf32>
          %add3A_1109 = arith.addf %add3A_943, %mul3A_1108 : vector<16xf32>
          %mul3A_1110 = arith.mulf %get3A_951, %add3A_1105 : vector<16xf32>
          %add3A_1111 = arith.addf %add3A_945, %mul3A_1110 : vector<16xf32>
          %mul3A_1112 = arith.constant 16 : i32
          %mul3A_1113 = arith.muli %and3A_271, %mul3A_1112 : i32
          %add3A_1114 = arith.addi %mul3A_1113, %scan3A_599 : i32
          %get3A_1115 = arith.index_cast %add3A_1114 : i32 to index
          %get3A_1116 = arith.constant 48 : index
          %get3A_1117 = tpu.vector_load %arg9[%get3A_1115, %get3A_1116] {strides = array<i32>} : memref<32x128xf32, #tpu.memory_space<vmem>>, vector<16xf32>,
          %add3A_1118 = arith.constant 48 : i32
          %add3A_1119 = arith.addi %mul3A_616, %add3A_1118 : i32
          %add3A_1120 = vector.broadcast %add3A_1119 : i32 to vector<16xi32>
          %add3A_1121 = arith.addi %add3A_1120, %iota3A : vector<16xi32>
          %broadcast_in_dim3A_1122 = arith.constant 0 : i32
          %broadcast_in_dim3A_1123 = vector.broadcast %broadcast_in_dim3A_1122 : i32 to vector<16xi32>
          %gather3A_1124 = tpu.vector_load_idx %arg10[%add3A_1121, %broadcast_in_dim3A_1123] : memref<4096x16xi32, #tpu.memory_space<vmem>>[vector<16xi32>, vector<16xi32>], vector<16xi32>,
          %bitcast3A_1125 = vector.bitcast %gather3A_1124 : vector<16xi32> to vector<16xf32>
          %mul3A_1126 = arith.mulf %get3A_1117, %bitcast3A_1125 : vector<16xf32>
          %add3A_1127 = arith.addf %add3A_961, %mul3A_1126 : vector<16xf32>
          %broadcast_in_dim3A_1128 = arith.constant 0.000000e+00 : f32
          %broadcast_in_dim3A_1129 = vector.broadcast %broadcast_in_dim3A_1128 : f32 to vector<16xf32>
          %broadcast_in_dim3A_1130 = arith.constant 0.000000e+00 : f32
          %broadcast_in_dim3A_1131 = vector.broadcast %broadcast_in_dim3A_1130 : f32 to vector<16xf32>
          %broadcast_in_dim3A_1132 = arith.constant 0.000000e+00 : f32
          %broadcast_in_dim3A_1133 = vector.broadcast %broadcast_in_dim3A_1132 : f32 to vector<16xf32>
          %broadcast_in_dim3A_1134 = arith.constant 1 : i32
          %broadcast_in_dim3A_1135 = vector.broadcast %broadcast_in_dim3A_1134 : i32 to vector<16xi32>
          %gather3A_1136 = tpu.vector_load_idx %arg10[%add3A_1121, %broadcast_in_dim3A_1135] : memref<4096x16xi32, #tpu.memory_space<vmem>>[vector<16xi32>, vector<16xi32>], vector<16xi32>,
          %bitcast3A_1137 = vector.bitcast %gather3A_1136 : vector<16xi32> to vector<32xbf16>
          %unpack3A_1138 = tpu.unpack_subelements %bitcast3A_1137, 0 {pack_format = #tpu.pack_format<interleaved>} : vector<32xbf16> -> vector<16xf32>
          %unpack3A_1139 = tpu.unpack_subelements %bitcast3A_1137, 1 {pack_format = #tpu.pack_format<interleaved>} : vector<32xbf16> -> vector<16xf32>
          %mul3A_1140 = arith.mulf %broadcast_in_dim3A_37, %unpack3A_1138 : vector<16xf32>
          %add3A_1141 = arith.addf %broadcast_in_dim3A_1129, %mul3A_1140 : vector<16xf32>
          %mul3A_1142 = arith.mulf %mul3A_40, %unpack3A_1139 : vector<16xf32>
          %add3A_1143 = arith.addf %add3A_1141, %mul3A_1142 : vector<16xf32>
          %broadcast_in_dim3A_1144 = arith.constant 2 : i32
          %broadcast_in_dim3A_1145 = vector.broadcast %broadcast_in_dim3A_1144 : i32 to vector<16xi32>
          %gather3A_1146 = tpu.vector_load_idx %arg10[%add3A_1121, %broadcast_in_dim3A_1145] : memref<4096x16xi32, #tpu.memory_space<vmem>>[vector<16xi32>, vector<16xi32>], vector<16xi32>,
          %bitcast3A_1147 = vector.bitcast %gather3A_1146 : vector<16xi32> to vector<32xbf16>
          %unpack3A_1148 = tpu.unpack_subelements %bitcast3A_1147, 0 {pack_format = #tpu.pack_format<interleaved>} : vector<32xbf16> -> vector<16xf32>
          %unpack3A_1149 = tpu.unpack_subelements %bitcast3A_1147, 1 {pack_format = #tpu.pack_format<interleaved>} : vector<32xbf16> -> vector<16xf32>
          %mul3A_1150 = arith.mulf %mul3A_43, %unpack3A_1148 : vector<16xf32>
          %add3A_1151 = arith.addf %add3A_1143, %mul3A_1150 : vector<16xf32>
          %mul3A_1152 = arith.mulf %mul3A_46, %unpack3A_1149 : vector<16xf32>
          %add3A_1153 = arith.addf %add3A_1151, %mul3A_1152 : vector<16xf32>
          %broadcast_in_dim3A_1154 = arith.constant 3 : i32
          %broadcast_in_dim3A_1155 = vector.broadcast %broadcast_in_dim3A_1154 : i32 to vector<16xi32>
          %gather3A_1156 = tpu.vector_load_idx %arg10[%add3A_1121, %broadcast_in_dim3A_1155] : memref<4096x16xi32, #tpu.memory_space<vmem>>[vector<16xi32>, vector<16xi32>], vector<16xi32>,
          %bitcast3A_1157 = vector.bitcast %gather3A_1156 : vector<16xi32> to vector<32xbf16>
          %unpack3A_1158 = tpu.unpack_subelements %bitcast3A_1157, 0 {pack_format = #tpu.pack_format<interleaved>} : vector<32xbf16> -> vector<16xf32>
          %unpack3A_1159 = tpu.unpack_subelements %bitcast3A_1157, 1 {pack_format = #tpu.pack_format<interleaved>} : vector<32xbf16> -> vector<16xf32>
          %mul3A_1160 = arith.mulf %mul3A_50, %unpack3A_1158 : vector<16xf32>
          %add3A_1161 = arith.addf %add3A_1153, %mul3A_1160 : vector<16xf32>
          %mul3A_1162 = arith.mulf %mul3A_54, %unpack3A_1159 : vector<16xf32>
          %add3A_1163 = arith.addf %add3A_1161, %mul3A_1162 : vector<16xf32>
          %broadcast_in_dim3A_1164 = arith.constant 4 : i32
          %broadcast_in_dim3A_1165 = vector.broadcast %broadcast_in_dim3A_1164 : i32 to vector<16xi32>
          %gather3A_1166 = tpu.vector_load_idx %arg10[%add3A_1121, %broadcast_in_dim3A_1165] : memref<4096x16xi32, #tpu.memory_space<vmem>>[vector<16xi32>, vector<16xi32>], vector<16xi32>,
          %bitcast3A_1167 = vector.bitcast %gather3A_1166 : vector<16xi32> to vector<32xbf16>
          %unpack3A_1168 = tpu.unpack_subelements %bitcast3A_1167, 0 {pack_format = #tpu.pack_format<interleaved>} : vector<32xbf16> -> vector<16xf32>
          %unpack3A_1169 = tpu.unpack_subelements %bitcast3A_1167, 1 {pack_format = #tpu.pack_format<interleaved>} : vector<32xbf16> -> vector<16xf32>
          %mul3A_1170 = arith.mulf %mul3A_64, %unpack3A_1168 : vector<16xf32>
          %add3A_1171 = arith.addf %add3A_1163, %mul3A_1170 : vector<16xf32>
          %mul3A_1172 = arith.mulf %mul3A_68, %unpack3A_1169 : vector<16xf32>
          %add3A_1173 = arith.addf %add3A_1171, %mul3A_1172 : vector<16xf32>
          %broadcast_in_dim3A_1174 = arith.constant 5 : i32
          %broadcast_in_dim3A_1175 = vector.broadcast %broadcast_in_dim3A_1174 : i32 to vector<16xi32>
          %gather3A_1176 = tpu.vector_load_idx %arg10[%add3A_1121, %broadcast_in_dim3A_1175] : memref<4096x16xi32, #tpu.memory_space<vmem>>[vector<16xi32>, vector<16xi32>], vector<16xi32>,
          %bitcast3A_1177 = vector.bitcast %gather3A_1176 : vector<16xi32> to vector<32xbf16>
          %unpack3A_1178 = tpu.unpack_subelements %bitcast3A_1177, 0 {pack_format = #tpu.pack_format<interleaved>} : vector<32xbf16> -> vector<16xf32>
          %unpack3A_1179 = tpu.unpack_subelements %bitcast3A_1177, 1 {pack_format = #tpu.pack_format<interleaved>} : vector<32xbf16> -> vector<16xf32>
          %mul3A_1180 = arith.mulf %mul3A_74, %unpack3A_1178 : vector<16xf32>
          %add3A_1181 = arith.addf %add3A_1173, %mul3A_1180 : vector<16xf32>
          %mul3A_1182 = arith.mulf %broadcast_in_dim3A_37, %unpack3A_1179 : vector<16xf32>
          %add3A_1183 = arith.addf %broadcast_in_dim3A_1131, %mul3A_1182 : vector<16xf32>
          %broadcast_in_dim3A_1184 = arith.constant 6 : i32
          %broadcast_in_dim3A_1185 = vector.broadcast %broadcast_in_dim3A_1184 : i32 to vector<16xi32>
          %gather3A_1186 = tpu.vector_load_idx %arg10[%add3A_1121, %broadcast_in_dim3A_1185] : memref<4096x16xi32, #tpu.memory_space<vmem>>[vector<16xi32>, vector<16xi32>], vector<16xi32>,
          %bitcast3A_1187 = vector.bitcast %gather3A_1186 : vector<16xi32> to vector<32xbf16>
          %unpack3A_1188 = tpu.unpack_subelements %bitcast3A_1187, 0 {pack_format = #tpu.pack_format<interleaved>} : vector<32xbf16> -> vector<16xf32>
          %unpack3A_1189 = tpu.unpack_subelements %bitcast3A_1187, 1 {pack_format = #tpu.pack_format<interleaved>} : vector<32xbf16> -> vector<16xf32>
          %mul3A_1190 = arith.mulf %mul3A_40, %unpack3A_1188 : vector<16xf32>
          %add3A_1191 = arith.addf %add3A_1183, %mul3A_1190 : vector<16xf32>
          %mul3A_1192 = arith.mulf %mul3A_43, %unpack3A_1189 : vector<16xf32>
          %add3A_1193 = arith.addf %add3A_1191, %mul3A_1192 : vector<16xf32>
          %broadcast_in_dim3A_1194 = arith.constant 7 : i32
          %broadcast_in_dim3A_1195 = vector.broadcast %broadcast_in_dim3A_1194 : i32 to vector<16xi32>
          %gather3A_1196 = tpu.vector_load_idx %arg10[%add3A_1121, %broadcast_in_dim3A_1195] : memref<4096x16xi32, #tpu.memory_space<vmem>>[vector<16xi32>, vector<16xi32>], vector<16xi32>,
          %bitcast3A_1197 = vector.bitcast %gather3A_1196 : vector<16xi32> to vector<32xbf16>
          %unpack3A_1198 = tpu.unpack_subelements %bitcast3A_1197, 0 {pack_format = #tpu.pack_format<interleaved>} : vector<32xbf16> -> vector<16xf32>
          %unpack3A_1199 = tpu.unpack_subelements %bitcast3A_1197, 1 {pack_format = #tpu.pack_format<interleaved>} : vector<32xbf16> -> vector<16xf32>
          %mul3A_1200 = arith.mulf %mul3A_46, %unpack3A_1198 : vector<16xf32>
          %add3A_1201 = arith.addf %add3A_1193, %mul3A_1200 : vector<16xf32>
          %mul3A_1202 = arith.mulf %mul3A_50, %unpack3A_1199 : vector<16xf32>
          %add3A_1203 = arith.addf %add3A_1201, %mul3A_1202 : vector<16xf32>
          %broadcast_in_dim3A_1204 = arith.constant 8 : i32
          %broadcast_in_dim3A_1205 = vector.broadcast %broadcast_in_dim3A_1204 : i32 to vector<16xi32>
          %gather3A_1206 = tpu.vector_load_idx %arg10[%add3A_1121, %broadcast_in_dim3A_1205] : memref<4096x16xi32, #tpu.memory_space<vmem>>[vector<16xi32>, vector<16xi32>], vector<16xi32>,
          %bitcast3A_1207 = vector.bitcast %gather3A_1206 : vector<16xi32> to vector<32xbf16>
          %unpack3A_1208 = tpu.unpack_subelements %bitcast3A_1207, 0 {pack_format = #tpu.pack_format<interleaved>} : vector<32xbf16> -> vector<16xf32>
          %unpack3A_1209 = tpu.unpack_subelements %bitcast3A_1207, 1 {pack_format = #tpu.pack_format<interleaved>} : vector<32xbf16> -> vector<16xf32>
          %mul3A_1210 = arith.mulf %mul3A_54, %unpack3A_1208 : vector<16xf32>
          %add3A_1211 = arith.addf %add3A_1203, %mul3A_1210 : vector<16xf32>
          %mul3A_1212 = arith.mulf %mul3A_64, %unpack3A_1209 : vector<16xf32>
          %add3A_1213 = arith.addf %add3A_1211, %mul3A_1212 : vector<16xf32>
          %broadcast_in_dim3A_1214 = arith.constant 9 : i32
          %broadcast_in_dim3A_1215 = vector.broadcast %broadcast_in_dim3A_1214 : i32 to vector<16xi32>
          %gather3A_1216 = tpu.vector_load_idx %arg10[%add3A_1121, %broadcast_in_dim3A_1215] : memref<4096x16xi32, #tpu.memory_space<vmem>>[vector<16xi32>, vector<16xi32>], vector<16xi32>,
          %bitcast3A_1217 = vector.bitcast %gather3A_1216 : vector<16xi32> to vector<32xbf16>
          %unpack3A_1218 = tpu.unpack_subelements %bitcast3A_1217, 0 {pack_format = #tpu.pack_format<interleaved>} : vector<32xbf16> -> vector<16xf32>
          %unpack3A_1219 = tpu.unpack_subelements %bitcast3A_1217, 1 {pack_format = #tpu.pack_format<interleaved>} : vector<32xbf16> -> vector<16xf32>
          %mul3A_1220 = arith.mulf %mul3A_68, %unpack3A_1218 : vector<16xf32>
          %add3A_1221 = arith.addf %add3A_1213, %mul3A_1220 : vector<16xf32>
          %mul3A_1222 = arith.mulf %mul3A_74, %unpack3A_1219 : vector<16xf32>
          %add3A_1223 = arith.addf %add3A_1221, %mul3A_1222 : vector<16xf32>
          %broadcast_in_dim3A_1224 = arith.constant 10 : i32
          %broadcast_in_dim3A_1225 = vector.broadcast %broadcast_in_dim3A_1224 : i32 to vector<16xi32>
          %gather3A_1226 = tpu.vector_load_idx %arg10[%add3A_1121, %broadcast_in_dim3A_1225] : memref<4096x16xi32, #tpu.memory_space<vmem>>[vector<16xi32>, vector<16xi32>], vector<16xi32>,
          %bitcast3A_1227 = vector.bitcast %gather3A_1226 : vector<16xi32> to vector<32xbf16>
          %unpack3A_1228 = tpu.unpack_subelements %bitcast3A_1227, 0 {pack_format = #tpu.pack_format<interleaved>} : vector<32xbf16> -> vector<16xf32>
          %unpack3A_1229 = tpu.unpack_subelements %bitcast3A_1227, 1 {pack_format = #tpu.pack_format<interleaved>} : vector<32xbf16> -> vector<16xf32>
          %mul3A_1230 = arith.mulf %broadcast_in_dim3A_37, %unpack3A_1228 : vector<16xf32>
          %add3A_1231 = arith.addf %broadcast_in_dim3A_1133, %mul3A_1230 : vector<16xf32>
          %mul3A_1232 = arith.mulf %mul3A_40, %unpack3A_1229 : vector<16xf32>
          %add3A_1233 = arith.addf %add3A_1231, %mul3A_1232 : vector<16xf32>
          %broadcast_in_dim3A_1234 = arith.constant 11 : i32
          %broadcast_in_dim3A_1235 = vector.broadcast %broadcast_in_dim3A_1234 : i32 to vector<16xi32>
          %gather3A_1236 = tpu.vector_load_idx %arg10[%add3A_1121, %broadcast_in_dim3A_1235] : memref<4096x16xi32, #tpu.memory_space<vmem>>[vector<16xi32>, vector<16xi32>], vector<16xi32>,
          %bitcast3A_1237 = vector.bitcast %gather3A_1236 : vector<16xi32> to vector<32xbf16>
          %unpack3A_1238 = tpu.unpack_subelements %bitcast3A_1237, 0 {pack_format = #tpu.pack_format<interleaved>} : vector<32xbf16> -> vector<16xf32>
          %unpack3A_1239 = tpu.unpack_subelements %bitcast3A_1237, 1 {pack_format = #tpu.pack_format<interleaved>} : vector<32xbf16> -> vector<16xf32>
          %mul3A_1240 = arith.mulf %mul3A_43, %unpack3A_1238 : vector<16xf32>
          %add3A_1241 = arith.addf %add3A_1233, %mul3A_1240 : vector<16xf32>
          %mul3A_1242 = arith.mulf %mul3A_46, %unpack3A_1239 : vector<16xf32>
          %add3A_1243 = arith.addf %add3A_1241, %mul3A_1242 : vector<16xf32>
          %broadcast_in_dim3A_1244 = arith.constant 12 : i32
          %broadcast_in_dim3A_1245 = vector.broadcast %broadcast_in_dim3A_1244 : i32 to vector<16xi32>
          %gather3A_1246 = tpu.vector_load_idx %arg10[%add3A_1121, %broadcast_in_dim3A_1245] : memref<4096x16xi32, #tpu.memory_space<vmem>>[vector<16xi32>, vector<16xi32>], vector<16xi32>,
          %bitcast3A_1247 = vector.bitcast %gather3A_1246 : vector<16xi32> to vector<32xbf16>
          %unpack3A_1248 = tpu.unpack_subelements %bitcast3A_1247, 0 {pack_format = #tpu.pack_format<interleaved>} : vector<32xbf16> -> vector<16xf32>
          %unpack3A_1249 = tpu.unpack_subelements %bitcast3A_1247, 1 {pack_format = #tpu.pack_format<interleaved>} : vector<32xbf16> -> vector<16xf32>
          %mul3A_1250 = arith.mulf %mul3A_50, %unpack3A_1248 : vector<16xf32>
          %add3A_1251 = arith.addf %add3A_1243, %mul3A_1250 : vector<16xf32>
          %mul3A_1252 = arith.mulf %mul3A_54, %unpack3A_1249 : vector<16xf32>
          %add3A_1253 = arith.addf %add3A_1251, %mul3A_1252 : vector<16xf32>
          %broadcast_in_dim3A_1254 = arith.constant 13 : i32
          %broadcast_in_dim3A_1255 = vector.broadcast %broadcast_in_dim3A_1254 : i32 to vector<16xi32>
          %gather3A_1256 = tpu.vector_load_idx %arg10[%add3A_1121, %broadcast_in_dim3A_1255] : memref<4096x16xi32, #tpu.memory_space<vmem>>[vector<16xi32>, vector<16xi32>], vector<16xi32>,
          %bitcast3A_1257 = vector.bitcast %gather3A_1256 : vector<16xi32> to vector<32xbf16>
          %unpack3A_1258 = tpu.unpack_subelements %bitcast3A_1257, 0 {pack_format = #tpu.pack_format<interleaved>} : vector<32xbf16> -> vector<16xf32>
          %unpack3A_1259 = tpu.unpack_subelements %bitcast3A_1257, 1 {pack_format = #tpu.pack_format<interleaved>} : vector<32xbf16> -> vector<16xf32>
          %mul3A_1260 = arith.mulf %mul3A_64, %unpack3A_1258 : vector<16xf32>
          %add3A_1261 = arith.addf %add3A_1253, %mul3A_1260 : vector<16xf32>
          %mul3A_1262 = arith.mulf %mul3A_68, %unpack3A_1259 : vector<16xf32>
          %add3A_1263 = arith.addf %add3A_1261, %mul3A_1262 : vector<16xf32>
          %broadcast_in_dim3A_1264 = arith.constant 14 : i32
          %broadcast_in_dim3A_1265 = vector.broadcast %broadcast_in_dim3A_1264 : i32 to vector<16xi32>
          %gather3A_1266 = tpu.vector_load_idx %arg10[%add3A_1121, %broadcast_in_dim3A_1265] : memref<4096x16xi32, #tpu.memory_space<vmem>>[vector<16xi32>, vector<16xi32>], vector<16xi32>,
          %bitcast3A_1267 = vector.bitcast %gather3A_1266 : vector<16xi32> to vector<32xbf16>
          %unpack3A_1268 = tpu.unpack_subelements %bitcast3A_1267, 0 {pack_format = #tpu.pack_format<interleaved>} : vector<32xbf16> -> vector<16xf32>
          %unpack3A_1269 = tpu.unpack_subelements %bitcast3A_1267, 1 {pack_format = #tpu.pack_format<interleaved>} : vector<32xbf16> -> vector<16xf32>
          %mul3A_1270 = arith.mulf %mul3A_74, %unpack3A_1268 : vector<16xf32>
          %add3A_1271 = arith.addf %add3A_1263, %mul3A_1270 : vector<16xf32>
          %mul3A_1272 = arith.mulf %get3A_1117, %add3A_1181 : vector<16xf32>
          %add3A_1273 = arith.addf %add3A_1107, %mul3A_1272 : vector<16xf32>
          %mul3A_1274 = arith.mulf %get3A_1117, %add3A_1223 : vector<16xf32>
          %add3A_1275 = arith.addf %add3A_1109, %mul3A_1274 : vector<16xf32>
          %mul3A_1276 = arith.mulf %get3A_1117, %add3A_1271 : vector<16xf32>
          %add3A_1277 = arith.addf %add3A_1111, %mul3A_1276 : vector<16xf32>
          %mul3A_1278 = arith.constant 16 : i32
          %mul3A_1279 = arith.muli %and3A_271, %mul3A_1278 : i32
          %add3A_1280 = arith.addi %mul3A_1279, %scan3A_599 : i32
          %get3A_1281 = arith.index_cast %add3A_1280 : i32 to index
          %get3A_1282 = arith.constant 64 : index
          %get3A_1283 = tpu.vector_load %arg9[%get3A_1281, %get3A_1282] {strides = array<i32>} : memref<32x128xf32, #tpu.memory_space<vmem>>, vector<16xf32>,
          %add3A_1284 = arith.constant 64 : i32
          %add3A_1285 = arith.addi %mul3A_616, %add3A_1284 : i32
          %add3A_1286 = vector.broadcast %add3A_1285 : i32 to vector<16xi32>
          %add3A_1287 = arith.addi %add3A_1286, %iota3A : vector<16xi32>
          %broadcast_in_dim3A_1288 = arith.constant 0 : i32
          %broadcast_in_dim3A_1289 = vector.broadcast %broadcast_in_dim3A_1288 : i32 to vector<16xi32>
          %gather3A_1290 = tpu.vector_load_idx %arg10[%add3A_1287, %broadcast_in_dim3A_1289] : memref<4096x16xi32, #tpu.memory_space<vmem>>[vector<16xi32>, vector<16xi32>], vector<16xi32>,
          %bitcast3A_1291 = vector.bitcast %gather3A_1290 : vector<16xi32> to vector<16xf32>
          %mul3A_1292 = arith.mulf %get3A_1283, %bitcast3A_1291 : vector<16xf32>
          %add3A_1293 = arith.addf %add3A_1127, %mul3A_1292 : vector<16xf32>
          %broadcast_in_dim3A_1294 = arith.constant 0.000000e+00 : f32
          %broadcast_in_dim3A_1295 = vector.broadcast %broadcast_in_dim3A_1294 : f32 to vector<16xf32>
          %broadcast_in_dim3A_1296 = arith.constant 0.000000e+00 : f32
          %broadcast_in_dim3A_1297 = vector.broadcast %broadcast_in_dim3A_1296 : f32 to vector<16xf32>
          %broadcast_in_dim3A_1298 = arith.constant 0.000000e+00 : f32
          %broadcast_in_dim3A_1299 = vector.broadcast %broadcast_in_dim3A_1298 : f32 to vector<16xf32>
          %broadcast_in_dim3A_1300 = arith.constant 1 : i32
          %broadcast_in_dim3A_1301 = vector.broadcast %broadcast_in_dim3A_1300 : i32 to vector<16xi32>
          %gather3A_1302 = tpu.vector_load_idx %arg10[%add3A_1287, %broadcast_in_dim3A_1301] : memref<4096x16xi32, #tpu.memory_space<vmem>>[vector<16xi32>, vector<16xi32>], vector<16xi32>,
          %bitcast3A_1303 = vector.bitcast %gather3A_1302 : vector<16xi32> to vector<32xbf16>
          %unpack3A_1304 = tpu.unpack_subelements %bitcast3A_1303, 0 {pack_format = #tpu.pack_format<interleaved>} : vector<32xbf16> -> vector<16xf32>
          %unpack3A_1305 = tpu.unpack_subelements %bitcast3A_1303, 1 {pack_format = #tpu.pack_format<interleaved>} : vector<32xbf16> -> vector<16xf32>
          %mul3A_1306 = arith.mulf %broadcast_in_dim3A_37, %unpack3A_1304 : vector<16xf32>
          %add3A_1307 = arith.addf %broadcast_in_dim3A_1295, %mul3A_1306 : vector<16xf32>
          %mul3A_1308 = arith.mulf %mul3A_40, %unpack3A_1305 : vector<16xf32>
          %add3A_1309 = arith.addf %add3A_1307, %mul3A_1308 : vector<16xf32>
          %broadcast_in_dim3A_1310 = arith.constant 2 : i32
          %broadcast_in_dim3A_1311 = vector.broadcast %broadcast_in_dim3A_1310 : i32 to vector<16xi32>
          %gather3A_1312 = tpu.vector_load_idx %arg10[%add3A_1287, %broadcast_in_dim3A_1311] : memref<4096x16xi32, #tpu.memory_space<vmem>>[vector<16xi32>, vector<16xi32>], vector<16xi32>,
          %bitcast3A_1313 = vector.bitcast %gather3A_1312 : vector<16xi32> to vector<32xbf16>
          %unpack3A_1314 = tpu.unpack_subelements %bitcast3A_1313, 0 {pack_format = #tpu.pack_format<interleaved>} : vector<32xbf16> -> vector<16xf32>
          %unpack3A_1315 = tpu.unpack_subelements %bitcast3A_1313, 1 {pack_format = #tpu.pack_format<interleaved>} : vector<32xbf16> -> vector<16xf32>
          %mul3A_1316 = arith.mulf %mul3A_43, %unpack3A_1314 : vector<16xf32>
          %add3A_1317 = arith.addf %add3A_1309, %mul3A_1316 : vector<16xf32>
          %mul3A_1318 = arith.mulf %mul3A_46, %unpack3A_1315 : vector<16xf32>
          %add3A_1319 = arith.addf %add3A_1317, %mul3A_1318 : vector<16xf32>
          %broadcast_in_dim3A_1320 = arith.constant 3 : i32
          %broadcast_in_dim3A_1321 = vector.broadcast %broadcast_in_dim3A_1320 : i32 to vector<16xi32>
          %gather3A_1322 = tpu.vector_load_idx %arg10[%add3A_1287, %broadcast_in_dim3A_1321] : memref<4096x16xi32, #tpu.memory_space<vmem>>[vector<16xi32>, vector<16xi32>], vector<16xi32>,
          %bitcast3A_1323 = vector.bitcast %gather3A_1322 : vector<16xi32> to vector<32xbf16>
          %unpack3A_1324 = tpu.unpack_subelements %bitcast3A_1323, 0 {pack_format = #tpu.pack_format<interleaved>} : vector<32xbf16> -> vector<16xf32>
          %unpack3A_1325 = tpu.unpack_subelements %bitcast3A_1323, 1 {pack_format = #tpu.pack_format<interleaved>} : vector<32xbf16> -> vector<16xf32>
          %mul3A_1326 = arith.mulf %mul3A_50, %unpack3A_1324 : vector<16xf32>
          %add3A_1327 = arith.addf %add3A_1319, %mul3A_1326 : vector<16xf32>
          %mul3A_1328 = arith.mulf %mul3A_54, %unpack3A_1325 : vector<16xf32>
          %add3A_1329 = arith.addf %add3A_1327, %mul3A_1328 : vector<16xf32>
          %broadcast_in_dim3A_1330 = arith.constant 4 : i32
          %broadcast_in_dim3A_1331 = vector.broadcast %broadcast_in_dim3A_1330 : i32 to vector<16xi32>
          %gather3A_1332 = tpu.vector_load_idx %arg10[%add3A_1287, %broadcast_in_dim3A_1331] : memref<4096x16xi32, #tpu.memory_space<vmem>>[vector<16xi32>, vector<16xi32>], vector<16xi32>,
          %bitcast3A_1333 = vector.bitcast %gather3A_1332 : vector<16xi32> to vector<32xbf16>
          %unpack3A_1334 = tpu.unpack_subelements %bitcast3A_1333, 0 {pack_format = #tpu.pack_format<interleaved>} : vector<32xbf16> -> vector<16xf32>
          %unpack3A_1335 = tpu.unpack_subelements %bitcast3A_1333, 1 {pack_format = #tpu.pack_format<interleaved>} : vector<32xbf16> -> vector<16xf32>
          %mul3A_1336 = arith.mulf %mul3A_64, %unpack3A_1334 : vector<16xf32>
          %add3A_1337 = arith.addf %add3A_1329, %mul3A_1336 : vector<16xf32>
          %mul3A_1338 = arith.mulf %mul3A_68, %unpack3A_1335 : vector<16xf32>
          %add3A_1339 = arith.addf %add3A_1337, %mul3A_1338 : vector<16xf32>
          %broadcast_in_dim3A_1340 = arith.constant 5 : i32
          %broadcast_in_dim3A_1341 = vector.broadcast %broadcast_in_dim3A_1340 : i32 to vector<16xi32>
          %gather3A_1342 = tpu.vector_load_idx %arg10[%add3A_1287, %broadcast_in_dim3A_1341] : memref<4096x16xi32, #tpu.memory_space<vmem>>[vector<16xi32>, vector<16xi32>], vector<16xi32>,
          %bitcast3A_1343 = vector.bitcast %gather3A_1342 : vector<16xi32> to vector<32xbf16>
          %unpack3A_1344 = tpu.unpack_subelements %bitcast3A_1343, 0 {pack_format = #tpu.pack_format<interleaved>} : vector<32xbf16> -> vector<16xf32>
          %unpack3A_1345 = tpu.unpack_subelements %bitcast3A_1343, 1 {pack_format = #tpu.pack_format<interleaved>} : vector<32xbf16> -> vector<16xf32>
          %mul3A_1346 = arith.mulf %mul3A_74, %unpack3A_1344 : vector<16xf32>
          %add3A_1347 = arith.addf %add3A_1339, %mul3A_1346 : vector<16xf32>
          %mul3A_1348 = arith.mulf %broadcast_in_dim3A_37, %unpack3A_1345 : vector<16xf32>
          %add3A_1349 = arith.addf %broadcast_in_dim3A_1297, %mul3A_1348 : vector<16xf32>
          %broadcast_in_dim3A_1350 = arith.constant 6 : i32
          %broadcast_in_dim3A_1351 = vector.broadcast %broadcast_in_dim3A_1350 : i32 to vector<16xi32>
          %gather3A_1352 = tpu.vector_load_idx %arg10[%add3A_1287, %broadcast_in_dim3A_1351] : memref<4096x16xi32, #tpu.memory_space<vmem>>[vector<16xi32>, vector<16xi32>], vector<16xi32>,
          %bitcast3A_1353 = vector.bitcast %gather3A_1352 : vector<16xi32> to vector<32xbf16>
          %unpack3A_1354 = tpu.unpack_subelements %bitcast3A_1353, 0 {pack_format = #tpu.pack_format<interleaved>} : vector<32xbf16> -> vector<16xf32>
          %unpack3A_1355 = tpu.unpack_subelements %bitcast3A_1353, 1 {pack_format = #tpu.pack_format<interleaved>} : vector<32xbf16> -> vector<16xf32>
          %mul3A_1356 = arith.mulf %mul3A_40, %unpack3A_1354 : vector<16xf32>
          %add3A_1357 = arith.addf %add3A_1349, %mul3A_1356 : vector<16xf32>
          %mul3A_1358 = arith.mulf %mul3A_43, %unpack3A_1355 : vector<16xf32>
          %add3A_1359 = arith.addf %add3A_1357, %mul3A_1358 : vector<16xf32>
          %broadcast_in_dim3A_1360 = arith.constant 7 : i32
          %broadcast_in_dim3A_1361 = vector.broadcast %broadcast_in_dim3A_1360 : i32 to vector<16xi32>
          %gather3A_1362 = tpu.vector_load_idx %arg10[%add3A_1287, %broadcast_in_dim3A_1361] : memref<4096x16xi32, #tpu.memory_space<vmem>>[vector<16xi32>, vector<16xi32>], vector<16xi32>,
          %bitcast3A_1363 = vector.bitcast %gather3A_1362 : vector<16xi32> to vector<32xbf16>
          %unpack3A_1364 = tpu.unpack_subelements %bitcast3A_1363, 0 {pack_format = #tpu.pack_format<interleaved>} : vector<32xbf16> -> vector<16xf32>
          %unpack3A_1365 = tpu.unpack_subelements %bitcast3A_1363, 1 {pack_format = #tpu.pack_format<interleaved>} : vector<32xbf16> -> vector<16xf32>
          %mul3A_1366 = arith.mulf %mul3A_46, %unpack3A_1364 : vector<16xf32>
          %add3A_1367 = arith.addf %add3A_1359, %mul3A_1366 : vector<16xf32>
          %mul3A_1368 = arith.mulf %mul3A_50, %unpack3A_1365 : vector<16xf32>
          %add3A_1369 = arith.addf %add3A_1367, %mul3A_1368 : vector<16xf32>
          %broadcast_in_dim3A_1370 = arith.constant 8 : i32
          %broadcast_in_dim3A_1371 = vector.broadcast %broadcast_in_dim3A_1370 : i32 to vector<16xi32>
          %gather3A_1372 = tpu.vector_load_idx %arg10[%add3A_1287, %broadcast_in_dim3A_1371] : memref<4096x16xi32, #tpu.memory_space<vmem>>[vector<16xi32>, vector<16xi32>], vector<16xi32>,
          %bitcast3A_1373 = vector.bitcast %gather3A_1372 : vector<16xi32> to vector<32xbf16>
          %unpack3A_1374 = tpu.unpack_subelements %bitcast3A_1373, 0 {pack_format = #tpu.pack_format<interleaved>} : vector<32xbf16> -> vector<16xf32>
          %unpack3A_1375 = tpu.unpack_subelements %bitcast3A_1373, 1 {pack_format = #tpu.pack_format<interleaved>} : vector<32xbf16> -> vector<16xf32>
          %mul3A_1376 = arith.mulf %mul3A_54, %unpack3A_1374 : vector<16xf32>
          %add3A_1377 = arith.addf %add3A_1369, %mul3A_1376 : vector<16xf32>
          %mul3A_1378 = arith.mulf %mul3A_64, %unpack3A_1375 : vector<16xf32>
          %add3A_1379 = arith.addf %add3A_1377, %mul3A_1378 : vector<16xf32>
          %broadcast_in_dim3A_1380 = arith.constant 9 : i32
          %broadcast_in_dim3A_1381 = vector.broadcast %broadcast_in_dim3A_1380 : i32 to vector<16xi32>
          %gather3A_1382 = tpu.vector_load_idx %arg10[%add3A_1287, %broadcast_in_dim3A_1381] : memref<4096x16xi32, #tpu.memory_space<vmem>>[vector<16xi32>, vector<16xi32>], vector<16xi32>,
          %bitcast3A_1383 = vector.bitcast %gather3A_1382 : vector<16xi32> to vector<32xbf16>
          %unpack3A_1384 = tpu.unpack_subelements %bitcast3A_1383, 0 {pack_format = #tpu.pack_format<interleaved>} : vector<32xbf16> -> vector<16xf32>
          %unpack3A_1385 = tpu.unpack_subelements %bitcast3A_1383, 1 {pack_format = #tpu.pack_format<interleaved>} : vector<32xbf16> -> vector<16xf32>
          %mul3A_1386 = arith.mulf %mul3A_68, %unpack3A_1384 : vector<16xf32>
          %add3A_1387 = arith.addf %add3A_1379, %mul3A_1386 : vector<16xf32>
          %mul3A_1388 = arith.mulf %mul3A_74, %unpack3A_1385 : vector<16xf32>
          %add3A_1389 = arith.addf %add3A_1387, %mul3A_1388 : vector<16xf32>
          %broadcast_in_dim3A_1390 = arith.constant 10 : i32
          %broadcast_in_dim3A_1391 = vector.broadcast %broadcast_in_dim3A_1390 : i32 to vector<16xi32>
          %gather3A_1392 = tpu.vector_load_idx %arg10[%add3A_1287, %broadcast_in_dim3A_1391] : memref<4096x16xi32, #tpu.memory_space<vmem>>[vector<16xi32>, vector<16xi32>], vector<16xi32>,
          %bitcast3A_1393 = vector.bitcast %gather3A_1392 : vector<16xi32> to vector<32xbf16>
          %unpack3A_1394 = tpu.unpack_subelements %bitcast3A_1393, 0 {pack_format = #tpu.pack_format<interleaved>} : vector<32xbf16> -> vector<16xf32>
          %unpack3A_1395 = tpu.unpack_subelements %bitcast3A_1393, 1 {pack_format = #tpu.pack_format<interleaved>} : vector<32xbf16> -> vector<16xf32>
          %mul3A_1396 = arith.mulf %broadcast_in_dim3A_37, %unpack3A_1394 : vector<16xf32>
          %add3A_1397 = arith.addf %broadcast_in_dim3A_1299, %mul3A_1396 : vector<16xf32>
          %mul3A_1398 = arith.mulf %mul3A_40, %unpack3A_1395 : vector<16xf32>
          %add3A_1399 = arith.addf %add3A_1397, %mul3A_1398 : vector<16xf32>
          %broadcast_in_dim3A_1400 = arith.constant 11 : i32
          %broadcast_in_dim3A_1401 = vector.broadcast %broadcast_in_dim3A_1400 : i32 to vector<16xi32>
          %gather3A_1402 = tpu.vector_load_idx %arg10[%add3A_1287, %broadcast_in_dim3A_1401] : memref<4096x16xi32, #tpu.memory_space<vmem>>[vector<16xi32>, vector<16xi32>], vector<16xi32>,
          %bitcast3A_1403 = vector.bitcast %gather3A_1402 : vector<16xi32> to vector<32xbf16>
          %unpack3A_1404 = tpu.unpack_subelements %bitcast3A_1403, 0 {pack_format = #tpu.pack_format<interleaved>} : vector<32xbf16> -> vector<16xf32>
          %unpack3A_1405 = tpu.unpack_subelements %bitcast3A_1403, 1 {pack_format = #tpu.pack_format<interleaved>} : vector<32xbf16> -> vector<16xf32>
          %mul3A_1406 = arith.mulf %mul3A_43, %unpack3A_1404 : vector<16xf32>
          %add3A_1407 = arith.addf %add3A_1399, %mul3A_1406 : vector<16xf32>
          %mul3A_1408 = arith.mulf %mul3A_46, %unpack3A_1405 : vector<16xf32>
          %add3A_1409 = arith.addf %add3A_1407, %mul3A_1408 : vector<16xf32>
          %broadcast_in_dim3A_1410 = arith.constant 12 : i32
          %broadcast_in_dim3A_1411 = vector.broadcast %broadcast_in_dim3A_1410 : i32 to vector<16xi32>
          %gather3A_1412 = tpu.vector_load_idx %arg10[%add3A_1287, %broadcast_in_dim3A_1411] : memref<4096x16xi32, #tpu.memory_space<vmem>>[vector<16xi32>, vector<16xi32>], vector<16xi32>,
          %bitcast3A_1413 = vector.bitcast %gather3A_1412 : vector<16xi32> to vector<32xbf16>
          %unpack3A_1414 = tpu.unpack_subelements %bitcast3A_1413, 0 {pack_format = #tpu.pack_format<interleaved>} : vector<32xbf16> -> vector<16xf32>
          %unpack3A_1415 = tpu.unpack_subelements %bitcast3A_1413, 1 {pack_format = #tpu.pack_format<interleaved>} : vector<32xbf16> -> vector<16xf32>
          %mul3A_1416 = arith.mulf %mul3A_50, %unpack3A_1414 : vector<16xf32>
          %add3A_1417 = arith.addf %add3A_1409, %mul3A_1416 : vector<16xf32>
          %mul3A_1418 = arith.mulf %mul3A_54, %unpack3A_1415 : vector<16xf32>
          %add3A_1419 = arith.addf %add3A_1417, %mul3A_1418 : vector<16xf32>
          %broadcast_in_dim3A_1420 = arith.constant 13 : i32
          %broadcast_in_dim3A_1421 = vector.broadcast %broadcast_in_dim3A_1420 : i32 to vector<16xi32>
          %gather3A_1422 = tpu.vector_load_idx %arg10[%add3A_1287, %broadcast_in_dim3A_1421] : memref<4096x16xi32, #tpu.memory_space<vmem>>[vector<16xi32>, vector<16xi32>], vector<16xi32>,
          %bitcast3A_1423 = vector.bitcast %gather3A_1422 : vector<16xi32> to vector<32xbf16>
          %unpack3A_1424 = tpu.unpack_subelements %bitcast3A_1423, 0 {pack_format = #tpu.pack_format<interleaved>} : vector<32xbf16> -> vector<16xf32>
          %unpack3A_1425 = tpu.unpack_subelements %bitcast3A_1423, 1 {pack_format = #tpu.pack_format<interleaved>} : vector<32xbf16> -> vector<16xf32>
          %mul3A_1426 = arith.mulf %mul3A_64, %unpack3A_1424 : vector<16xf32>
          %add3A_1427 = arith.addf %add3A_1419, %mul3A_1426 : vector<16xf32>
          %mul3A_1428 = arith.mulf %mul3A_68, %unpack3A_1425 : vector<16xf32>
          %add3A_1429 = arith.addf %add3A_1427, %mul3A_1428 : vector<16xf32>
          %broadcast_in_dim3A_1430 = arith.constant 14 : i32
          %broadcast_in_dim3A_1431 = vector.broadcast %broadcast_in_dim3A_1430 : i32 to vector<16xi32>
          %gather3A_1432 = tpu.vector_load_idx %arg10[%add3A_1287, %broadcast_in_dim3A_1431] : memref<4096x16xi32, #tpu.memory_space<vmem>>[vector<16xi32>, vector<16xi32>], vector<16xi32>,
          %bitcast3A_1433 = vector.bitcast %gather3A_1432 : vector<16xi32> to vector<32xbf16>
          %unpack3A_1434 = tpu.unpack_subelements %bitcast3A_1433, 0 {pack_format = #tpu.pack_format<interleaved>} : vector<32xbf16> -> vector<16xf32>
          %unpack3A_1435 = tpu.unpack_subelements %bitcast3A_1433, 1 {pack_format = #tpu.pack_format<interleaved>} : vector<32xbf16> -> vector<16xf32>
          %mul3A_1436 = arith.mulf %mul3A_74, %unpack3A_1434 : vector<16xf32>
          %add3A_1437 = arith.addf %add3A_1429, %mul3A_1436 : vector<16xf32>
          %mul3A_1438 = arith.mulf %get3A_1283, %add3A_1347 : vector<16xf32>
          %add3A_1439 = arith.addf %add3A_1273, %mul3A_1438 : vector<16xf32>
          %mul3A_1440 = arith.mulf %get3A_1283, %add3A_1389 : vector<16xf32>
          %add3A_1441 = arith.addf %add3A_1275, %mul3A_1440 : vector<16xf32>
          %mul3A_1442 = arith.mulf %get3A_1283, %add3A_1437 : vector<16xf32>
          %add3A_1443 = arith.addf %add3A_1277, %mul3A_1442 : vector<16xf32>
          %mul3A_1444 = arith.constant 16 : i32
          %mul3A_1445 = arith.muli %and3A_271, %mul3A_1444 : i32
          %add3A_1446 = arith.addi %mul3A_1445, %scan3A_599 : i32
          %get3A_1447 = arith.index_cast %add3A_1446 : i32 to index
          %get3A_1448 = arith.constant 80 : index
          %get3A_1449 = tpu.vector_load %arg9[%get3A_1447, %get3A_1448] {strides = array<i32>} : memref<32x128xf32, #tpu.memory_space<vmem>>, vector<16xf32>,
          %add3A_1450 = arith.constant 80 : i32
          %add3A_1451 = arith.addi %mul3A_616, %add3A_1450 : i32
          %add3A_1452 = vector.broadcast %add3A_1451 : i32 to vector<16xi32>
          %add3A_1453 = arith.addi %add3A_1452, %iota3A : vector<16xi32>
          %broadcast_in_dim3A_1454 = arith.constant 0 : i32
          %broadcast_in_dim3A_1455 = vector.broadcast %broadcast_in_dim3A_1454 : i32 to vector<16xi32>
          %gather3A_1456 = tpu.vector_load_idx %arg10[%add3A_1453, %broadcast_in_dim3A_1455] : memref<4096x16xi32, #tpu.memory_space<vmem>>[vector<16xi32>, vector<16xi32>], vector<16xi32>,
          %bitcast3A_1457 = vector.bitcast %gather3A_1456 : vector<16xi32> to vector<16xf32>
          %mul3A_1458 = arith.mulf %get3A_1449, %bitcast3A_1457 : vector<16xf32>
          %add3A_1459 = arith.addf %add3A_1293, %mul3A_1458 : vector<16xf32>
          %broadcast_in_dim3A_1460 = arith.constant 0.000000e+00 : f32
          %broadcast_in_dim3A_1461 = vector.broadcast %broadcast_in_dim3A_1460 : f32 to vector<16xf32>
          %broadcast_in_dim3A_1462 = arith.constant 0.000000e+00 : f32
          %broadcast_in_dim3A_1463 = vector.broadcast %broadcast_in_dim3A_1462 : f32 to vector<16xf32>
          %broadcast_in_dim3A_1464 = arith.constant 0.000000e+00 : f32
          %broadcast_in_dim3A_1465 = vector.broadcast %broadcast_in_dim3A_1464 : f32 to vector<16xf32>
          %broadcast_in_dim3A_1466 = arith.constant 1 : i32
          %broadcast_in_dim3A_1467 = vector.broadcast %broadcast_in_dim3A_1466 : i32 to vector<16xi32>
          %gather3A_1468 = tpu.vector_load_idx %arg10[%add3A_1453, %broadcast_in_dim3A_1467] : memref<4096x16xi32, #tpu.memory_space<vmem>>[vector<16xi32>, vector<16xi32>], vector<16xi32>,
          %bitcast3A_1469 = vector.bitcast %gather3A_1468 : vector<16xi32> to vector<32xbf16>
          %unpack3A_1470 = tpu.unpack_subelements %bitcast3A_1469, 0 {pack_format = #tpu.pack_format<interleaved>} : vector<32xbf16> -> vector<16xf32>
          %unpack3A_1471 = tpu.unpack_subelements %bitcast3A_1469, 1 {pack_format = #tpu.pack_format<interleaved>} : vector<32xbf16> -> vector<16xf32>
          %mul3A_1472 = arith.mulf %broadcast_in_dim3A_37, %unpack3A_1470 : vector<16xf32>
          %add3A_1473 = arith.addf %broadcast_in_dim3A_1461, %mul3A_1472 : vector<16xf32>
          %mul3A_1474 = arith.mulf %mul3A_40, %unpack3A_1471 : vector<16xf32>
          %add3A_1475 = arith.addf %add3A_1473, %mul3A_1474 : vector<16xf32>
          %broadcast_in_dim3A_1476 = arith.constant 2 : i32
          %broadcast_in_dim3A_1477 = vector.broadcast %broadcast_in_dim3A_1476 : i32 to vector<16xi32>
          %gather3A_1478 = tpu.vector_load_idx %arg10[%add3A_1453, %broadcast_in_dim3A_1477] : memref<4096x16xi32, #tpu.memory_space<vmem>>[vector<16xi32>, vector<16xi32>], vector<16xi32>,
          %bitcast3A_1479 = vector.bitcast %gather3A_1478 : vector<16xi32> to vector<32xbf16>
          %unpack3A_1480 = tpu.unpack_subelements %bitcast3A_1479, 0 {pack_format = #tpu.pack_format<interleaved>} : vector<32xbf16> -> vector<16xf32>
          %unpack3A_1481 = tpu.unpack_subelements %bitcast3A_1479, 1 {pack_format = #tpu.pack_format<interleaved>} : vector<32xbf16> -> vector<16xf32>
          %mul3A_1482 = arith.mulf %mul3A_43, %unpack3A_1480 : vector<16xf32>
          %add3A_1483 = arith.addf %add3A_1475, %mul3A_1482 : vector<16xf32>
          %mul3A_1484 = arith.mulf %mul3A_46, %unpack3A_1481 : vector<16xf32>
          %add3A_1485 = arith.addf %add3A_1483, %mul3A_1484 : vector<16xf32>
          %broadcast_in_dim3A_1486 = arith.constant 3 : i32
          %broadcast_in_dim3A_1487 = vector.broadcast %broadcast_in_dim3A_1486 : i32 to vector<16xi32>
          %gather3A_1488 = tpu.vector_load_idx %arg10[%add3A_1453, %broadcast_in_dim3A_1487] : memref<4096x16xi32, #tpu.memory_space<vmem>>[vector<16xi32>, vector<16xi32>], vector<16xi32>,
          %bitcast3A_1489 = vector.bitcast %gather3A_1488 : vector<16xi32> to vector<32xbf16>
          %unpack3A_1490 = tpu.unpack_subelements %bitcast3A_1489, 0 {pack_format = #tpu.pack_format<interleaved>} : vector<32xbf16> -> vector<16xf32>
          %unpack3A_1491 = tpu.unpack_subelements %bitcast3A_1489, 1 {pack_format = #tpu.pack_format<interleaved>} : vector<32xbf16> -> vector<16xf32>
          %mul3A_1492 = arith.mulf %mul3A_50, %unpack3A_1490 : vector<16xf32>
          %add3A_1493 = arith.addf %add3A_1485, %mul3A_1492 : vector<16xf32>
          %mul3A_1494 = arith.mulf %mul3A_54, %unpack3A_1491 : vector<16xf32>
          %add3A_1495 = arith.addf %add3A_1493, %mul3A_1494 : vector<16xf32>
          %broadcast_in_dim3A_1496 = arith.constant 4 : i32
          %broadcast_in_dim3A_1497 = vector.broadcast %broadcast_in_dim3A_1496 : i32 to vector<16xi32>
          %gather3A_1498 = tpu.vector_load_idx %arg10[%add3A_1453, %broadcast_in_dim3A_1497] : memref<4096x16xi32, #tpu.memory_space<vmem>>[vector<16xi32>, vector<16xi32>], vector<16xi32>,
          %bitcast3A_1499 = vector.bitcast %gather3A_1498 : vector<16xi32> to vector<32xbf16>
          %unpack3A_1500 = tpu.unpack_subelements %bitcast3A_1499, 0 {pack_format = #tpu.pack_format<interleaved>} : vector<32xbf16> -> vector<16xf32>
          %unpack3A_1501 = tpu.unpack_subelements %bitcast3A_1499, 1 {pack_format = #tpu.pack_format<interleaved>} : vector<32xbf16> -> vector<16xf32>
          %mul3A_1502 = arith.mulf %mul3A_64, %unpack3A_1500 : vector<16xf32>
          %add3A_1503 = arith.addf %add3A_1495, %mul3A_1502 : vector<16xf32>
          %mul3A_1504 = arith.mulf %mul3A_68, %unpack3A_1501 : vector<16xf32>
          %add3A_1505 = arith.addf %add3A_1503, %mul3A_1504 : vector<16xf32>
          %broadcast_in_dim3A_1506 = arith.constant 5 : i32
          %broadcast_in_dim3A_1507 = vector.broadcast %broadcast_in_dim3A_1506 : i32 to vector<16xi32>
          %gather3A_1508 = tpu.vector_load_idx %arg10[%add3A_1453, %broadcast_in_dim3A_1507] : memref<4096x16xi32, #tpu.memory_space<vmem>>[vector<16xi32>, vector<16xi32>], vector<16xi32>,
          %bitcast3A_1509 = vector.bitcast %gather3A_1508 : vector<16xi32> to vector<32xbf16>
          %unpack3A_1510 = tpu.unpack_subelements %bitcast3A_1509, 0 {pack_format = #tpu.pack_format<interleaved>} : vector<32xbf16> -> vector<16xf32>
          %unpack3A_1511 = tpu.unpack_subelements %bitcast3A_1509, 1 {pack_format = #tpu.pack_format<interleaved>} : vector<32xbf16> -> vector<16xf32>
          %mul3A_1512 = arith.mulf %mul3A_74, %unpack3A_1510 : vector<16xf32>
          %add3A_1513 = arith.addf %add3A_1505, %mul3A_1512 : vector<16xf32>
          %mul3A_1514 = arith.mulf %broadcast_in_dim3A_37, %unpack3A_1511 : vector<16xf32>
          %add3A_1515 = arith.addf %broadcast_in_dim3A_1463, %mul3A_1514 : vector<16xf32>
          %broadcast_in_dim3A_1516 = arith.constant 6 : i32
          %broadcast_in_dim3A_1517 = vector.broadcast %broadcast_in_dim3A_1516 : i32 to vector<16xi32>
          %gather3A_1518 = tpu.vector_load_idx %arg10[%add3A_1453, %broadcast_in_dim3A_1517] : memref<4096x16xi32, #tpu.memory_space<vmem>>[vector<16xi32>, vector<16xi32>], vector<16xi32>,
          %bitcast3A_1519 = vector.bitcast %gather3A_1518 : vector<16xi32> to vector<32xbf16>
          %unpack3A_1520 = tpu.unpack_subelements %bitcast3A_1519, 0 {pack_format = #tpu.pack_format<interleaved>} : vector<32xbf16> -> vector<16xf32>
          %unpack3A_1521 = tpu.unpack_subelements %bitcast3A_1519, 1 {pack_format = #tpu.pack_format<interleaved>} : vector<32xbf16> -> vector<16xf32>
          %mul3A_1522 = arith.mulf %mul3A_40, %unpack3A_1520 : vector<16xf32>
          %add3A_1523 = arith.addf %add3A_1515, %mul3A_1522 : vector<16xf32>
          %mul3A_1524 = arith.mulf %mul3A_43, %unpack3A_1521 : vector<16xf32>
          %add3A_1525 = arith.addf %add3A_1523, %mul3A_1524 : vector<16xf32>
          %broadcast_in_dim3A_1526 = arith.constant 7 : i32
          %broadcast_in_dim3A_1527 = vector.broadcast %broadcast_in_dim3A_1526 : i32 to vector<16xi32>
          %gather3A_1528 = tpu.vector_load_idx %arg10[%add3A_1453, %broadcast_in_dim3A_1527] : memref<4096x16xi32, #tpu.memory_space<vmem>>[vector<16xi32>, vector<16xi32>], vector<16xi32>,
          %bitcast3A_1529 = vector.bitcast %gather3A_1528 : vector<16xi32> to vector<32xbf16>
          %unpack3A_1530 = tpu.unpack_subelements %bitcast3A_1529, 0 {pack_format = #tpu.pack_format<interleaved>} : vector<32xbf16> -> vector<16xf32>
          %unpack3A_1531 = tpu.unpack_subelements %bitcast3A_1529, 1 {pack_format = #tpu.pack_format<interleaved>} : vector<32xbf16> -> vector<16xf32>
          %mul3A_1532 = arith.mulf %mul3A_46, %unpack3A_1530 : vector<16xf32>
          %add3A_1533 = arith.addf %add3A_1525, %mul3A_1532 : vector<16xf32>
          %mul3A_1534 = arith.mulf %mul3A_50, %unpack3A_1531 : vector<16xf32>
          %add3A_1535 = arith.addf %add3A_1533, %mul3A_1534 : vector<16xf32>
          %broadcast_in_dim3A_1536 = arith.constant 8 : i32
          %broadcast_in_dim3A_1537 = vector.broadcast %broadcast_in_dim3A_1536 : i32 to vector<16xi32>
          %gather3A_1538 = tpu.vector_load_idx %arg10[%add3A_1453, %broadcast_in_dim3A_1537] : memref<4096x16xi32, #tpu.memory_space<vmem>>[vector<16xi32>, vector<16xi32>], vector<16xi32>,
          %bitcast3A_1539 = vector.bitcast %gather3A_1538 : vector<16xi32> to vector<32xbf16>
          %unpack3A_1540 = tpu.unpack_subelements %bitcast3A_1539, 0 {pack_format = #tpu.pack_format<interleaved>} : vector<32xbf16> -> vector<16xf32>
          %unpack3A_1541 = tpu.unpack_subelements %bitcast3A_1539, 1 {pack_format = #tpu.pack_format<interleaved>} : vector<32xbf16> -> vector<16xf32>
          %mul3A_1542 = arith.mulf %mul3A_54, %unpack3A_1540 : vector<16xf32>
          %add3A_1543 = arith.addf %add3A_1535, %mul3A_1542 : vector<16xf32>
          %mul3A_1544 = arith.mulf %mul3A_64, %unpack3A_1541 : vector<16xf32>
          %add3A_1545 = arith.addf %add3A_1543, %mul3A_1544 : vector<16xf32>
          %broadcast_in_dim3A_1546 = arith.constant 9 : i32
          %broadcast_in_dim3A_1547 = vector.broadcast %broadcast_in_dim3A_1546 : i32 to vector<16xi32>
          %gather3A_1548 = tpu.vector_load_idx %arg10[%add3A_1453, %broadcast_in_dim3A_1547] : memref<4096x16xi32, #tpu.memory_space<vmem>>[vector<16xi32>, vector<16xi32>], vector<16xi32>,
          %bitcast3A_1549 = vector.bitcast %gather3A_1548 : vector<16xi32> to vector<32xbf16>
          %unpack3A_1550 = tpu.unpack_subelements %bitcast3A_1549, 0 {pack_format = #tpu.pack_format<interleaved>} : vector<32xbf16> -> vector<16xf32>
          %unpack3A_1551 = tpu.unpack_subelements %bitcast3A_1549, 1 {pack_format = #tpu.pack_format<interleaved>} : vector<32xbf16> -> vector<16xf32>
          %mul3A_1552 = arith.mulf %mul3A_68, %unpack3A_1550 : vector<16xf32>
          %add3A_1553 = arith.addf %add3A_1545, %mul3A_1552 : vector<16xf32>
          %mul3A_1554 = arith.mulf %mul3A_74, %unpack3A_1551 : vector<16xf32>
          %add3A_1555 = arith.addf %add3A_1553, %mul3A_1554 : vector<16xf32>
          %broadcast_in_dim3A_1556 = arith.constant 10 : i32
          %broadcast_in_dim3A_1557 = vector.broadcast %broadcast_in_dim3A_1556 : i32 to vector<16xi32>
          %gather3A_1558 = tpu.vector_load_idx %arg10[%add3A_1453, %broadcast_in_dim3A_1557] : memref<4096x16xi32, #tpu.memory_space<vmem>>[vector<16xi32>, vector<16xi32>], vector<16xi32>,
          %bitcast3A_1559 = vector.bitcast %gather3A_1558 : vector<16xi32> to vector<32xbf16>
          %unpack3A_1560 = tpu.unpack_subelements %bitcast3A_1559, 0 {pack_format = #tpu.pack_format<interleaved>} : vector<32xbf16> -> vector<16xf32>
          %unpack3A_1561 = tpu.unpack_subelements %bitcast3A_1559, 1 {pack_format = #tpu.pack_format<interleaved>} : vector<32xbf16> -> vector<16xf32>
          %mul3A_1562 = arith.mulf %broadcast_in_dim3A_37, %unpack3A_1560 : vector<16xf32>
          %add3A_1563 = arith.addf %broadcast_in_dim3A_1465, %mul3A_1562 : vector<16xf32>
          %mul3A_1564 = arith.mulf %mul3A_40, %unpack3A_1561 : vector<16xf32>
          %add3A_1565 = arith.addf %add3A_1563, %mul3A_1564 : vector<16xf32>
          %broadcast_in_dim3A_1566 = arith.constant 11 : i32
          %broadcast_in_dim3A_1567 = vector.broadcast %broadcast_in_dim3A_1566 : i32 to vector<16xi32>
          %gather3A_1568 = tpu.vector_load_idx %arg10[%add3A_1453, %broadcast_in_dim3A_1567] : memref<4096x16xi32, #tpu.memory_space<vmem>>[vector<16xi32>, vector<16xi32>], vector<16xi32>,
          %bitcast3A_1569 = vector.bitcast %gather3A_1568 : vector<16xi32> to vector<32xbf16>
          %unpack3A_1570 = tpu.unpack_subelements %bitcast3A_1569, 0 {pack_format = #tpu.pack_format<interleaved>} : vector<32xbf16> -> vector<16xf32>
          %unpack3A_1571 = tpu.unpack_subelements %bitcast3A_1569, 1 {pack_format = #tpu.pack_format<interleaved>} : vector<32xbf16> -> vector<16xf32>
          %mul3A_1572 = arith.mulf %mul3A_43, %unpack3A_1570 : vector<16xf32>
          %add3A_1573 = arith.addf %add3A_1565, %mul3A_1572 : vector<16xf32>
          %mul3A_1574 = arith.mulf %mul3A_46, %unpack3A_1571 : vector<16xf32>
          %add3A_1575 = arith.addf %add3A_1573, %mul3A_1574 : vector<16xf32>
          %broadcast_in_dim3A_1576 = arith.constant 12 : i32
          %broadcast_in_dim3A_1577 = vector.broadcast %broadcast_in_dim3A_1576 : i32 to vector<16xi32>
          %gather3A_1578 = tpu.vector_load_idx %arg10[%add3A_1453, %broadcast_in_dim3A_1577] : memref<4096x16xi32, #tpu.memory_space<vmem>>[vector<16xi32>, vector<16xi32>], vector<16xi32>,
          %bitcast3A_1579 = vector.bitcast %gather3A_1578 : vector<16xi32> to vector<32xbf16>
          %unpack3A_1580 = tpu.unpack_subelements %bitcast3A_1579, 0 {pack_format = #tpu.pack_format<interleaved>} : vector<32xbf16> -> vector<16xf32>
          %unpack3A_1581 = tpu.unpack_subelements %bitcast3A_1579, 1 {pack_format = #tpu.pack_format<interleaved>} : vector<32xbf16> -> vector<16xf32>
          %mul3A_1582 = arith.mulf %mul3A_50, %unpack3A_1580 : vector<16xf32>
          %add3A_1583 = arith.addf %add3A_1575, %mul3A_1582 : vector<16xf32>
          %mul3A_1584 = arith.mulf %mul3A_54, %unpack3A_1581 : vector<16xf32>
          %add3A_1585 = arith.addf %add3A_1583, %mul3A_1584 : vector<16xf32>
          %broadcast_in_dim3A_1586 = arith.constant 13 : i32
          %broadcast_in_dim3A_1587 = vector.broadcast %broadcast_in_dim3A_1586 : i32 to vector<16xi32>
          %gather3A_1588 = tpu.vector_load_idx %arg10[%add3A_1453, %broadcast_in_dim3A_1587] : memref<4096x16xi32, #tpu.memory_space<vmem>>[vector<16xi32>, vector<16xi32>], vector<16xi32>,
          %bitcast3A_1589 = vector.bitcast %gather3A_1588 : vector<16xi32> to vector<32xbf16>
          %unpack3A_1590 = tpu.unpack_subelements %bitcast3A_1589, 0 {pack_format = #tpu.pack_format<interleaved>} : vector<32xbf16> -> vector<16xf32>
          %unpack3A_1591 = tpu.unpack_subelements %bitcast3A_1589, 1 {pack_format = #tpu.pack_format<interleaved>} : vector<32xbf16> -> vector<16xf32>
          %mul3A_1592 = arith.mulf %mul3A_64, %unpack3A_1590 : vector<16xf32>
          %add3A_1593 = arith.addf %add3A_1585, %mul3A_1592 : vector<16xf32>
          %mul3A_1594 = arith.mulf %mul3A_68, %unpack3A_1591 : vector<16xf32>
          %add3A_1595 = arith.addf %add3A_1593, %mul3A_1594 : vector<16xf32>
          %broadcast_in_dim3A_1596 = arith.constant 14 : i32
          %broadcast_in_dim3A_1597 = vector.broadcast %broadcast_in_dim3A_1596 : i32 to vector<16xi32>
          %gather3A_1598 = tpu.vector_load_idx %arg10[%add3A_1453, %broadcast_in_dim3A_1597] : memref<4096x16xi32, #tpu.memory_space<vmem>>[vector<16xi32>, vector<16xi32>], vector<16xi32>,
          %bitcast3A_1599 = vector.bitcast %gather3A_1598 : vector<16xi32> to vector<32xbf16>
          %unpack3A_1600 = tpu.unpack_subelements %bitcast3A_1599, 0 {pack_format = #tpu.pack_format<interleaved>} : vector<32xbf16> -> vector<16xf32>
          %unpack3A_1601 = tpu.unpack_subelements %bitcast3A_1599, 1 {pack_format = #tpu.pack_format<interleaved>} : vector<32xbf16> -> vector<16xf32>
          %mul3A_1602 = arith.mulf %mul3A_74, %unpack3A_1600 : vector<16xf32>
          %add3A_1603 = arith.addf %add3A_1595, %mul3A_1602 : vector<16xf32>
          %mul3A_1604 = arith.mulf %get3A_1449, %add3A_1513 : vector<16xf32>
          %add3A_1605 = arith.addf %add3A_1439, %mul3A_1604 : vector<16xf32>
          %mul3A_1606 = arith.mulf %get3A_1449, %add3A_1555 : vector<16xf32>
          %add3A_1607 = arith.addf %add3A_1441, %mul3A_1606 : vector<16xf32>
          %mul3A_1608 = arith.mulf %get3A_1449, %add3A_1603 : vector<16xf32>
          %add3A_1609 = arith.addf %add3A_1443, %mul3A_1608 : vector<16xf32>
          %mul3A_1610 = arith.constant 16 : i32
          %mul3A_1611 = arith.muli %and3A_271, %mul3A_1610 : i32
          %add3A_1612 = arith.addi %mul3A_1611, %scan3A_599 : i32
          %get3A_1613 = arith.index_cast %add3A_1612 : i32 to index
          %get3A_1614 = arith.constant 96 : index
          %get3A_1615 = tpu.vector_load %arg9[%get3A_1613, %get3A_1614] {strides = array<i32>} : memref<32x128xf32, #tpu.memory_space<vmem>>, vector<16xf32>,
          %add3A_1616 = arith.constant 96 : i32
          %add3A_1617 = arith.addi %mul3A_616, %add3A_1616 : i32
          %add3A_1618 = vector.broadcast %add3A_1617 : i32 to vector<16xi32>
          %add3A_1619 = arith.addi %add3A_1618, %iota3A : vector<16xi32>
          %broadcast_in_dim3A_1620 = arith.constant 0 : i32
          %broadcast_in_dim3A_1621 = vector.broadcast %broadcast_in_dim3A_1620 : i32 to vector<16xi32>
          %gather3A_1622 = tpu.vector_load_idx %arg10[%add3A_1619, %broadcast_in_dim3A_1621] : memref<4096x16xi32, #tpu.memory_space<vmem>>[vector<16xi32>, vector<16xi32>], vector<16xi32>,
          %bitcast3A_1623 = vector.bitcast %gather3A_1622 : vector<16xi32> to vector<16xf32>
          %mul3A_1624 = arith.mulf %get3A_1615, %bitcast3A_1623 : vector<16xf32>
          %add3A_1625 = arith.addf %add3A_1459, %mul3A_1624 : vector<16xf32>
          %broadcast_in_dim3A_1626 = arith.constant 0.000000e+00 : f32
          %broadcast_in_dim3A_1627 = vector.broadcast %broadcast_in_dim3A_1626 : f32 to vector<16xf32>
          %broadcast_in_dim3A_1628 = arith.constant 0.000000e+00 : f32
          %broadcast_in_dim3A_1629 = vector.broadcast %broadcast_in_dim3A_1628 : f32 to vector<16xf32>
          %broadcast_in_dim3A_1630 = arith.constant 0.000000e+00 : f32
          %broadcast_in_dim3A_1631 = vector.broadcast %broadcast_in_dim3A_1630 : f32 to vector<16xf32>
          %broadcast_in_dim3A_1632 = arith.constant 1 : i32
          %broadcast_in_dim3A_1633 = vector.broadcast %broadcast_in_dim3A_1632 : i32 to vector<16xi32>
          %gather3A_1634 = tpu.vector_load_idx %arg10[%add3A_1619, %broadcast_in_dim3A_1633] : memref<4096x16xi32, #tpu.memory_space<vmem>>[vector<16xi32>, vector<16xi32>], vector<16xi32>,
          %bitcast3A_1635 = vector.bitcast %gather3A_1634 : vector<16xi32> to vector<32xbf16>
          %unpack3A_1636 = tpu.unpack_subelements %bitcast3A_1635, 0 {pack_format = #tpu.pack_format<interleaved>} : vector<32xbf16> -> vector<16xf32>
          %unpack3A_1637 = tpu.unpack_subelements %bitcast3A_1635, 1 {pack_format = #tpu.pack_format<interleaved>} : vector<32xbf16> -> vector<16xf32>
          %mul3A_1638 = arith.mulf %broadcast_in_dim3A_37, %unpack3A_1636 : vector<16xf32>
          %add3A_1639 = arith.addf %broadcast_in_dim3A_1627, %mul3A_1638 : vector<16xf32>
          %mul3A_1640 = arith.mulf %mul3A_40, %unpack3A_1637 : vector<16xf32>
          %add3A_1641 = arith.addf %add3A_1639, %mul3A_1640 : vector<16xf32>
          %broadcast_in_dim3A_1642 = arith.constant 2 : i32
          %broadcast_in_dim3A_1643 = vector.broadcast %broadcast_in_dim3A_1642 : i32 to vector<16xi32>
          %gather3A_1644 = tpu.vector_load_idx %arg10[%add3A_1619, %broadcast_in_dim3A_1643] : memref<4096x16xi32, #tpu.memory_space<vmem>>[vector<16xi32>, vector<16xi32>], vector<16xi32>,
          %bitcast3A_1645 = vector.bitcast %gather3A_1644 : vector<16xi32> to vector<32xbf16>
          %unpack3A_1646 = tpu.unpack_subelements %bitcast3A_1645, 0 {pack_format = #tpu.pack_format<interleaved>} : vector<32xbf16> -> vector<16xf32>
          %unpack3A_1647 = tpu.unpack_subelements %bitcast3A_1645, 1 {pack_format = #tpu.pack_format<interleaved>} : vector<32xbf16> -> vector<16xf32>
          %mul3A_1648 = arith.mulf %mul3A_43, %unpack3A_1646 : vector<16xf32>
          %add3A_1649 = arith.addf %add3A_1641, %mul3A_1648 : vector<16xf32>
          %mul3A_1650 = arith.mulf %mul3A_46, %unpack3A_1647 : vector<16xf32>
          %add3A_1651 = arith.addf %add3A_1649, %mul3A_1650 : vector<16xf32>
          %broadcast_in_dim3A_1652 = arith.constant 3 : i32
          %broadcast_in_dim3A_1653 = vector.broadcast %broadcast_in_dim3A_1652 : i32 to vector<16xi32>
          %gather3A_1654 = tpu.vector_load_idx %arg10[%add3A_1619, %broadcast_in_dim3A_1653] : memref<4096x16xi32, #tpu.memory_space<vmem>>[vector<16xi32>, vector<16xi32>], vector<16xi32>,
          %bitcast3A_1655 = vector.bitcast %gather3A_1654 : vector<16xi32> to vector<32xbf16>
          %unpack3A_1656 = tpu.unpack_subelements %bitcast3A_1655, 0 {pack_format = #tpu.pack_format<interleaved>} : vector<32xbf16> -> vector<16xf32>
          %unpack3A_1657 = tpu.unpack_subelements %bitcast3A_1655, 1 {pack_format = #tpu.pack_format<interleaved>} : vector<32xbf16> -> vector<16xf32>
          %mul3A_1658 = arith.mulf %mul3A_50, %unpack3A_1656 : vector<16xf32>
          %add3A_1659 = arith.addf %add3A_1651, %mul3A_1658 : vector<16xf32>
          %mul3A_1660 = arith.mulf %mul3A_54, %unpack3A_1657 : vector<16xf32>
          %add3A_1661 = arith.addf %add3A_1659, %mul3A_1660 : vector<16xf32>
          %broadcast_in_dim3A_1662 = arith.constant 4 : i32
          %broadcast_in_dim3A_1663 = vector.broadcast %broadcast_in_dim3A_1662 : i32 to vector<16xi32>
          %gather3A_1664 = tpu.vector_load_idx %arg10[%add3A_1619, %broadcast_in_dim3A_1663] : memref<4096x16xi32, #tpu.memory_space<vmem>>[vector<16xi32>, vector<16xi32>], vector<16xi32>,
          %bitcast3A_1665 = vector.bitcast %gather3A_1664 : vector<16xi32> to vector<32xbf16>
          %unpack3A_1666 = tpu.unpack_subelements %bitcast3A_1665, 0 {pack_format = #tpu.pack_format<interleaved>} : vector<32xbf16> -> vector<16xf32>
          %unpack3A_1667 = tpu.unpack_subelements %bitcast3A_1665, 1 {pack_format = #tpu.pack_format<interleaved>} : vector<32xbf16> -> vector<16xf32>
          %mul3A_1668 = arith.mulf %mul3A_64, %unpack3A_1666 : vector<16xf32>
          %add3A_1669 = arith.addf %add3A_1661, %mul3A_1668 : vector<16xf32>
          %mul3A_1670 = arith.mulf %mul3A_68, %unpack3A_1667 : vector<16xf32>
          %add3A_1671 = arith.addf %add3A_1669, %mul3A_1670 : vector<16xf32>
          %broadcast_in_dim3A_1672 = arith.constant 5 : i32
          %broadcast_in_dim3A_1673 = vector.broadcast %broadcast_in_dim3A_1672 : i32 to vector<16xi32>
          %gather3A_1674 = tpu.vector_load_idx %arg10[%add3A_1619, %broadcast_in_dim3A_1673] : memref<4096x16xi32, #tpu.memory_space<vmem>>[vector<16xi32>, vector<16xi32>], vector<16xi32>,
          %bitcast3A_1675 = vector.bitcast %gather3A_1674 : vector<16xi32> to vector<32xbf16>
          %unpack3A_1676 = tpu.unpack_subelements %bitcast3A_1675, 0 {pack_format = #tpu.pack_format<interleaved>} : vector<32xbf16> -> vector<16xf32>
          %unpack3A_1677 = tpu.unpack_subelements %bitcast3A_1675, 1 {pack_format = #tpu.pack_format<interleaved>} : vector<32xbf16> -> vector<16xf32>
          %mul3A_1678 = arith.mulf %mul3A_74, %unpack3A_1676 : vector<16xf32>
          %add3A_1679 = arith.addf %add3A_1671, %mul3A_1678 : vector<16xf32>
          %mul3A_1680 = arith.mulf %broadcast_in_dim3A_37, %unpack3A_1677 : vector<16xf32>
          %add3A_1681 = arith.addf %broadcast_in_dim3A_1629, %mul3A_1680 : vector<16xf32>
          %broadcast_in_dim3A_1682 = arith.constant 6 : i32
          %broadcast_in_dim3A_1683 = vector.broadcast %broadcast_in_dim3A_1682 : i32 to vector<16xi32>
          %gather3A_1684 = tpu.vector_load_idx %arg10[%add3A_1619, %broadcast_in_dim3A_1683] : memref<4096x16xi32, #tpu.memory_space<vmem>>[vector<16xi32>, vector<16xi32>], vector<16xi32>,
          %bitcast3A_1685 = vector.bitcast %gather3A_1684 : vector<16xi32> to vector<32xbf16>
          %unpack3A_1686 = tpu.unpack_subelements %bitcast3A_1685, 0 {pack_format = #tpu.pack_format<interleaved>} : vector<32xbf16> -> vector<16xf32>
          %unpack3A_1687 = tpu.unpack_subelements %bitcast3A_1685, 1 {pack_format = #tpu.pack_format<interleaved>} : vector<32xbf16> -> vector<16xf32>
          %mul3A_1688 = arith.mulf %mul3A_40, %unpack3A_1686 : vector<16xf32>
          %add3A_1689 = arith.addf %add3A_1681, %mul3A_1688 : vector<16xf32>
          %mul3A_1690 = arith.mulf %mul3A_43, %unpack3A_1687 : vector<16xf32>
          %add3A_1691 = arith.addf %add3A_1689, %mul3A_1690 : vector<16xf32>
          %broadcast_in_dim3A_1692 = arith.constant 7 : i32
          %broadcast_in_dim3A_1693 = vector.broadcast %broadcast_in_dim3A_1692 : i32 to vector<16xi32>
          %gather3A_1694 = tpu.vector_load_idx %arg10[%add3A_1619, %broadcast_in_dim3A_1693] : memref<4096x16xi32, #tpu.memory_space<vmem>>[vector<16xi32>, vector<16xi32>], vector<16xi32>,
          %bitcast3A_1695 = vector.bitcast %gather3A_1694 : vector<16xi32> to vector<32xbf16>
          %unpack3A_1696 = tpu.unpack_subelements %bitcast3A_1695, 0 {pack_format = #tpu.pack_format<interleaved>} : vector<32xbf16> -> vector<16xf32>
          %unpack3A_1697 = tpu.unpack_subelements %bitcast3A_1695, 1 {pack_format = #tpu.pack_format<interleaved>} : vector<32xbf16> -> vector<16xf32>
          %mul3A_1698 = arith.mulf %mul3A_46, %unpack3A_1696 : vector<16xf32>
          %add3A_1699 = arith.addf %add3A_1691, %mul3A_1698 : vector<16xf32>
          %mul3A_1700 = arith.mulf %mul3A_50, %unpack3A_1697 : vector<16xf32>
          %add3A_1701 = arith.addf %add3A_1699, %mul3A_1700 : vector<16xf32>
          %broadcast_in_dim3A_1702 = arith.constant 8 : i32
          %broadcast_in_dim3A_1703 = vector.broadcast %broadcast_in_dim3A_1702 : i32 to vector<16xi32>
          %gather3A_1704 = tpu.vector_load_idx %arg10[%add3A_1619, %broadcast_in_dim3A_1703] : memref<4096x16xi32, #tpu.memory_space<vmem>>[vector<16xi32>, vector<16xi32>], vector<16xi32>,
          %bitcast3A_1705 = vector.bitcast %gather3A_1704 : vector<16xi32> to vector<32xbf16>
          %unpack3A_1706 = tpu.unpack_subelements %bitcast3A_1705, 0 {pack_format = #tpu.pack_format<interleaved>} : vector<32xbf16> -> vector<16xf32>
          %unpack3A_1707 = tpu.unpack_subelements %bitcast3A_1705, 1 {pack_format = #tpu.pack_format<interleaved>} : vector<32xbf16> -> vector<16xf32>
          %mul3A_1708 = arith.mulf %mul3A_54, %unpack3A_1706 : vector<16xf32>
          %add3A_1709 = arith.addf %add3A_1701, %mul3A_1708 : vector<16xf32>
          %mul3A_1710 = arith.mulf %mul3A_64, %unpack3A_1707 : vector<16xf32>
          %add3A_1711 = arith.addf %add3A_1709, %mul3A_1710 : vector<16xf32>
          %broadcast_in_dim3A_1712 = arith.constant 9 : i32
          %broadcast_in_dim3A_1713 = vector.broadcast %broadcast_in_dim3A_1712 : i32 to vector<16xi32>
          %gather3A_1714 = tpu.vector_load_idx %arg10[%add3A_1619, %broadcast_in_dim3A_1713] : memref<4096x16xi32, #tpu.memory_space<vmem>>[vector<16xi32>, vector<16xi32>], vector<16xi32>,
          %bitcast3A_1715 = vector.bitcast %gather3A_1714 : vector<16xi32> to vector<32xbf16>
          %unpack3A_1716 = tpu.unpack_subelements %bitcast3A_1715, 0 {pack_format = #tpu.pack_format<interleaved>} : vector<32xbf16> -> vector<16xf32>
          %unpack3A_1717 = tpu.unpack_subelements %bitcast3A_1715, 1 {pack_format = #tpu.pack_format<interleaved>} : vector<32xbf16> -> vector<16xf32>
          %mul3A_1718 = arith.mulf %mul3A_68, %unpack3A_1716 : vector<16xf32>
          %add3A_1719 = arith.addf %add3A_1711, %mul3A_1718 : vector<16xf32>
          %mul3A_1720 = arith.mulf %mul3A_74, %unpack3A_1717 : vector<16xf32>
          %add3A_1721 = arith.addf %add3A_1719, %mul3A_1720 : vector<16xf32>
          %broadcast_in_dim3A_1722 = arith.constant 10 : i32
          %broadcast_in_dim3A_1723 = vector.broadcast %broadcast_in_dim3A_1722 : i32 to vector<16xi32>
          %gather3A_1724 = tpu.vector_load_idx %arg10[%add3A_1619, %broadcast_in_dim3A_1723] : memref<4096x16xi32, #tpu.memory_space<vmem>>[vector<16xi32>, vector<16xi32>], vector<16xi32>,
          %bitcast3A_1725 = vector.bitcast %gather3A_1724 : vector<16xi32> to vector<32xbf16>
          %unpack3A_1726 = tpu.unpack_subelements %bitcast3A_1725, 0 {pack_format = #tpu.pack_format<interleaved>} : vector<32xbf16> -> vector<16xf32>
          %unpack3A_1727 = tpu.unpack_subelements %bitcast3A_1725, 1 {pack_format = #tpu.pack_format<interleaved>} : vector<32xbf16> -> vector<16xf32>
          %mul3A_1728 = arith.mulf %broadcast_in_dim3A_37, %unpack3A_1726 : vector<16xf32>
          %add3A_1729 = arith.addf %broadcast_in_dim3A_1631, %mul3A_1728 : vector<16xf32>
          %mul3A_1730 = arith.mulf %mul3A_40, %unpack3A_1727 : vector<16xf32>
          %add3A_1731 = arith.addf %add3A_1729, %mul3A_1730 : vector<16xf32>
          %broadcast_in_dim3A_1732 = arith.constant 11 : i32
          %broadcast_in_dim3A_1733 = vector.broadcast %broadcast_in_dim3A_1732 : i32 to vector<16xi32>
          %gather3A_1734 = tpu.vector_load_idx %arg10[%add3A_1619, %broadcast_in_dim3A_1733] : memref<4096x16xi32, #tpu.memory_space<vmem>>[vector<16xi32>, vector<16xi32>], vector<16xi32>,
          %bitcast3A_1735 = vector.bitcast %gather3A_1734 : vector<16xi32> to vector<32xbf16>
          %unpack3A_1736 = tpu.unpack_subelements %bitcast3A_1735, 0 {pack_format = #tpu.pack_format<interleaved>} : vector<32xbf16> -> vector<16xf32>
          %unpack3A_1737 = tpu.unpack_subelements %bitcast3A_1735, 1 {pack_format = #tpu.pack_format<interleaved>} : vector<32xbf16> -> vector<16xf32>
          %mul3A_1738 = arith.mulf %mul3A_43, %unpack3A_1736 : vector<16xf32>
          %add3A_1739 = arith.addf %add3A_1731, %mul3A_1738 : vector<16xf32>
          %mul3A_1740 = arith.mulf %mul3A_46, %unpack3A_1737 : vector<16xf32>
          %add3A_1741 = arith.addf %add3A_1739, %mul3A_1740 : vector<16xf32>
          %broadcast_in_dim3A_1742 = arith.constant 12 : i32
          %broadcast_in_dim3A_1743 = vector.broadcast %broadcast_in_dim3A_1742 : i32 to vector<16xi32>
          %gather3A_1744 = tpu.vector_load_idx %arg10[%add3A_1619, %broadcast_in_dim3A_1743] : memref<4096x16xi32, #tpu.memory_space<vmem>>[vector<16xi32>, vector<16xi32>], vector<16xi32>,
          %bitcast3A_1745 = vector.bitcast %gather3A_1744 : vector<16xi32> to vector<32xbf16>
          %unpack3A_1746 = tpu.unpack_subelements %bitcast3A_1745, 0 {pack_format = #tpu.pack_format<interleaved>} : vector<32xbf16> -> vector<16xf32>
          %unpack3A_1747 = tpu.unpack_subelements %bitcast3A_1745, 1 {pack_format = #tpu.pack_format<interleaved>} : vector<32xbf16> -> vector<16xf32>
          %mul3A_1748 = arith.mulf %mul3A_50, %unpack3A_1746 : vector<16xf32>
          %add3A_1749 = arith.addf %add3A_1741, %mul3A_1748 : vector<16xf32>
          %mul3A_1750 = arith.mulf %mul3A_54, %unpack3A_1747 : vector<16xf32>
          %add3A_1751 = arith.addf %add3A_1749, %mul3A_1750 : vector<16xf32>
          %broadcast_in_dim3A_1752 = arith.constant 13 : i32
          %broadcast_in_dim3A_1753 = vector.broadcast %broadcast_in_dim3A_1752 : i32 to vector<16xi32>
          %gather3A_1754 = tpu.vector_load_idx %arg10[%add3A_1619, %broadcast_in_dim3A_1753] : memref<4096x16xi32, #tpu.memory_space<vmem>>[vector<16xi32>, vector<16xi32>], vector<16xi32>,
          %bitcast3A_1755 = vector.bitcast %gather3A_1754 : vector<16xi32> to vector<32xbf16>
          %unpack3A_1756 = tpu.unpack_subelements %bitcast3A_1755, 0 {pack_format = #tpu.pack_format<interleaved>} : vector<32xbf16> -> vector<16xf32>
          %unpack3A_1757 = tpu.unpack_subelements %bitcast3A_1755, 1 {pack_format = #tpu.pack_format<interleaved>} : vector<32xbf16> -> vector<16xf32>
          %mul3A_1758 = arith.mulf %mul3A_64, %unpack3A_1756 : vector<16xf32>
          %add3A_1759 = arith.addf %add3A_1751, %mul3A_1758 : vector<16xf32>
          %mul3A_1760 = arith.mulf %mul3A_68, %unpack3A_1757 : vector<16xf32>
          %add3A_1761 = arith.addf %add3A_1759, %mul3A_1760 : vector<16xf32>
          %broadcast_in_dim3A_1762 = arith.constant 14 : i32
          %broadcast_in_dim3A_1763 = vector.broadcast %broadcast_in_dim3A_1762 : i32 to vector<16xi32>
          %gather3A_1764 = tpu.vector_load_idx %arg10[%add3A_1619, %broadcast_in_dim3A_1763] : memref<4096x16xi32, #tpu.memory_space<vmem>>[vector<16xi32>, vector<16xi32>], vector<16xi32>,
          %bitcast3A_1765 = vector.bitcast %gather3A_1764 : vector<16xi32> to vector<32xbf16>
          %unpack3A_1766 = tpu.unpack_subelements %bitcast3A_1765, 0 {pack_format = #tpu.pack_format<interleaved>} : vector<32xbf16> -> vector<16xf32>
          %unpack3A_1767 = tpu.unpack_subelements %bitcast3A_1765, 1 {pack_format = #tpu.pack_format<interleaved>} : vector<32xbf16> -> vector<16xf32>
          %mul3A_1768 = arith.mulf %mul3A_74, %unpack3A_1766 : vector<16xf32>
          %add3A_1769 = arith.addf %add3A_1761, %mul3A_1768 : vector<16xf32>
          %mul3A_1770 = arith.mulf %get3A_1615, %add3A_1679 : vector<16xf32>
          %add3A_1771 = arith.addf %add3A_1605, %mul3A_1770 : vector<16xf32>
          %mul3A_1772 = arith.mulf %get3A_1615, %add3A_1721 : vector<16xf32>
          %add3A_1773 = arith.addf %add3A_1607, %mul3A_1772 : vector<16xf32>
          %mul3A_1774 = arith.mulf %get3A_1615, %add3A_1769 : vector<16xf32>
          %add3A_1775 = arith.addf %add3A_1609, %mul3A_1774 : vector<16xf32>
          %mul3A_1776 = arith.constant 16 : i32
          %mul3A_1777 = arith.muli %and3A_271, %mul3A_1776 : i32
          %add3A_1778 = arith.addi %mul3A_1777, %scan3A_599 : i32
          %get3A_1779 = arith.index_cast %add3A_1778 : i32 to index
          %get3A_1780 = arith.constant 112 : index
          %get3A_1781 = tpu.vector_load %arg9[%get3A_1779, %get3A_1780] {strides = array<i32>} : memref<32x128xf32, #tpu.memory_space<vmem>>, vector<16xf32>,
          %add3A_1782 = arith.constant 112 : i32
          %add3A_1783 = arith.addi %mul3A_616, %add3A_1782 : i32
          %add3A_1784 = vector.broadcast %add3A_1783 : i32 to vector<16xi32>
          %add3A_1785 = arith.addi %add3A_1784, %iota3A : vector<16xi32>
          %broadcast_in_dim3A_1786 = arith.constant 0 : i32
          %broadcast_in_dim3A_1787 = vector.broadcast %broadcast_in_dim3A_1786 : i32 to vector<16xi32>
          %gather3A_1788 = tpu.vector_load_idx %arg10[%add3A_1785, %broadcast_in_dim3A_1787] : memref<4096x16xi32, #tpu.memory_space<vmem>>[vector<16xi32>, vector<16xi32>], vector<16xi32>,
          %bitcast3A_1789 = vector.bitcast %gather3A_1788 : vector<16xi32> to vector<16xf32>
          %mul3A_1790 = arith.mulf %get3A_1781, %bitcast3A_1789 : vector<16xf32>
          %add3A_1791 = arith.addf %add3A_1625, %mul3A_1790 : vector<16xf32>
          %broadcast_in_dim3A_1792 = arith.constant 0.000000e+00 : f32
          %broadcast_in_dim3A_1793 = vector.broadcast %broadcast_in_dim3A_1792 : f32 to vector<16xf32>
          %broadcast_in_dim3A_1794 = arith.constant 0.000000e+00 : f32
          %broadcast_in_dim3A_1795 = vector.broadcast %broadcast_in_dim3A_1794 : f32 to vector<16xf32>
          %broadcast_in_dim3A_1796 = arith.constant 0.000000e+00 : f32
          %broadcast_in_dim3A_1797 = vector.broadcast %broadcast_in_dim3A_1796 : f32 to vector<16xf32>
          %broadcast_in_dim3A_1798 = arith.constant 1 : i32
          %broadcast_in_dim3A_1799 = vector.broadcast %broadcast_in_dim3A_1798 : i32 to vector<16xi32>
          %gather3A_1800 = tpu.vector_load_idx %arg10[%add3A_1785, %broadcast_in_dim3A_1799] : memref<4096x16xi32, #tpu.memory_space<vmem>>[vector<16xi32>, vector<16xi32>], vector<16xi32>,
          %bitcast3A_1801 = vector.bitcast %gather3A_1800 : vector<16xi32> to vector<32xbf16>
          %unpack3A_1802 = tpu.unpack_subelements %bitcast3A_1801, 0 {pack_format = #tpu.pack_format<interleaved>} : vector<32xbf16> -> vector<16xf32>
          %unpack3A_1803 = tpu.unpack_subelements %bitcast3A_1801, 1 {pack_format = #tpu.pack_format<interleaved>} : vector<32xbf16> -> vector<16xf32>
          %mul3A_1804 = arith.mulf %broadcast_in_dim3A_37, %unpack3A_1802 : vector<16xf32>
          %add3A_1805 = arith.addf %broadcast_in_dim3A_1793, %mul3A_1804 : vector<16xf32>
          %mul3A_1806 = arith.mulf %mul3A_40, %unpack3A_1803 : vector<16xf32>
          %add3A_1807 = arith.addf %add3A_1805, %mul3A_1806 : vector<16xf32>
          %broadcast_in_dim3A_1808 = arith.constant 2 : i32
          %broadcast_in_dim3A_1809 = vector.broadcast %broadcast_in_dim3A_1808 : i32 to vector<16xi32>
          %gather3A_1810 = tpu.vector_load_idx %arg10[%add3A_1785, %broadcast_in_dim3A_1809] : memref<4096x16xi32, #tpu.memory_space<vmem>>[vector<16xi32>, vector<16xi32>], vector<16xi32>,
          %bitcast3A_1811 = vector.bitcast %gather3A_1810 : vector<16xi32> to vector<32xbf16>
          %unpack3A_1812 = tpu.unpack_subelements %bitcast3A_1811, 0 {pack_format = #tpu.pack_format<interleaved>} : vector<32xbf16> -> vector<16xf32>
          %unpack3A_1813 = tpu.unpack_subelements %bitcast3A_1811, 1 {pack_format = #tpu.pack_format<interleaved>} : vector<32xbf16> -> vector<16xf32>
          %mul3A_1814 = arith.mulf %mul3A_43, %unpack3A_1812 : vector<16xf32>
          %add3A_1815 = arith.addf %add3A_1807, %mul3A_1814 : vector<16xf32>
          %mul3A_1816 = arith.mulf %mul3A_46, %unpack3A_1813 : vector<16xf32>
          %add3A_1817 = arith.addf %add3A_1815, %mul3A_1816 : vector<16xf32>
          %broadcast_in_dim3A_1818 = arith.constant 3 : i32
          %broadcast_in_dim3A_1819 = vector.broadcast %broadcast_in_dim3A_1818 : i32 to vector<16xi32>
          %gather3A_1820 = tpu.vector_load_idx %arg10[%add3A_1785, %broadcast_in_dim3A_1819] : memref<4096x16xi32, #tpu.memory_space<vmem>>[vector<16xi32>, vector<16xi32>], vector<16xi32>,
          %bitcast3A_1821 = vector.bitcast %gather3A_1820 : vector<16xi32> to vector<32xbf16>
          %unpack3A_1822 = tpu.unpack_subelements %bitcast3A_1821, 0 {pack_format = #tpu.pack_format<interleaved>} : vector<32xbf16> -> vector<16xf32>
          %unpack3A_1823 = tpu.unpack_subelements %bitcast3A_1821, 1 {pack_format = #tpu.pack_format<interleaved>} : vector<32xbf16> -> vector<16xf32>
          %mul3A_1824 = arith.mulf %mul3A_50, %unpack3A_1822 : vector<16xf32>
          %add3A_1825 = arith.addf %add3A_1817, %mul3A_1824 : vector<16xf32>
          %mul3A_1826 = arith.mulf %mul3A_54, %unpack3A_1823 : vector<16xf32>
          %add3A_1827 = arith.addf %add3A_1825, %mul3A_1826 : vector<16xf32>
          %broadcast_in_dim3A_1828 = arith.constant 4 : i32
          %broadcast_in_dim3A_1829 = vector.broadcast %broadcast_in_dim3A_1828 : i32 to vector<16xi32>
          %gather3A_1830 = tpu.vector_load_idx %arg10[%add3A_1785, %broadcast_in_dim3A_1829] : memref<4096x16xi32, #tpu.memory_space<vmem>>[vector<16xi32>, vector<16xi32>], vector<16xi32>,
          %bitcast3A_1831 = vector.bitcast %gather3A_1830 : vector<16xi32> to vector<32xbf16>
          %unpack3A_1832 = tpu.unpack_subelements %bitcast3A_1831, 0 {pack_format = #tpu.pack_format<interleaved>} : vector<32xbf16> -> vector<16xf32>
          %unpack3A_1833 = tpu.unpack_subelements %bitcast3A_1831, 1 {pack_format = #tpu.pack_format<interleaved>} : vector<32xbf16> -> vector<16xf32>
          %mul3A_1834 = arith.mulf %mul3A_64, %unpack3A_1832 : vector<16xf32>
          %add3A_1835 = arith.addf %add3A_1827, %mul3A_1834 : vector<16xf32>
          %mul3A_1836 = arith.mulf %mul3A_68, %unpack3A_1833 : vector<16xf32>
          %add3A_1837 = arith.addf %add3A_1835, %mul3A_1836 : vector<16xf32>
          %broadcast_in_dim3A_1838 = arith.constant 5 : i32
          %broadcast_in_dim3A_1839 = vector.broadcast %broadcast_in_dim3A_1838 : i32 to vector<16xi32>
          %gather3A_1840 = tpu.vector_load_idx %arg10[%add3A_1785, %broadcast_in_dim3A_1839] : memref<4096x16xi32, #tpu.memory_space<vmem>>[vector<16xi32>, vector<16xi32>], vector<16xi32>,
          %bitcast3A_1841 = vector.bitcast %gather3A_1840 : vector<16xi32> to vector<32xbf16>
          %unpack3A_1842 = tpu.unpack_subelements %bitcast3A_1841, 0 {pack_format = #tpu.pack_format<interleaved>} : vector<32xbf16> -> vector<16xf32>
          %unpack3A_1843 = tpu.unpack_subelements %bitcast3A_1841, 1 {pack_format = #tpu.pack_format<interleaved>} : vector<32xbf16> -> vector<16xf32>
          %mul3A_1844 = arith.mulf %mul3A_74, %unpack3A_1842 : vector<16xf32>
          %add3A_1845 = arith.addf %add3A_1837, %mul3A_1844 : vector<16xf32>
          %mul3A_1846 = arith.mulf %broadcast_in_dim3A_37, %unpack3A_1843 : vector<16xf32>
          %add3A_1847 = arith.addf %broadcast_in_dim3A_1795, %mul3A_1846 : vector<16xf32>
          %broadcast_in_dim3A_1848 = arith.constant 6 : i32
          %broadcast_in_dim3A_1849 = vector.broadcast %broadcast_in_dim3A_1848 : i32 to vector<16xi32>
          %gather3A_1850 = tpu.vector_load_idx %arg10[%add3A_1785, %broadcast_in_dim3A_1849] : memref<4096x16xi32, #tpu.memory_space<vmem>>[vector<16xi32>, vector<16xi32>], vector<16xi32>,
          %bitcast3A_1851 = vector.bitcast %gather3A_1850 : vector<16xi32> to vector<32xbf16>
          %unpack3A_1852 = tpu.unpack_subelements %bitcast3A_1851, 0 {pack_format = #tpu.pack_format<interleaved>} : vector<32xbf16> -> vector<16xf32>
          %unpack3A_1853 = tpu.unpack_subelements %bitcast3A_1851, 1 {pack_format = #tpu.pack_format<interleaved>} : vector<32xbf16> -> vector<16xf32>
          %mul3A_1854 = arith.mulf %mul3A_40, %unpack3A_1852 : vector<16xf32>
          %add3A_1855 = arith.addf %add3A_1847, %mul3A_1854 : vector<16xf32>
          %mul3A_1856 = arith.mulf %mul3A_43, %unpack3A_1853 : vector<16xf32>
          %add3A_1857 = arith.addf %add3A_1855, %mul3A_1856 : vector<16xf32>
          %broadcast_in_dim3A_1858 = arith.constant 7 : i32
          %broadcast_in_dim3A_1859 = vector.broadcast %broadcast_in_dim3A_1858 : i32 to vector<16xi32>
          %gather3A_1860 = tpu.vector_load_idx %arg10[%add3A_1785, %broadcast_in_dim3A_1859] : memref<4096x16xi32, #tpu.memory_space<vmem>>[vector<16xi32>, vector<16xi32>], vector<16xi32>,
          %bitcast3A_1861 = vector.bitcast %gather3A_1860 : vector<16xi32> to vector<32xbf16>
          %unpack3A_1862 = tpu.unpack_subelements %bitcast3A_1861, 0 {pack_format = #tpu.pack_format<interleaved>} : vector<32xbf16> -> vector<16xf32>
          %unpack3A_1863 = tpu.unpack_subelements %bitcast3A_1861, 1 {pack_format = #tpu.pack_format<interleaved>} : vector<32xbf16> -> vector<16xf32>
          %mul3A_1864 = arith.mulf %mul3A_46, %unpack3A_1862 : vector<16xf32>
          %add3A_1865 = arith.addf %add3A_1857, %mul3A_1864 : vector<16xf32>
          %mul3A_1866 = arith.mulf %mul3A_50, %unpack3A_1863 : vector<16xf32>
          %add3A_1867 = arith.addf %add3A_1865, %mul3A_1866 : vector<16xf32>
          %broadcast_in_dim3A_1868 = arith.constant 8 : i32
          %broadcast_in_dim3A_1869 = vector.broadcast %broadcast_in_dim3A_1868 : i32 to vector<16xi32>
          %gather3A_1870 = tpu.vector_load_idx %arg10[%add3A_1785, %broadcast_in_dim3A_1869] : memref<4096x16xi32, #tpu.memory_space<vmem>>[vector<16xi32>, vector<16xi32>], vector<16xi32>,
          %bitcast3A_1871 = vector.bitcast %gather3A_1870 : vector<16xi32> to vector<32xbf16>
          %unpack3A_1872 = tpu.unpack_subelements %bitcast3A_1871, 0 {pack_format = #tpu.pack_format<interleaved>} : vector<32xbf16> -> vector<16xf32>
          %unpack3A_1873 = tpu.unpack_subelements %bitcast3A_1871, 1 {pack_format = #tpu.pack_format<interleaved>} : vector<32xbf16> -> vector<16xf32>
          %mul3A_1874 = arith.mulf %mul3A_54, %unpack3A_1872 : vector<16xf32>
          %add3A_1875 = arith.addf %add3A_1867, %mul3A_1874 : vector<16xf32>
          %mul3A_1876 = arith.mulf %mul3A_64, %unpack3A_1873 : vector<16xf32>
          %add3A_1877 = arith.addf %add3A_1875, %mul3A_1876 : vector<16xf32>
          %broadcast_in_dim3A_1878 = arith.constant 9 : i32
          %broadcast_in_dim3A_1879 = vector.broadcast %broadcast_in_dim3A_1878 : i32 to vector<16xi32>
          %gather3A_1880 = tpu.vector_load_idx %arg10[%add3A_1785, %broadcast_in_dim3A_1879] : memref<4096x16xi32, #tpu.memory_space<vmem>>[vector<16xi32>, vector<16xi32>], vector<16xi32>,
          %bitcast3A_1881 = vector.bitcast %gather3A_1880 : vector<16xi32> to vector<32xbf16>
          %unpack3A_1882 = tpu.unpack_subelements %bitcast3A_1881, 0 {pack_format = #tpu.pack_format<interleaved>} : vector<32xbf16> -> vector<16xf32>
          %unpack3A_1883 = tpu.unpack_subelements %bitcast3A_1881, 1 {pack_format = #tpu.pack_format<interleaved>} : vector<32xbf16> -> vector<16xf32>
          %mul3A_1884 = arith.mulf %mul3A_68, %unpack3A_1882 : vector<16xf32>
          %add3A_1885 = arith.addf %add3A_1877, %mul3A_1884 : vector<16xf32>
          %mul3A_1886 = arith.mulf %mul3A_74, %unpack3A_1883 : vector<16xf32>
          %add3A_1887 = arith.addf %add3A_1885, %mul3A_1886 : vector<16xf32>
          %broadcast_in_dim3A_1888 = arith.constant 10 : i32
          %broadcast_in_dim3A_1889 = vector.broadcast %broadcast_in_dim3A_1888 : i32 to vector<16xi32>
          %gather3A_1890 = tpu.vector_load_idx %arg10[%add3A_1785, %broadcast_in_dim3A_1889] : memref<4096x16xi32, #tpu.memory_space<vmem>>[vector<16xi32>, vector<16xi32>], vector<16xi32>,
          %bitcast3A_1891 = vector.bitcast %gather3A_1890 : vector<16xi32> to vector<32xbf16>
          %unpack3A_1892 = tpu.unpack_subelements %bitcast3A_1891, 0 {pack_format = #tpu.pack_format<interleaved>} : vector<32xbf16> -> vector<16xf32>
          %unpack3A_1893 = tpu.unpack_subelements %bitcast3A_1891, 1 {pack_format = #tpu.pack_format<interleaved>} : vector<32xbf16> -> vector<16xf32>
          %mul3A_1894 = arith.mulf %broadcast_in_dim3A_37, %unpack3A_1892 : vector<16xf32>
          %add3A_1895 = arith.addf %broadcast_in_dim3A_1797, %mul3A_1894 : vector<16xf32>
          %mul3A_1896 = arith.mulf %mul3A_40, %unpack3A_1893 : vector<16xf32>
          %add3A_1897 = arith.addf %add3A_1895, %mul3A_1896 : vector<16xf32>
          %broadcast_in_dim3A_1898 = arith.constant 11 : i32
          %broadcast_in_dim3A_1899 = vector.broadcast %broadcast_in_dim3A_1898 : i32 to vector<16xi32>
          %gather3A_1900 = tpu.vector_load_idx %arg10[%add3A_1785, %broadcast_in_dim3A_1899] : memref<4096x16xi32, #tpu.memory_space<vmem>>[vector<16xi32>, vector<16xi32>], vector<16xi32>,
          %bitcast3A_1901 = vector.bitcast %gather3A_1900 : vector<16xi32> to vector<32xbf16>
          %unpack3A_1902 = tpu.unpack_subelements %bitcast3A_1901, 0 {pack_format = #tpu.pack_format<interleaved>} : vector<32xbf16> -> vector<16xf32>
          %unpack3A_1903 = tpu.unpack_subelements %bitcast3A_1901, 1 {pack_format = #tpu.pack_format<interleaved>} : vector<32xbf16> -> vector<16xf32>
          %mul3A_1904 = arith.mulf %mul3A_43, %unpack3A_1902 : vector<16xf32>
          %add3A_1905 = arith.addf %add3A_1897, %mul3A_1904 : vector<16xf32>
          %mul3A_1906 = arith.mulf %mul3A_46, %unpack3A_1903 : vector<16xf32>
          %add3A_1907 = arith.addf %add3A_1905, %mul3A_1906 : vector<16xf32>
          %broadcast_in_dim3A_1908 = arith.constant 12 : i32
          %broadcast_in_dim3A_1909 = vector.broadcast %broadcast_in_dim3A_1908 : i32 to vector<16xi32>
          %gather3A_1910 = tpu.vector_load_idx %arg10[%add3A_1785, %broadcast_in_dim3A_1909] : memref<4096x16xi32, #tpu.memory_space<vmem>>[vector<16xi32>, vector<16xi32>], vector<16xi32>,
          %bitcast3A_1911 = vector.bitcast %gather3A_1910 : vector<16xi32> to vector<32xbf16>
          %unpack3A_1912 = tpu.unpack_subelements %bitcast3A_1911, 0 {pack_format = #tpu.pack_format<interleaved>} : vector<32xbf16> -> vector<16xf32>
          %unpack3A_1913 = tpu.unpack_subelements %bitcast3A_1911, 1 {pack_format = #tpu.pack_format<interleaved>} : vector<32xbf16> -> vector<16xf32>
          %mul3A_1914 = arith.mulf %mul3A_50, %unpack3A_1912 : vector<16xf32>
          %add3A_1915 = arith.addf %add3A_1907, %mul3A_1914 : vector<16xf32>
          %mul3A_1916 = arith.mulf %mul3A_54, %unpack3A_1913 : vector<16xf32>
          %add3A_1917 = arith.addf %add3A_1915, %mul3A_1916 : vector<16xf32>
          %broadcast_in_dim3A_1918 = arith.constant 13 : i32
          %broadcast_in_dim3A_1919 = vector.broadcast %broadcast_in_dim3A_1918 : i32 to vector<16xi32>
          %gather3A_1920 = tpu.vector_load_idx %arg10[%add3A_1785, %broadcast_in_dim3A_1919] : memref<4096x16xi32, #tpu.memory_space<vmem>>[vector<16xi32>, vector<16xi32>], vector<16xi32>,
          %bitcast3A_1921 = vector.bitcast %gather3A_1920 : vector<16xi32> to vector<32xbf16>
          %unpack3A_1922 = tpu.unpack_subelements %bitcast3A_1921, 0 {pack_format = #tpu.pack_format<interleaved>} : vector<32xbf16> -> vector<16xf32>
          %unpack3A_1923 = tpu.unpack_subelements %bitcast3A_1921, 1 {pack_format = #tpu.pack_format<interleaved>} : vector<32xbf16> -> vector<16xf32>
          %mul3A_1924 = arith.mulf %mul3A_64, %unpack3A_1922 : vector<16xf32>
          %add3A_1925 = arith.addf %add3A_1917, %mul3A_1924 : vector<16xf32>
          %mul3A_1926 = arith.mulf %mul3A_68, %unpack3A_1923 : vector<16xf32>
          %add3A_1927 = arith.addf %add3A_1925, %mul3A_1926 : vector<16xf32>
          %broadcast_in_dim3A_1928 = arith.constant 14 : i32
          %broadcast_in_dim3A_1929 = vector.broadcast %broadcast_in_dim3A_1928 : i32 to vector<16xi32>
          %gather3A_1930 = tpu.vector_load_idx %arg10[%add3A_1785, %broadcast_in_dim3A_1929] : memref<4096x16xi32, #tpu.memory_space<vmem>>[vector<16xi32>, vector<16xi32>], vector<16xi32>,
          %bitcast3A_1931 = vector.bitcast %gather3A_1930 : vector<16xi32> to vector<32xbf16>
          %unpack3A_1932 = tpu.unpack_subelements %bitcast3A_1931, 0 {pack_format = #tpu.pack_format<interleaved>} : vector<32xbf16> -> vector<16xf32>
          %unpack3A_1933 = tpu.unpack_subelements %bitcast3A_1931, 1 {pack_format = #tpu.pack_format<interleaved>} : vector<32xbf16> -> vector<16xf32>
          %mul3A_1934 = arith.mulf %mul3A_74, %unpack3A_1932 : vector<16xf32>
          %add3A_1935 = arith.addf %add3A_1927, %mul3A_1934 : vector<16xf32>
          %mul3A_1936 = arith.mulf %get3A_1781, %add3A_1845 : vector<16xf32>
          %add3A_1937 = arith.addf %add3A_1771, %mul3A_1936 : vector<16xf32>
          %mul3A_1938 = arith.mulf %get3A_1781, %add3A_1887 : vector<16xf32>
          %add3A_1939 = arith.addf %add3A_1773, %mul3A_1938 : vector<16xf32>
          %mul3A_1940 = arith.mulf %get3A_1781, %add3A_1935 : vector<16xf32>
          %add3A_1941 = arith.addf %add3A_1775, %mul3A_1940 : vector<16xf32>
          %max3A = arith.constant 0.000000e+00 : f32
          %max3A_1942 = vector.broadcast %max3A : f32 to vector<16xf32>
          %max3A_1943 = arith.maximumf %add3A_1791, %max3A_1942 : vector<16xf32>
          %mul3A_1944 = arith.constant 6.093750e-02 : f32
          %mul3A_1945 = vector.broadcast %mul3A_1944 : f32 to vector<16xf32>
          %mul3A_1946 = arith.mulf %max3A_1943, %mul3A_1945 : vector<16xf32>
          %mul3A_1947 = arith.constant -0.0416666679 : f32
          %mul3A_1948 = vector.broadcast %mul3A_1947 : f32 to vector<16xf32>
          %mul3A_1949 = arith.mulf %mul3A_1946, %mul3A_1948 : vector<16xf32>
          %add3A_1950 = arith.constant 0.166666672 : f32
          %add3A_1951 = vector.broadcast %add3A_1950 : f32 to vector<16xf32>
          %add3A_1952 = arith.addf %add3A_1951, %mul3A_1949 : vector<16xf32>
          %mul3A_1953 = arith.mulf %mul3A_1946, %add3A_1952 : vector<16xf32>
          %add3A_1954 = arith.constant -5.000000e-01 : f32
          %add3A_1955 = vector.broadcast %add3A_1954 : f32 to vector<16xf32>
          %add3A_1956 = arith.addf %add3A_1955, %mul3A_1953 : vector<16xf32>
          %mul3A_1957 = arith.mulf %mul3A_1946, %add3A_1956 : vector<16xf32>
          %add3A_1958 = arith.constant 1.000000e+00 : f32
          %add3A_1959 = vector.broadcast %add3A_1958 : f32 to vector<16xf32>
          %add3A_1960 = arith.addf %add3A_1959, %mul3A_1957 : vector<16xf32>
          %mul3A_1961 = arith.mulf %mul3A_1946, %add3A_1960 : vector<16xf32>
          %lt3A_1962 = arith.constant 5.000000e-01 : f32
          %lt3A_1963 = vector.broadcast %lt3A_1962 : f32 to vector<16xf32>
          %lt3A_1964 = arith.cmpf olt, %mul3A_1946, %lt3A_1963 : vector<16xf32>
          %neg3A = arith.constant 0.000000e+00 : f32
          %neg3A_1965 = vector.broadcast %neg3A : f32 to vector<16xf32>
          %neg3A_1966 = arith.subf %neg3A_1965, %mul3A_1946 : vector<16xf32>
          %exp3A = math.exp %neg3A_1966 : vector<16xf32>
          %sub3A_1967 = arith.constant 1.000000e+00 : f32
          %sub3A_1968 = vector.broadcast %sub3A_1967 : f32 to vector<16xf32>
          %sub3A_1969 = arith.subf %sub3A_1968, %exp3A : vector<16xf32>
          %select_n3A = arith.select %lt3A_1964, %mul3A_1961, %sub3A_1969 : vector<16xi1>, vector<16xf32>
          %mul3A_1970 = arith.mulf %select_n3A, %scan3A_600 : vector<16xf32>
          %neg3A_1971 = arith.constant 0.000000e+00 : f32
          %neg3A_1972 = vector.broadcast %neg3A_1971 : f32 to vector<16xf32>
          %neg3A_1973 = arith.subf %neg3A_1972, %add3A_1937 : vector<16xf32>
          %exp3A_1974 = math.exp %neg3A_1973 : vector<16xf32>
          %add3A_1975 = arith.constant 1.000000e+00 : f32
          %add3A_1976 = vector.broadcast %add3A_1975 : f32 to vector<16xf32>
          %add3A_1977 = arith.addf %add3A_1976, %exp3A_1974 : vector<16xf32>
          %div3A = arith.divf %mul3A_1970, %add3A_1977 : vector<16xf32>
          %add3A_1978 = arith.addf %scan3A_601, %div3A : vector<16xf32>
          %neg3A_1979 = arith.constant 0.000000e+00 : f32
          %neg3A_1980 = vector.broadcast %neg3A_1979 : f32 to vector<16xf32>
          %neg3A_1981 = arith.subf %neg3A_1980, %add3A_1939 : vector<16xf32>
          %exp3A_1982 = math.exp %neg3A_1981 : vector<16xf32>
          %add3A_1983 = arith.constant 1.000000e+00 : f32
          %add3A_1984 = vector.broadcast %add3A_1983 : f32 to vector<16xf32>
          %add3A_1985 = arith.addf %add3A_1984, %exp3A_1982 : vector<16xf32>
          %div3A_1986 = arith.divf %mul3A_1970, %add3A_1985 : vector<16xf32>
          %add3A_1987 = arith.addf %scan3A_602, %div3A_1986 : vector<16xf32>
          %neg3A_1988 = arith.constant 0.000000e+00 : f32
          %neg3A_1989 = vector.broadcast %neg3A_1988 : f32 to vector<16xf32>
          %neg3A_1990 = arith.subf %neg3A_1989, %add3A_1941 : vector<16xf32>
          %exp3A_1991 = math.exp %neg3A_1990 : vector<16xf32>
          %add3A_1992 = arith.constant 1.000000e+00 : f32
          %add3A_1993 = vector.broadcast %add3A_1992 : f32 to vector<16xf32>
          %add3A_1994 = arith.addf %add3A_1993, %exp3A_1991 : vector<16xf32>
          %div3A_1995 = arith.divf %mul3A_1970, %add3A_1994 : vector<16xf32>
          %add3A_1996 = arith.addf %scan3A_603, %div3A_1995 : vector<16xf32>
          %sub3A_1997 = arith.constant 1.000000e+00 : f32
          %sub3A_1998 = vector.broadcast %sub3A_1997 : f32 to vector<16xf32>
          %sub3A_1999 = arith.subf %sub3A_1998, %select_n3A : vector<16xf32>
          %add3A_2000 = arith.constant 1.000000e-10 : f32
          %add3A_2001 = vector.broadcast %add3A_2000 : f32 to vector<16xf32>
          %add3A_2002 = arith.addf %sub3A_1999, %add3A_2001 : vector<16xf32>
          %mul3A_2003 = arith.mulf %scan3A_600, %add3A_2002 : vector<16xf32>
          scf.yield %mul3A_2003, %add3A_1978, %add3A_1987, %add3A_1996 : vector<16xf32>, vector<16xf32>, vector<16xf32>, vector<16xf32>
        }
        %scan3A_598 = arith.constant 16 : i32
        scf.yield %scan3A_597#0, %scan3A_597#1, %scan3A_597#2, %scan3A_597#3 : vector<16xf32>, vector<16xf32>, vector<16xf32>, vector<16xf32>
      }
      %scan3A_254 = arith.constant 4 : i32
      %mul3A_255 = arith.constant 16 : i32
      %mul3A_256 = arith.muli %scan3A_9, %mul3A_255 : i32
      %add3A_257 = vector.broadcast %mul3A_256 : i32 to vector<16xi32>
      %add3A_258 = arith.addi %add3A_257, %iota3A : vector<16xi32>
      %broadcast_in_dim3A_259 = arith.constant 0 : i32
      %broadcast_in_dim3A_260 = vector.broadcast %broadcast_in_dim3A_259 : i32 to vector<16xi32>
      tpu.vector_store_idx %arg11[%add3A_258, %broadcast_in_dim3A_260], %scan3A_253#1 : memref<128x3xf32, #tpu.memory_space<vmem>>[vector<16xi32>, vector<16xi32>], vector<16xf32>,
      %broadcast_in_dim3A_261 = arith.constant 1 : i32
      %broadcast_in_dim3A_262 = vector.broadcast %broadcast_in_dim3A_261 : i32 to vector<16xi32>
      tpu.vector_store_idx %arg11[%add3A_258, %broadcast_in_dim3A_262], %scan3A_253#2 : memref<128x3xf32, #tpu.memory_space<vmem>>[vector<16xi32>, vector<16xi32>], vector<16xf32>,
      %broadcast_in_dim3A_263 = arith.constant 2 : i32
      %broadcast_in_dim3A_264 = vector.broadcast %broadcast_in_dim3A_263 : i32 to vector<16xi32>
      tpu.vector_store_idx %arg11[%add3A_258, %broadcast_in_dim3A_264], %scan3A_253#3 : memref<128x3xf32, #tpu.memory_space<vmem>>[vector<16xi32>, vector<16xi32>], vector<16xf32>,
      %scan3A_265 = arith.constant 0 : i32
      scf.yield %scan3A_265 : i32
    }
    %scan3A_8 = arith.constant 8 : i32
    "tpu.region"() ({
      %run_scoped3A = tpu.sem_alloc : memref<!tpu.dma_semaphore, #tpu.memory_space<semaphore_mem>>
      %dma_start3A = arith.constant 0 : i32
      %dma_start3A_9 = tpu.memref_slice %arg5[%mul3A_2, %dma_start3A] : memref<4096x3xf32, #tpu.memory_space<hbm>> -> memref<128x3xf32, #tpu.memory_space<hbm>>
      %dma_start3A_10 = arith.constant 0 : i32
      %dma_start3A_11 = tpu.memref_slice %arg5[%mul3A_2, %dma_start3A_10] : memref<4096x3xf32, #tpu.memory_space<hbm>> -> memref<128x3xf32, #tpu.memory_space<hbm>>
      tpu.enqueue_dma source(%arg11 : memref<128x3xf32, #tpu.memory_space<vmem>>) target(%dma_start3A_11 : memref<128x3xf32, #tpu.memory_space<hbm>>) target_semaphore(%run_scoped3A : memref<!tpu.dma_semaphore, #tpu.memory_space<semaphore_mem>>)
      %dma_wait3A = arith.constant 0 : i32
      %dma_wait3A_12 = tpu.memref_slice %arg5[%mul3A_2, %dma_wait3A] : memref<4096x3xf32, #tpu.memory_space<hbm>> -> memref<128x3xf32, #tpu.memory_space<hbm>>
      %dma_wait3A_13 = arith.constant 0 : i32
      %dma_wait3A_14 = tpu.memref_slice %arg5[%mul3A_2, %dma_wait3A_13] : memref<4096x3xf32, #tpu.memory_space<hbm>> -> memref<128x3xf32, #tpu.memory_space<hbm>>
      tpu.wait_dma2 semaphore(%run_scoped3A : memref<!tpu.dma_semaphore, #tpu.memory_space<semaphore_mem>>) src(%arg11 : memref<128x3xf32, #tpu.memory_space<vmem>>) dst(%dma_wait3A_14 : memref<128x3xf32, #tpu.memory_space<hbm>>)
      tpu.yield
    }) : () -> ()
    return
  }
}

</mosaic_0001>

<sc_bundles>
// kernel: kernel.4.cloned.1.call-start
scs
__scs_entry_jumppad:
0x0: {  	(pc) =	sbr.rel $0x88, $3  }
0x1: {  	(tag) =	ssettag $0x0;
	lr =	simm.s32 $0x1  }
0x2: {  	[smem:$0x3F9D] =	sst lr;
	_ =	strace $0xD0000000  }
0x3: {  	_ = 	snop  }
0x4: {  	_ = 	snop  }
0x5: {  	_ = 	snop  }
0x6: {  	_ = 	snop  }
0x7: {  	_ = 	snop  }
__scs_overlays_trampoline_lowered:
0x8: {  	[smem:$0x3FAC] =	sst s0  }
0x9: {  	[smem:$0x3FAD] =	sst s1  }
0xa: {  	[smem:$0x3FAE] =	sst s2  }
0xb: {  	[smem:$0x3FAF] =	sst s3  }
0xc: {  	[smem:$0x3FB0] =	sst s4  }
0xd: {  	[smem:$0x3FB1] =	sst s5  }
0xe: {  	[smem:$0x3FB2] =	sst s6  }
0xf: {  	[smem:$0x3FB3] =	sst s7  }
0x10: {  	[smem:$0x3FB4] =	sst s8  }
0x11: {  	[smem:$0x3FB5] =	sst s9;
	s0 =	simm.s32 @!p0 $0x0  }
0x12: {  	s1 =	sld [smem:$0x3F9B];
	s0 =	simm.s32 @p0 $0x1  }
0x13: {  	[smem:$0x3FB6] =	sst s0;
	s0 =	simm.s32 @!p1 $0x0  }
0x14: {  	s2 =	sld [smem:$0x3F9A];
	s0 =	simm.s32 @p1 $0x1  }
0x15: {  	[smem:$0x3FB7] =	sst s0;
	s0 =	simm.s32 @!p2 $0x0  }
0x16: {  	s3 =	sld [smem:$0x3FDB];
	s0 =	simm.s32 @p2 $0x1  }
0x17: {  	s4 =	simm.s32 $0x1BF5;
	[smem:$0x3FB9] =	sst s0  }
0x18: {  	s0 =	sld [smem:$0x3F9C];
	_ =	swait.ge [sflag:s4], $0x0  }
0x19: {  	s7 =	sld [smem:$0x3F9D]  }
0x1a: {  	s8 =	sadd.s32 $0xFFFFE003, lr  }
0x1b: {  	s9 =	sadd.s32 $0xFFFFFEF7, lr;
	s5 =	simm.s32 $0xFFFFFFFF;
	p2 =	slt.u32 s8, $0xFFFFF086  }
0x1c: {  	p1 =	slt.u32 s9, $0xF7A;
	s5 =	simm.s32 @!p2 $0x0  }
0x1d: {  	s5 =	simm.s32 @p1 $0x1;
	p0 =	seq.s32 s7, s2  }
0x1e: {  	s7 =	smul.u32 @!p0 $0xF7A, s2;
	p2 =	seq.s32 @!p0 s5, $0x0  }
0x1f: {  	s9 =	smul.u32 $0xF7A, s1;
	s8 =	simm.s32 @!p0 $0x1BF5;
	p2 =	por !p2, p0  }
0x20: {  	[sflag:s8] =	ssyncset.s32 @!p0 $0xFFFFF086;
	s6 =	sadd.s32 @!p0 s3, s7;
	s7 =	simm.s32 @!p0 $0x108  }
0x21: {  	s3 =	sadd.s32 s3, s9;
	s6 =	sadd.s32 @!p0 $0x88, s6;
	s7 =	simm.s32 @p2 $0x1082  }
0x22: {  	[simem:s7], [sflag:s8] =	dma.local @!p0 [hbm:s6], $0xF7A  }
0x23: {  	s9 =	sor.u32 $0xD0000000, s2;
	s6 =	simm.s32 $0x108;
	_ =	swait.ge @!p0 [sflag:s8], $0x0  }
0x24: {  	s3 =	sadd.s32 $0x88, s3;
	s6 =	simm.s32 @!p1 $0x1082;
	[sflag:s4] =	ssyncset.s32 $0xFFFFF086  }
0x25: {  	[simem:s6], [sflag:s4] =	dma.local [hbm:s3], $0xF7A  }
0x26: {  	[smem:$0x3F9D] =	sst s1;
	(tag) =	ssettag s2;
	_ =	strace s9  }
0x27: {  	s1 =	sld [smem:$0x3FAD]  }
0x28: {  	s2 =	sld [smem:$0x3FAE]  }
0x29: {  	s4 =	sld [smem:$0x3FB0]  }
0x2a: {  	p0 =	seq.s32 s5, $0x0;
	s5 =	sld [smem:$0x3FB1]  }
0x2b: {  	s6 =	sld [smem:$0x3FB2]  }
0x2c: {  	s7 =	sld [smem:$0x3FB3]  }
0x2d: {  	s3 =	simm.s32 $0x108;
	s8 =	sld [smem:$0x3FB4]  }
0x2e: {  	s3 =	simm.s32 @!p0 $0x1082;
	s9 =	sld [smem:$0x3FB5]  }
0x2f: {  	lr =	sadd.s32 s0, s3;
	s0 =	sld [smem:$0x3FAC]  }
0x30: {  	s3 =	sld [smem:$0x3FAF]  }
0x31: {  	[smem:$0x3FB8] =	sst s10  }
0x32: {  	s10 =	sld [smem:$0x3FB6];
	_ =	sdelay $0x3  }
0x33: {  	p0 =	seq.s32 s10, $0x1;
	s10 =	sld [smem:$0x3FB8];
	_ =	sdelay $0x3  }
0x34: {  	[smem:$0x3FB8] =	sst s10  }
0x35: {  	s10 =	sld [smem:$0x3FB7];
	_ =	sdelay $0x3  }
0x36: {  	p1 =	seq.s32 s10, $0x1;
	s10 =	sld [smem:$0x3FB8];
	_ =	sdelay $0x3  }
0x37: {  	[smem:$0x3FB8] =	sst s10  }
0x38: {  	s10 =	sld [smem:$0x3FB9]  }
0x39: {  	_ = 	snop;
	(pc) =	sbr.ind lr, $3  }
0x3a: {  	_ = 	snop  }
0x3b: {  	_ = 	snop  }
0x3c: {  	p2 =	seq.s32 s10, $0x1;
	s10 =	sld [smem:$0x3FB8]  }
0x3d: {  	_ =	shalt  }
0x3e: {  	_ =	shalt  }
0x3f: {  	_ =	shalt  }
0x40: {  	_ =	shalt  }
0x41: {  	_ =	shalt  }
0x42: {  	_ =	shalt  }
0x43: {  	_ =	shalt  }
0x44: {  	_ =	shalt  }
0x45: {  	_ =	shalt  }
0x46: {  	_ =	shalt  }
0x47: {  	_ =	shalt  }
0x48: {  	_ =	shalt  }
0x49: {  	_ =	shalt  }
0x4a: {  	_ =	shalt  }
0x4b: {  	_ =	shalt  }
0x4c: {  	_ =	shalt  }
0x4d: {  	_ =	shalt  }
0x4e: {  	_ =	shalt  }
0x4f: {  	_ =	shalt  }
0x50: {  	_ =	shalt  }
0x51: {  	_ =	shalt  }
0x52: {  	_ =	shalt  }
0x53: {  	_ =	shalt  }
0x54: {  	_ =	shalt  }
0x55: {  	_ =	shalt  }
0x56: {  	_ =	shalt  }
0x57: {  	_ =	shalt  }
0x58: {  	_ =	shalt  }
0x59: {  	_ =	shalt  }
0x5a: {  	_ =	shalt  }
0x5b: {  	_ =	shalt  }
0x5c: {  	_ =	shalt  }
0x5d: {  	_ =	shalt  }
0x5e: {  	_ =	shalt  }
0x5f: {  	_ =	shalt  }
0x60: {  	_ =	shalt  }
0x61: {  	_ =	shalt  }
0x62: {  	_ =	shalt  }
0x63: {  	_ =	shalt  }
0x64: {  	_ =	shalt  }
0x65: {  	_ =	shalt  }
0x66: {  	_ =	shalt  }
0x67: {  	_ =	shalt  }
0x68: {  	_ =	shalt  }
0x69: {  	_ =	shalt  }
0x6a: {  	_ =	shalt  }
0x6b: {  	_ =	shalt  }
0x6c: {  	_ =	shalt  }
0x6d: {  	_ =	shalt  }
0x6e: {  	_ =	shalt  }
0x6f: {  	_ =	shalt  }
0x70: {  	_ =	shalt  }
0x71: {  	_ =	shalt  }
0x72: {  	_ =	shalt  }
0x73: {  	_ =	shalt  }
0x74: {  	_ =	shalt  }
0x75: {  	_ =	shalt  }
0x76: {  	_ =	shalt  }
0x77: {  	_ =	shalt  }
0x78: {  	_ =	shalt  }
0x79: {  	_ =	shalt  }
0x7a: {  	_ =	shalt  }
0x7b: {  	_ =	shalt  }
0x7c: {  	_ =	shalt  }
0x7d: {  	_ =	shalt  }
0x7e: {  	_ =	shalt  }
0x7f: {  	_ =	shalt  }
0x80: {  	_ =	shalt  }
0x81: {  	_ =	shalt  }
0x82: {  	_ =	shalt  }
0x83: {  	_ =	shalt  }
0x84: {  	_ =	shalt  }
0x85: {  	_ =	shalt  }
0x86: {  	_ =	shalt  }
0x87: {  	_ =	shalt  }
.Lfunc_end0:
.L_simem_size_0:
called_computation_lowered:
.L_overlay_start_0:
0x88: {  	s2 =	sld [smem:$0x3FD9]  }
0x89: {  	s3 =	sld [smem:$0x3FFE];
	_ =	sdelay $0x1  }
0x8a: {  	s1 =	srdreg.scid  }
0x8b: {  	s0 =	sand.u32 $0x1, s1  }
0x8c: {  	s17 =	sshll.u32 s0, $0xA;
	s2 =	sadd.s32 s3, s2  }
0x8d: {  	s2 =	sadd.s32 s2, s17  }
0x8e: {  	[smem:$0x3FC4] =	sst s2  }
0x8f: {  	_ = 	snop  }
0x90: {  	s2 =	sld [smem:$0x3FC7]  }
0x91: {  	s18 =	sld [smem:$0x3FC6];
	(tm) =	ssettm $0x1  }
0x92: {  	s4 =	sld [smem:$0x3FFB];
	_ =	sdelay $0x3  }
0x93: {  	_ =	strace s4  }
0x94: {  	s4 =	sld [smem:$0x3FFC];
	_ =	sdelay $0x3  }
0x95: {  	_ =	strace s4  }
0x96: {  	s4 =	sld [smem:$0x3FFD];
	_ =	sdelay $0x3  }
0x97: {  	_ =	strace s4  }
0x98: {  	_ =	strace $0x8FFFFFFF  }
0x99: {  	s19 =	sld [smem:$0x3FDB];
	_ =	sdelay $0x1  }
0x9a: {  	s5 =	simm.s32 $_scs_section_size  }
0x9b: {  	s6 =	simm.s32 $_size__tile_overlayer_lowered;
	s7 =	simm.s32 $_tile_overlayer_lowered  }
0x9c: {  	s22 =	simm.s32 $0x1BFF;
	s21 =	sshll.u32 s7, $0x1;
	s4 =	sadd.s32 s5, s19  }
0x9d: {  	s8 =	simm.s32 $0x0;
	s20 =	sshll.u32 s6, $0x1;
	s6 =	sadd.s32 s21, s4  }
0x9e: {  	[timem:s8], [sflag:s22] =	dma.local [hbm:s6], s20  }
0x9f: {  	_ =	swait.ge [sflag:s22], s20  }
0xa0: {  	s5 =	ssub.s32 $0x0, s20;
	[sflag:s22] =	ssyncset.done $0x0  }
0xa1: {  	[sflag:s22] =	ssyncadd.s32 s5;
	_ =	sdelay $0x1  }
0xa2: {  	s23 =	simm.s32 $0x1B8B  }
0xa3: {  	_ =	swait.ge [sflag:s23], $0x1  }
0xa4: {  	[sflag:s23] =	ssyncset.done $0x0  }
0xa5: {  	s25 =	simm.s32 $0x1B8E;
	s24 =	sld [smem:$0x3FFE];
	[sflag:s23] =	ssyncadd.s32 $0xFFFFFFFF  }
0xa6: {  	s26 =	simm.s32 $execute0_lowered;
	[smem:$0x3FD2] =	sst s25  }
0xa7: {  	s6 =	sshll.u32 s26, $0x1;
	_ =	strace $0x80000046;
	[dreg:$0x1] =	wrdreg $0xFFFFFFFF  }
0xa8: {  	s28 =	simm.s32 $_size_execute0_lowered;
	s4 =	sadd.s32 s4, s6;
	[dreg:$0x0] =	wrdreg $0x0  }
0xa9: {  	s6 =	sshll.u32 s28, $0x1;
	[dreg:$0x2] =	wrdreg s4  }
0xaa: {  	[dreg:$0x3] =	wrdreg s6  }
0xab: {  	[dreg:$0x4] =	wrdreg $0xC0  }
0xac: {  	_ =	task [dreg:s8], $0x5FFFF  }
0xad: {  	[dreg:$0x1] =	wrdreg $0xFFFFFFFF  }
0xae: {  	[dreg:$0x0] =	wrdreg $0x60  }
0xaf: {  	[dreg:$0x2] =	wrdreg s18  }
0xb0: {  	[dreg:$0x3] =	wrdreg s2  }
0xb1: {  	[dreg:$0x4] =	wrdreg s24  }
0xb2: {  	[dreg:$0x5] =	wrdreg $0x9  }
0xb3: {  	_ =	task.clear_ibuf [dreg:s8], $0x6FFFF;
	_ =	strace $0x90000046  }
0xb4: {  	s29 =	simm.s32 $0x9;
	_ =	strace $0x80000048  }
0xb5: {  	_ =	swait.ge [sflag:s29], $0x1  }
0xb6: {  	[sflag:s29] =	ssyncadd.s32 $0xFFFFFFFF  }
0xb7: {  	_ =	strace $0x90000048  }
0xb8: {  	_ =	sfence  }
0xb9: {  	s30 =	sld [smem:$0x0];
	_ =	sdelay $0x2  }
0xba: {  	s31 =	sshll.u32 s1, $0xD;
	s1 =	sshrl.u32 s1, $0x2  }
0xbb: {  	s3 =	sand.u32 $0x4000, s31;
	s1 =	sadd.s32 s1, s30  }
0xbc: {  	s0 =	sor.u32 s3, s0;
	s1 =	sshll.u32 s1, $0x11  }
0xbd: {  	s0 =	sor.u32 s1, s0  }
0xbe: {  	s0 =	sadd.s32 $0x8F2B, s0  }
0xbf: {  	[sflag:s0] =	ssyncadd.remote.s32 $0x1  }
0xc0: {  	_ =	sfence.sel $0xFFFF  }
0xc1: {  	[dreg:$0x0] =	wrdreg $0xFFFFFFFF;
	(pc) =	sbr.abs _section_cstart, $3  }
0xc2: {  	[dreg:$0x1] =	wrdreg $0xFFFFFFFF  }
0xc3: {  	_ =	task.clear_ibuf [dreg:s8], $0x2FFFF;
	_ =	strace $0x9FFFFFFF  }
0xc4: {  	(tm) =	ssettm $0x7FFFFFFF  }
0xc5: {  	_ =	shalt  }
tec
execute0_lowered:
.L_overlay_start_1:
0x0: {  	(tag) =	ssettag $0x1  }
0x1: {  	s1 =	rddreg [dreg:$0x0]  }
0x2: {  	s3 =	rddreg [dreg:$0x1]  }
0x3: {  	s6 =	rddreg [dreg:$0x2];
	s4 =	srdreg.scid  }
0x4: {  	s0 =	rddreg [dreg:$0x3];
	s2 =	stileid.u32  }
0x5: {  	s11 =	simm.s32 $0x4000;
	s12 =	simm.s32 $0x6C00;
	s13 =	simm.s32 $0x1  }
0x6: {  	s14 =	simm.s32 $0x7000;
	s15 =	simm.s32 $0x2;
	s16 =	simm.s32 $0x0  }
0x7: {  	s7 =	sand.u32 $0x1, s4;
	s4 =	simm.s32 $0x0;
	s5 =	sshll.u32 s2, $0xA  }
0x8: {  	s8 =	sshll.u32 s7, $0x9;
	[smem:$0x7FF] =	sst s4;
	s7 =	ssub.s32 $0x2, s7  }
0x9: {  	s5 =	sor.u32 s8, s5;
	_ =	strace $0x80000047;
	s31 =	sshrl.u32 s7, $0x1  }
0xa: {  	s8 =	sshll.u32 s5, $0x1;
	s9 =	sshrl.u32 s5, $0x3;
	s10 =	ssub.s32 s7, s31  }
0xb: {  	v0 =	vlaneseq.u32;
	s8 =	sadd.s32 s8, s6;
	s6 =	sadd.s32 s1, s9;
	s7 =	sadd.s32 s3, s9  }
0xc: {  	v1 =	vimm.f32 $0.0e+00;
	v0 =	vmul.u32 $0x10, v0;
	s9 =	smax.u32 s10, $0x1;
	s10 =	simm.s32 $0x200;
	s8 =	sadd.s32 $0xC00, s8  }
.LBB2_1:
0xd: {  	[tilespmem:s4], [sflag:$0x1] =	stream.strided.gather [hbm4b:s6+s10], $0x3600, s11, s10, $0x38;
	[tilespmem:$0xB000] =	vst v63  }
0xe: {  	p0 =	por $0x0, $0x0;
	s17 =	simm.s32 $0x0  }
0xf: {  	[tilespmem:s12], [sflag:$0x1] =	stream.linear.gather [hbm4b:s7+s4], $0x200, $0x38;
	[tilespmem:$0xB000] =	vst v63  }
.LBB2_2:
0x10: {  	p1 =	seq.s32 s17, $0x7F  }
0x11: {  	s19 =	sadd.s32 @!p1 $0x1, s17  }
0x12: {  	s18 =	sand.u32 $0x1, s17;
	s20 =	smul.u32 @!p1 $0x6C000, s19  }
0x13: {  	s21 =	sxor.u32 @!p1 $0x1, s18  }
0x14: {  	s23 =	simm.s32 @!p1 $0x200;
	s22 =	smul.u32 @!p1 $0xD800, s21;
	s20 =	sor.u32 @!p1 s5, s20  }
0x15: {  	s24 =	simm.s32 @!p1 $0x4000;
	s19 =	sshll.u32 @!p1 s19, $0xE;
	s20 =	sshrl.u32 @!p1 s20, $0x3  }
0x16: {  	s19 =	sor.u32 @!p1 s5, s19;
	s22 =	sshrl.u32 @!p1 s22, $0x2;
	s20 =	sadd.s32 @!p1 s1, s20  }
0x17: {  	[tilespmem:s22], [sflag:$0x1] =	stream.strided.gather @!p1 [hbm4b:s20+s23], $0x3600, s24, s23, $0x38;
	[tilespmem:$0xB000] =	vst v63  }
0x18: {  	s19 =	sshrl.u32 @!p1 s19, $0x3;
	s20 =	sshll.u32 @!p1 s21, $0x9  }
0x19: {  	s19 =	sadd.s32 @!p1 s3, s19;
	s21 =	simm.s32 @!p1 $0x0;
	s20 =	sor.u32 @!p1 $0x6C00, s20  }
0x1a: {  	[tilespmem:s20], [sflag:$0x1] =	stream.linear.gather @!p1 [hbm4b:s19+s21], $0x200, $0x38;
	[tilespmem:$0xB000] =	vst v63  }
0x1b: {  	_ =	swait.ge [sflag:s13], $0x3600  }
0x1c: {  	[sflag:s13] =	ssyncset.done $0x0  }
0x1d: {  	s19 =	simm.s32 $0x1;
	[sflag:s13] =	ssyncadd.s32 $0xFFFFCA00  }
0x1e: {  	s19 =	simm.s32 @!p0 $0x0;
	_ =	swait.ge [sflag:s13], $0x200  }
0x1f: {  	p1 =	slt.u32 s17, $0x2;
	s25 =	sshll.u32 s19, $0x9;
	[sflag:s13] =	ssyncset.done $0x0  }
0x20: {  	s23 =	simm.s32 @!p1 $0x2;
	s26 =	sor.u32 $0x10, s25;
	[sflag:s13] =	ssyncadd.s32 $0xFFFFFE00  }
0x21: {  	s28 =	sadd.s32 $0xFFFFFFF0, s26;
	_ =	swait.ge @!p1 [sflag:s23], $0x2000  }
0x22: {  	v2 =	vmov s28;
	[sflag:s23] =	ssyncset.done @!p1 $0x0  }
0x23: {  	s29 =	sor.u32 $0x6C10, s25;
	v2 =	vshll.u32 v2, $0x4;
	[sflag:s23] =	ssyncadd.s32 @!p1 $0xFFFFE000  }
0x24: {  	v5 =	vor.u32 v0, v2;
	v3 =	vld [tilespmem:s29+$0xFFFFFFF0];
	_ =	sdelay $0x1  }
0x25: {  	s19 =	smul.u32 $0xD800, s19;
	v2 =	vmov s26  }
0x26: {  	v2 =	vshll.u32 v2, $0x4  }
0x27: {  	s19 =	sshrl.u32 s19, $0x2;
	v4 =	vor.u32 v0, v2;
	v2 =	vld [tilespmem:s29+$0x0]  }
0x28: {  	s19 =	sadd.s32 $0x1A10, s19;
	[tilespmem:v5+s14+$0x0] =	vst.idx.msk $0xffff, v3  }
0x29: {  	v3 =	vld [tilespmem:s19+$0xFFFFE5F0]  }
0x2a: {  	v6 =	vld [tilespmem:s19+$0xFFFFE7F0]  }
0x2b: {  	v7 =	vor.u32 $0x1, v5  }
0x2c: {  	[tilespmem:v4+s14+$0x0] =	vst.idx.msk $0xffff, v2  }
0x2d: {  	v2 =	vld [tilespmem:s19+$0xFFFFE600]  }
0x2e: {  	v8 =	vld [tilespmem:s19+$0xFFFFE800]  }
0x2f: {  	v9 =	vor.u32 $0x1, v4;
	v3 =	vpack.i.f32.bf16 v6, v3  }
0x30: {  	[tilespmem:v7+s14+$0x0] =	vst.idx.msk $0xffff, v3  }
0x31: {  	v3 =	vld [tilespmem:s19+$0xFFFFE9F0]  }
0x32: {  	v6 =	vld [tilespmem:s19+$0xFFFFEBF0]  }
0x33: {  	v2 =	vpack.i.f32.bf16 v8, v2;
	v7 =	vor.u32 $0x2, v5  }
0x34: {  	[tilespmem:v9+s14+$0x0] =	vst.idx.msk $0xffff, v2  }
0x35: {  	v2 =	vld [tilespmem:s19+$0xFFFFEA00]  }
0x36: {  	v8 =	vld [tilespmem:s19+$0xFFFFEC00]  }
0x37: {  	v9 =	vor.u32 $0x2, v4;
	v3 =	vpack.i.f32.bf16 v6, v3  }
0x38: {  	[tilespmem:v7+s14+$0x0] =	vst.idx.msk $0xffff, v3  }
0x39: {  	v3 =	vld [tilespmem:s19+$0xFFFFEDF0]  }
0x3a: {  	v6 =	vld [tilespmem:s19+$0xFFFFEFF0]  }
0x3b: {  	v2 =	vpack.i.f32.bf16 v8, v2;
	v7 =	vor.u32 $0x3, v5  }
0x3c: {  	[tilespmem:v9+s14+$0x0] =	vst.idx.msk $0xffff, v2  }
0x3d: {  	v2 =	vld [tilespmem:s19+$0xFFFFEE00]  }
0x3e: {  	v8 =	vld [tilespmem:s19+$0xFFFFF000]  }
0x3f: {  	v9 =	vor.u32 $0x3, v4;
	v3 =	vpack.i.f32.bf16 v6, v3  }
0x40: {  	[tilespmem:v7+s14+$0x0] =	vst.idx.msk $0xffff, v3  }
0x41: {  	v3 =	vld [tilespmem:s19+$0xFFFFF1F0]  }
0x42: {  	v6 =	vld [tilespmem:s19+$0xFFFFF3F0]  }
0x43: {  	v2 =	vpack.i.f32.bf16 v8, v2;
	v7 =	vor.u32 $0x4, v5  }
0x44: {  	[tilespmem:v9+s14+$0x0] =	vst.idx.msk $0xffff, v2  }
0x45: {  	v2 =	vld [tilespmem:s19+$0xFFFFF200]  }
0x46: {  	v8 =	vld [tilespmem:s19+$0xFFFFF400]  }
0x47: {  	v9 =	vor.u32 $0x4, v4;
	v3 =	vpack.i.f32.bf16 v6, v3  }
0x48: {  	[tilespmem:v7+s14+$0x0] =	vst.idx.msk $0xffff, v3  }
0x49: {  	v3 =	vld [tilespmem:s19+$0xFFFFF5F0]  }
0x4a: {  	v6 =	vld [tilespmem:s19+$0xFFFFF7F0]  }
0x4b: {  	v2 =	vpack.i.f32.bf16 v8, v2;
	v7 =	vor.u32 $0x5, v5  }
0x4c: {  	[tilespmem:v9+s14+$0x0] =	vst.idx.msk $0xffff, v2  }
0x4d: {  	v2 =	vld [tilespmem:s19+$0xFFFFF600]  }
0x4e: {  	v8 =	vld [tilespmem:s19+$0xFFFFF800]  }
0x4f: {  	v9 =	vor.u32 $0x5, v4;
	v3 =	vpack.i.f32.bf16 v6, v3  }
0x50: {  	[tilespmem:v7+s14+$0x0] =	vst.idx.msk $0xffff, v3  }
0x51: {  	v3 =	vld [tilespmem:s19+$0xFFFFF9F0]  }
0x52: {  	v6 =	vld [tilespmem:s19+$0xFFFFFBF0]  }
0x53: {  	v2 =	vpack.i.f32.bf16 v8, v2;
	v7 =	vor.u32 $0x6, v5  }
0x54: {  	[tilespmem:v9+s14+$0x0] =	vst.idx.msk $0xffff, v2  }
0x55: {  	s30 =	sadd.s32 $0x20, s26;
	v8 =	vld [tilespmem:s19+$0xFFFFFA00]  }
0x56: {  	s20 =	sadd.s32 $0xFFFFFFF0, s30;
	v9 =	vld [tilespmem:s19+$0xFFFFFC00]  }
0x57: {  	s22 =	sadd.s32 $0x20, s29;
	v10 =	vor.u32 $0x6, v4;
	v2 =	vpack.i.f32.bf16 v6, v3;
	v3 =	vmov s20  }
0x58: {  	v6 =	vld [tilespmem:s22+$0xFFFFFFF0];
	[tilespmem:v7+s14+$0x0] =	vst.idx.msk $0xffff, v2;
	v2 =	vshll.u32 v3, $0x4  }
0x59: {  	v3 =	vld [tilespmem:s19+$0xFFFFFDF0];
	v2 =	vor.u32 v0, v2  }
0x5a: {  	v11 =	vld [tilespmem:s19+$0xFFFFFFF0]  }
0x5b: {  	v12 =	vor.u32 $0x7, v5;
	v8 =	vpack.i.f32.bf16 v9, v8;
	v9 =	vld [tilespmem:s22+$0x0];
	s22 =	sadd.s32 $0x20, s22;
	v7 =	vmov s30  }
0x5c: {  	[tilespmem:v10+s14+$0x0] =	vst.idx.msk $0xffff, v8;
	v18 =	vld [tilespmem:s22+$0xFFFFFFF0];
	v7 =	vshll.u32 v7, $0x4  }
0x5d: {  	v8 =	vld [tilespmem:s19+$0xFFFFFE00];
	v7 =	vor.u32 v0, v7  }
0x5e: {  	s20 =	sadd.s32 $0x20, s19;
	[tilespmem:v2+s14+$0x0] =	vst.idx.msk $0xffff, v6;
	v6 =	vld [tilespmem:s19+$0x0]  }
0x5f: {  	v10 =	vor.u32 $0x7, v4;
	v3 =	vpack.i.f32.bf16 v11, v3;
	v13 =	vld [tilespmem:s20+$0xFFFFE5F0]  }
0x60: {  	v11 =	vld [tilespmem:s20+$0xFFFFE7F0];
	[tilespmem:v12+s14+$0x0] =	vst.idx.msk $0xffff, v3  }
0x61: {  	v3 =	vor.u32 $0x1, v2;
	v12 =	vld [tilespmem:s19+$0x1F0]  }
0x62: {  	[tilespmem:v7+s14+$0x0] =	vst.idx.msk $0xffff, v9;
	v9 =	vld [tilespmem:s19+$0x3F0]  }
0x63: {  	v15 =	vor.u32 $0x8, v5;
	v14 =	vld [tilespmem:s20+$0xFFFFE600];
	v6 =	vpack.i.f32.bf16 v6, v8  }
0x64: {  	v8 =	vld [tilespmem:s20+$0xFFFFE800];
	[tilespmem:v10+s14+$0x0] =	vst.idx.msk $0xffff, v6  }
0x65: {  	v6 =	vor.u32 $0x1, v7;
	v10 =	vpack.i.f32.bf16 v11, v13;
	v11 =	vld [tilespmem:s19+$0x200]  }
0x66: {  	[tilespmem:v3+s14+$0x0] =	vst.idx.msk $0xffff, v10;
	v3 =	vld [tilespmem:s19+$0x400]  }
0x67: {  	v10 =	vor.u32 $0x8, v4;
	v9 =	vpack.i.f32.bf16 v9, v12;
	v13 =	vld [tilespmem:s20+$0xFFFFE9F0]  }
0x68: {  	v12 =	vld [tilespmem:s20+$0xFFFFEBF0];
	[tilespmem:v15+s14+$0x0] =	vst.idx.msk $0xffff, v9  }
0x69: {  	v9 =	vor.u32 $0x2, v2;
	v8 =	vpack.i.f32.bf16 v8, v14;
	v14 =	vld [tilespmem:s19+$0x5F0]  }
0x6a: {  	[tilespmem:v6+s14+$0x0] =	vst.idx.msk $0xffff, v8;
	v6 =	vld [tilespmem:s19+$0x7F0]  }
0x6b: {  	v15 =	vor.u32 $0x9, v5;
	v8 =	vld [tilespmem:s20+$0xFFFFEA00];
	v3 =	vpack.i.f32.bf16 v3, v11  }
0x6c: {  	v11 =	vld [tilespmem:s20+$0xFFFFEC00];
	[tilespmem:v10+s14+$0x0] =	vst.idx.msk $0xffff, v3  }
0x6d: {  	v3 =	vor.u32 $0x2, v7;
	v10 =	vpack.i.f32.bf16 v12, v13;
	v12 =	vld [tilespmem:s19+$0x600]  }
0x6e: {  	[tilespmem:v9+s14+$0x0] =	vst.idx.msk $0xffff, v10;
	v9 =	vld [tilespmem:s19+$0x800]  }
0x6f: {  	v10 =	vor.u32 $0x9, v4;
	v13 =	vld [tilespmem:s20+$0xFFFFEDF0];
	v6 =	vpack.i.f32.bf16 v6, v14  }
0x70: {  	v14 =	vld [tilespmem:s20+$0xFFFFEFF0];
	[tilespmem:v15+s14+$0x0] =	vst.idx.msk $0xffff, v6  }
0x71: {  	v6 =	vor.u32 $0x3, v2;
	v8 =	vpack.i.f32.bf16 v11, v8;
	v11 =	vld [tilespmem:s19+$0x9F0]  }
0x72: {  	[tilespmem:v3+s14+$0x0] =	vst.idx.msk $0xffff, v8;
	v3 =	vld [tilespmem:s19+$0xBF0]  }
0x73: {  	v15 =	vor.u32 $0xA, v5;
	v8 =	vld [tilespmem:s20+$0xFFFFEE00];
	v9 =	vpack.i.f32.bf16 v9, v12  }
0x74: {  	v12 =	vld [tilespmem:s20+$0xFFFFF000];
	[tilespmem:v10+s14+$0x0] =	vst.idx.msk $0xffff, v9  }
0x75: {  	v9 =	vor.u32 $0x3, v7;
	v10 =	vpack.i.f32.bf16 v14, v13;
	v13 =	vld [tilespmem:s19+$0xA00]  }
0x76: {  	[tilespmem:v6+s14+$0x0] =	vst.idx.msk $0xffff, v10;
	v6 =	vld [tilespmem:s19+$0xC00]  }
0x77: {  	v10 =	vor.u32 $0xA, v4;
	v14 =	vld [tilespmem:s20+$0xFFFFF1F0];
	v3 =	vpack.i.f32.bf16 v3, v11  }
0x78: {  	v11 =	vld [tilespmem:s20+$0xFFFFF3F0];
	[tilespmem:v15+s14+$0x0] =	vst.idx.msk $0xffff, v3  }
0x79: {  	v3 =	vor.u32 $0x4, v2;
	v8 =	vpack.i.f32.bf16 v12, v8;
	v12 =	vld [tilespmem:s19+$0xDF0]  }
0x7a: {  	[tilespmem:v9+s14+$0x0] =	vst.idx.msk $0xffff, v8;
	v8 =	vld [tilespmem:s19+$0xFF0]  }
0x7b: {  	v15 =	vor.u32 $0xB, v5;
	v9 =	vld [tilespmem:s20+$0xFFFFF200];
	v6 =	vpack.i.f32.bf16 v6, v13  }
0x7c: {  	v13 =	vld [tilespmem:s20+$0xFFFFF400];
	[tilespmem:v10+s14+$0x0] =	vst.idx.msk $0xffff, v6  }
0x7d: {  	v6 =	vor.u32 $0x4, v7;
	v10 =	vpack.i.f32.bf16 v11, v14;
	v11 =	vld [tilespmem:s19+$0xE00]  }
0x7e: {  	[tilespmem:v3+s14+$0x0] =	vst.idx.msk $0xffff, v10;
	v3 =	vld [tilespmem:s19+$0x1000]  }
0x7f: {  	v10 =	vor.u32 $0xB, v4;
	v14 =	vld [tilespmem:s20+$0xFFFFF5F0];
	v8 =	vpack.i.f32.bf16 v8, v12  }
0x80: {  	v12 =	vld [tilespmem:s20+$0xFFFFF7F0];
	[tilespmem:v15+s14+$0x0] =	vst.idx.msk $0xffff, v8  }
0x81: {  	v8 =	vor.u32 $0x5, v2;
	v9 =	vpack.i.f32.bf16 v13, v9;
	v13 =	vld [tilespmem:s19+$0x11F0]  }
0x82: {  	[tilespmem:v6+s14+$0x0] =	vst.idx.msk $0xffff, v9;
	v6 =	vld [tilespmem:s19+$0x13F0]  }
0x83: {  	v15 =	vor.u32 $0xC, v5;
	v9 =	vld [tilespmem:s20+$0xFFFFF600];
	v3 =	vpack.i.f32.bf16 v3, v11  }
0x84: {  	v11 =	vld [tilespmem:s20+$0xFFFFF800];
	[tilespmem:v10+s14+$0x0] =	vst.idx.msk $0xffff, v3  }
0x85: {  	v3 =	vor.u32 $0x5, v7;
	v10 =	vpack.i.f32.bf16 v12, v14;
	v12 =	vld [tilespmem:s19+$0x1200]  }
0x86: {  	[tilespmem:v8+s14+$0x0] =	vst.idx.msk $0xffff, v10;
	v8 =	vld [tilespmem:s19+$0x1400]  }
0x87: {  	v10 =	vor.u32 $0xC, v4;
	v14 =	vld [tilespmem:s20+$0xFFFFF9F0];
	v6 =	vpack.i.f32.bf16 v6, v13  }
0x88: {  	v13 =	vld [tilespmem:s20+$0xFFFFFBF0];
	[tilespmem:v15+s14+$0x0] =	vst.idx.msk $0xffff, v6  }
0x89: {  	v6 =	vpack.i.f32.bf16 v11, v9;
	v11 =	vor.u32 $0x6, v2;
	v9 =	vld [tilespmem:s19+$0x15F0]  }
0x8a: {  	[tilespmem:v3+s14+$0x0] =	vst.idx.msk $0xffff, v6;
	v3 =	vld [tilespmem:s19+$0x17F0]  }
0x8b: {  	s31 =	sadd.s32 $0x20, s30;
	v6 =	vld [tilespmem:s20+$0xFFFFFA00];
	v8 =	vpack.i.f32.bf16 v8, v12;
	v12 =	vor.u32 $0xD, v5  }
0x8c: {  	s21 =	sadd.s32 $0xFFFFFFF0, s31;
	v15 =	vld [tilespmem:s20+$0xFFFFFC00];
	[tilespmem:v10+s14+$0x0] =	vst.idx.msk $0xffff, v8  }
0x8d: {  	v10 =	vor.u32 $0x6, v7;
	v8 =	vld [tilespmem:s19+$0x1600];
	v13 =	vpack.i.f32.bf16 v13, v14;
	v14 =	vmov s21  }
0x8e: {  	v16 =	vld [tilespmem:s19+$0x1800];
	[tilespmem:v11+s14+$0x0] =	vst.idx.msk $0xffff, v13;
	v11 =	vshll.u32 v14, $0x4  }
0x8f: {  	v9 =	vpack.i.f32.bf16 v3, v9;
	v13 =	vld [tilespmem:s20+$0xFFFFFDF0];
	v3 =	vor.u32 v0, v11  }
0x90: {  	[tilespmem:v12+s14+$0x0] =	vst.idx.msk $0xffff, v9;
	v9 =	vld [tilespmem:s20+$0xFFFFFFF0]  }
0x91: {  	v14 =	vld [tilespmem:s22+$0x0];
	v11 =	vmov s31;
	v12 =	vor.u32 $0x7, v2;
	v6 =	vpack.i.f32.bf16 v15, v6  }
0x92: {  	v11 =	vshll.u32 v11, $0x4;
	v19 =	vld [tilespmem:s19+$0x19F0];
	[tilespmem:v10+s14+$0x0] =	vst.idx.msk $0xffff, v6  }
0x93: {  	v17 =	vor.u32 v0, v11;
	v6 =	vld [tilespmem:s20+$0xFFFFFE00]  }
0x94: {  	s21 =	sadd.s32 $0x20, s20;
	v10 =	vld [tilespmem:s20+$0x0];
	[tilespmem:v3+s14+$0x0] =	vst.idx.msk $0xffff, v18  }
0x95: {  	v11 =	vor.u32 $0x7, v7;
	v15 =	vld [tilespmem:s21+$0xFFFFE5F0];
	v9 =	vpack.i.f32.bf16 v9, v13  }
0x96: {  	v13 =	vld [tilespmem:s21+$0xFFFFE7F0];
	[tilespmem:v12+s14+$0x0] =	vst.idx.msk $0xffff, v9  }
0x97: {  	v9 =	vor.u32 $0x1, v3;
	v12 =	vld [tilespmem:s20+$0x1F0]  }
0x98: {  	[tilespmem:v17+s14+$0x0] =	vst.idx.msk $0xffff, v14;
	v14 =	vld [tilespmem:s20+$0x3F0]  }
0x99: {  	v20 =	vor.u32 $0x8, v2;
	v18 =	vld [tilespmem:s21+$0xFFFFE600];
	v6 =	vpack.i.f32.bf16 v10, v6  }
0x9a: {  	v10 =	vld [tilespmem:s21+$0xFFFFE800];
	[tilespmem:v11+s14+$0x0] =	vst.idx.msk $0xffff, v6  }
0x9b: {  	v6 =	vor.u32 $0x1, v17;
	v11 =	vpack.i.f32.bf16 v13, v15;
	v13 =	vld [tilespmem:s20+$0x200]  }
0x9c: {  	[tilespmem:v9+s14+$0x0] =	vst.idx.msk $0xffff, v11;
	v9 =	vld [tilespmem:s20+$0x400]  }
0x9d: {  	v11 =	vor.u32 $0x8, v7;
	v15 =	vld [tilespmem:s21+$0xFFFFE9F0];
	v12 =	vpack.i.f32.bf16 v14, v12  }
0x9e: {  	v14 =	vld [tilespmem:s21+$0xFFFFEBF0];
	[tilespmem:v20+s14+$0x0] =	vst.idx.msk $0xffff, v12  }
0x9f: {  	v10 =	vpack.i.f32.bf16 v10, v18;
	v12 =	vor.u32 $0x2, v3;
	v18 =	vld [tilespmem:s20+$0x5F0]  }
0xa0: {  	[tilespmem:v6+s14+$0x0] =	vst.idx.msk $0xffff, v10;
	v6 =	vld [tilespmem:s20+$0x7F0]  }
0xa1: {  	v20 =	vor.u32 $0x9, v2;
	v10 =	vld [tilespmem:s21+$0xFFFFEA00];
	v9 =	vpack.i.f32.bf16 v9, v13  }
0xa2: {  	v13 =	vld [tilespmem:s21+$0xFFFFEC00];
	[tilespmem:v11+s14+$0x0] =	vst.idx.msk $0xffff, v9  }
0xa3: {  	v9 =	vor.u32 $0x2, v17;
	v11 =	vpack.i.f32.bf16 v14, v15;
	v14 =	vld [tilespmem:s20+$0x600]  }
0xa4: {  	[tilespmem:v12+s14+$0x0] =	vst.idx.msk $0xffff, v11;
	v11 =	vld [tilespmem:s20+$0x800]  }
0xa5: {  	v12 =	vor.u32 $0x9, v7;
	v15 =	vld [tilespmem:s21+$0xFFFFEDF0];
	v6 =	vpack.i.f32.bf16 v6, v18  }
0xa6: {  	v18 =	vld [tilespmem:s21+$0xFFFFEFF0];
	[tilespmem:v20+s14+$0x0] =	vst.idx.msk $0xffff, v6  }
0xa7: {  	v6 =	vor.u32 $0x3, v3;
	v10 =	vpack.i.f32.bf16 v13, v10;
	v13 =	vld [tilespmem:s20+$0x9F0]  }
0xa8: {  	[tilespmem:v9+s14+$0x0] =	vst.idx.msk $0xffff, v10;
	v9 =	vld [tilespmem:s20+$0xBF0]  }
0xa9: {  	v20 =	vor.u32 $0xA, v2;
	v10 =	vld [tilespmem:s21+$0xFFFFEE00];
	v11 =	vpack.i.f32.bf16 v11, v14  }
0xaa: {  	v14 =	vld [tilespmem:s21+$0xFFFFF000];
	[tilespmem:v12+s14+$0x0] =	vst.idx.msk $0xffff, v11  }
0xab: {  	v11 =	vor.u32 $0x3, v17;
	v12 =	vpack.i.f32.bf16 v18, v15;
	v15 =	vld [tilespmem:s20+$0xA00]  }
0xac: {  	[tilespmem:v6+s14+$0x0] =	vst.idx.msk $0xffff, v12;
	v6 =	vld [tilespmem:s20+$0xC00]  }
0xad: {  	v12 =	vor.u32 $0xA, v7;
	v18 =	vld [tilespmem:s21+$0xFFFFF1F0];
	v9 =	vpack.i.f32.bf16 v9, v13  }
0xae: {  	v13 =	vld [tilespmem:s21+$0xFFFFF3F0];
	[tilespmem:v20+s14+$0x0] =	vst.idx.msk $0xffff, v9  }
0xaf: {  	v9 =	vor.u32 $0x4, v3;
	v10 =	vpack.i.f32.bf16 v14, v10;
	v14 =	vld [tilespmem:s20+$0xDF0]  }
0xb0: {  	[tilespmem:v11+s14+$0x0] =	vst.idx.msk $0xffff, v10;
	v10 =	vld [tilespmem:s20+$0xFF0]  }
0xb1: {  	v20 =	vor.u32 $0xB, v2;
	v11 =	vld [tilespmem:s21+$0xFFFFF200];
	v6 =	vpack.i.f32.bf16 v6, v15  }
0xb2: {  	v15 =	vld [tilespmem:s21+$0xFFFFF400];
	[tilespmem:v12+s14+$0x0] =	vst.idx.msk $0xffff, v6  }
0xb3: {  	v6 =	vor.u32 $0x4, v17;
	v12 =	vpack.i.f32.bf16 v13, v18;
	v13 =	vld [tilespmem:s20+$0xE00]  }
0xb4: {  	[tilespmem:v9+s14+$0x0] =	vst.idx.msk $0xffff, v12;
	v9 =	vld [tilespmem:s20+$0x1000]  }
0xb5: {  	v12 =	vor.u32 $0xB, v7;
	v18 =	vld [tilespmem:s21+$0xFFFFF5F0];
	v10 =	vpack.i.f32.bf16 v10, v14  }
0xb6: {  	v14 =	vld [tilespmem:s21+$0xFFFFF7F0];
	[tilespmem:v20+s14+$0x0] =	vst.idx.msk $0xffff, v10  }
0xb7: {  	v11 =	vpack.i.f32.bf16 v15, v11;
	v15 =	vld [tilespmem:s20+$0x11F0]  }
0xb8: {  	v10 =	vor.u32 $0x5, v3;
	[tilespmem:v6+s14+$0x0] =	vst.idx.msk $0xffff, v11;
	v6 =	vld [tilespmem:s20+$0x13F0]  }
0xb9: {  	v11 =	vld [tilespmem:s21+$0xFFFFF600];
	v9 =	vpack.i.f32.bf16 v9, v13  }
0xba: {  	v21 =	vor.u32 $0xC, v2;
	v13 =	vld [tilespmem:s21+$0xFFFFF800];
	[tilespmem:v12+s14+$0x0] =	vst.idx.msk $0xffff, v9  }
0xbb: {  	v26 =	vor.u32 $0xD, v4;
	v24 =	vld [tilespmem:s20+$0x1200]  }
0xbc: {  	v9 =	vor.u32 $0x5, v17;
	v12 =	vpack.i.f32.bf16 v14, v18;
	v25 =	vld [tilespmem:s20+$0x1400]  }
0xbd: {  	v22 =	vor.u32 $0xE, v5;
	[tilespmem:v10+s14+$0x0] =	vst.idx.msk $0xffff, v12  }
0xbe: {  	v27 =	vor.u32 $0xC, v7;
	v20 =	vld [tilespmem:s21+$0xFFFFF9F0];
	v10 =	vpack.i.f32.bf16 v6, v15  }
0xbf: {  	v5 =	vor.u32 $0xE, v4;
	v4 =	vor.u32 $0xE, v7;
	v16 =	vpack.i.f32.bf16 v16, v8;
	v23 =	vld [tilespmem:s21+$0xFFFFFBF0];
	[tilespmem:v21+s14+$0x0] =	vst.idx.msk $0xffff, v10  }
0xc0: {  	v8 =	vor.u32 $0xD, v17;
	[tilespmem:v26+s14+$0x0] =	vst.idx.msk $0xffff, v16;
	v6 =	vor.u32 $0xD, v7;
	v7 =	vpack.i.f32.bf16 v13, v11;
	v18 =	vld [tilespmem:s20+$0x15F0]  }
0xc1: {  	v21 =	vpack.i.f32.bf16 v1, v19;
	v19 =	vld [tilespmem:s20+$0x17F0];
	[tilespmem:v9+s14+$0x0] =	vst.idx.msk $0xffff, v7;
	v7 =	vpack.i.f32.bf16 v25, v24;
	v25 =	vor.u32 $0x6, v3  }
0xc2: {  	v16 =	vor.u32 $0xD, v2;
	v14 =	vor.u32 $0x7, v17;
	v12 =	vor.u32 $0x9, v17;
	[tilespmem:v22+s14+$0x0] =	vst.idx.msk $0xffff, v21;
	v22 =	vld [tilespmem:s21+$0xFFFFFA00]  }
0xc3: {  	v15 =	vor.u32 $0x6, v17;
	v10 =	vor.u32 $0xB, v17;
	v13 =	vor.u32 $0x8, v17;
	v24 =	vld [tilespmem:s21+$0xFFFFFC00];
	[tilespmem:v27+s14+$0x0] =	vst.idx.msk $0xffff, v7  }
0xc4: {  	s24 =	sadd.s32 $0x20, s31;
	s23 =	simm.s32 $0x4;
	v11 =	vor.u32 $0xA, v17;
	v9 =	vor.u32 $0xC, v17;
	v7 =	vor.u32 $0xE, v17;
	v21 =	vld [tilespmem:s20+$0x1600]  }
.LBB2_3:
0xc5: {  	s25 =	sadd.s32 $0xFFFFFFF0, s24;
	v17 =	vmov s24;
	v20 =	vpack.i.f32.bf16 v23, v20;
	s22 =	sadd.s32 $0x20, s22;
	v23 =	vld [tilespmem:s20+$0x1800]  }
0xc6: {  	v26 =	vmov s25;
	v27 =	vld [tilespmem:s22+$0xFFFFFFF0];
	v17 =	vshll.u32 v17, $0x4;
	[tilespmem:v25+s14+$0x0] =	vst.idx.msk $0xffff, v20;
	v18 =	vpack.i.f32.bf16 v19, v18  }
0xc7: {  	v19 =	vshll.u32 v26, $0x4;
	v25 =	vor.u32 v0, v17;
	v26 =	vld [tilespmem:s21+$0xFFFFFDF0];
	[tilespmem:v16+s14+$0x0] =	vst.idx.msk $0xffff, v18  }
0xc8: {  	v17 =	vor.u32 v0, v19;
	v28 =	vor.u32 $0x1, v25;
	v29 =	vor.u32 $0x2, v25;
	v30 =	vld [tilespmem:s20+$0x19F0]  }
0xc9: {  	v32 =	vor.u32 $0xE, v2;
	v2 =	vmovc v3;
	v20 =	vor.u32 $0x3, v25;
	v18 =	vor.u32 $0x4, v25;
	v31 =	vld [tilespmem:s21+$0xFFFFFFF0];
	v3 =	vmovc v17  }
0xca: {  	v34 =	vor.u32 $0x7, v2;
	v16 =	vor.u32 $0x5, v25;
	v19 =	vpack.i.f32.bf16 v24, v22;
	v33 =	vld [tilespmem:s22+$0x0]  }
0xcb: {  	v22 =	vor.u32 $0x7, v25;
	v24 =	vor.u32 $0x8, v25;
	[tilespmem:v15+s14+$0x0] =	vst.idx.msk $0xffff, v19;
	v15 =	vor.u32 $0x6, v25;
	v35 =	vld [tilespmem:s19+$0x1A00];
	s19 =	smov.u32 s20;
	s20 =	smov.u32 s21  }
0xcc: {  	v36 =	vor.u32 $0x9, v25;
	v37 =	vor.u32 $0xA, v25;
	v19 =	vor.u32 $0xB, v25;
	v38 =	vld [tilespmem:s21+$0xFFFFFE00]  }
0xcd: {  	v21 =	vpack.i.f32.bf16 v23, v21;
	s21 =	sadd.s32 $0x20, s21;
	[tilespmem:v17+s14+$0x0] =	vst.idx.msk $0xffff, v27;
	v17 =	vor.u32 $0xC, v25;
	v27 =	vld [tilespmem:s20+$0x0];
	v30 =	vpack.i.f32.bf16 v1, v30  }
0xce: {  	v39 =	vor.u32 $0xD, v25;
	v40 =	vor.u32 $0xE, v25;
	v23 =	vld [tilespmem:s21+$0xFFFFE5F0];
	v26 =	vpack.i.f32.bf16 v31, v26;
	[tilespmem:v32+s14+$0x0] =	vst.idx.msk $0xffff, v30  }
0xcf: {  	v30 =	vld [tilespmem:s21+$0xFFFFE7F0];
	[tilespmem:v34+s14+$0x0] =	vst.idx.msk $0xffff, v26  }
0xd0: {  	v26 =	vor.u32 $0x1, v3;
	[tilespmem:v25+s14+$0x0] =	vst.idx.msk $0xffff, v33;
	v25 =	vld [tilespmem:s20+$0x1F0];
	v31 =	vpack.i.f32.bf16 v1, v35  }
0xd1: {  	v32 =	vld [tilespmem:s20+$0x3F0];
	[tilespmem:v6+s14+$0x0] =	vst.idx.msk $0xffff, v21;
	v6 =	vmov v8;
	v8 =	vmov v39  }
0xd2: {  	v33 =	vor.u32 $0x8, v2;
	v21 =	vld [tilespmem:s21+$0xFFFFE600];
	v27 =	vpack.i.f32.bf16 v27, v38;
	[tilespmem:v5+s14+$0x0] =	vst.idx.msk $0xffff, v31;
	v5 =	vmovc v4;
	v4 =	vmov v7  }
0xd3: {  	v7 =	vmov v40;
	v31 =	vld [tilespmem:s21+$0xFFFFE800];
	[tilespmem:v14+s14+$0x0] =	vst.idx.msk $0xffff, v27;
	v14 =	vmov v22  }
0xd4: {  	s23 =	sadd.s32 $0x2, s23;
	v22 =	vpack.i.f32.bf16 v30, v23;
	v23 =	vld [tilespmem:s20+$0x200]  }
0xd5: {  	p1 =	slt.u32 s23, $0x1E;
	[tilespmem:v26+s14+$0x0] =	vst.idx.msk $0xffff, v22;
	v22 =	vld [tilespmem:s20+$0x400]  }
0xd6: {  	v26 =	vld [tilespmem:s21+$0xFFFFE9F0];
	v25 =	vpack.i.f32.bf16 v32, v25  }
0xd7: {  	v27 =	vld [tilespmem:s21+$0xFFFFEBF0];
	[tilespmem:v33+s14+$0x0] =	vst.idx.msk $0xffff, v25  }
0xd8: {  	v25 =	vor.u32 $0x2, v3;
	v21 =	vpack.i.f32.bf16 v31, v21;
	v30 =	vld [tilespmem:s20+$0x5F0]  }
0xd9: {  	[tilespmem:v28+s14+$0x0] =	vst.idx.msk $0xffff, v21;
	v21 =	vld [tilespmem:s20+$0x7F0]  }
0xda: {  	v31 =	vor.u32 $0x9, v2;
	v28 =	vld [tilespmem:s21+$0xFFFFEA00];
	v22 =	vpack.i.f32.bf16 v22, v23  }
0xdb: {  	v23 =	vld [tilespmem:s21+$0xFFFFEC00];
	[tilespmem:v13+s14+$0x0] =	vst.idx.msk $0xffff, v22;
	v13 =	vmov v24  }
0xdc: {  	v22 =	vpack.i.f32.bf16 v27, v26;
	v24 =	vld [tilespmem:s20+$0x600]  }
0xdd: {  	[tilespmem:v25+s14+$0x0] =	vst.idx.msk $0xffff, v22;
	v22 =	vld [tilespmem:s20+$0x800]  }
0xde: {  	v25 =	vld [tilespmem:s21+$0xFFFFEDF0];
	v21 =	vpack.i.f32.bf16 v21, v30  }
0xdf: {  	v26 =	vld [tilespmem:s21+$0xFFFFEFF0];
	[tilespmem:v31+s14+$0x0] =	vst.idx.msk $0xffff, v21  }
0xe0: {  	v21 =	vor.u32 $0x3, v3;
	v23 =	vpack.i.f32.bf16 v23, v28;
	v27 =	vld [tilespmem:s20+$0x9F0]  }
0xe1: {  	[tilespmem:v29+s14+$0x0] =	vst.idx.msk $0xffff, v23;
	v23 =	vld [tilespmem:s20+$0xBF0]  }
0xe2: {  	v29 =	vor.u32 $0xA, v2;
	v28 =	vld [tilespmem:s21+$0xFFFFEE00];
	v22 =	vpack.i.f32.bf16 v22, v24  }
0xe3: {  	v24 =	vld [tilespmem:s21+$0xFFFFF000];
	[tilespmem:v12+s14+$0x0] =	vst.idx.msk $0xffff, v22;
	v12 =	vmov v36  }
0xe4: {  	v22 =	vpack.i.f32.bf16 v26, v25;
	v25 =	vld [tilespmem:s20+$0xA00]  }
0xe5: {  	[tilespmem:v21+s14+$0x0] =	vst.idx.msk $0xffff, v22;
	v21 =	vld [tilespmem:s20+$0xC00]  }
0xe6: {  	v22 =	vld [tilespmem:s21+$0xFFFFF1F0];
	v23 =	vpack.i.f32.bf16 v23, v27  }
0xe7: {  	v26 =	vld [tilespmem:s21+$0xFFFFF3F0];
	[tilespmem:v29+s14+$0x0] =	vst.idx.msk $0xffff, v23  }
0xe8: {  	v23 =	vor.u32 $0x4, v3;
	v24 =	vpack.i.f32.bf16 v24, v28;
	v27 =	vld [tilespmem:s20+$0xDF0]  }
0xe9: {  	[tilespmem:v20+s14+$0x0] =	vst.idx.msk $0xffff, v24;
	v20 =	vld [tilespmem:s20+$0xFF0]  }
0xea: {  	v28 =	vor.u32 $0xB, v2;
	v24 =	vld [tilespmem:s21+$0xFFFFF200];
	v21 =	vpack.i.f32.bf16 v21, v25  }
0xeb: {  	v25 =	vld [tilespmem:s21+$0xFFFFF400];
	[tilespmem:v11+s14+$0x0] =	vst.idx.msk $0xffff, v21;
	v11 =	vmov v37  }
0xec: {  	v21 =	vpack.i.f32.bf16 v26, v22;
	v22 =	vld [tilespmem:s20+$0xE00]  }
0xed: {  	[tilespmem:v23+s14+$0x0] =	vst.idx.msk $0xffff, v21;
	v21 =	vld [tilespmem:s20+$0x1000]  }
0xee: {  	v23 =	vld [tilespmem:s21+$0xFFFFF5F0];
	v20 =	vpack.i.f32.bf16 v20, v27  }
0xef: {  	v26 =	vld [tilespmem:s21+$0xFFFFF7F0];
	[tilespmem:v28+s14+$0x0] =	vst.idx.msk $0xffff, v20  }
0xf0: {  	v20 =	vor.u32 $0x5, v3;
	v24 =	vpack.i.f32.bf16 v25, v24;
	v25 =	vld [tilespmem:s20+$0x11F0]  }
0xf1: {  	[tilespmem:v18+s14+$0x0] =	vst.idx.msk $0xffff, v24;
	v18 =	vld [tilespmem:s20+$0x13F0]  }
0xf2: {  	v27 =	vor.u32 $0xC, v2;
	v24 =	vld [tilespmem:s21+$0xFFFFF600];
	v21 =	vpack.i.f32.bf16 v21, v22  }
0xf3: {  	v22 =	vld [tilespmem:s21+$0xFFFFF800];
	[tilespmem:v10+s14+$0x0] =	vst.idx.msk $0xffff, v21;
	v10 =	vmov v19  }
0xf4: {  	v19 =	vpack.i.f32.bf16 v26, v23;
	v21 =	vld [tilespmem:s20+$0x1200]  }
0xf5: {  	[tilespmem:v20+s14+$0x0] =	vst.idx.msk $0xffff, v19;
	v26 =	vld [tilespmem:s20+$0x1400]  }
0xf6: {  	v20 =	vld [tilespmem:s21+$0xFFFFF9F0];
	v18 =	vpack.i.f32.bf16 v18, v25  }
0xf7: {  	v23 =	vld [tilespmem:s21+$0xFFFFFBF0];
	[tilespmem:v27+s14+$0x0] =	vst.idx.msk $0xffff, v18  }
.Ltmp0:
0xf8: {  	v19 =	vpack.i.f32.bf16 v22, v24;
	v18 =	vld [tilespmem:s20+$0x15F0];
	(pc) =	sbr.rel @p1 .LBB2_3-.Ltmp0, $4  }
0xf9: {  	v25 =	vor.u32 $0x6, v3;
	[tilespmem:v16+s14+$0x0] =	vst.idx.msk $0xffff, v19;
	v19 =	vld [tilespmem:s20+$0x17F0]  }
0xfa: {  	v16 =	vor.u32 $0xD, v2;
	v22 =	vld [tilespmem:s21+$0xFFFFFA00];
	v21 =	vpack.i.f32.bf16 v26, v21  }
0xfb: {  	v24 =	vld [tilespmem:s21+$0xFFFFFC00];
	[tilespmem:v9+s14+$0x0] =	vst.idx.msk $0xffff, v21;
	v9 =	vmov v17  }
0xfc: {  	s24 =	sadd.s32 $0x20, s24;
	v21 =	vld [tilespmem:s20+$0x1600]  }
0xfd: {  	_ =	sdelay $0x2  }
0xfe: {  	v17 =	vpack.i.f32.bf16 v23, v20  }
0xff: {  	[tilespmem:v25+s14+$0x0] =	vst.idx.msk $0xffff, v17  }
0x100: {  	v17 =	vld [tilespmem:s21+$0xFFFFFDF0];
	v29 =	vpack.i.f32.bf16 v24, v22  }
0x101: {  	v30 =	vld [tilespmem:s21+$0xFFFFFFF0];
	[tilespmem:v15+s14+$0x0] =	vst.idx.msk $0xffff, v29  }
0x102: {  	v31 =	vor.u32 $0x7, v3;
	v20 =	vld [tilespmem:s21+$0xFFFFFE00]  }
0x103: {  	v32 =	vld [tilespmem:s21+$0x0];
	_ =	sdelay $0x2  }
0x104: {  	v17 =	vpack.i.f32.bf16 v30, v17  }
0x105: {  	[tilespmem:v31+s14+$0x0] =	vst.idx.msk $0xffff, v17  }
0x106: {  	v15 =	vld [tilespmem:s21+$0x1F0];
	v33 =	vpack.i.f32.bf16 v32, v20  }
0x107: {  	v34 =	vld [tilespmem:s21+$0x3F0];
	[tilespmem:v14+s14+$0x0] =	vst.idx.msk $0xffff, v33  }
0x108: {  	v35 =	vor.u32 $0x8, v3;
	v17 =	vld [tilespmem:s21+$0x200]  }
0x109: {  	v36 =	vld [tilespmem:s21+$0x400];
	_ =	sdelay $0x2  }
0x10a: {  	v15 =	vpack.i.f32.bf16 v34, v15  }
0x10b: {  	[tilespmem:v35+s14+$0x0] =	vst.idx.msk $0xffff, v15  }
0x10c: {  	v14 =	vld [tilespmem:s21+$0x5F0];
	v37 =	vpack.i.f32.bf16 v36, v17  }
0x10d: {  	v38 =	vld [tilespmem:s21+$0x7F0];
	[tilespmem:v13+s14+$0x0] =	vst.idx.msk $0xffff, v37  }
0x10e: {  	v39 =	vor.u32 $0x9, v3;
	v15 =	vld [tilespmem:s21+$0x600]  }
0x10f: {  	v40 =	vld [tilespmem:s21+$0x800];
	_ =	sdelay $0x2  }
0x110: {  	v14 =	vpack.i.f32.bf16 v38, v14  }
0x111: {  	[tilespmem:v39+s14+$0x0] =	vst.idx.msk $0xffff, v14  }
0x112: {  	v13 =	vld [tilespmem:s21+$0x9F0];
	v41 =	vpack.i.f32.bf16 v40, v15  }
0x113: {  	v42 =	vld [tilespmem:s21+$0xBF0];
	[tilespmem:v12+s14+$0x0] =	vst.idx.msk $0xffff, v41  }
0x114: {  	v43 =	vor.u32 $0xA, v3;
	v14 =	vld [tilespmem:s21+$0xA00]  }
0x115: {  	v44 =	vld [tilespmem:s21+$0xC00];
	_ =	sdelay $0x2  }
0x116: {  	v13 =	vpack.i.f32.bf16 v42, v13  }
0x117: {  	[tilespmem:v43+s14+$0x0] =	vst.idx.msk $0xffff, v13  }
0x118: {  	v12 =	vld [tilespmem:s21+$0xDF0];
	v45 =	vpack.i.f32.bf16 v44, v14  }
0x119: {  	v46 =	vld [tilespmem:s21+$0xFF0];
	[tilespmem:v11+s14+$0x0] =	vst.idx.msk $0xffff, v45  }
0x11a: {  	v47 =	vor.u32 $0xB, v3;
	v13 =	vld [tilespmem:s21+$0xE00]  }
0x11b: {  	v48 =	vld [tilespmem:s21+$0x1000];
	_ =	sdelay $0x2  }
0x11c: {  	v12 =	vpack.i.f32.bf16 v46, v12  }
0x11d: {  	[tilespmem:v47+s14+$0x0] =	vst.idx.msk $0xffff, v12  }
0x11e: {  	v11 =	vld [tilespmem:s21+$0x11F0];
	v49 =	vpack.i.f32.bf16 v48, v13  }
0x11f: {  	v50 =	vld [tilespmem:s21+$0x13F0];
	[tilespmem:v10+s14+$0x0] =	vst.idx.msk $0xffff, v49  }
0x120: {  	v51 =	vor.u32 $0xC, v3;
	v12 =	vld [tilespmem:s21+$0x1200]  }
0x121: {  	v52 =	vld [tilespmem:s21+$0x1400];
	_ =	sdelay $0x2  }
0x122: {  	v11 =	vpack.i.f32.bf16 v50, v11  }
0x123: {  	v53 =	vld [tilespmem:s20+$0x1800];
	[tilespmem:v51+s14+$0x0] =	vst.idx.msk $0xffff, v11  }
0x124: {  	v10 =	vld [tilespmem:s21+$0x15F0];
	v54 =	vpack.i.f32.bf16 v52, v12  }
0x125: {  	v55 =	vld [tilespmem:s21+$0x17F0];
	[tilespmem:v9+s14+$0x0] =	vst.idx.msk $0xffff, v54  }
0x126: {  	v56 =	vor.u32 $0xD, v3;
	v11 =	vld [tilespmem:s21+$0x1600]  }
0x127: {  	v57 =	vld [tilespmem:s21+$0x1800]  }
0x128: {  	v58 =	vpack.i.f32.bf16 v19, v18  }
0x129: {  	[tilespmem:v16+s14+$0x0] =	vst.idx.msk $0xffff, v58  }
0x12a: {  	v15 =	vld [tilespmem:s20+$0x19F0];
	v10 =	vpack.i.f32.bf16 v55, v10  }
0x12b: {  	v2 =	vor.u32 $0xE, v2;
	v59 =	vld [tilespmem:s19+$0x1A00];
	v13 =	vpack.i.f32.bf16 v53, v21;
	[tilespmem:v56+s14+$0x0] =	vst.idx.msk $0xffff, v10  }
0x12c: {  	[tilespmem:v6+s14+$0x0] =	vst.idx.msk $0xffff, v13;
	v60 =	vld [tilespmem:s21+$0x19F0];
	v61 =	vpack.i.f32.bf16 v57, v11  }
0x12d: {  	v3 =	vor.u32 $0xE, v3;
	v62 =	vld [tilespmem:s20+$0x1A00];
	[tilespmem:v8+s14+$0x0] =	vst.idx.msk $0xffff, v61  }
0x12e: {  	v8 =	vld [tilespmem:s21+$0x1A00]  }
0x12f: {  	s31 =	sshll.u32 s17, $0xF;
	s17 =	sadd.s32 $0x1, s17;
	v63 =	vpack.i.f32.bf16 v1, v15  }
0x130: {  	p1 =	sne.s32 s17, $0x80;
	[tilespmem:v2+s14+$0x0] =	vst.idx.msk $0xffff, v63;
	v2 =	vpack.i.f32.bf16 v1, v59  }
.Ltmp1:
0x131: {  	[tilespmem:v5+s14+$0x0] =	vst.idx.msk $0xffff, v2;
	v2 =	vpack.i.f32.bf16 v1, v60;
	(pc) =	sbr.rel @p1 .LBB2_2-.Ltmp1, $4  }
0x132: {  	[tilespmem:v3+s14+$0x0] =	vst.idx.msk $0xffff, v2;
	v2 =	vpack.i.f32.bf16 v1, v62  }
0x133: {  	s18 =	sshll.u32 s18, $0xD;
	[tilespmem:v4+s14+$0x0] =	vst.idx.msk $0xffff, v2;
	v2 =	vpack.i.f32.bf16 v1, v8  }
0x134: {  	p0 =	por !p0, !p0;
	s19 =	sadd.s32 s31, s8;
	s18 =	sadd.s32 $0x7000, s18;
	[tilespmem:v7+s14+$0x0] =	vst.idx.msk $0xffff, v2  }
0x135: {  	[hbm4b:s19+s4] =	stream.linear.scatter [tilespmem:s18], [sflag:$0x2], $0x2000, $0x38;
	[tilespmem:$0xB000] =	vst v63  }
0x136: {  	s16 =	sadd.s32 $0x1, s16  }
0x137: {  	_ =	swait.ge [sflag:s15], $0x2000;
	p0 =	sne.s32 s16, s9  }
.Ltmp2:
0x138: {  	[sflag:s15] =	ssyncset.done $0x0;
	(pc) =	sbr.rel @p0 .LBB2_1-.Ltmp2, $4  }
0x139: {  	[sflag:s15] =	ssyncadd.s32 $0xFFFFE000  }
0x13a: {  	_ =	swait.ge [sflag:s15], $0x2000  }
0x13b: {  	[sflag:s15] =	ssyncset.done $0x0  }
0x13c: {  	[sflag:s15] =	ssyncadd.s32 $0xFFFFE000  }
0x13d: {  	_ =	sfence.sel $0x180000  }
0x13e: {  	[bflag:$0x0] =	sbarrier.arrive $0xFFFF  }
0x13f: {  	p0 =	sne.s32 s2, $0x0;
	_ =	strace $0x90000047  }
0x140: {  	s0 =	sadd.s32 @!p0 $0x100000, s0;
	[bflag:$0x2] =	sbarrier.arrive $0xFFFF  }
0x141: {  	[sflag:s0] =	ssyncadd.tile.s32 @!p0 $0x1;
	_ =	shalt  }
.Lfunc_end2:
_tile_overlayer_lowered:
.L_overlay_start_2:
0x142: {  	(tag) =	ssettag $0x2  }
0x143: {  	s0 =	rddreg [dreg:$0x0];
	s2 =	stileid.u32  }
0x144: {  	s1 =	rddreg [dreg:$0x1];
	p0 =	sne.s32 s2, $0x0  }
0x145: {  	s3 =	rddreg [dreg:$0x2];
	[bflag:$0x3] =	sbarrier.arrive $0xFFFF;
	s2 =	simm.s32 @!p0 $0x1C03  }
0x146: {  	[timem:s3], [sflag:s2] =	dma.local @!p0 [hbm:s0], s1  }
0x147: {  	s0 =	simm.s32 @!p0 $0x3  }
0x148: {  	_ =	swait.ge @!p0 [sflag:s0], s1  }
0x149: {  	s1 =	ssub.s32 @!p0 $0x0, s1;
	[sflag:s0] =	ssyncset.done @!p0 $0x0  }
0x14a: {  	[sflag:s0] =	ssyncadd.s32 @!p0 s1  }
0x14b: {  	[bflag:$0x3] =	sbarrier.arrive $0xFFFF  }
0x14c: {  	_ =	shalt  }

// kernel: kernel.7.cloned.1.call-start
scs
__scs_entry_jumppad:
0x0: {  	(pc) =	sbr.rel $0x88, $3  }
0x1: {  	(tag) =	ssettag $0x0;
	lr =	simm.s32 $0x1  }
0x2: {  	[smem:$0x3F9D] =	sst lr;
	_ =	strace $0xD0000000  }
0x3: {  	_ = 	snop  }
0x4: {  	_ = 	snop  }
0x5: {  	_ = 	snop  }
0x6: {  	_ = 	snop  }
0x7: {  	_ = 	snop  }
__scs_overlays_trampoline_lowered:
0x8: {  	[smem:$0x3FAC] =	sst s0  }
0x9: {  	[smem:$0x3FAD] =	sst s1  }
0xa: {  	[smem:$0x3FAE] =	sst s2  }
0xb: {  	[smem:$0x3FAF] =	sst s3  }
0xc: {  	[smem:$0x3FB0] =	sst s4  }
0xd: {  	[smem:$0x3FB1] =	sst s5  }
0xe: {  	[smem:$0x3FB2] =	sst s6  }
0xf: {  	[smem:$0x3FB3] =	sst s7  }
0x10: {  	[smem:$0x3FB4] =	sst s8  }
0x11: {  	[smem:$0x3FB5] =	sst s9;
	s0 =	simm.s32 @!p0 $0x0  }
0x12: {  	s1 =	sld [smem:$0x3F9B];
	s0 =	simm.s32 @p0 $0x1  }
0x13: {  	[smem:$0x3FB6] =	sst s0;
	s0 =	simm.s32 @!p1 $0x0  }
0x14: {  	s2 =	sld [smem:$0x3F9A];
	s0 =	simm.s32 @p1 $0x1  }
0x15: {  	[smem:$0x3FB7] =	sst s0;
	s0 =	simm.s32 @!p2 $0x0  }
0x16: {  	s3 =	sld [smem:$0x3FDB];
	s0 =	simm.s32 @p2 $0x1  }
0x17: {  	s4 =	simm.s32 $0x1BF5;
	[smem:$0x3FB9] =	sst s0  }
0x18: {  	s0 =	sld [smem:$0x3F9C];
	_ =	swait.ge [sflag:s4], $0x0  }
0x19: {  	s7 =	sld [smem:$0x3F9D]  }
0x1a: {  	s8 =	sadd.s32 $0xFFFFE003, lr  }
0x1b: {  	s9 =	sadd.s32 $0xFFFFFEF7, lr;
	s5 =	simm.s32 $0xFFFFFFFF;
	p2 =	slt.u32 s8, $0xFFFFF086  }
0x1c: {  	p1 =	slt.u32 s9, $0xF7A;
	s5 =	simm.s32 @!p2 $0x0  }
0x1d: {  	s5 =	simm.s32 @p1 $0x1;
	p0 =	seq.s32 s7, s2  }
0x1e: {  	s7 =	smul.u32 @!p0 $0xF7A, s2;
	p2 =	seq.s32 @!p0 s5, $0x0  }
0x1f: {  	s9 =	smul.u32 $0xF7A, s1;
	s8 =	simm.s32 @!p0 $0x1BF5;
	p2 =	por !p2, p0  }
0x20: {  	[sflag:s8] =	ssyncset.s32 @!p0 $0xFFFFF086;
	s6 =	sadd.s32 @!p0 s3, s7;
	s7 =	simm.s32 @!p0 $0x108  }
0x21: {  	s3 =	sadd.s32 s3, s9;
	s6 =	sadd.s32 @!p0 $0x88, s6;
	s7 =	simm.s32 @p2 $0x1082  }
0x22: {  	[simem:s7], [sflag:s8] =	dma.local @!p0 [hbm:s6], $0xF7A  }
0x23: {  	s9 =	sor.u32 $0xD0000000, s2;
	s6 =	simm.s32 $0x108;
	_ =	swait.ge @!p0 [sflag:s8], $0x0  }
0x24: {  	s3 =	sadd.s32 $0x88, s3;
	s6 =	simm.s32 @!p1 $0x1082;
	[sflag:s4] =	ssyncset.s32 $0xFFFFF086  }
0x25: {  	[simem:s6], [sflag:s4] =	dma.local [hbm:s3], $0xF7A  }
0x26: {  	[smem:$0x3F9D] =	sst s1;
	(tag) =	ssettag s2;
	_ =	strace s9  }
0x27: {  	s1 =	sld [smem:$0x3FAD]  }
0x28: {  	s2 =	sld [smem:$0x3FAE]  }
0x29: {  	s4 =	sld [smem:$0x3FB0]  }
0x2a: {  	p0 =	seq.s32 s5, $0x0;
	s5 =	sld [smem:$0x3FB1]  }
0x2b: {  	s6 =	sld [smem:$0x3FB2]  }
0x2c: {  	s7 =	sld [smem:$0x3FB3]  }
0x2d: {  	s3 =	simm.s32 $0x108;
	s8 =	sld [smem:$0x3FB4]  }
0x2e: {  	s3 =	simm.s32 @!p0 $0x1082;
	s9 =	sld [smem:$0x3FB5]  }
0x2f: {  	lr =	sadd.s32 s0, s3;
	s0 =	sld [smem:$0x3FAC]  }
0x30: {  	s3 =	sld [smem:$0x3FAF]  }
0x31: {  	[smem:$0x3FB8] =	sst s10  }
0x32: {  	s10 =	sld [smem:$0x3FB6];
	_ =	sdelay $0x3  }
0x33: {  	p0 =	seq.s32 s10, $0x1;
	s10 =	sld [smem:$0x3FB8];
	_ =	sdelay $0x3  }
0x34: {  	[smem:$0x3FB8] =	sst s10  }
0x35: {  	s10 =	sld [smem:$0x3FB7];
	_ =	sdelay $0x3  }
0x36: {  	p1 =	seq.s32 s10, $0x1;
	s10 =	sld [smem:$0x3FB8];
	_ =	sdelay $0x3  }
0x37: {  	[smem:$0x3FB8] =	sst s10  }
0x38: {  	s10 =	sld [smem:$0x3FB9]  }
0x39: {  	_ = 	snop;
	(pc) =	sbr.ind lr, $3  }
0x3a: {  	_ = 	snop  }
0x3b: {  	_ = 	snop  }
0x3c: {  	p2 =	seq.s32 s10, $0x1;
	s10 =	sld [smem:$0x3FB8]  }
0x3d: {  	_ =	shalt  }
0x3e: {  	_ =	shalt  }
0x3f: {  	_ =	shalt  }
0x40: {  	_ =	shalt  }
0x41: {  	_ =	shalt  }
0x42: {  	_ =	shalt  }
0x43: {  	_ =	shalt  }
0x44: {  	_ =	shalt  }
0x45: {  	_ =	shalt  }
0x46: {  	_ =	shalt  }
0x47: {  	_ =	shalt  }
0x48: {  	_ =	shalt  }
0x49: {  	_ =	shalt  }
0x4a: {  	_ =	shalt  }
0x4b: {  	_ =	shalt  }
0x4c: {  	_ =	shalt  }
0x4d: {  	_ =	shalt  }
0x4e: {  	_ =	shalt  }
0x4f: {  	_ =	shalt  }
0x50: {  	_ =	shalt  }
0x51: {  	_ =	shalt  }
0x52: {  	_ =	shalt  }
0x53: {  	_ =	shalt  }
0x54: {  	_ =	shalt  }
0x55: {  	_ =	shalt  }
0x56: {  	_ =	shalt  }
0x57: {  	_ =	shalt  }
0x58: {  	_ =	shalt  }
0x59: {  	_ =	shalt  }
0x5a: {  	_ =	shalt  }
0x5b: {  	_ =	shalt  }
0x5c: {  	_ =	shalt  }
0x5d: {  	_ =	shalt  }
0x5e: {  	_ =	shalt  }
0x5f: {  	_ =	shalt  }
0x60: {  	_ =	shalt  }
0x61: {  	_ =	shalt  }
0x62: {  	_ =	shalt  }
0x63: {  	_ =	shalt  }
0x64: {  	_ =	shalt  }
0x65: {  	_ =	shalt  }
0x66: {  	_ =	shalt  }
0x67: {  	_ =	shalt  }
0x68: {  	_ =	shalt  }
0x69: {  	_ =	shalt  }
0x6a: {  	_ =	shalt  }
0x6b: {  	_ =	shalt  }
0x6c: {  	_ =	shalt  }
0x6d: {  	_ =	shalt  }
0x6e: {  	_ =	shalt  }
0x6f: {  	_ =	shalt  }
0x70: {  	_ =	shalt  }
0x71: {  	_ =	shalt  }
0x72: {  	_ =	shalt  }
0x73: {  	_ =	shalt  }
0x74: {  	_ =	shalt  }
0x75: {  	_ =	shalt  }
0x76: {  	_ =	shalt  }
0x77: {  	_ =	shalt  }
0x78: {  	_ =	shalt  }
0x79: {  	_ =	shalt  }
0x7a: {  	_ =	shalt  }
0x7b: {  	_ =	shalt  }
0x7c: {  	_ =	shalt  }
0x7d: {  	_ =	shalt  }
0x7e: {  	_ =	shalt  }
0x7f: {  	_ =	shalt  }
0x80: {  	_ =	shalt  }
0x81: {  	_ =	shalt  }
0x82: {  	_ =	shalt  }
0x83: {  	_ =	shalt  }
0x84: {  	_ =	shalt  }
0x85: {  	_ =	shalt  }
0x86: {  	_ =	shalt  }
0x87: {  	_ =	shalt  }
.Lfunc_end0:
.L_simem_size_0:
called_computation.1_lowered:
.L_overlay_start_0:
0x88: {  	s2 =	sld [smem:$0x3FD9]  }
0x89: {  	s3 =	sld [smem:$0x3FFE];
	_ =	sdelay $0x1  }
0x8a: {  	s1 =	srdreg.scid  }
0x8b: {  	s0 =	sand.u32 $0x1, s1  }
0x8c: {  	s17 =	sshll.u32 s0, $0xA;
	s2 =	sadd.s32 s3, s2  }
0x8d: {  	s2 =	sadd.s32 s2, s17  }
0x8e: {  	[smem:$0x3FC4] =	sst s2  }
0x8f: {  	_ = 	snop  }
0x90: {  	s2 =	sld [smem:$0x3FD0];
	(tm) =	ssettm $0x1  }
0x91: {  	s18 =	sld [smem:$0x3FFB];
	_ =	sdelay $0x3  }
0x92: {  	_ =	strace s18  }
0x93: {  	s3 =	sld [smem:$0x3FFC];
	_ =	sdelay $0x3  }
0x94: {  	_ =	strace s3  }
0x95: {  	s3 =	sld [smem:$0x3FFD];
	_ =	sdelay $0x3  }
0x96: {  	_ =	strace s3  }
0x97: {  	_ =	strace $0x8FFFFFFF  }
0x98: {  	s19 =	sld [smem:$0x3FDB];
	_ =	sdelay $0x1  }
0x99: {  	s4 =	simm.s32 $_scs_section_size  }
0x9a: {  	s5 =	simm.s32 $_size__tile_overlayer_lowered;
	s6 =	simm.s32 $_tile_overlayer_lowered  }
0x9b: {  	s22 =	simm.s32 $0x1BFF;
	s21 =	sshll.u32 s6, $0x1;
	s3 =	sadd.s32 s4, s19  }
0x9c: {  	s7 =	simm.s32 $0x0;
	s20 =	sshll.u32 s5, $0x1;
	s5 =	sadd.s32 s21, s3  }
0x9d: {  	[timem:s7], [sflag:s22] =	dma.local [hbm:s5], s20  }
0x9e: {  	_ =	swait.ge [sflag:s22], s20  }
0x9f: {  	s4 =	ssub.s32 $0x0, s20;
	[sflag:s22] =	ssyncset.done $0x0  }
0xa0: {  	[sflag:s22] =	ssyncadd.s32 s4;
	_ =	sdelay $0x1  }
0xa1: {  	s23 =	simm.s32 $0x1B8B  }
0xa2: {  	_ =	swait.ge [sflag:s23], $0x1  }
0xa3: {  	[sflag:s23] =	ssyncset.done $0x0  }
0xa4: {  	s25 =	simm.s32 $0x1B8E;
	s24 =	sld [smem:$0x3FFE];
	[sflag:s23] =	ssyncadd.s32 $0xFFFFFFFF  }
0xa5: {  	s26 =	simm.s32 $execute0_lowered;
	[smem:$0x3FD2] =	sst s25  }
0xa6: {  	s5 =	sshll.u32 s26, $0x1;
	_ =	strace $0x80000049;
	[dreg:$0x1] =	wrdreg $0xFFFFFFFF  }
0xa7: {  	s28 =	simm.s32 $_size_execute0_lowered;
	s3 =	sadd.s32 s3, s5;
	[dreg:$0x0] =	wrdreg $0x0  }
0xa8: {  	s5 =	sshll.u32 s28, $0x1;
	[dreg:$0x2] =	wrdreg s3  }
0xa9: {  	[dreg:$0x3] =	wrdreg s5  }
0xaa: {  	[dreg:$0x4] =	wrdreg $0xC0  }
0xab: {  	_ =	task [dreg:s7], $0x5FFFF  }
0xac: {  	[dreg:$0x1] =	wrdreg $0xFFFFFFFF  }
0xad: {  	[dreg:$0x0] =	wrdreg $0x60  }
0xae: {  	[dreg:$0x2] =	wrdreg s2  }
0xaf: {  	[dreg:$0x3] =	wrdreg s24  }
0xb0: {  	[dreg:$0x4] =	wrdreg $0x9  }
0xb1: {  	_ =	task.clear_ibuf [dreg:s7], $0x5FFFF;
	_ =	strace $0x90000049  }
0xb2: {  	s29 =	simm.s32 $0x9;
	_ =	strace $0x8000004B  }
0xb3: {  	_ =	swait.ge [sflag:s29], $0x1  }
0xb4: {  	[sflag:s29] =	ssyncadd.s32 $0xFFFFFFFF  }
0xb5: {  	_ =	strace $0x9000004B  }
0xb6: {  	_ =	sfence  }
0xb7: {  	s30 =	sld [smem:$0x0];
	_ =	sdelay $0x2  }
0xb8: {  	s31 =	sshll.u32 s1, $0xD;
	s1 =	sshrl.u32 s1, $0x2  }
0xb9: {  	s3 =	sand.u32 $0x4000, s31;
	s1 =	sadd.s32 s1, s30  }
0xba: {  	s0 =	sor.u32 s3, s0;
	s1 =	sshll.u32 s1, $0x11  }
0xbb: {  	s0 =	sor.u32 s1, s0  }
0xbc: {  	s0 =	sadd.s32 $0x8F2B, s0  }
0xbd: {  	[sflag:s0] =	ssyncadd.remote.s32 $0x1  }
0xbe: {  	_ =	sfence.sel $0xFFFF  }
0xbf: {  	[dreg:$0x0] =	wrdreg $0xFFFFFFFF;
	(pc) =	sbr.abs _section_cstart, $3  }
0xc0: {  	[dreg:$0x1] =	wrdreg $0xFFFFFFFF  }
0xc1: {  	_ =	task.clear_ibuf [dreg:s7], $0x2FFFF;
	_ =	strace $0x9FFFFFFF  }
0xc2: {  	(tm) =	ssettm $0x7FFFFFFF  }
0xc3: {  	_ =	shalt  }
tec
execute0_lowered:
.L_overlay_start_1:
0x0: {  	(tag) =	ssettag $0x1  }
0x1: {  	s0 =	rddreg [dreg:$0x1]  }
0x2: {  	s1 =	srdreg.scid;
	s20 =	simm.s32 $0x0;
	s2 =	stileid.u32  }
0x3: {  	s21 =	simm.s32 $0x2;
	s11 =	simm.s32 $0x80;
	s13 =	simm.s32 $0x8000  }
0x4: {  	s10 =	simm.s32 $0x6580;
	s5 =	simm.s32 $0xD800;
	s7 =	simm.s32 $0x6600  }
0x5: {  	s8 =	simm.s32 $0xE000;
	s9 =	simm.s32 $0xE800;
	s12 =	simm.s32 $0x6700  }
0x6: {  	s14 =	simm.s32 $0xF000;
	s15 =	simm.s32 $0x6780;
	s16 =	simm.s32 $0xF800  }
0x7: {  	s17 =	simm.s32 $0x1;
	s18 =	simm.s32 $0x18000;
	s22 =	simm.s32 $0x0  }
0x8: {  	s1 =	sand.u32 $0x1, s1;
	[smem:$0x7FF] =	sst s20;
	s2 =	sshll.u32 s2, $0x8  }
0x9: {  	s26 =	sadd.s32 $0x400C00, s0;
	s6 =	sadd.s32 $0xC00, s0;
	s3 =	sshll.u32 s1, $0x7  }
0xa: {  	_ =	strace $0x8000004A;
	s1 =	ssub.s32 $0x2, s1;
	s4 =	sor.u32 s3, s2  }
0xb: {  	[dreg:$0x3] =	wrdreg s26;
	s29 =	sshrl.u32 s1, $0x1;
	s28 =	sadd.s32 s4, s0  }
0xc: {  	s2 =	simm.s32 $0x6500;
	s30 =	ssub.s32 s1, s29;
	s31 =	sadd.s32 $0x401200, s28  }
0xd: {  	v0 =	vlaneseq.u32;
	s3 =	simm.s32 $0x6680;
	s0 =	smax.u32 s30, $0x1;
	[dreg:$0x4] =	wrdreg s31  }
0xe: {  	v1 =	vimm.s32 $0x0;
	v2 =	vmul.u32 $0x10, v0;
	s1 =	simm.s32 $0xD000;
	[dreg:$0x5] =	wrdreg s0;
	s0 =	simm.s32 $0xC800  }
.LBB2_1:
0xf: {  	[dreg:$0x6] =	wrdreg s22  }
0x10: {  	s19 =	rddreg [dreg:$0x0]  }
0x11: {  	[tilespmem:s20], [sflag:$0x2] =	stream.linear.gather [hbm4b:s19+s20], $0x3000, $0x38;
	[tilespmem:$0x18400] =	vst v63  }
0x12: {  	_ =	swait.ge [sflag:s21], $0x3000  }
0x13: {  	[sflag:s21] =	ssyncset.done $0x0  }
0x14: {  	s31 =	simm.s32 $0x3000;
	s30 =	rddreg [dreg:$0x3];
	[sflag:s21] =	ssyncadd.s32 $0xFFFFD000  }
0x15: {  	[tilespmem:s31], [sflag:$0x2] =	stream.linear.gather [hbm4b:s30+s20], $0x3000, $0x38;
	[tilespmem:$0x18400] =	vst v63  }
0x16: {  	_ =	swait.ge [sflag:s21], $0x3000  }
0x17: {  	[sflag:s21] =	ssyncset.done $0x0  }
0x18: {  	s19 =	simm.s32 $0x0;
	[sflag:s21] =	ssyncadd.s32 $0xFFFFD000  }
.LBB2_2:
0x19: {  	s20 =	simm.s32 $0x0  }
0x1a: {  	v3 =	vmov s20  }
0x1b: {  	v3 =	vcvt.s32.f32 v3  }
0x1c: {  	s20 =	sshll.u32 s19, $0x4  }
0x1d: {  	s21 =	sor.u32 s4, s20;
	v4 =	vmul.f32 $6.190476190e-02, v3  }
0x1e: {  	v3 =	vld [tilespmem:s21+$0x3000]  }
0x1f: {  	v6 =	vadd.f32 $1.000000010e-01, v4  }
0x20: {  	v4 =	vld [tilespmem:s21+$0x0]  }
0x21: {  	v5 =	vld [tilespmem:s21+$0x4000];
	v9 =	vbroadcast v6, $0x0  }
0x22: {  	s22 =	sor.u32 $0x1000, s21;
	v6 =	vld [tilespmem:s21+$0x5000]  }
0x23: {  	v7 =	vld [tilespmem:s22+$0x0];
	s21 =	sor.u32 $0x2000, s21;
	v10 =	vmul.f32 v9, v3  }
0x24: {  	v8 =	vld [tilespmem:s21+$0x0]  }
0x25: {  	v10 =	vadd.f32 v10, v4  }
0x26: {  	v11 =	vmul.f32 v9, v5  }
0x27: {  	v9 =	vmul.f32 v9, v6;
	v10 =	vadd.f32 $1.000000000e+00, v10  }
0x28: {  	v11 =	vadd.f32 v11, v7  }
0x29: {  	v9 =	vadd.f32 v9, v8;
	v10 =	vmul.f32 $6.350000000e+01, v10  }
0x2a: {  	v11 =	vadd.f32 $1.000000000e+00, v11  }
0x2b: {  	v9 =	vadd.f32 $1.000000000e+00, v9;
	v12 =	vtrunc.f32 v10  }
0x2c: {  	v11 =	vmul.f32 $6.350000000e+01, v11;
	v13 =	vcvt.f32.s32 v12;
	vm0 =	vlt.f32 v10, v12  }
0x2d: {  	v9 =	vmul.f32 $6.350000000e+01, v9;
	v12 =	vsel vm0, $0xFFFFFFFF, v1  }
0x2e: {  	v12 =	vadd.s32 v13, v12;
	v13 =	vtrunc.f32 v11  }
0x2f: {  	v14 =	vtrunc.f32 v9;
	v15 =	vcvt.s32.f32 v12  }
0x30: {  	vm10 =	vgt.s32 v12, $0x0;
	v16 =	vcvt.f32.s32 v14;
	vm2 =	vlt.f32 v9, v14  }
0x31: {  	vm1 =	vlt.f32 v11, v13;
	v14 =	vsel vm2, $0xFFFFFFFF, v1;
	v20 =	vsub.f32 v10, v15  }
0x32: {  	v10 =	vnsel vm10, $0x0, v12;
	v15 =	vcvt.f32.s32 v13;
	v14 =	vadd.s32 v16, v14  }
0x33: {  	v17 =	vsel vm1, $0xFFFFFFFF, v1;
	v10 =	vmin.u32 v10, $0x7F;
	vm11 =	vgt.s32 v14, $0x0  }
0x34: {  	v18 =	vadd.s32 $0x1, v14;
	v13 =	vshll.u32 v10, $0xE;
	v10 =	vadd.s32 v15, v17  }
0x35: {  	v16 =	vsub.f32 $1.000000000e+00, v20;
	v15 =	vcvt.s32.f32 v14;
	v17 =	vcvt.s32.f32 v10  }
0x36: {  	s31 =	simm.s32 $0x1;
	vm13 =	vgt.s32 v18, $0x0;
	vm12 =	vgt.s32 v10, $0x0;
	v19 =	vadd.s32 $0x1, v10  }
0x37: {  	v9 =	vsub.f32 v9, v15;
	v15 =	vmov s31;
	v17 =	vsub.f32 v11, v17  }
0x38: {  	v21 =	vnsel vm12, $0x0, v10;
	vm14 =	vgt.s32 v19, $0x0;
	v11 =	vcvt.s32.f32 v15  }
0x39: {  	v15 =	vadd.s32 $0x1, v12;
	v12 =	vnsel vm11, $0x0, v14;
	v22 =	vsub.f32 $1.000000000e+00, v17  }
0x3a: {  	v21 =	vmin.u32 v21, $0x7F;
	v10 =	vsub.f32 $1.000000000e+00, v9;
	v23 =	vmul.f32 $6.190476190e-02, v11  }
0x3b: {  	v14 =	vmin.u32 v12, $0x7F;
	v12 =	vnsel vm13, $0x0, v18;
	v24 =	vmul.f32 v22, v16  }
0x3c: {  	v11 =	vmul.f32 v17, v20;
	v16 =	vmul.f32 v16, v17;
	v17 =	vadd.f32 $1.000000010e-01, v23  }
0x3d: {  	vm15 =	vgt.s32 v15, $0x0;
	v23 =	vnsel vm14, $0x0, v19;
	v19 =	vmul.f32 v24, v10  }
0x3e: {  	v12 =	vmin.u32 v12, $0x7F;
	v18 =	vmul.f32 v24, v9;
	v24 =	vbroadcast v17, $0x0  }
0x3f: {  	v20 =	vmul.f32 v22, v20;
	v25 =	vmin.u32 v23, $0x7F;
	v17 =	vmul.f32 v16, v10  }
0x40: {  	v23 =	vnsel vm15, $0x0, v15;
	v15 =	vmul.f32 v16, v9;
	v16 =	vmul.f32 v24, v3  }
0x41: {  	v26 =	vmin.u32 v23, $0x7F;
	v22 =	vmul.f32 v24, v5;
	v24 =	vmul.f32 v24, v6  }
0x42: {  	v23 =	vshll.u32 v21, $0x7;
	v21 =	vshll.u32 v25, $0x7;
	v16 =	vadd.f32 v16, v4  }
0x43: {  	v25 =	vadd.f32 v22, v7;
	v28 =	vadd.f32 v24, v8;
	v24 =	vor.u32 v23, v13  }
0x44: {  	s28 =	simm.s32 $0x2;
	s21 =	simm.s32 $0x6040;
	v22 =	vshll.u32 v26, $0xE;
	v27 =	vadd.f32 $1.000000000e+00, v16;
	v16 =	vor.u32 v14, v24  }
0x45: {  	s23 =	simm.s32 $0x7040;
	s24 =	simm.s32 $0x6040;
	s22 =	simm.s32 $0x7040;
	v26 =	vadd.f32 $1.000000000e+00, v25;
	v25 =	vadd.f32 $1.000000000e+00, v28;
	[tilespmem:s21+$0xFFFFFFC0] =	vst v16;
	v16 =	vmul.f32 v20, v9  }
.LBB2_3:
0x46: {  	s23 =	sadd.s32 $0x80, s23  }
0x47: {  	v27 =	vmul.f32 $6.350000000e+01, v27;
	[tilespmem:s22+$0xFFFFFFC0] =	vst v19;
	v19 =	vor.u32 v12, v24;
	v23 =	vor.u32 v23, v22;
	s21 =	sadd.s32 $0x80, s21;
	s26 =	smov.u32 s28;
	s25 =	sadd.s32 $0x1, s28  }
0x48: {  	p0 =	sne.s32 s28, $0xF;
	v24 =	vmul.f32 $6.350000000e+01, v26;
	v25 =	vmul.f32 $6.350000000e+01, v25;
	[tilespmem:s24+$0xFFFFFFD0] =	vst v19;
	v19 =	vor.u32 v21, v22  }
0x49: {  	v13 =	vor.u32 v13, v21;
	v22 =	vtrunc.f32 v27;
	[tilespmem:s22+$0xFFFFFFD0] =	vst v18;
	v18 =	vmul.f32 v20, v10  }
0x4a: {  	v21 =	vor.u32 v12, v13;
	v20 =	vcvt.f32.s32 v22;
	vm0 =	vlt.f32 v27, v22  }
0x4b: {  	v13 =	vor.u32 v14, v13;
	v26 =	vor.u32 v14, v23;
	v22 =	vsel vm0, $0xFFFFFFFF, v1  }
0x4c: {  	v28 =	vtrunc.f32 v25;
	v20 =	vadd.s32 v20, v22;
	v22 =	vtrunc.f32 v24;
	[tilespmem:s24+$0xFFFFFFE0] =	vst v13  }
0x4d: {  	v13 =	vcvt.s32.f32 v20;
	vm0 =	vgt.s32 v20, $0x0;
	vm1 =	vlt.f32 v24, v22;
	[tilespmem:s22+$0xFFFFFFE0] =	vst v17  }
0x4e: {  	v29 =	vcvt.f32.s32 v28;
	v17 =	vsel vm1, $0xFFFFFFFF, v1;
	vm1 =	vlt.f32 v25, v28;
	[tilespmem:s24+$0xFFFFFFF0] =	vst v21  }
0x4f: {  	v21 =	vsub.f32 v27, v13;
	v13 =	vnsel vm0, $0x0, v20;
	[tilespmem:s22+$0xFFFFFFF0] =	vst v15;
	v15 =	vor.u32 v12, v23  }
0x50: {  	v14 =	vor.u32 v14, v19;
	v23 =	vsel vm1, $0xFFFFFFFF, v1;
	v13 =	vmin.u32 v13, $0x7F;
	[tilespmem:s24+$0x0] =	vst v26  }
0x51: {  	v22 =	vcvt.f32.s32 v22;
	v13 =	vshll.u32 v13, $0xE;
	v26 =	vsub.f32 $1.000000000e+00, v21;
	[tilespmem:s22+$0x0] =	vst v18  }
0x52: {  	v10 =	vmul.f32 v10, v11;
	v11 =	vmul.f32 v11, v9;
	v18 =	vadd.s32 v29, v23;
	[tilespmem:s24+$0x10] =	vst v15  }
0x53: {  	v12 =	vor.u32 v12, v19;
	v15 =	vadd.s32 v22, v17;
	v9 =	vcvt.s32.f32 v18;
	[tilespmem:s22+$0x10] =	vst v16  }
0x54: {  	vm0 =	vgt.s32 v18, $0x0;
	v17 =	vadd.s32 $0x1, v18;
	v16 =	vcvt.s32.f32 v15;
	[tilespmem:s24+$0x20] =	vst v14  }
0x55: {  	vm1 =	vgt.s32 v15, $0x0;
	v19 =	vadd.s32 $0x1, v15;
	v9 =	vsub.f32 v25, v9;
	[tilespmem:s22+$0x20] =	vst v10  }
0x56: {  	vm2 =	vgt.s32 v17, $0x0;
	v10 =	vmov s26;
	v16 =	vsub.f32 v24, v16;
	[tilespmem:s24+$0x30] =	vst v12;
	s24 =	smov.u32 s21  }
0x57: {  	v22 =	vnsel vm1, $0x0, v15;
	v12 =	vcvt.s32.f32 v10;
	v10 =	vsub.f32 $1.000000000e+00, v9;
	[tilespmem:s22+$0x30] =	vst v11;
	s22 =	smov.u32 s23  }
0x58: {  	v15 =	vadd.s32 $0x1, v20;
	v11 =	vnsel vm0, $0x0, v18;
	v20 =	vsub.f32 $1.000000000e+00, v16  }
0x59: {  	v12 =	vmul.f32 $6.190476190e-02, v12;
	v14 =	vmin.u32 v11, $0x7F;
	v11 =	vmul.f32 v16, v21  }
0x5a: {  	vm0 =	vgt.s32 v19, $0x0;
	v16 =	vmul.f32 v26, v16;
	v18 =	vmul.f32 v20, v26  }
0x5b: {  	v24 =	vnsel vm0, $0x0, v19;
	v23 =	vadd.f32 $1.000000010e-01, v12;
	v12 =	vnsel vm2, $0x0, v17  }
0x5c: {  	v12 =	vmin.u32 v12, $0x7F;
	v19 =	vmul.f32 v18, v10;
	v18 =	vmul.f32 v18, v9  }
0x5d: {  	vm0 =	vgt.s32 v15, $0x0;
	v24 =	vmin.u32 v24, $0x7F;
	v23 =	vbroadcast v23, $0x0  }
0x5e: {  	v25 =	vnsel vm0, $0x0, v15;
	v17 =	vmul.f32 v16, v10;
	v15 =	vmul.f32 v16, v9  }
0x5f: {  	v22 =	vmin.u32 v22, $0x7F;
	v20 =	vmul.f32 v20, v21;
	v16 =	vmul.f32 v23, v3  }
.Ltmp0:
0x60: {  	v25 =	vmin.u32 v25, $0x7F;
	v26 =	vmul.f32 v23, v5;
	v27 =	vmul.f32 v23, v6;
	(pc) =	sbr.rel @p0 .LBB2_3-.Ltmp0, $4  }
0x61: {  	v21 =	vshll.u32 v24, $0x7;
	v23 =	vshll.u32 v22, $0x7;
	v16 =	vadd.f32 v16, v4  }
0x62: {  	v24 =	vor.u32 v23, v13;
	v26 =	vadd.f32 v26, v7;
	v28 =	vadd.f32 v27, v8  }
0x63: {  	v22 =	vshll.u32 v25, $0xE;
	v27 =	vadd.f32 $1.000000000e+00, v16;
	v16 =	vor.u32 v14, v24  }
0x64: {  	s28 =	smov.u32 s25;
	v26 =	vadd.f32 $1.000000000e+00, v26;
	v25 =	vadd.f32 $1.000000000e+00, v28;
	[tilespmem:s21+$0xFFFFFFC0] =	vst v16;
	v16 =	vmul.f32 v20, v9  }
0x65: {  	v27 =	vmul.f32 $6.350000000e+01, v27;
	v24 =	vor.u32 v12, v24;
	v23 =	vor.u32 v23, v22  }
0x66: {  	v22 =	vor.u32 v21, v22;
	v20 =	vmul.f32 v20, v10;
	v10 =	vmul.f32 v10, v11  }
0x67: {  	v13 =	vor.u32 v13, v21;
	v9 =	vmul.f32 v11, v9;
	v26 =	vmul.f32 $6.350000000e+01, v26  }
0x68: {  	[tilespmem:s22+$0xFFFFFFC0] =	vst v19;
	v25 =	vmul.f32 $6.350000000e+01, v25;
	v57 =	vor.u32 v12, v13;
	v13 =	vor.u32 v14, v13  }
0x69: {  	v19 =	vor.u32 v14, v23;
	[tilespmem:s24+$0xFFFFFFD0] =	vst v24;
	v14 =	vor.u32 v14, v22;
	v28 =	vtrunc.f32 v27  }
0x6a: {  	v11 =	vor.u32 v12, v22;
	[tilespmem:s22+$0xFFFFFFD0] =	vst v18;
	v29 =	vcvt.f32.s32 v28;
	vm0 =	vlt.f32 v27, v28  }
0x6b: {  	v58 =	vtrunc.f32 v26;
	v31 =	vtrunc.f32 v25;
	[tilespmem:s24+$0xFFFFFFE0] =	vst v13;
	v13 =	vor.u32 v12, v23  }
0x6c: {  	v21 =	vsel vm0, $0xFFFFFFFF, v1;
	vm10 =	vlt.f32 v26, v58;
	v18 =	vcvt.f32.s32 v31  }
0x6d: {  	vm11 =	vlt.f32 v25, v31;
	v21 =	vadd.s32 v29, v21;
	v60 =	vsel vm10, $0xFFFFFFFF, v1  }
0x6e: {  	[tilespmem:s22+$0xFFFFFFE0] =	vst v17;
	v29 =	vcvt.f32.s32 v58;
	v17 =	vsel vm11, $0xFFFFFFFF, v1;
	vm1 =	vgt.s32 v21, $0x0  }
0x6f: {  	v30 =	vcvt.s32.f32 v21;
	v17 =	vadd.s32 v18, v17;
	v61 =	vnsel vm1, $0x0, v21  }
0x70: {  	[tilespmem:s24+$0xFFFFFFF0] =	vst v57;
	v18 =	vadd.s32 v29, v60;
	v62 =	vcvt.s32.f32 v17;
	vm12 =	vgt.s32 v17, $0x0  }
0x71: {  	[tilespmem:s22+$0xFFFFFFF0] =	vst v15;
	v12 =	vadd.s32 $0x1, v17;
	v59 =	vsub.f32 v27, v30;
	v63 =	vcvt.s32.f32 v18  }
0x72: {  	[tilespmem:s24+$0x0] =	vst v19;
	v23 =	vmin.u32 v61, $0x7F;
	vm13 =	vgt.s32 v18, $0x0;
	vm2 =	vgt.s32 v12, $0x0  }
0x73: {  	[tilespmem:s22+$0x0] =	vst v20;
	v17 =	vnsel vm12, $0x0, v17;
	v23 =	vshll.u32 v23, $0xE;
	v20 =	vsub.f32 v26, v63  }
0x74: {  	v19 =	vsub.f32 v25, v62;
	[tilespmem:s24+$0x10] =	vst v13;
	v13 =	vadd.s32 $0x1, v18;
	v15 =	vsub.f32 $1.000000000e+00, v59  }
0x75: {  	[tilespmem:s22+$0x10] =	vst v16;
	v16 =	vnsel vm13, $0x0, v18;
	vm14 =	vgt.s32 v13, $0x0;
	v22 =	vsub.f32 $1.000000000e+00, v20  }
0x76: {  	v18 =	vsub.f32 $1.000000000e+00, v19;
	[tilespmem:s24+$0x20] =	vst v14;
	v14 =	vadd.s32 $0x1, v21;
	v16 =	vmin.u32 v16, $0x7F  }
0x77: {  	v13 =	vnsel vm14, $0x0, v13;
	[tilespmem:s22+$0x20] =	vst v10;
	v16 =	vshll.u32 v16, $0x7;
	v10 =	vmul.f32 v22, v15  }
0x78: {  	v13 =	vmin.u32 v13, $0x7F;
	[tilespmem:s24+$0x30] =	vst v11;
	v11 =	vmin.u32 v17, $0x7F;
	v17 =	vor.u32 v16, v23  }
0x79: {  	s21 =	sadd.s32 $0x80, s21;
	[tilespmem:s22+$0x30] =	vst v9;
	v9 =	vnsel vm2, $0x0, v12;
	v21 =	vor.u32 v11, v17;
	v12 =	vmul.f32 v10, v18  }
0x7a: {  	s31 =	sadd.s32 $0x80, s23;
	vm15 =	vgt.s32 v14, $0x0;
	v13 =	vshll.u32 v13, $0x7;
	v9 =	vmin.u32 v9, $0x7F;
	[tilespmem:s21+$0xFFFFFFC0] =	vst v21  }
0x7b: {  	v15 =	vmul.f32 v15, v20;
	v10 =	vmul.f32 v10, v19;
	[tilespmem:s31+$0xFFFFFFC0] =	vst v12;
	v12 =	vor.u32 v9, v17  }
0x7c: {  	v14 =	vnsel vm15, $0x0, v14;
	[tilespmem:s21+$0xFFFFFFD0] =	vst v12;
	v12 =	vor.u32 v23, v13  }
0x7d: {  	v14 =	vmin.u32 v14, $0x7F;
	v17 =	vmul.f32 v15, v18;
	[tilespmem:s31+$0xFFFFFFD0] =	vst v10;
	v10 =	vor.u32 v11, v12  }
0x7e: {  	v14 =	vshll.u32 v14, $0xE;
	[tilespmem:s21+$0xFFFFFFE0] =	vst v10  }
0x7f: {  	v15 =	vmul.f32 v15, v19;
	v12 =	vor.u32 v9, v12;
	v10 =	vmul.f32 v22, v59;
	[tilespmem:s31+$0xFFFFFFE0] =	vst v17  }
0x80: {  	v16 =	vor.u32 v16, v14;
	[tilespmem:s21+$0xFFFFFFF0] =	vst v12  }
0x81: {  	v17 =	vor.u32 v11, v16;
	v12 =	vmul.f32 v10, v18;
	[tilespmem:s31+$0xFFFFFFF0] =	vst v15  }
0x82: {  	[tilespmem:s21+$0x0] =	vst v17  }
0x83: {  	v16 =	vor.u32 v9, v16;
	v10 =	vmul.f32 v10, v19;
	v15 =	vmul.f32 v20, v59;
	[tilespmem:s31+$0x0] =	vst v12  }
0x84: {  	v12 =	vor.u32 v13, v14;
	[tilespmem:s21+$0x10] =	vst v16  }
0x85: {  	v13 =	vmul.f32 v18, v15;
	v11 =	vor.u32 v11, v12;
	[tilespmem:s31+$0x10] =	vst v10  }
0x86: {  	[tilespmem:s21+$0x20] =	vst v11  }
0x87: {  	v9 =	vor.u32 v9, v12;
	v10 =	vmul.f32 v15, v19;
	[tilespmem:s31+$0x20] =	vst v13  }
0x88: {  	[tilespmem:s21+$0x30] =	vst v9  }
0x89: {  	s22 =	simm.s32 $0x6000;
	[tilespmem:s31+$0x30] =	vst v10  }
0x8a: {  	[tilespmem:s13], [sflag:$0x1] =	stream.indirect.gather [hbm4b:s6+s11], $0x10, s22, s11, $0xb8;
	[tilespmem:$0x18400] =	vst v63  }
0x8b: {  	s23 =	simm.s32 $0x6080;
	s24 =	simm.s32 $0x8800  }
0x8c: {  	[tilespmem:s24], [sflag:$0x1] =	stream.indirect.gather [hbm4b:s6+s11], $0x10, s23, s11, $0xb8;
	[tilespmem:$0x18400] =	vst v63  }
0x8d: {  	s25 =	simm.s32 $0x6100;
	s26 =	simm.s32 $0x9000  }
0x8e: {  	[tilespmem:s26], [sflag:$0x1] =	stream.indirect.gather [hbm4b:s6+s11], $0x10, s25, s11, $0xb8;
	[tilespmem:$0x18400] =	vst v63  }
0x8f: {  	s28 =	simm.s32 $0x6180;
	s29 =	simm.s32 $0x9800  }
0x90: {  	[tilespmem:s29], [sflag:$0x1] =	stream.indirect.gather [hbm4b:s6+s11], $0x10, s28, s11, $0xb8;
	[tilespmem:$0x18400] =	vst v63  }
0x91: {  	s30 =	simm.s32 $0x6200;
	s31 =	simm.s32 $0xA000  }
0x92: {  	[tilespmem:s31], [sflag:$0x1] =	stream.indirect.gather [hbm4b:s6+s11], $0x10, s30, s11, $0xb8;
	[tilespmem:$0x18400] =	vst v63  }
0x93: {  	s22 =	simm.s32 $0x6280;
	s23 =	simm.s32 $0xA800  }
0x94: {  	[tilespmem:s23], [sflag:$0x1] =	stream.indirect.gather [hbm4b:s6+s11], $0x10, s22, s11, $0xb8;
	[tilespmem:$0x18400] =	vst v63  }
0x95: {  	s24 =	simm.s32 $0x6300;
	s25 =	simm.s32 $0xB000  }
0x96: {  	[tilespmem:s25], [sflag:$0x1] =	stream.indirect.gather [hbm4b:s6+s11], $0x10, s24, s11, $0xb8;
	[tilespmem:$0x18400] =	vst v63  }
0x97: {  	s26 =	simm.s32 $0x6380;
	s28 =	simm.s32 $0xB800  }
0x98: {  	[tilespmem:s28], [sflag:$0x1] =	stream.indirect.gather [hbm4b:s6+s11], $0x10, s26, s11, $0xb8;
	[tilespmem:$0x18400] =	vst v63  }
0x99: {  	s29 =	simm.s32 $0x6400;
	s30 =	simm.s32 $0xC000  }
0x9a: {  	[tilespmem:s30], [sflag:$0x1] =	stream.indirect.gather [hbm4b:s6+s11], $0x10, s29, s11, $0xb8;
	[tilespmem:$0x18400] =	vst v63  }
0x9b: {  	s31 =	simm.s32 $0x6480  }
0x9c: {  	[tilespmem:s0], [sflag:$0x1] =	stream.indirect.gather [hbm4b:s6+s11], $0x10, s31, s11, $0xb8;
	[tilespmem:$0x18400] =	vst v63  }
0x9d: {  	_ = 	snop  }
0x9e: {  	[tilespmem:s1], [sflag:$0x1] =	stream.indirect.gather [hbm4b:s6+s11], $0x10, s2, s11, $0xb8;
	[tilespmem:$0x18400] =	vst v63  }
0x9f: {  	v9 =	vadd.f32 v6, v6  }
0xa0: {  	[tilespmem:s5], [sflag:$0x1] =	stream.indirect.gather [hbm4b:s6+s11], $0x10, s10, s11, $0xb8;
	[tilespmem:$0x18400] =	vst v63  }
0xa1: {  	v12 =	vmul.f32 v3, v3;
	v10 =	vmul.f32 v9, v6  }
0xa2: {  	v20 =	vimm.f32 $1.000000000e+00;
	[tilespmem:s8], [sflag:$0x1] =	stream.indirect.gather [hbm4b:s6+s11], $0x10, s7, s11, $0xb8;
	[tilespmem:$0x18400] =	vst v63  }
0xa3: {  	v14 =	vmul.f32 v5, v5;
	v18 =	vmul.f32 $-1.092548490e+00, v3;
	v13 =	vsub.f32 v10, v12  }
0xa4: {  	v16 =	vmul.f32 $-1.092548490e+00, v5;
	v15 =	vmul.f32 $1.092548490e+00, v3;
	v19 =	vimm.f32 $0.0e+00;
	[tilespmem:s9], [sflag:$0x1] =	stream.indirect.gather [hbm4b:s6+s11], $0x10, s3, s11, $0xb8;
	[tilespmem:$0x18400] =	vst v63  }
0xa5: {  	p0 =	por $0x1, $0x1;
	v11 =	vmul.f32 $-4.886025190e-01, v3;
	v9 =	vmul.f32 $-4.886025190e-01, v5;
	v17 =	vsub.f32 v13, v14  }
0xa6: {  	v10 =	vmul.f32 $4.886025190e-01, v6;
	v12 =	vsub.f32 v12, v14;
	v13 =	vmul.f32 v5, v15;
	[tilespmem:s14], [sflag:$0x1] =	stream.indirect.gather [hbm4b:s6+s11], $0x10, s12, s11, $0xb8;
	[tilespmem:$0x18400] =	vst v63  }
0xa7: {  	p1 =	por $0x0, $0x0;
	s21 =	simm.s32 $0x0;
	v14 =	vmul.f32 v6, v16;
	v16 =	vimm.f32 $0.0e+00;
	v15 =	vmul.f32 $3.153915700e-01, v17;
	s22 =	simm.s32 $0x10  }
0xa8: {  	v17 =	vmul.f32 v6, v18;
	v18 =	vmul.f32 $5.462742450e-01, v12;
	v12 =	vimm.f32 $0.0e+00;
	[tilespmem:s16], [sflag:$0x1] =	stream.indirect.gather [hbm4b:s6+s11], $0x10, s15, s11, $0xb8;
	[tilespmem:$0x18400] =	vst v63  }
.LBB2_5:
0xa9: {  	p2 =	seq.s32 s21, $0x3  }
.Ltmp1:
0xaa: {  	_ = 	snop;
	(pc) =	sbr.rel @p2 .LBB2_9-.Ltmp1, $1  }
0xab: {  	_ =	sdelay $0x3  }
0xac: {  	v21 =	vmov s22  }
0xad: {  	v21 =	vcvt.s32.f32 v21;
	_ =	sdelay $0x1  }
0xae: {  	v21 =	vmul.f32 $6.190476190e-02, v21;
	_ =	sdelay $0x1  }
0xaf: {  	v21 =	vadd.f32 $1.000000010e-01, v21;
	_ =	sdelay $0x1  }
0xb0: {  	v21 =	vbroadcast v21, $0x0;
	_ =	sdelay $0x1  }
0xb1: {  	v22 =	vmul.f32 v21, v3;
	_ =	sdelay $0x1  }
0xb2: {  	v22 =	vadd.f32 v22, v4  }
0xb3: {  	v23 =	vmul.f32 v21, v5;
	v21 =	vmul.f32 v21, v6  }
0xb4: {  	v22 =	vadd.f32 $1.000000000e+00, v22  }
0xb5: {  	v23 =	vadd.f32 v23, v7;
	v21 =	vadd.f32 v21, v8  }
0xb6: {  	s23 =	simm.s32 $0x1;
	v24 =	vmul.f32 $6.350000000e+01, v22  }
0xb7: {  	s23 =	simm.s32 @!p0 $0x0;
	v22 =	vadd.f32 $1.000000000e+00, v23;
	v23 =	vadd.f32 $1.000000000e+00, v21  }
0xb8: {  	s23 =	sshll.u32 s23, $0xB;
	v21 =	vtrunc.f32 v24  }
0xb9: {  	s24 =	sor.u32 $0x6040, s23;
	v25 =	vmul.f32 $6.350000000e+01, v22;
	v23 =	vmul.f32 $6.350000000e+01, v23  }
0xba: {  	v22 =	vcvt.f32.s32 v21;
	vm0 =	vlt.f32 v24, v21;
	v21 =	vmov s24  }
0xbb: {  	s23 =	sor.u32 $0x7040, s23;
	v26 =	vsel vm0, $0xFFFFFFFF, v1;
	v27 =	vtrunc.f32 v25;
	v31 =	vtrunc.f32 v23  }
0xbc: {  	v26 =	vadd.s32 v22, v26;
	v22 =	vmov s23;
	v28 =	vcvt.f32.s32 v27  }
0xbd: {  	vm11 =	vlt.f32 v25, v27;
	vm2 =	vlt.f32 v23, v31;
	v29 =	vcvt.s32.f32 v26  }
0xbe: {  	v27 =	vcvt.f32.s32 v31;
	v30 =	vadd.s32 $0x1, v26;
	vm10 =	vgt.s32 v26, $0x0  }
0xbf: {  	vm1 =	vgt.s32 v30, $0x0;
	v32 =	vsub.f32 v24, v29;
	v24 =	vnsel vm10, $0x0, v26  }
0xc0: {  	s26 =	sadd.s32 $0x1, s22;
	v26 =	vsel vm11, $0xFFFFFFFF, v1;
	v29 =	vsel vm2, $0xFFFFFFFF, v1;
	v24 =	vmin.u32 v24, $0x7F  }
0xc1: {  	v26 =	vadd.s32 v28, v26;
	v29 =	vadd.s32 v27, v29;
	v27 =	vmov s26  }
0xc2: {  	v28 =	vsub.f32 $1.000000000e+00, v32;
	v31 =	vcvt.s32.f32 v26;
	vm12 =	vgt.s32 v26, $0x0  }
0xc3: {  	v33 =	vcvt.s32.f32 v27;
	v27 =	vshll.u32 v24, $0xE;
	vm13 =	vgt.s32 v29, $0x0  }
0xc4: {  	v38 =	vadd.s32 $0x1, v29;
	v24 =	vnsel vm12, $0x0, v26;
	v37 =	vnsel vm13, $0x0, v29  }
0xc5: {  	v25 =	vsub.f32 v25, v31;
	v31 =	vcvt.s32.f32 v29;
	v33 =	vmul.f32 $6.190476190e-02, v33  }
0xc6: {  	vm14 =	vgt.s32 v38, $0x0;
	v34 =	vmin.u32 v24, $0x7F;
	v24 =	vadd.s32 $0x1, v26  }
0xc7: {  	v26 =	vnsel vm14, $0x0, v38;
	v23 =	vsub.f32 v23, v31;
	v31 =	vadd.f32 $1.000000010e-01, v33  }
0xc8: {  	vm15 =	vgt.s32 v24, $0x0;
	v26 =	vmin.u32 v26, $0x7F;
	v36 =	vsub.f32 $1.000000000e+00, v25  }
0xc9: {  	v29 =	vmul.f32 v28, v25;
	v39 =	vnsel vm15, $0x0, v24;
	v33 =	vbroadcast v31, $0x0  }
0xca: {  	v39 =	vmin.u32 v39, $0x7F;
	v35 =	vmul.f32 v36, v28;
	v24 =	vmul.f32 v36, v32  }
0xcb: {  	v28 =	vnsel vm1, $0x0, v30;
	v30 =	vmul.f32 v25, v32;
	v25 =	vmul.f32 v33, v3  }
0xcc: {  	v61 =	vmin.u32 v28, $0x7F;
	v28 =	vmul.f32 v29, v23;
	v62 =	vmul.f32 v33, v6  }
0xcd: {  	v31 =	vmul.f32 v35, v23;
	v33 =	vmul.f32 v33, v5;
	v63 =	vadd.f32 v25, v4  }
0xce: {  	s31 =	sand.u32 $0x1, s21;
	v36 =	vshll.u32 v61, $0xE;
	v40 =	vadd.f32 v62, v8;
	v25 =	vmin.u32 v37, $0x7F  }
0xcf: {  	s28 =	simm.s32 $0x0;
	s24 =	sxor.u32 $0x1, s31;
	v37 =	vshll.u32 v39, $0x7;
	v39 =	vadd.f32 v33, v7;
	v38 =	vadd.f32 $1.000000000e+00, v63  }
0xd0: {  	s25 =	simm.s32 $0x200;
	s29 =	simm.s32 $0x400;
	s23 =	sshll.u32 s24, $0xB;
	v33 =	vsub.f32 $1.000000000e+00, v23;
	v32 =	vor.u32 v27, v37;
	v40 =	vadd.f32 $1.000000000e+00, v40  }
.LBB2_7:
0xd1: {  	p2 =	sne.s32 s29, $0x1E00;
	v38 =	vmul.f32 $6.350000000e+01, v38;
	v39 =	vadd.f32 $1.000000000e+00, v39;
	v41 =	vor.u32 v25, v32;
	s31 =	smov.u32 s29;
	s29 =	sadd.s32 $0x200, s29  }
0xd2: {  	v37 =	vor.u32 v37, v36;
	v40 =	vmul.f32 $6.350000000e+01, v40;
	v35 =	vmul.f32 v35, v33  }
0xd3: {  	v34 =	vshll.u32 v34, $0x7;
	v42 =	vtrunc.f32 v38;
	v39 =	vmul.f32 $6.350000000e+01, v39  }
0xd4: {  	v27 =	vor.u32 v34, v27;
	v43 =	vcvt.f32.s32 v42;
	vm0 =	vlt.f32 v38, v42  }
0xd5: {  	v34 =	vor.u32 v34, v36;
	v42 =	vsel vm0, $0xFFFFFFFF, v1;
	v44 =	vtrunc.f32 v39  }
0xd6: {  	s30 =	sshra.s32 s28, $0x2;
	s28 =	smov.u32 s25;
	s25 =	smov.u32 s31;
	v36 =	vadd.s32 v43, v42;
	v42 =	vcvt.f32.s32 v44;
	v43 =	vor.u32 v25, v27  }
0xd7: {  	v27 =	vor.u32 v26, v27;
	v45 =	vcvt.s32.f32 v36;
	v46 =	vadd.s32 $0x1, v36;
	[tilespmem:v21+s30+$0xFFFFFFC0 ss:$0x1] =	vst.idx.msk $0xffff, v43  }
0xd8: {  	v29 =	vmul.f32 v29, v33;
	vm0 =	vgt.s32 v36, $0x0;
	v43 =	vtrunc.f32 v40;
	[tilespmem:v22+s30+$0xFFFFFFC0 ss:$0x1] =	vst.idx.msk $0xffff, v35  }
0xd9: {  	v35 =	vnsel vm0, $0x0, v36;
	v36 =	vmul.f32 v24, v33;
	v38 =	vsub.f32 v38, v45;
	[tilespmem:v21+s30+$0xFFFFFFD0 ss:$0x1] =	vst.idx.msk $0xffff, v27  }
0xda: {  	vm0 =	vgt.s32 v46, $0x0;
	vm1 =	vlt.f32 v40, v43;
	[tilespmem:v22+s30+$0xFFFFFFD0 ss:$0x1] =	vst.idx.msk $0xffff, v31;
	v31 =	vmul.f32 v30, v23  }
0xdb: {  	v27 =	vmin.u32 v35, $0x7F;
	v30 =	vmul.f32 v33, v30;
	v35 =	vsub.f32 $1.000000000e+00, v38;
	[tilespmem:v21+s30+$0xFFFFFFE0 ss:$0x1] =	vst.idx.msk $0xffff, v41  }
0xdc: {  	vm2 =	vlt.f32 v39, v44;
	v33 =	vcvt.f32.s32 v43;
	[tilespmem:v22+s30+$0xFFFFFFE0 ss:$0x1] =	vst.idx.msk $0xffff, v29;
	v29 =	vor.u32 v26, v32  }
0xdd: {  	v27 =	vshll.u32 v27, $0xE;
	v41 =	vor.u32 v26, v37;
	v32 =	vsel vm2, $0xFFFFFFFF, v1;
	[tilespmem:v21+s30+$0xFFFFFFF0 ss:$0x1] =	vst.idx.msk $0xffff, v29  }
0xde: {  	v32 =	vadd.s32 v42, v32;
	v29 =	vsel vm1, $0xFFFFFFFF, v1;
	[tilespmem:v22+s30+$0xFFFFFFF0 ss:$0x1] =	vst.idx.msk $0xffff, v28;
	v28 =	vor.u32 v25, v34  }
0xdf: {  	s26 =	sadd.s32 $0x1, s26;
	v23 =	vmul.f32 v24, v23;
	v42 =	vcvt.s32.f32 v32;
	v29 =	vadd.s32 v33, v29;
	[tilespmem:v21+s30+$0x0 ss:$0x1] =	vst.idx.msk $0xffff, v28  }
0xe0: {  	v24 =	vmov s26;
	v26 =	vor.u32 v26, v34;
	vm1 =	vgt.s32 v32, $0x0;
	[tilespmem:v22+s30+$0x0 ss:$0x1] =	vst.idx.msk $0xffff, v36  }
0xe1: {  	v24 =	vcvt.s32.f32 v24;
	v33 =	vcvt.s32.f32 v29;
	v28 =	vsub.f32 v39, v42;
	[tilespmem:v21+s30+$0x10 ss:$0x1] =	vst.idx.msk $0xffff, v26  }
0xe2: {  	v25 =	vor.u32 v25, v37;
	v26 =	vnsel vm1, $0x0, v32;
	vm1 =	vgt.s32 v29, $0x0;
	[tilespmem:v22+s30+$0x10 ss:$0x1] =	vst.idx.msk $0xffff, v23  }
0xe3: {  	v24 =	vmul.f32 $6.190476190e-02, v24;
	v23 =	vsub.f32 v40, v33;
	v33 =	vsub.f32 $1.000000000e+00, v28;
	[tilespmem:v21+s30+$0x20 ss:$0x1] =	vst.idx.msk $0xffff, v25  }
0xe4: {  	v36 =	vadd.s32 $0x1, v29;
	v25 =	vnsel vm1, $0x0, v29;
	v29 =	vmul.f32 v35, v28;
	[tilespmem:v22+s30+$0x20 ss:$0x1] =	vst.idx.msk $0xffff, v30  }
0xe5: {  	v24 =	vadd.f32 $1.000000010e-01, v24;
	vm1 =	vgt.s32 v36, $0x0;
	v35 =	vmul.f32 v33, v35;
	[tilespmem:v21+s30+$0x30 ss:$0x1] =	vst.idx.msk $0xffff, v41  }
0xe6: {  	v37 =	vnsel vm0, $0x0, v46;
	v34 =	vmin.u32 v26, $0x7F;
	v26 =	vadd.s32 $0x1, v32;
	[tilespmem:v22+s30+$0x30 ss:$0x1] =	vst.idx.msk $0xffff, v31  }
0xe7: {  	v32 =	vbroadcast v24, $0x0;
	vm0 =	vgt.s32 v26, $0x0;
	v31 =	vmul.f32 v35, v23  }
0xe8: {  	v39 =	vnsel vm0, $0x0, v26;
	v24 =	vmul.f32 v33, v38;
	v30 =	vmul.f32 v28, v38  }
0xe9: {  	v33 =	vmul.f32 v32, v3;
	v26 =	vnsel vm1, $0x0, v36;
	v41 =	vmin.u32 v37, $0x7F  }
.Ltmp2:
0xea: {  	v36 =	vmul.f32 v32, v6;
	v26 =	vmin.u32 v26, $0x7F;
	v28 =	vmul.f32 v29, v23;
	(pc) =	sbr.rel @p2 .LBB2_7-.Ltmp2, $4  }
0xeb: {  	v32 =	vmul.f32 v32, v5;
	v37 =	vmin.u32 v39, $0x7F;
	v33 =	vadd.f32 v33, v4  }
0xec: {  	v25 =	vmin.u32 v25, $0x7F;
	v36 =	vadd.f32 v36, v8;
	v37 =	vshll.u32 v37, $0x7  }
0xed: {  	v39 =	vadd.f32 v32, v7;
	v32 =	vor.u32 v27, v37;
	v38 =	vadd.f32 $1.000000000e+00, v33  }
0xee: {  	v40 =	vadd.f32 $1.000000000e+00, v36;
	v36 =	vshll.u32 v41, $0xE;
	v33 =	vsub.f32 $1.000000000e+00, v23  }
0xef: {  	v38 =	vmul.f32 $6.350000000e+01, v38;
	v39 =	vadd.f32 $1.000000000e+00, v39  }
0xf0: {  	v41 =	vor.u32 v25, v32;
	v37 =	vor.u32 v37, v36;
	v34 =	vshll.u32 v34, $0x7  }
0xf1: {  	v48 =	vmul.f32 v30, v23;
	v50 =	vor.u32 v26, v32;
	v23 =	vmul.f32 v24, v23  }
0xf2: {  	v40 =	vmul.f32 $6.350000000e+01, v40;
	v35 =	vmul.f32 v35, v33;
	v27 =	vor.u32 v34, v27  }
0xf3: {  	v34 =	vor.u32 v34, v36;
	v29 =	vmul.f32 v29, v33;
	v47 =	vmul.f32 v24, v33  }
0xf4: {  	v49 =	vmul.f32 v33, v30;
	v55 =	vor.u32 v26, v37;
	v42 =	vtrunc.f32 v38  }
0xf5: {  	s26 =	sshra.s32 s28, $0x2;
	v61 =	vor.u32 v25, v27;
	v27 =	vor.u32 v26, v27;
	v58 =	vor.u32 v25, v34  }
0xf6: {  	v39 =	vmul.f32 $6.350000000e+01, v39;
	v59 =	vor.u32 v26, v34;
	vm0 =	vlt.f32 v38, v42;
	[tilespmem:v21+s26+$0xFFFFFFC0 ss:$0x1] =	vst.idx.msk $0xffff, v61  }
0xf7: {  	v43 =	vcvt.f32.s32 v42;
	v63 =	vtrunc.f32 v40;
	v42 =	vsel vm0, $0xFFFFFFFF, v1;
	[tilespmem:v22+s26+$0xFFFFFFC0 ss:$0x1] =	vst.idx.msk $0xffff, v35  }
0xf8: {  	v44 =	vtrunc.f32 v39;
	vm10 =	vlt.f32 v40, v63;
	v52 =	vcvt.f32.s32 v63;
	[tilespmem:v21+s26+$0xFFFFFFD0 ss:$0x1] =	vst.idx.msk $0xffff, v27  }
0xf9: {  	v60 =	vadd.s32 v43, v42;
	v62 =	vcvt.f32.s32 v44;
	vm1 =	vlt.f32 v39, v44;
	[tilespmem:v22+s26+$0xFFFFFFD0 ss:$0x1] =	vst.idx.msk $0xffff, v31  }
0xfa: {  	v56 =	vsel vm10, $0xFFFFFFFF, v1;
	v45 =	vcvt.s32.f32 v60;
	v46 =	vadd.s32 $0x1, v60;
	[tilespmem:v21+s26+$0xFFFFFFE0 ss:$0x1] =	vst.idx.msk $0xffff, v41  }
0xfb: {  	vm9 =	vgt.s32 v60, $0x0;
	v51 =	vsel vm1, $0xFFFFFFFF, v1;
	v33 =	vadd.s32 v52, v56;
	[tilespmem:v22+s26+$0xFFFFFFE0 ss:$0x1] =	vst.idx.msk $0xffff, v29  }
0xfc: {  	v36 =	vnsel vm9, $0x0, v60;
	v54 =	vadd.s32 v62, v51;
	v60 =	vcvt.s32.f32 v33;
	[tilespmem:v21+s26+$0xFFFFFFF0 ss:$0x1] =	vst.idx.msk $0xffff, v50  }
0xfd: {  	vm12 =	vgt.s32 v33, $0x0;
	v62 =	vor.u32 v25, v37;
	v57 =	vcvt.s32.f32 v54;
	[tilespmem:v22+s26+$0xFFFFFFF0 ss:$0x1] =	vst.idx.msk $0xffff, v28  }
0xfe: {  	v41 =	vadd.s32 $0x1, v33;
	v38 =	vsub.f32 v38, v45;
	v36 =	vmin.u32 v36, $0x7F;
	[tilespmem:v21+s26+$0x0 ss:$0x1] =	vst.idx.msk $0xffff, v58  }
0xff: {  	vm11 =	vgt.s32 v54, $0x0;
	v43 =	vnsel vm12, $0x0, v33;
	v26 =	vsub.f32 v39, v57;
	[tilespmem:v22+s26+$0x0 ss:$0x1] =	vst.idx.msk $0xffff, v47  }
0x100: {  	vm13 =	vgt.s32 v41, $0x0;
	v29 =	vadd.s32 $0x1, v54;
	v42 =	vsub.f32 $1.000000000e+00, v38;
	[tilespmem:v21+s26+$0x10 ss:$0x1] =	vst.idx.msk $0xffff, v59  }
0x101: {  	v61 =	vnsel vm11, $0x0, v54;
	v63 =	vsub.f32 $1.000000000e+00, v26;
	[tilespmem:v22+s26+$0x10 ss:$0x1] =	vst.idx.msk $0xffff, v23;
	v23 =	vsub.f32 v40, v60  }
0x102: {  	v53 =	vshll.u32 v36, $0xE;
	vm14 =	vgt.s32 v29, $0x0;
	v28 =	vmin.u32 v61, $0x7F;
	[tilespmem:v21+s26+$0x20 ss:$0x1] =	vst.idx.msk $0xffff, v62  }
0x103: {  	v28 =	vshll.u32 v28, $0x7;
	v44 =	vmul.f32 v63, v42;
	[tilespmem:v22+s26+$0x20 ss:$0x1] =	vst.idx.msk $0xffff, v49;
	v45 =	vsub.f32 $1.000000000e+00, v23  }
0x104: {  	v27 =	vmin.u32 v43, $0x7F;
	v29 =	vnsel vm14, $0x0, v29;
	v47 =	vor.u32 v28, v53;
	[tilespmem:v21+s26+$0x30 ss:$0x1] =	vst.idx.msk $0xffff, v55  }
0x105: {  	s25 =	sshra.s32 s25, $0x2;
	v50 =	vor.u32 v27, v47;
	[tilespmem:v22+s26+$0x30 ss:$0x1] =	vst.idx.msk $0xffff, v48;
	v48 =	vnsel vm13, $0x0, v41;
	v49 =	vmul.f32 v44, v45  }
0x106: {  	v29 =	vmin.u32 v29, $0x7F;
	v51 =	vmul.f32 v42, v26;
	v31 =	vmin.u32 v48, $0x7F;
	[tilespmem:v21+s25+$0xFFFFFFC0 ss:$0x1] =	vst.idx.msk $0xffff, v50  }
0x107: {  	v29 =	vshll.u32 v29, $0x7;
	v24 =	vmul.f32 v44, v23;
	v32 =	vor.u32 v31, v47;
	[tilespmem:v22+s25+$0xFFFFFFC0 ss:$0x1] =	vst.idx.msk $0xffff, v49  }
0x108: {  	vm15 =	vgt.s32 v46, $0x0;
	v52 =	vor.u32 v53, v29;
	[tilespmem:v21+s25+$0xFFFFFFD0 ss:$0x1] =	vst.idx.msk $0xffff, v32  }
0x109: {  	v53 =	vnsel vm15, $0x0, v46;
	v54 =	vor.u32 v27, v52;
	v55 =	vmul.f32 v51, v45;
	[tilespmem:v22+s25+$0xFFFFFFD0 ss:$0x1] =	vst.idx.msk $0xffff, v24  }
0x10a: {  	v56 =	vmul.f32 v63, v38;
	v57 =	vmin.u32 v53, $0x7F;
	[tilespmem:v21+s25+$0xFFFFFFE0 ss:$0x1] =	vst.idx.msk $0xffff, v54  }
0x10b: {  	v25 =	vshll.u32 v57, $0xE;
	v58 =	vmul.f32 v51, v23;
	v33 =	vor.u32 v31, v52;
	[tilespmem:v22+s25+$0xFFFFFFE0 ss:$0x1] =	vst.idx.msk $0xffff, v55  }
0x10c: {  	v28 =	vor.u32 v28, v25;
	[tilespmem:v21+s25+$0xFFFFFFF0 ss:$0x1] =	vst.idx.msk $0xffff, v33  }
0x10d: {  	v60 =	vor.u32 v27, v28;
	v59 =	vmul.f32 v56, v45;
	[tilespmem:v22+s25+$0xFFFFFFF0 ss:$0x1] =	vst.idx.msk $0xffff, v58  }
0x10e: {  	v26 =	vmul.f32 v26, v38;
	[tilespmem:v21+s25+$0x0 ss:$0x1] =	vst.idx.msk $0xffff, v60  }
0x10f: {  	v28 =	vor.u32 v31, v28;
	v24 =	vmul.f32 v56, v23;
	[tilespmem:v22+s25+$0x0 ss:$0x1] =	vst.idx.msk $0xffff, v59  }
0x110: {  	v25 =	vor.u32 v29, v25;
	[tilespmem:v21+s25+$0x10 ss:$0x1] =	vst.idx.msk $0xffff, v28  }
0x111: {  	v62 =	vor.u32 v27, v25;
	v61 =	vmul.f32 v45, v26;
	[tilespmem:v22+s25+$0x10 ss:$0x1] =	vst.idx.msk $0xffff, v24  }
0x112: {  	[tilespmem:v21+s25+$0x20 ss:$0x1] =	vst.idx.msk $0xffff, v62  }
0x113: {  	v63 =	vor.u32 v31, v25;
	v23 =	vmul.f32 v26, v23;
	[tilespmem:v22+s25+$0x20 ss:$0x1] =	vst.idx.msk $0xffff, v61  }
0x114: {  	s24 =	sshll.u32 s24, $0xF;
	[tilespmem:v21+s25+$0x30 ss:$0x1] =	vst.idx.msk $0xffff, v63  }
0x115: {  	s29 =	sor.u32 $0x6000, s23;
	s24 =	sadd.s32 $0x8000, s24;
	[tilespmem:v22+s25+$0x30 ss:$0x1] =	vst.idx.msk $0xffff, v23;
	s25 =	sshll.u32 s23, $0x4  }
0x116: {  	[tilespmem:s24], [sflag:$0x1] =	stream.indirect.gather [hbm4b:s6+s11], $0x10, s29, s11, $0xb8;
	[tilespmem:$0x18400] =	vst v63  }
0x117: {  	s31 =	sor.u32 $0x6080, s23;
	s30 =	sadd.s32 $0x8800, s25  }
0x118: {  	[tilespmem:s30], [sflag:$0x1] =	stream.indirect.gather [hbm4b:s6+s11], $0x10, s31, s11, $0xb8;
	[tilespmem:$0x18400] =	vst v63  }
0x119: {  	s28 =	sadd.s32 $0x9000, s25;
	s29 =	sor.u32 $0x6100, s23  }
0x11a: {  	[tilespmem:s28], [sflag:$0x1] =	stream.indirect.gather [hbm4b:s6+s11], $0x10, s29, s11, $0xb8;
	[tilespmem:$0x18400] =	vst v63  }
0x11b: {  	s30 =	sadd.s32 $0x9800, s25;
	s31 =	sor.u32 $0x6180, s23  }
0x11c: {  	[tilespmem:s30], [sflag:$0x1] =	stream.indirect.gather [hbm4b:s6+s11], $0x10, s31, s11, $0xb8;
	[tilespmem:$0x18400] =	vst v63  }
0x11d: {  	s28 =	sadd.s32 $0xA000, s25;
	s29 =	sor.u32 $0x6200, s23  }
0x11e: {  	[tilespmem:s28], [sflag:$0x1] =	stream.indirect.gather [hbm4b:s6+s11], $0x10, s29, s11, $0xb8;
	[tilespmem:$0x18400] =	vst v63  }
0x11f: {  	s30 =	sadd.s32 $0xA800, s25;
	s31 =	sor.u32 $0x6280, s23  }
0x120: {  	[tilespmem:s30], [sflag:$0x1] =	stream.indirect.gather [hbm4b:s6+s11], $0x10, s31, s11, $0xb8;
	[tilespmem:$0x18400] =	vst v63  }
0x121: {  	s28 =	sadd.s32 $0xB000, s25;
	s29 =	sor.u32 $0x6300, s23  }
0x122: {  	[tilespmem:s28], [sflag:$0x1] =	stream.indirect.gather [hbm4b:s6+s11], $0x10, s29, s11, $0xb8;
	[tilespmem:$0x18400] =	vst v63  }
0x123: {  	s30 =	sadd.s32 $0xB800, s25;
	s31 =	sor.u32 $0x6380, s23  }
0x124: {  	[tilespmem:s30], [sflag:$0x1] =	stream.indirect.gather [hbm4b:s6+s11], $0x10, s31, s11, $0xb8;
	[tilespmem:$0x18400] =	vst v63  }
0x125: {  	s28 =	sadd.s32 $0xC000, s25;
	s29 =	sor.u32 $0x6400, s23  }
0x126: {  	[tilespmem:s28], [sflag:$0x1] =	stream.indirect.gather [hbm4b:s6+s11], $0x10, s29, s11, $0xb8;
	[tilespmem:$0x18400] =	vst v63  }
0x127: {  	s30 =	sadd.s32 $0xC800, s25;
	s31 =	sor.u32 $0x6480, s23  }
0x128: {  	[tilespmem:s30], [sflag:$0x1] =	stream.indirect.gather [hbm4b:s6+s11], $0x10, s31, s11, $0xb8;
	[tilespmem:$0x18400] =	vst v63  }
0x129: {  	s28 =	sadd.s32 $0xD000, s25;
	s29 =	sor.u32 $0x6500, s23  }
0x12a: {  	[tilespmem:s28], [sflag:$0x1] =	stream.indirect.gather [hbm4b:s6+s11], $0x10, s29, s11, $0xb8;
	[tilespmem:$0x18400] =	vst v63  }
0x12b: {  	s30 =	sadd.s32 $0xD800, s25;
	s31 =	sor.u32 $0x6580, s23  }
0x12c: {  	[tilespmem:s30], [sflag:$0x1] =	stream.indirect.gather [hbm4b:s6+s11], $0x10, s31, s11, $0xb8;
	[tilespmem:$0x18400] =	vst v63  }
0x12d: {  	s28 =	sadd.s32 $0xE000, s25;
	s29 =	sor.u32 $0x6600, s23  }
0x12e: {  	[tilespmem:s28], [sflag:$0x1] =	stream.indirect.gather [hbm4b:s6+s11], $0x10, s29, s11, $0xb8;
	[tilespmem:$0x18400] =	vst v63  }
0x12f: {  	s30 =	sadd.s32 $0xE800, s25;
	s31 =	sor.u32 $0x6680, s23  }
0x130: {  	[tilespmem:s30], [sflag:$0x1] =	stream.indirect.gather [hbm4b:s6+s11], $0x10, s31, s11, $0xb8;
	[tilespmem:$0x18400] =	vst v63  }
0x131: {  	s28 =	sadd.s32 $0xF000, s25;
	s29 =	sor.u32 $0x6700, s23  }
0x132: {  	[tilespmem:s28], [sflag:$0x1] =	stream.indirect.gather [hbm4b:s6+s11], $0x10, s29, s11, $0xb8;
	[tilespmem:$0x18400] =	vst v63  }
0x133: {  	s30 =	sadd.s32 $0xF800, s25;
	s31 =	sor.u32 $0x6780, s23  }
0x134: {  	[tilespmem:s30], [sflag:$0x1] =	stream.indirect.gather [hbm4b:s6+s11], $0x10, s31, s11, $0xb8;
	[tilespmem:$0x18400] =	vst v63  }
.LBB2_9:
0x135: {  	_ =	swait.ge [sflag:s17], $0x800  }
0x136: {  	[sflag:s17] =	ssyncset.done $0x0  }
0x137: {  	[sflag:s17] =	ssyncadd.s32 $0xFFFFF800  }
0x138: {  	_ =	swait.ge [sflag:s17], $0x800  }
0x139: {  	[sflag:s17] =	ssyncset.done $0x0  }
0x13a: {  	[sflag:s17] =	ssyncadd.s32 $0xFFFFF800  }
0x13b: {  	_ =	swait.ge [sflag:s17], $0x800  }
0x13c: {  	[sflag:s17] =	ssyncset.done $0x0  }
0x13d: {  	[sflag:s17] =	ssyncadd.s32 $0xFFFFF800  }
0x13e: {  	_ =	swait.ge [sflag:s17], $0x800  }
0x13f: {  	[sflag:s17] =	ssyncset.done $0x0  }
0x140: {  	[sflag:s17] =	ssyncadd.s32 $0xFFFFF800  }
0x141: {  	_ =	swait.ge [sflag:s17], $0x800  }
0x142: {  	[sflag:s17] =	ssyncset.done $0x0  }
0x143: {  	[sflag:s17] =	ssyncadd.s32 $0xFFFFF800  }
0x144: {  	_ =	swait.ge [sflag:s17], $0x800  }
0x145: {  	[sflag:s17] =	ssyncset.done $0x0  }
0x146: {  	[sflag:s17] =	ssyncadd.s32 $0xFFFFF800  }
0x147: {  	_ =	swait.ge [sflag:s17], $0x800  }
0x148: {  	[sflag:s17] =	ssyncset.done $0x0  }
0x149: {  	[sflag:s17] =	ssyncadd.s32 $0xFFFFF800  }
0x14a: {  	_ =	swait.ge [sflag:s17], $0x800  }
0x14b: {  	[sflag:s17] =	ssyncset.done $0x0  }
0x14c: {  	[sflag:s17] =	ssyncadd.s32 $0xFFFFF800  }
0x14d: {  	_ =	swait.ge [sflag:s17], $0x800  }
0x14e: {  	[sflag:s17] =	ssyncset.done $0x0  }
0x14f: {  	[sflag:s17] =	ssyncadd.s32 $0xFFFFF800  }
0x150: {  	_ =	swait.ge [sflag:s17], $0x800  }
0x151: {  	[sflag:s17] =	ssyncset.done $0x0  }
0x152: {  	[sflag:s17] =	ssyncadd.s32 $0xFFFFF800  }
0x153: {  	_ =	swait.ge [sflag:s17], $0x800  }
0x154: {  	[sflag:s17] =	ssyncset.done $0x0  }
0x155: {  	[sflag:s17] =	ssyncadd.s32 $0xFFFFF800  }
0x156: {  	_ =	swait.ge [sflag:s17], $0x800  }
0x157: {  	[sflag:s17] =	ssyncset.done $0x0  }
0x158: {  	[sflag:s17] =	ssyncadd.s32 $0xFFFFF800  }
0x159: {  	_ =	swait.ge [sflag:s17], $0x800  }
0x15a: {  	[sflag:s17] =	ssyncset.done $0x0  }
0x15b: {  	[sflag:s17] =	ssyncadd.s32 $0xFFFFF800  }
0x15c: {  	_ =	swait.ge [sflag:s17], $0x800  }
0x15d: {  	[sflag:s17] =	ssyncset.done $0x0  }
0x15e: {  	[sflag:s17] =	ssyncadd.s32 $0xFFFFF800  }
0x15f: {  	_ =	swait.ge [sflag:s17], $0x800  }
0x160: {  	[sflag:s17] =	ssyncset.done $0x0  }
0x161: {  	s23 =	simm.s32 $0x1;
	[sflag:s17] =	ssyncadd.s32 $0xFFFFF800  }
0x162: {  	s23 =	simm.s32 @!p1 $0x0;
	_ =	swait.ge [sflag:s17], $0x800  }
0x163: {  	s23 =	sshll.u32 s23, $0xB;
	[sflag:s17] =	ssyncset.done $0x0  }
0x164: {  	s25 =	simm.s32 $0x0;
	s24 =	sor.u32 $0x7040, s23;
	[sflag:s17] =	ssyncadd.s32 $0xFFFFF800  }
.LBB2_10:
0x165: {  	s26 =	sadd.s32 s25, s23  }
0x166: {  	v21 =	vmov s26  }
0x167: {  	v21 =	vshll.u32 v21, $0x4  }
0x168: {  	v21 =	vor.u32 v2, v21  }
0x169: {  	v22 =	vor.u32 $0x1, v21;
	_ =	sdelay $0x3  }
0x16a: {  	v23 =	vor.u32 $0x2, v21  }
0x16b: {  	v22 =	vld.idx.msk [tilespmem:v22+s13+$0x0], $0xffff  }
0x16c: {  	v24 =	vor.u32 $0x3, v21  }
0x16d: {  	v26 =	vor.u32 $0x5, v21  }
0x16e: {  	v27 =	vor.u32 $0x4, v21  }
0x16f: {  	v29 =	vor.u32 $0x6, v21;
	v23 =	vld.idx.msk [tilespmem:v23+s13+$0x0], $0xffff  }
0x170: {  	v31 =	vor.u32 $0x7, v21;
	v56 =	vld.idx.msk [tilespmem:v21+s13+$0x0], $0xffff;
	v25 =	vunpack.i.l.bf16.f32 v22  }
0x171: {  	v33 =	vor.u32 $0xB, v21;
	v24 =	vld.idx.msk [tilespmem:v24+s13+$0x0], $0xffff;
	v25 =	vmul.f32 $2.820948060e-01, v25  }
0x172: {  	v34 =	vor.u32 $0x8, v21;
	v57 =	vld.idx.msk [tilespmem:v26+s13+$0x0], $0xffff;
	v22 =	vunpack.i.u.bf16.f32 v22  }
0x173: {  	v41 =	vor.u32 $0xD, v21;
	v27 =	vld.idx.msk [tilespmem:v27+s13+$0x0], $0xffff;
	v22 =	vmul.f32 v22, v9;
	v25 =	vadd.f32 $0.0e+00, v25  }
0x174: {  	v42 =	vor.u32 $0x9, v21;
	v59 =	vld.idx.msk [tilespmem:v29+s13+$0x0], $0xffff;
	v28 =	vunpack.i.l.bf16.f32 v23  }
0x175: {  	v62 =	vld.idx.msk [tilespmem:v31+s13+$0x0], $0xffff;
	v55 =	vmul.f32 v28, v10;
	v22 =	vadd.f32 v25, v22  }
0x176: {  	v39 =	vld.idx.msk [tilespmem:v33+s13+$0x0], $0xffff;
	v23 =	vunpack.i.u.bf16.f32 v23  }
0x177: {  	s28 =	sadd.s32 $0x10, s26;
	v60 =	vor.u32 $0xA, v21;
	v40 =	vld.idx.msk [tilespmem:v34+s13+$0x0], $0xffff;
	v23 =	vmul.f32 v23, v11;
	v22 =	vadd.f32 v55, v22  }
0x178: {  	v35 =	vmov s28;
	v37 =	vor.u32 $0xC, v21;
	v46 =	vld.idx.msk [tilespmem:v41+s13+$0x0], $0xffff;
	v58 =	vunpack.i.l.bf16.f32 v24  }
0x179: {  	v21 =	vor.u32 $0xE, v21;
	v34 =	vld.idx.msk [tilespmem:v42+s13+$0x0], $0xffff;
	v22 =	vadd.f32 v22, v23;
	v23 =	vmul.f32 v58, v13  }
0x17a: {  	v30 =	vld [tilespmem:s24+$0xFFFFFFC0];
	v24 =	vunpack.i.u.bf16.f32 v24;
	v61 =	vunpack.i.u.bf16.f32 v57;
	v63 =	vunpack.i.l.bf16.f32 v27  }
0x17b: {  	v32 =	vunpack.i.l.bf16.f32 v59;
	v22 =	vadd.f32 v23, v22;
	v23 =	vmul.f32 v24, v14  }
0x17c: {  	v29 =	vld.idx.msk [tilespmem:v60+s13+$0x0], $0xffff;
	v27 =	vunpack.i.u.bf16.f32 v27;
	v26 =	vunpack.i.u.bf16.f32 v59;
	v36 =	vunpack.i.l.bf16.f32 v62  }
0x17d: {  	v43 =	vunpack.i.l.bf16.f32 v39;
	v31 =	vmul.f32 v63, v15;
	v22 =	vadd.f32 v22, v23  }
0x17e: {  	v44 =	vunpack.i.l.bf16.f32 v40;
	v51 =	vunpack.i.l.bf16.f32 v46;
	v52 =	vunpack.i.l.bf16.f32 v34  }
0x17f: {  	v28 =	vmul.f32 v56, v30;
	v27 =	vmul.f32 v27, v17;
	v22 =	vadd.f32 v31, v22  }
0x180: {  	v53 =	vunpack.i.u.bf16.f32 v34;
	v32 =	vmul.f32 v32, v9;
	v23 =	vmul.f32 $2.820948060e-01, v61  }
0x181: {  	v26 =	vmul.f32 v26, v10;
	v27 =	vadd.f32 v22, v27;
	v22 =	vunpack.i.l.bf16.f32 v29  }
0x182: {  	v38 =	vmul.f32 v36, v11;
	v23 =	vadd.f32 $0.0e+00, v23;
	v22 =	vmul.f32 $2.820948060e-01, v22  }
0x183: {  	v54 =	vmul.f32 v52, v17;
	v25 =	vunpack.i.l.bf16.f32 v57;
	v29 =	vunpack.i.u.bf16.f32 v29  }
0x184: {  	v23 =	vadd.f32 v32, v23;
	v29 =	vmul.f32 v29, v9;
	v22 =	vadd.f32 $0.0e+00, v22  }
0x185: {  	v25 =	vmul.f32 v25, v18;
	v24 =	vunpack.i.u.bf16.f32 v62;
	v31 =	vunpack.i.u.bf16.f32 v39  }
0x186: {  	v32 =	vld.idx.msk [tilespmem:v37+s13+$0x0], $0xffff;
	v23 =	vadd.f32 v23, v26;
	v29 =	vadd.f32 v22, v29;
	v22 =	vshll.u32 v35, $0x4  }
0x187: {  	v24 =	vmul.f32 v24, v13;
	v45 =	vmul.f32 v31, v11;
	v22 =	vor.u32 v2, v22  }
0x188: {  	v31 =	vunpack.i.u.bf16.f32 v46;
	v23 =	vadd.f32 v38, v23;
	v47 =	vor.u32 $0x1, v22  }
0x189: {  	v26 =	vunpack.i.u.bf16.f32 v40;
	v35 =	vmul.f32 v44, v14;
	v50 =	vor.u32 $0x2, v22  }
0x18a: {  	v23 =	vadd.f32 v23, v24;
	v24 =	vmul.f32 v43, v10;
	v60 =	vor.u32 $0x5, v22  }
0x18b: {  	v26 =	vmul.f32 v26, v15;
	v36 =	vunpack.i.l.bf16.f32 v32;
	v61 =	vor.u32 $0x4, v22  }
0x18c: {  	v21 =	vld.idx.msk [tilespmem:v21+s13+$0x0], $0xffff;
	v63 =	vor.u32 $0x6, v22;
	v24 =	vadd.f32 v24, v29;
	v23 =	vadd.f32 v35, v23  }
0x18d: {  	v32 =	vunpack.i.u.bf16.f32 v32;
	v48 =	vmul.f32 v36, v13;
	v43 =	vor.u32 $0x7, v22;
	v33 =	vld.idx.msk [tilespmem:v47+s13+$0x0], $0xffff  }
0x18e: {  	v46 =	vor.u32 $0xA, v22;
	v24 =	vadd.f32 v24, v45;
	v23 =	vadd.f32 v23, v26;
	v58 =	vld.idx.msk [tilespmem:v50+s13+$0x0], $0xffff  }
0x18f: {  	v28 =	vadd.f32 $0.0e+00, v28;
	v25 =	vadd.f32 v25, v27;
	v49 =	vmul.f32 v32, v14;
	v32 =	vld.idx.msk [tilespmem:v60+s13+$0x0], $0xffff  }
0x190: {  	v57 =	vmul.f32 v53, v18;
	v24 =	vadd.f32 v48, v24;
	v23 =	vadd.f32 v54, v23;
	v42 =	vld.idx.msk [tilespmem:v61+s13+$0x0], $0xffff  }
0x191: {  	v21 =	vunpack.i.l.bf16.f32 v21;
	v25 =	vmul.f32 v25, v30;
	v56 =	vor.u32 $0x3, v22;
	v45 =	vld.idx.msk [tilespmem:v63+s13+$0x0], $0xffff  }
0x192: {  	v26 =	vmul.f32 v51, v15;
	v34 =	vld.idx.msk [tilespmem:v43+s13+$0x0], $0xffff;
	v24 =	vadd.f32 v24, v49;
	v23 =	vadd.f32 v23, v57  }
0x193: {  	s30 =	sadd.s32 $0x20, s26;
	v62 =	vmul.f32 v21, v18;
	v55 =	vmul.f32 v31, v17;
	v25 =	vadd.f32 $0.0e+00, v25;
	v27 =	vld.idx.msk [tilespmem:v46+s13+$0x0], $0xffff  }
0x194: {  	v21 =	vld [tilespmem:s24+$0xFFFFFFD0];
	v60 =	vmov s30;
	v24 =	vadd.f32 v26, v24;
	v23 =	vmul.f32 v23, v30  }
0x195: {  	v39 =	vld.idx.msk [tilespmem:v22+s13+$0x0], $0xffff;
	v59 =	vunpack.i.l.bf16.f32 v33;
	v33 =	vunpack.i.u.bf16.f32 v33;
	v40 =	vunpack.i.l.bf16.f32 v58  }
0x196: {  	v31 =	vld.idx.msk [tilespmem:v56+s13+$0x0], $0xffff;
	v29 =	vunpack.i.u.bf16.f32 v58;
	v47 =	vunpack.i.u.bf16.f32 v32;
	v26 =	vmul.f32 $2.820948060e-01, v59  }
0x197: {  	v50 =	vunpack.i.l.bf16.f32 v42;
	v37 =	vunpack.i.l.bf16.f32 v45;
	v53 =	vunpack.i.l.bf16.f32 v34  }
0x198: {  	v57 =	vunpack.i.l.bf16.f32 v27;
	v38 =	vmul.f32 v33, v9;
	v26 =	vadd.f32 $0.0e+00, v26  }
0x199: {  	v32 =	vunpack.i.l.bf16.f32 v32;
	v58 =	vor.u32 $0x9, v22;
	v24 =	vadd.f32 v24, v55  }
0x19a: {  	v41 =	vmul.f32 v40, v10;
	v44 =	vmul.f32 v29, v11;
	v26 =	vadd.f32 v26, v38  }
0x19b: {  	v35 =	vadd.f32 $0.0e+00, v23;
	v23 =	vunpack.i.l.bf16.f32 v31;
	v33 =	vmul.f32 v39, v21  }
0x19c: {  	v31 =	vunpack.i.u.bf16.f32 v31;
	v49 =	vmul.f32 $2.820948060e-01, v47;
	v26 =	vadd.f32 v41, v26  }
0x19d: {  	v37 =	vmul.f32 v37, v9;
	v39 =	vor.u32 $0xB, v22;
	v51 =	vmul.f32 v50, v15  }
0x19e: {  	v55 =	vor.u32 $0xC, v22;
	v23 =	vmul.f32 v23, v13;
	v26 =	vadd.f32 v26, v44  }
0x19f: {  	v29 =	vunpack.i.u.bf16.f32 v45;
	v48 =	vmul.f32 v31, v14;
	v31 =	vadd.f32 $0.0e+00, v49  }
0x1a0: {  	v24 =	vadd.f32 v62, v24;
	v38 =	vor.u32 $0x8, v22;
	v23 =	vadd.f32 v23, v26  }
0x1a1: {  	v59 =	vor.u32 $0xD, v22;
	v29 =	vmul.f32 v29, v10;
	v31 =	vadd.f32 v37, v31  }
0x1a2: {  	v24 =	vmul.f32 v24, v30;
	v30 =	vunpack.i.u.bf16.f32 v42;
	v56 =	vld.idx.msk [tilespmem:v39+s13+$0x0], $0xffff;
	v23 =	vadd.f32 v23, v48  }
0x1a3: {  	v52 =	vmul.f32 v30, v17;
	v30 =	vmul.f32 v53, v11;
	v36 =	vld.idx.msk [tilespmem:v55+s13+$0x0], $0xffff;
	v29 =	vadd.f32 v31, v29  }
0x1a4: {  	v32 =	vmul.f32 v32, v18;
	v22 =	vor.u32 $0xE, v22;
	v23 =	vadd.f32 v51, v23  }
0x1a5: {  	v28 =	vadd.f32 v33, v28;
	v29 =	vadd.f32 v30, v29;
	v30 =	vmul.f32 $2.820948060e-01, v57;
	v54 =	vld.idx.msk [tilespmem:v38+s13+$0x0], $0xffff  }
0x1a6: {  	v37 =	vshll.u32 v60, $0x4;
	v26 =	vadd.f32 v23, v52;
	v23 =	vunpack.i.u.bf16.f32 v34  }
0x1a7: {  	v24 =	vadd.f32 $0.0e+00, v24;
	v30 =	vadd.f32 $0.0e+00, v30;
	v23 =	vmul.f32 v23, v13  }
0x1a8: {  	v39 =	vunpack.i.l.bf16.f32 v56;
	v33 =	vunpack.i.u.bf16.f32 v56;
	v63 =	vunpack.i.l.bf16.f32 v36  }
0x1a9: {  	v22 =	vld.idx.msk [tilespmem:v22+s13+$0x0], $0xffff;
	v39 =	vmul.f32 v39, v10;
	v29 =	vadd.f32 v29, v23;
	v23 =	vunpack.i.u.bf16.f32 v27  }
0x1aa: {  	v33 =	vmul.f32 v33, v11;
	v38 =	vunpack.i.l.bf16.f32 v54;
	v34 =	vld.idx.msk [tilespmem:v58+s13+$0x0], $0xffff;
	v23 =	vmul.f32 v23, v9  }
0x1ab: {  	v36 =	vunpack.i.u.bf16.f32 v36;
	v40 =	vmul.f32 v63, v13;
	v61 =	vmul.f32 v38, v14  }
0x1ac: {  	v31 =	vunpack.i.u.bf16.f32 v54;
	v30 =	vadd.f32 v30, v23;
	v23 =	vor.u32 v2, v37  }
0x1ad: {  	v31 =	vmul.f32 v31, v15;
	v29 =	vadd.f32 v61, v29;
	v62 =	vor.u32 $0x1, v23  }
0x1ae: {  	v22 =	vunpack.i.l.bf16.f32 v22;
	v26 =	vadd.f32 v32, v26;
	v41 =	vor.u32 $0x2, v23  }
0x1af: {  	v44 =	vunpack.i.l.bf16.f32 v34;
	v29 =	vadd.f32 v29, v31;
	v47 =	vor.u32 $0x3, v23  }
0x1b0: {  	v27 =	vld.idx.msk [tilespmem:v59+s13+$0x0], $0xffff;
	v31 =	vmul.f32 v44, v17;
	v51 =	vor.u32 $0x5, v23;
	v30 =	vadd.f32 v39, v30  }
0x1b1: {  	v26 =	vmul.f32 v26, v21;
	v34 =	vunpack.i.u.bf16.f32 v34;
	v54 =	vor.u32 $0x6, v23  }
0x1b2: {  	v49 =	vmul.f32 v34, v18;
	v29 =	vadd.f32 v31, v29;
	v30 =	vadd.f32 v30, v33;
	v43 =	vld.idx.msk [tilespmem:v62+s13+$0x0], $0xffff  }
0x1b3: {  	v42 =	vmul.f32 v36, v14;
	v53 =	vmul.f32 v22, v18;
	v25 =	vadd.f32 v26, v25;
	v48 =	vld.idx.msk [tilespmem:v41+s13+$0x0], $0xffff  }
0x1b4: {  	v60 =	vor.u32 $0x4, v23;
	v29 =	vadd.f32 v29, v49;
	v30 =	vadd.f32 v40, v30;
	v56 =	vld.idx.msk [tilespmem:v47+s13+$0x0], $0xffff  }
0x1b5: {  	v61 =	vor.u32 $0x7, v23;
	v45 =	vunpack.i.l.bf16.f32 v27;
	v27 =	vunpack.i.u.bf16.f32 v27;
	v37 =	vld.idx.msk [tilespmem:v51+s13+$0x0], $0xffff  }
0x1b6: {  	v46 =	vmul.f32 v45, v15;
	v40 =	vld.idx.msk [tilespmem:v54+s13+$0x0], $0xffff;
	v29 =	vmul.f32 v29, v21;
	v30 =	vadd.f32 v30, v42  }
0x1b7: {  	v27 =	vmul.f32 v27, v17;
	v49 =	vor.u32 $0xB, v23;
	v42 =	vor.u32 $0xA, v23  }
0x1b8: {  	v29 =	vadd.f32 v29, v35;
	v30 =	vadd.f32 v46, v30;
	v50 =	vunpack.i.l.bf16.f32 v43  }
0x1b9: {  	v33 =	vunpack.i.u.bf16.f32 v43;
	v58 =	vunpack.i.l.bf16.f32 v48;
	v31 =	vunpack.i.u.bf16.f32 v48  }
0x1ba: {  	v41 =	vunpack.i.l.bf16.f32 v56;
	v44 =	vunpack.i.u.bf16.f32 v37;
	v52 =	vmul.f32 $2.820948060e-01, v50  }
0x1bb: {  	v46 =	vld.idx.msk [tilespmem:v61+s13+$0x0], $0xffff;
	v47 =	vunpack.i.l.bf16.f32 v40;
	v48 =	vor.u32 $0x8, v23;
	v37 =	vunpack.i.l.bf16.f32 v37  }
0x1bc: {  	v27 =	vadd.f32 v30, v27;
	v55 =	vmul.f32 v33, v9;
	v30 =	vadd.f32 $0.0e+00, v52  }
0x1bd: {  	v43 =	vld.idx.msk [tilespmem:v60+s13+$0x0], $0xffff;
	v59 =	vmul.f32 v58, v10;
	v63 =	vmul.f32 v31, v11;
	v33 =	vunpack.i.u.bf16.f32 v56  }
0x1be: {  	v22 =	vld [tilespmem:s24+$0xFFFFFFE0];
	v45 =	vmul.f32 $2.820948060e-01, v44;
	v35 =	vmul.f32 v47, v9;
	v30 =	vadd.f32 v30, v55  }
0x1bf: {  	v57 =	vld.idx.msk [tilespmem:v23+s13+$0x0], $0xffff;
	v50 =	vunpack.i.u.bf16.f32 v40;
	v37 =	vmul.f32 v37, v18;
	v27 =	vadd.f32 v53, v27  }
0x1c0: {  	v33 =	vmul.f32 v33, v14;
	v52 =	vunpack.i.l.bf16.f32 v46;
	v62 =	vadd.f32 v59, v30  }
0x1c1: {  	v56 =	vunpack.i.u.bf16.f32 v46;
	v21 =	vmul.f32 v27, v21;
	v27 =	vmul.f32 v41, v13  }
0x1c2: {  	v51 =	vunpack.i.l.bf16.f32 v43;
	v53 =	vmul.f32 v52, v11;
	v30 =	vld.idx.msk [tilespmem:v42+s13+$0x0], $0xffff;
	v26 =	vadd.f32 v62, v63  }
0x1c3: {  	v55 =	vor.u32 $0xC, v23;
	v58 =	vmul.f32 v56, v13;
	v31 =	vmul.f32 v51, v15  }
0x1c4: {  	s31 =	sadd.s32 $0x30, s26;
	v54 =	vld.idx.msk [tilespmem:v48+s13+$0x0], $0xffff;
	v32 =	vadd.f32 v21, v24;
	v21 =	vmul.f32 v57, v22;
	v26 =	vadd.f32 v27, v26  }
0x1c5: {  	v24 =	vunpack.i.u.bf16.f32 v43;
	v42 =	vmov s31;
	v27 =	vadd.f32 $0.0e+00, v45  }
0x1c6: {  	v24 =	vmul.f32 v24, v17;
	v28 =	vadd.f32 v21, v28;
	v21 =	vadd.f32 v26, v33  }
0x1c7: {  	v59 =	vunpack.i.l.bf16.f32 v30;
	v27 =	vadd.f32 v35, v27;
	v26 =	vmul.f32 v50, v10  }
0x1c8: {  	v57 =	vld.idx.msk [tilespmem:v49+s13+$0x0], $0xffff;
	v62 =	vor.u32 $0xD, v23;
	v60 =	vmul.f32 $2.820948060e-01, v59;
	v21 =	vadd.f32 v31, v21  }
0x1c9: {  	v43 =	vunpack.i.l.bf16.f32 v54;
	v61 =	vunpack.i.u.bf16.f32 v30;
	v26 =	vadd.f32 v27, v26  }
0x1ca: {  	v27 =	vmul.f32 v61, v9;
	v36 =	vadd.f32 v21, v24;
	v24 =	vadd.f32 $0.0e+00, v60  }
0x1cb: {  	v63 =	vld.idx.msk [tilespmem:v55+s13+$0x0], $0xffff;
	v45 =	vmul.f32 v43, v14;
	v35 =	vshll.u32 v42, $0x4;
	v21 =	vor.u32 $0x9, v23  }
0x1cc: {  	v23 =	vor.u32 $0xE, v23;
	v27 =	vadd.f32 v24, v27;
	v24 =	vor.u32 v2, v35  }
0x1cd: {  	v44 =	vunpack.i.l.bf16.f32 v57;
	v34 =	vunpack.i.u.bf16.f32 v57;
	v46 =	vor.u32 $0x1, v24  }
0x1ce: {  	v39 =	vmul.f32 v44, v10;
	v33 =	vunpack.i.u.bf16.f32 v54;
	v49 =	vor.u32 $0x2, v24  }
0x1cf: {  	v34 =	vmul.f32 v34, v11;
	v30 =	vld.idx.msk [tilespmem:v62+s13+$0x0], $0xffff;
	v33 =	vmul.f32 v33, v15;
	v54 =	vor.u32 $0x3, v24  }
0x1d0: {  	v47 =	vunpack.i.l.bf16.f32 v63;
	v26 =	vadd.f32 v53, v26;
	v57 =	vor.u32 $0x5, v24;
	v21 =	vld.idx.msk [tilespmem:v21+s13+$0x0], $0xffff  }
0x1d1: {  	v31 =	vunpack.i.u.bf16.f32 v63;
	v48 =	vmul.f32 v47, v13;
	v59 =	vor.u32 $0x6, v24;
	v23 =	vld.idx.msk [tilespmem:v23+s13+$0x0], $0xffff  }
0x1d2: {  	v26 =	vadd.f32 v26, v58;
	v63 =	vor.u32 $0x4, v24;
	v27 =	vadd.f32 v39, v27;
	v50 =	vld.idx.msk [tilespmem:v46+s13+$0x0], $0xffff  }
0x1d3: {  	v31 =	vmul.f32 v31, v14;
	v36 =	vadd.f32 v37, v36;
	v40 =	vor.u32 $0x7, v24;
	v55 =	vld.idx.msk [tilespmem:v49+s13+$0x0], $0xffff  }
0x1d4: {  	v52 =	vunpack.i.l.bf16.f32 v30;
	v26 =	vadd.f32 v45, v26;
	v27 =	vadd.f32 v27, v34;
	v60 =	vld.idx.msk [tilespmem:v54+s13+$0x0], $0xffff  }
0x1d5: {  	v30 =	vunpack.i.u.bf16.f32 v30;
	v53 =	vmul.f32 v52, v15;
	v36 =	vmul.f32 v36, v22;
	v35 =	vld.idx.msk [tilespmem:v57+s13+$0x0], $0xffff  }
0x1d6: {  	s29 =	sadd.s32 $0x40, s26;
	v30 =	vmul.f32 v30, v17;
	v26 =	vadd.f32 v26, v33;
	v27 =	vadd.f32 v48, v27;
	v41 =	vld.idx.msk [tilespmem:v59+s13+$0x0], $0xffff  }
0x1d7: {  	v36 =	vadd.f32 v36, v25;
	v43 =	vld.idx.msk [tilespmem:v63+s13+$0x0], $0xffff;
	v48 =	vor.u32 $0xA, v24;
	v63 =	vmov s29  }
0x1d8: {  	v46 =	vld.idx.msk [tilespmem:v40+s13+$0x0], $0xffff;
	v40 =	vshll.u32 v63, $0x4;
	v51 =	vunpack.i.l.bf16.f32 v21;
	v27 =	vadd.f32 v27, v31  }
0x1d9: {  	v21 =	vunpack.i.u.bf16.f32 v21;
	v23 =	vunpack.i.l.bf16.f32 v23;
	v33 =	vmul.f32 v51, v17  }
0x1da: {  	v56 =	vmul.f32 v21, v18;
	v23 =	vmul.f32 v23, v18;
	v27 =	vadd.f32 v53, v27  }
0x1db: {  	v26 =	vadd.f32 v33, v26;
	v21 =	vunpack.i.l.bf16.f32 v50;
	v34 =	vunpack.i.u.bf16.f32 v50  }
0x1dc: {  	v62 =	vunpack.i.l.bf16.f32 v55;
	v31 =	vunpack.i.u.bf16.f32 v55;
	v44 =	vunpack.i.u.bf16.f32 v35  }
0x1dd: {  	v45 =	vunpack.i.u.bf16.f32 v60;
	v47 =	vunpack.i.l.bf16.f32 v41;
	v50 =	vor.u32 $0x8, v24  }
0x1de: {  	v61 =	vld.idx.msk [tilespmem:v24+s13+$0x0], $0xffff;
	v51 =	vunpack.i.u.bf16.f32 v41;
	v52 =	vunpack.i.l.bf16.f32 v43;
	v54 =	vunpack.i.l.bf16.f32 v46  }
0x1df: {  	v55 =	vor.u32 $0xB, v24;
	v57 =	vld.idx.msk [tilespmem:v48+s13+$0x0], $0xffff;
	v27 =	vadd.f32 v27, v30;
	v58 =	vmul.f32 $2.820948060e-01, v21  }
0x1e0: {  	v59 =	vunpack.i.l.bf16.f32 v35;
	v21 =	vld [tilespmem:s24+$0xFFFFFFF0];
	v34 =	vmul.f32 v34, v9;
	v26 =	vadd.f32 v26, v56  }
0x1e1: {  	v33 =	vmul.f32 v62, v10;
	v30 =	vadd.f32 $0.0e+00, v58;
	v23 =	vadd.f32 v23, v27  }
0x1e2: {  	v31 =	vmul.f32 v31, v11;
	v62 =	vor.u32 $0xC, v24;
	v26 =	vmul.f32 v26, v22  }
0x1e3: {  	v56 =	vmul.f32 v54, v11;
	v30 =	vadd.f32 v30, v34;
	v22 =	vmul.f32 v23, v22  }
0x1e4: {  	v23 =	vunpack.i.l.bf16.f32 v60;
	v41 =	vunpack.i.l.bf16.f32 v57;
	v26 =	vadd.f32 v26, v29  }
0x1e5: {  	v60 =	vld.idx.msk [tilespmem:v50+s13+$0x0], $0xffff;
	v23 =	vmul.f32 v23, v13;
	v27 =	vmul.f32 v61, v21;
	v30 =	vadd.f32 v33, v30  }
0x1e6: {  	v29 =	vunpack.i.u.bf16.f32 v43;
	v61 =	vor.u32 $0x9, v24;
	v22 =	vadd.f32 v22, v32  }
0x1e7: {  	v35 =	vld.idx.msk [tilespmem:v62+s13+$0x0], $0xffff;
	v32 =	vmul.f32 v47, v9;
	v58 =	vmul.f32 v29, v17;
	v42 =	vadd.f32 v30, v31  }
0x1e8: {  	v29 =	vmul.f32 v59, v18;
	v33 =	vld.idx.msk [tilespmem:v55+s13+$0x0], $0xffff;
	v31 =	vmul.f32 v45, v14;
	v30 =	vunpack.i.u.bf16.f32 v46  }
0x1e9: {  	v30 =	vmul.f32 v30, v13;
	v25 =	vadd.f32 v23, v42;
	v23 =	vmul.f32 $2.820948060e-01, v44  }
0x1ea: {  	v34 =	vunpack.i.u.bf16.f32 v60;
	v42 =	vunpack.i.l.bf16.f32 v60;
	v44 =	vor.u32 $0xD, v24  }
0x1eb: {  	v34 =	vmul.f32 v34, v15;
	v24 =	vor.u32 $0xE, v24;
	v49 =	vadd.f32 $0.0e+00, v23  }
0x1ec: {  	v23 =	vadd.f32 v27, v28;
	v25 =	vadd.f32 v25, v31;
	v28 =	vmul.f32 v52, v15  }
0x1ed: {  	v55 =	vunpack.i.u.bf16.f32 v35;
	v37 =	vmul.f32 v42, v14;
	v45 =	vunpack.i.l.bf16.f32 v33  }
0x1ee: {  	v48 =	vunpack.i.u.bf16.f32 v33;
	v27 =	vmul.f32 v51, v10;
	v31 =	vld.idx.msk [tilespmem:v61+s13+$0x0], $0xffff;
	v25 =	vadd.f32 v28, v25  }
0x1ef: {  	v46 =	vmul.f32 v45, v10;
	v52 =	vunpack.i.l.bf16.f32 v35;
	v53 =	vadd.f32 v32, v49  }
0x1f0: {  	v32 =	vunpack.i.u.bf16.f32 v57;
	v51 =	vld.idx.msk [tilespmem:v44+s13+$0x0], $0xffff;
	v28 =	vadd.f32 v25, v58;
	v25 =	vor.u32 v2, v40  }
0x1f1: {  	v57 =	vmul.f32 v55, v14;
	v24 =	vld.idx.msk [tilespmem:v24+s13+$0x0], $0xffff;
	v27 =	vadd.f32 v53, v27;
	v43 =	vor.u32 $0x1, v25  }
0x1f2: {  	v32 =	vmul.f32 v32, v9;
	v53 =	vmul.f32 v52, v13;
	v47 =	vor.u32 $0x2, v25  }
0x1f3: {  	v50 =	vunpack.i.l.bf16.f32 v31;
	v54 =	vor.u32 $0x3, v25;
	v27 =	vadd.f32 v56, v27  }
0x1f4: {  	v31 =	vunpack.i.u.bf16.f32 v31;
	v40 =	vor.u32 $0x5, v25;
	v28 =	vadd.f32 v29, v28  }
0x1f5: {  	v29 =	vmul.f32 v48, v11;
	v27 =	vadd.f32 v27, v30;
	v30 =	vmul.f32 $2.820948060e-01, v41  }
0x1f6: {  	v31 =	vmul.f32 v31, v18;
	v59 =	vunpack.i.l.bf16.f32 v51;
	v24 =	vunpack.i.l.bf16.f32 v24;
	v49 =	vld.idx.msk [tilespmem:v43+s13+$0x0], $0xffff  }
0x1f7: {  	v28 =	vmul.f32 v28, v21;
	v30 =	vadd.f32 $0.0e+00, v30;
	v27 =	vadd.f32 v37, v27;
	v56 =	vld.idx.msk [tilespmem:v47+s13+$0x0], $0xffff  }
0x1f8: {  	v62 =	vor.u32 $0x4, v25;
	v60 =	vmul.f32 v59, v15;
	v24 =	vmul.f32 v24, v18;
	v61 =	vld.idx.msk [tilespmem:v54+s13+$0x0], $0xffff  }
0x1f9: {  	v30 =	vadd.f32 v30, v32;
	v27 =	vadd.f32 v27, v34;
	v34 =	vmul.f32 v50, v17  }
0x1fa: {  	v28 =	vadd.f32 v28, v36;
	v32 =	vunpack.i.u.bf16.f32 v51;
	v51 =	vld.idx.msk [tilespmem:v40+s13+$0x0], $0xffff;
	v40 =	vor.u32 $0xB, v25  }
0x1fb: {  	v32 =	vmul.f32 v32, v17;
	v30 =	vadd.f32 v46, v30;
	v27 =	vadd.f32 v34, v27  }
0x1fc: {  	v46 =	vor.u32 $0x6, v25;
	v58 =	vunpack.i.l.bf16.f32 v49;
	v33 =	vunpack.i.u.bf16.f32 v49  }
0x1fd: {  	v63 =	vunpack.i.l.bf16.f32 v56;
	v45 =	vunpack.i.u.bf16.f32 v56;
	v48 =	vunpack.i.l.bf16.f32 v61  }
0x1fe: {  	v52 =	vunpack.i.u.bf16.f32 v61;
	v61 =	vor.u32 $0x8, v25;
	v34 =	vmul.f32 $2.820948060e-01, v58  }
0x1ff: {  	v49 =	vld.idx.msk [tilespmem:v62+s13+$0x0], $0xffff;
	v29 =	vadd.f32 v30, v29;
	v33 =	vmul.f32 v33, v9;
	v44 =	vmul.f32 v63, v10  }
0x200: {  	v27 =	vadd.f32 v27, v31;
	v47 =	vmul.f32 v45, v11;
	v50 =	vmul.f32 v48, v13  }
0x201: {  	v54 =	vmul.f32 v52, v14;
	v59 =	vunpack.i.u.bf16.f32 v51;
	v29 =	vadd.f32 v53, v29  }
0x202: {  	v34 =	vadd.f32 $0.0e+00, v34;
	v53 =	vor.u32 $0x7, v25;
	v27 =	vmul.f32 v27, v21  }
0x203: {  	v35 =	vmul.f32 $2.820948060e-01, v59;
	v55 =	vld.idx.msk [tilespmem:v46+s13+$0x0], $0xffff;
	v46 =	vor.u32 $0x9, v25;
	v29 =	vadd.f32 v29, v57  }
0x204: {  	v43 =	vadd.f32 v34, v33;
	v26 =	vadd.f32 v27, v26;
	v58 =	vunpack.i.l.bf16.f32 v49  }
0x205: {  	v62 =	vunpack.i.u.bf16.f32 v49;
	v39 =	vadd.f32 $0.0e+00, v35;
	v45 =	vld.idx.msk [tilespmem:v61+s13+$0x0], $0xffff;
	v29 =	vadd.f32 v60, v29  }
0x206: {  	v27 =	vld [tilespmem:s24+$0x0];
	v31 =	vmul.f32 v58, v15;
	v30 =	vadd.f32 v44, v43;
	v60 =	vor.u32 $0xA, v25  }
0x207: {  	v43 =	vunpack.i.l.bf16.f32 v51;
	v37 =	vld.idx.msk [tilespmem:v53+s13+$0x0], $0xffff;
	v53 =	vor.u32 $0xD, v25;
	v29 =	vadd.f32 v29, v32  }
0x208: {  	v57 =	vld.idx.msk [tilespmem:v25+s13+$0x0], $0xffff;
	v30 =	vadd.f32 v30, v47;
	v63 =	vunpack.i.l.bf16.f32 v55;
	v34 =	vunpack.i.u.bf16.f32 v55  }
0x209: {  	v49 =	vld.idx.msk [tilespmem:v40+s13+$0x0], $0xffff;
	v47 =	vor.u32 $0xC, v25;
	v25 =	vor.u32 $0xE, v25;
	v33 =	vmul.f32 v63, v9  }
0x20a: {  	v51 =	vld.idx.msk [tilespmem:v46+s13+$0x0], $0xffff;
	v36 =	vunpack.i.u.bf16.f32 v45;
	v30 =	vadd.f32 v50, v30;
	v24 =	vadd.f32 v24, v29  }
0x20b: {  	v41 =	vmul.f32 v34, v10;
	v50 =	vunpack.i.l.bf16.f32 v45;
	v42 =	vld.idx.msk [tilespmem:v60+s13+$0x0], $0xffff;
	v60 =	vmul.f32 v36, v15  }
0x20c: {  	v56 =	vadd.f32 v30, v54;
	v21 =	vmul.f32 v24, v21;
	v24 =	vmul.f32 v62, v17  }
0x20d: {  	s30 =	sadd.s32 $0x50, s26;
	v30 =	vmul.f32 v57, v27;
	v44 =	vunpack.i.l.bf16.f32 v37;
	v37 =	vunpack.i.u.bf16.f32 v37  }
0x20e: {  	v54 =	vmov s30;
	v32 =	vmul.f32 v44, v11;
	v48 =	vmul.f32 v37, v13  }
0x20f: {  	v59 =	vld.idx.msk [tilespmem:v53+s13+$0x0], $0xffff;
	v61 =	vunpack.i.l.bf16.f32 v51;
	v29 =	vadd.f32 v31, v56;
	v31 =	vadd.f32 v33, v39  }
0x210: {  	v22 =	vadd.f32 v21, v22;
	v30 =	vadd.f32 v30, v23;
	v56 =	vunpack.i.l.bf16.f32 v49  }
0x211: {  	v35 =	vmul.f32 v56, v10;
	v24 =	vadd.f32 v29, v24;
	v23 =	vunpack.i.l.bf16.f32 v42  }
0x212: {  	v38 =	vld.idx.msk [tilespmem:v47+s13+$0x0], $0xffff;
	v29 =	vmul.f32 v43, v18;
	v52 =	vunpack.i.u.bf16.f32 v42;
	v23 =	vmul.f32 $2.820948060e-01, v23  }
0x213: {  	v31 =	vadd.f32 v31, v41;
	v41 =	vmul.f32 v61, v17;
	v33 =	vmul.f32 v52, v9  }
0x214: {  	v44 =	vunpack.i.l.bf16.f32 v59;
	v55 =	vadd.f32 $0.0e+00, v23;
	v23 =	vshll.u32 v54, $0x4  }
0x215: {  	v21 =	vadd.f32 v32, v31;
	v24 =	vadd.f32 v29, v24;
	v23 =	vor.u32 v2, v23  }
0x216: {  	v29 =	vmul.f32 v50, v14;
	v32 =	vunpack.i.u.bf16.f32 v49;
	v57 =	vor.u32 $0x1, v23  }
0x217: {  	v62 =	vunpack.i.l.bf16.f32 v38;
	v42 =	vunpack.i.u.bf16.f32 v38;
	v40 =	vor.u32 $0x2, v23  }
0x218: {  	v25 =	vld.idx.msk [tilespmem:v25+s13+$0x0], $0xffff;
	v21 =	vadd.f32 v21, v48;
	v33 =	vadd.f32 v55, v33;
	v46 =	vor.u32 $0x3, v23  }
0x219: {  	v31 =	vunpack.i.u.bf16.f32 v51;
	v32 =	vmul.f32 v32, v11;
	v48 =	vor.u32 $0x5, v23  }
0x21a: {  	v51 =	vor.u32 $0x6, v23;
	v21 =	vadd.f32 v29, v21;
	v58 =	vadd.f32 v35, v33  }
0x21b: {  	v45 =	vmul.f32 v44, v15;
	v63 =	vmul.f32 v62, v13;
	v53 =	vor.u32 $0x4, v23;
	v37 =	vld.idx.msk [tilespmem:v57+s13+$0x0], $0xffff  }
0x21c: {  	v55 =	vor.u32 $0x7, v23;
	v21 =	vadd.f32 v21, v60;
	v29 =	vadd.f32 v58, v32;
	v47 =	vld.idx.msk [tilespmem:v40+s13+$0x0], $0xffff  }
0x21d: {  	v25 =	vunpack.i.l.bf16.f32 v25;
	v43 =	vmul.f32 v42, v14;
	v24 =	vmul.f32 v24, v27;
	v34 =	vld.idx.msk [tilespmem:v46+s13+$0x0], $0xffff  }
0x21e: {  	v31 =	vmul.f32 v31, v18;
	v21 =	vadd.f32 v41, v21;
	v35 =	vld.idx.msk [tilespmem:v48+s13+$0x0], $0xffff;
	v29 =	vadd.f32 v63, v29  }
0x21f: {  	v25 =	vmul.f32 v25, v18;
	v42 =	vor.u32 $0x8, v23;
	v28 =	vadd.f32 v24, v28;
	v57 =	vld.idx.msk [tilespmem:v51+s13+$0x0], $0xffff  }
0x220: {  	v60 =	vld.idx.msk [tilespmem:v53+s13+$0x0], $0xffff;
	v40 =	vor.u32 $0xA, v23;
	v31 =	vadd.f32 v21, v31;
	v29 =	vadd.f32 v29, v43  }
0x221: {  	v53 =	vor.u32 $0xC, v23;
	v63 =	vld.idx.msk [tilespmem:v55+s13+$0x0], $0xffff;
	v55 =	vor.u32 $0x9, v23;
	v21 =	vunpack.i.u.bf16.f32 v59  }
0x222: {  	v49 =	vmul.f32 v21, v17;
	v31 =	vmul.f32 v31, v27;
	v29 =	vadd.f32 v45, v29  }
0x223: {  	v50 =	vunpack.i.l.bf16.f32 v37;
	v37 =	vunpack.i.u.bf16.f32 v37;
	v54 =	vunpack.i.l.bf16.f32 v47  }
0x224: {  	v52 =	vld.idx.msk [tilespmem:v23+s13+$0x0], $0xffff;
	v56 =	vunpack.i.u.bf16.f32 v47;
	v61 =	vunpack.i.l.bf16.f32 v34;
	v62 =	vunpack.i.u.bf16.f32 v35  }
0x225: {  	v21 =	vld [tilespmem:s24+$0x10];
	v34 =	vunpack.i.u.bf16.f32 v34;
	v41 =	vunpack.i.l.bf16.f32 v57;
	v45 =	vunpack.i.l.bf16.f32 v60  }
0x226: {  	v33 =	vunpack.i.u.bf16.f32 v57;
	v36 =	vmul.f32 $2.820948060e-01, v50;
	v37 =	vmul.f32 v37, v9  }
0x227: {  	v26 =	vadd.f32 v31, v26;
	v31 =	vmul.f32 $2.820948060e-01, v62;
	v44 =	vmul.f32 v41, v9  }
0x228: {  	v47 =	vor.u32 $0xB, v23;
	v34 =	vmul.f32 v34, v14;
	v46 =	vmul.f32 v33, v10  }
0x229: {  	v48 =	vmul.f32 v45, v15;
	v29 =	vadd.f32 v29, v49;
	v36 =	vadd.f32 $0.0e+00, v36  }
0x22a: {  	v32 =	vunpack.i.u.bf16.f32 v63;
	v49 =	vunpack.i.l.bf16.f32 v63;
	v59 =	vmul.f32 v52, v21  }
0x22b: {  	v51 =	vld.idx.msk [tilespmem:v42+s13+$0x0], $0xffff;
	v25 =	vadd.f32 v25, v29;
	v29 =	vmul.f32 v54, v10;
	v36 =	vadd.f32 v36, v37  }
0x22c: {  	v43 =	vadd.f32 $0.0e+00, v31;
	v50 =	vmul.f32 v49, v11;
	v52 =	vmul.f32 v32, v13  }
0x22d: {  	s31 =	sadd.s32 $0x60, s26;
	v32 =	vld.idx.msk [tilespmem:v53+s13+$0x0], $0xffff;
	v25 =	vmul.f32 v25, v27;
	v27 =	vmul.f32 v56, v11;
	v58 =	vadd.f32 v29, v36  }
0x22e: {  	v30 =	vadd.f32 v59, v30;
	v59 =	vmov s31;
	v29 =	vunpack.i.u.bf16.f32 v60  }
0x22f: {  	v60 =	vor.u32 $0xD, v23;
	v24 =	vadd.f32 v58, v27;
	v27 =	vmul.f32 v61, v13  }
0x230: {  	v33 =	vld.idx.msk [tilespmem:v47+s13+$0x0], $0xffff;
	v37 =	vunpack.i.u.bf16.f32 v51;
	v56 =	vunpack.i.l.bf16.f32 v35;
	v35 =	vshll.u32 v59, $0x4  }
0x231: {  	v36 =	vld.idx.msk [tilespmem:v40+s13+$0x0], $0xffff;
	v23 =	vor.u32 $0xE, v23;
	v22 =	vadd.f32 v25, v22;
	v24 =	vadd.f32 v27, v24  }
0x232: {  	v29 =	vmul.f32 v29, v17;
	v45 =	vunpack.i.l.bf16.f32 v32;
	v27 =	vadd.f32 v44, v43  }
0x233: {  	v32 =	vunpack.i.u.bf16.f32 v32;
	v58 =	vunpack.i.l.bf16.f32 v51;
	v24 =	vadd.f32 v24, v34  }
0x234: {  	v32 =	vmul.f32 v32, v14;
	v31 =	vmul.f32 v58, v14;
	v43 =	vld.idx.msk [tilespmem:v60+s13+$0x0], $0xffff;
	v27 =	vadd.f32 v27, v46  }
0x235: {  	v62 =	vunpack.i.l.bf16.f32 v33;
	v41 =	vunpack.i.u.bf16.f32 v33;
	v24 =	vadd.f32 v48, v24  }
0x236: {  	v44 =	vmul.f32 v37, v15;
	v57 =	vunpack.i.l.bf16.f32 v36;
	v27 =	vadd.f32 v50, v27  }
0x237: {  	v36 =	vunpack.i.u.bf16.f32 v36;
	v54 =	vadd.f32 v24, v29;
	v24 =	vmul.f32 $2.820948060e-01, v57  }
0x238: {  	v36 =	vmul.f32 v36, v9;
	v34 =	vmul.f32 v56, v18;
	v27 =	vadd.f32 v27, v52  }
0x239: {  	v29 =	vld.idx.msk [tilespmem:v55+s13+$0x0], $0xffff;
	v51 =	vunpack.i.l.bf16.f32 v43;
	v61 =	vadd.f32 $0.0e+00, v24;
	v24 =	vor.u32 v2, v35  }
0x23a: {  	v48 =	vmul.f32 v45, v13;
	v53 =	vmul.f32 v51, v15;
	v63 =	vor.u32 $0x1, v24  }
0x23b: {  	v35 =	vmul.f32 v62, v10;
	v27 =	vadd.f32 v31, v27;
	v46 =	vor.u32 $0x2, v24  }
0x23c: {  	v31 =	vmul.f32 v41, v11;
	v55 =	vor.u32 $0x3, v24;
	v36 =	vadd.f32 v61, v36  }
0x23d: {  	v52 =	vld.idx.msk [tilespmem:v23+s13+$0x0], $0xffff;
	v25 =	vadd.f32 v34, v54;
	v57 =	vor.u32 $0x5, v24;
	v58 =	vor.u32 $0x6, v24  }
0x23e: {  	v45 =	vor.u32 $0x7, v24;
	v47 =	vunpack.i.l.bf16.f32 v29;
	v42 =	vadd.f32 v35, v36  }
0x23f: {  	v51 =	vor.u32 $0x8, v24;
	v27 =	vadd.f32 v27, v44;
	v50 =	vmul.f32 v47, v17;
	v49 =	vld.idx.msk [tilespmem:v63+s13+$0x0], $0xffff  }
0x240: {  	v41 =	vor.u32 $0xB, v24;
	v29 =	vunpack.i.u.bf16.f32 v29;
	v31 =	vadd.f32 v42, v31;
	v54 =	vld.idx.msk [tilespmem:v46+s13+$0x0], $0xffff  }
0x241: {  	v62 =	vmul.f32 v25, v21;
	v29 =	vmul.f32 v29, v18;
	v27 =	vadd.f32 v50, v27;
	v33 =	vld.idx.msk [tilespmem:v55+s13+$0x0], $0xffff  }
0x242: {  	v34 =	vunpack.i.l.bf16.f32 v52;
	v35 =	vunpack.i.u.bf16.f32 v43;
	v39 =	vld.idx.msk [tilespmem:v58+s13+$0x0], $0xffff;
	v31 =	vadd.f32 v48, v31  }
0x243: {  	s26 =	sadd.s32 $0x70, s26;
	v34 =	vmul.f32 v34, v18;
	v47 =	vor.u32 $0x4, v24;
	v27 =	vadd.f32 v27, v29  }
0x244: {  	v35 =	vmul.f32 v35, v17;
	v58 =	vmov s26;
	v23 =	vadd.f32 v31, v32  }
0x245: {  	v27 =	vmul.f32 v27, v21;
	v56 =	vunpack.i.l.bf16.f32 v49;
	v37 =	vunpack.i.u.bf16.f32 v49  }
0x246: {  	v63 =	vld.idx.msk [tilespmem:v24+s13+$0x0], $0xffff;
	v61 =	vunpack.i.l.bf16.f32 v54;
	v44 =	vunpack.i.u.bf16.f32 v54;
	v49 =	vunpack.i.l.bf16.f32 v33  }
0x247: {  	v32 =	vld.idx.msk [tilespmem:v45+s13+$0x0], $0xffff;
	v33 =	vunpack.i.u.bf16.f32 v33;
	v54 =	vunpack.i.l.bf16.f32 v39;
	v36 =	vmul.f32 $2.820948060e-01, v56  }
0x248: {  	v55 =	vunpack.i.u.bf16.f32 v39;
	v31 =	vadd.f32 v53, v23;
	v23 =	vld [tilespmem:s24+$0x20];
	v56 =	vor.u32 $0x9, v24  }
0x249: {  	v60 =	vmul.f32 v37, v9;
	v46 =	vmul.f32 v44, v11;
	v59 =	vadd.f32 $0.0e+00, v36  }
0x24a: {  	v26 =	vadd.f32 v27, v26;
	v53 =	vmul.f32 v33, v14;
	v31 =	vadd.f32 v31, v35;
	v36 =	vld.idx.msk [tilespmem:v57+s13+$0x0], $0xffff  }
0x24b: {  	v33 =	vmul.f32 v54, v9;
	v35 =	vmul.f32 v61, v10;
	v57 =	vld.idx.msk [tilespmem:v51+s13+$0x0], $0xffff;
	v29 =	vadd.f32 v59, v60  }
0x24c: {  	v25 =	vadd.f32 v34, v31;
	v31 =	vmul.f32 v49, v13;
	v59 =	vunpack.i.l.bf16.f32 v32  }
0x24d: {  	v60 =	vor.u32 $0xA, v24;
	v32 =	vunpack.i.u.bf16.f32 v32;
	v52 =	vmul.f32 v63, v23;
	v37 =	vld.idx.msk [tilespmem:v56+s13+$0x0], $0xffff  }
0x24e: {  	v38 =	vmul.f32 v59, v11;
	v35 =	vadd.f32 v35, v29;
	v29 =	vadd.f32 v62, v28;
	v28 =	vld.idx.msk [tilespmem:v47+s13+$0x0], $0xffff  }
0x24f: {  	v32 =	vmul.f32 v32, v13;
	v50 =	vunpack.i.u.bf16.f32 v36;
	v30 =	vadd.f32 v52, v30  }
0x250: {  	v63 =	vunpack.i.l.bf16.f32 v57;
	v48 =	vadd.f32 v35, v46;
	v34 =	vmul.f32 $2.820948060e-01, v50  }
0x251: {  	v36 =	vunpack.i.l.bf16.f32 v36;
	v35 =	vshll.u32 v58, $0x4;
	v44 =	vmul.f32 v63, v14  }
0x252: {  	v49 =	vmul.f32 v36, v18;
	v27 =	vadd.f32 v31, v48;
	v34 =	vadd.f32 $0.0e+00, v34  }
0x253: {  	v52 =	vld.idx.msk [tilespmem:v41+s13+$0x0], $0xffff;
	v50 =	vunpack.i.l.bf16.f32 v37;
	v37 =	vunpack.i.u.bf16.f32 v37;
	v61 =	vunpack.i.l.bf16.f32 v28  }
0x254: {  	v31 =	vadd.f32 v27, v53;
	v33 =	vadd.f32 v33, v34;
	v27 =	vmul.f32 v55, v10  }
0x255: {  	v28 =	vunpack.i.u.bf16.f32 v28;
	v51 =	vmul.f32 v50, v17;
	v37 =	vmul.f32 v37, v18  }
0x256: {  	v53 =	vor.u32 $0xC, v24;
	v33 =	vadd.f32 v33, v27;
	v27 =	vor.u32 v2, v35  }
0x257: {  	v45 =	vld.idx.msk [tilespmem:v60+s13+$0x0], $0xffff;
	v28 =	vmul.f32 v28, v17;
	v35 =	vmul.f32 v61, v15;
	v62 =	vor.u32 $0x1, v27  }
0x258: {  	v34 =	vunpack.i.u.bf16.f32 v57;
	v41 =	vunpack.i.l.bf16.f32 v52;
	v46 =	vor.u32 $0x2, v27  }
0x259: {  	v55 =	vor.u32 $0x3, v27;
	v33 =	vadd.f32 v38, v33;
	v31 =	vadd.f32 v35, v31  }
0x25a: {  	v36 =	vunpack.i.u.bf16.f32 v52;
	v47 =	vmul.f32 v34, v15;
	v42 =	vor.u32 $0x4, v27  }
0x25b: {  	v43 =	vor.u32 $0x5, v27;
	v39 =	vld.idx.msk [tilespmem:v53+s13+$0x0], $0xffff;
	v32 =	vadd.f32 v33, v32;
	v28 =	vadd.f32 v31, v28  }
0x25c: {  	v41 =	vmul.f32 v41, v10;
	v54 =	vunpack.i.l.bf16.f32 v45;
	v35 =	vunpack.i.u.bf16.f32 v45;
	v48 =	vld.idx.msk [tilespmem:v62+s13+$0x0], $0xffff  }
0x25d: {  	v32 =	vadd.f32 v44, v32;
	v31 =	vadd.f32 v49, v28;
	v28 =	vmul.f32 $2.820948060e-01, v54;
	v56 =	vld.idx.msk [tilespmem:v46+s13+$0x0], $0xffff  }
0x25e: {  	v36 =	vmul.f32 v36, v11;
	v59 =	vor.u32 $0x6, v27;
	v35 =	vmul.f32 v35, v9;
	v40 =	vld.idx.msk [tilespmem:v55+s13+$0x0], $0xffff  }
0x25f: {  	v61 =	vld.idx.msk [tilespmem:v42+s13+$0x0], $0xffff;
	v46 =	vor.u32 $0x7, v27;
	v32 =	vadd.f32 v32, v47;
	v28 =	vadd.f32 $0.0e+00, v28  }
0x260: {  	v43 =	vld.idx.msk [tilespmem:v43+s13+$0x0], $0xffff;
	v62 =	vunpack.i.l.bf16.f32 v39;
	v49 =	vunpack.i.u.bf16.f32 v39;
	v31 =	vmul.f32 v31, v23  }
0x261: {  	v47 =	vmul.f32 v62, v13;
	v32 =	vadd.f32 v51, v32;
	v57 =	vunpack.i.l.bf16.f32 v48  }
0x262: {  	v35 =	vadd.f32 v28, v35;
	v29 =	vadd.f32 v31, v29;
	v38 =	vmul.f32 $2.820948060e-01, v57  }
0x263: {  	v34 =	vunpack.i.u.bf16.f32 v48;
	v44 =	vunpack.i.l.bf16.f32 v56;
	v33 =	vunpack.i.u.bf16.f32 v56  }
0x264: {  	v63 =	vunpack.i.l.bf16.f32 v40;
	v34 =	vmul.f32 v34, v9;
	v38 =	vadd.f32 $0.0e+00, v38  }
0x265: {  	v60 =	vld.idx.msk [tilespmem:v27+s13+$0x0], $0xffff;
	v40 =	vunpack.i.u.bf16.f32 v40;
	v52 =	vunpack.i.l.bf16.f32 v61;
	v53 =	vunpack.i.u.bf16.f32 v43  }
0x266: {  	v28 =	vld [tilespmem:s24+$0x30];
	v56 =	vor.u32 $0x8, v27;
	v58 =	vmul.f32 v44, v10;
	v34 =	vadd.f32 v38, v34  }
0x267: {  	v55 =	vld.idx.msk [tilespmem:v46+s13+$0x0], $0xffff;
	v46 =	vor.u32 $0xD, v24;
	v24 =	vor.u32 $0xE, v24;
	v35 =	vadd.f32 v41, v35  }
0x268: {  	v48 =	vld.idx.msk [tilespmem:v59+s13+$0x0], $0xffff;
	v33 =	vmul.f32 v33, v11;
	v45 =	vmul.f32 v63, v13;
	v34 =	vadd.f32 v58, v34  }
0x269: {  	v32 =	vadd.f32 v32, v37;
	v50 =	vmul.f32 v40, v14;
	v54 =	vmul.f32 $2.820948060e-01, v53  }
0x26a: {  	v37 =	vmul.f32 v52, v15;
	v35 =	vadd.f32 v35, v36;
	v33 =	vadd.f32 v34, v33  }
0x26b: {  	v36 =	vadd.f32 $0.0e+00, v54;
	v32 =	vmul.f32 v32, v23;
	v51 =	vmul.f32 v60, v28  }
0x26c: {  	v60 =	vor.u32 $0x9, v27;
	v35 =	vadd.f32 v47, v35;
	v33 =	vadd.f32 v45, v33  }
0x26d: {  	v57 =	vunpack.i.l.bf16.f32 v48;
	v38 =	vunpack.i.u.bf16.f32 v61;
	v41 =	vunpack.i.u.bf16.f32 v48  }
0x26e: {  	v62 =	vunpack.i.l.bf16.f32 v55;
	v47 =	vunpack.i.u.bf16.f32 v55;
	v33 =	vadd.f32 v33, v50  }
0x26f: {  	v30 =	vadd.f32 v51, v30;
	v38 =	vmul.f32 v38, v17;
	v59 =	vmul.f32 v41, v10  }
0x270: {  	v58 =	vunpack.i.l.bf16.f32 v43;
	v33 =	vadd.f32 v37, v33;
	v37 =	vmul.f32 v57, v9  }
0x271: {  	v40 =	vld.idx.msk [tilespmem:v56+s13+$0x0], $0xffff;
	v63 =	vmul.f32 v62, v11;
	v61 =	vmul.f32 v58, v18;
	v45 =	vor.u32 $0xA, v27  }
0x272: {  	v30 =	vmax.f32 v30, $0.0e+00;
	v36 =	vadd.f32 v37, v36;
	v33 =	vadd.f32 v33, v38  }
0x273: {  	v44 =	vor.u32 $0xD, v27;
	v31 =	vmul.f32 v47, v13;
	v30 =	vmul.f32 $6.093750150e-02, v30  }
0x274: {  	v58 =	vor.u32 $0xC, v27;
	v48 =	vld.idx.msk [tilespmem:v60+s13+$0x0], $0xffff;
	v36 =	vadd.f32 v36, v59;
	v33 =	vadd.f32 v61, v33  }
0x275: {  	v34 =	vmul.f32 v49, v14;
	v55 =	vsub.f32 $0.0e+00, v30;
	v50 =	vor.u32 $0xB, v27  }
0x276: {  	v49 =	vunpack.i.l.bf16.f32 v40;
	v52 =	vld.idx.msk [tilespmem:v45+s13+$0x0], $0xffff;
	v36 =	vadd.f32 v63, v36;
	v33 =	vmul.f32 v33, v28  }
0x277: {  	v54 =	vunpack.i.u.bf16.f32 v40;
	v53 =	vadd.f32 v35, v34;
	v35 =	vmul.f32 $1.442695020e+00, v55  }
0x278: {  	v51 =	vmul.f32 v49, v14;
	v31 =	vadd.f32 v36, v31;
	v29 =	vadd.f32 v33, v29  }
0x279: {  	v34 =	vmul.f32 v54, v15;
	v57 =	vunpack.i.l.bf16.f32 v48;
	(erf) = vpow2.f32 v35  }
0x27a: {  	v37 =	vunpack.i.u.bf16.f32 v48;
	v60 =	vld.idx.msk [tilespmem:v50+s13+$0x0], $0xffff;
	v31 =	vadd.f32 v51, v31;
	v29 =	vsub.f32 $0.0e+00, v29  }
0x27b: {  	v56 =	vld.idx.msk [tilespmem:v46+s13+$0x0], $0xffff;
	v59 =	vmul.f32 v57, v17;
	v61 =	vunpack.i.l.bf16.f32 v52;
	v43 =	vunpack.i.u.bf16.f32 v52  }
0x27c: {  	v24 =	vld.idx.msk [tilespmem:v24+s13+$0x0], $0xffff;
	v62 =	vmul.f32 $2.820948060e-01, v61;
	v31 =	vadd.f32 v31, v34;
	v29 =	vmul.f32 $1.442695020e+00, v29  }
0x27d: {  	v49 =	vld.idx.msk [tilespmem:v44+s13+$0x0], $0xffff;
	v63 =	vmul.f32 v37, v18;
	v35 =	vmul.f32 v43, v9  }
0x27e: {  	v40 =	vld.idx.msk [tilespmem:v58+s13+$0x0], $0xffff;
	v34 =	vadd.f32 $0.0e+00, v62;
	v31 =	vadd.f32 v59, v31;
	(erf) = vpow2.f32 v29  }
0x27f: {  	v26 =	vadd.f32 v32, v26;
	v46 =	vunpack.i.l.bf16.f32 v60  }
0x280: {  	v34 =	vadd.f32 v34, v35;
	v29 =	vadd.f32 v31, v63;
	v31 =	vmul.f32 v46, v10  }
0x281: {  	v24 =	vunpack.i.l.bf16.f32 v24;
	v27 =	vor.u32 $0xE, v27;
	v38 =	vunpack.i.u.bf16.f32 v60  }
0x282: {  	v45 =	vunpack.i.l.bf16.f32 v56;
	v48 =	vmul.f32 v38, v11;
	v31 =	vadd.f32 v31, v34  }
0x283: {  	v55 =	vunpack.i.l.bf16.f32 v49;
	v50 =	vunpack.i.l.bf16.f32 v40;
	v29 =	vmul.f32 v29, v28  }
0x284: {  	v47 =	vmul.f32 v45, v15;
	v32 =	vmul.f32 v50, v13;
	v31 =	vadd.f32 v31, v48  }
0x285: {  	v57 =	vunpack.i.u.bf16.f32 v49;
	v52 =	vunpack.i.u.bf16.f32 v40;
	v26 =	vadd.f32 v29, v26  }
0x286: {  	v27 =	vld.idx.msk [tilespmem:v27+s13+$0x0], $0xffff;
	v54 =	vmul.f32 v52, v14;
	v36 =	vunpack.i.u.bf16.f32 v56;
	v51 =	vpop (erf);
	v31 =	vadd.f32 v32, v31  }
0x287: {  	v33 =	vadd.f32 v47, v53;
	v36 =	vmul.f32 v36, v17;
	v26 =	vsub.f32 $0.0e+00, v26;
	v53 =	vpop (erf)  }
0x288: {  	v56 =	vmul.f32 v55, v15;
	v29 =	vadd.f32 $1.000000000e+00, v53;
	v31 =	vadd.f32 v31, v54  }
0x289: {  	v24 =	vmul.f32 v24, v18;
	v58 =	vmul.f32 v57, v17;
	v33 =	vadd.f32 v33, v36  }
0x28a: {  	v26 =	vmul.f32 $1.442695020e+00, v26;
	(erf) = vrcp.f32 v29;
	v29 =	vadd.f32 v56, v31  }
0x28b: {  	v21 =	vmul.f32 v25, v21;
	v24 =	vadd.f32 v24, v33;
	v59 =	vunpack.i.l.bf16.f32 v27  }
0x28c: {  	v25 =	vmul.f32 v59, v18;
	(erf) = vpow2.f32 v26;
	v60 =	vadd.f32 v29, v58;
	_ =	sdelay $0x1  }
0x28d: {  	v21 =	vadd.f32 v21, v22;
	v22 =	vmul.f32 v24, v23;
	v23 =	vadd.f32 v25, v60;
	_ =	sdelay $0x1  }
0x28e: {  	v21 =	vadd.f32 v22, v21;
	v22 =	vmul.f32 v23, v28;
	_ =	sdelay $0x2  }
0x28f: {  	v21 =	vadd.f32 v22, v21  }
0x290: {  	v22 =	vpop (erf)  }
0x291: {  	v21 =	vsub.f32 $0.0e+00, v21;
	v23 =	vpop (erf)  }
0x292: {  	v23 =	vadd.f32 $1.000000000e+00, v23  }
0x293: {  	v21 =	vmul.f32 $1.442695020e+00, v21  }
0x294: {  	(erf) = vrcp.f32 v23  }
0x295: {  	(erf) = vpow2.f32 v21;
	_ =	sdelay $0x3  }
0x296: {  	v21 =	vmul.f32 $-4.166666790e-02, v30;
	_ =	sdelay $0x1  }
0x297: {  	v21 =	vadd.f32 $1.666666720e-01, v21;
	_ =	sdelay $0x1  }
0x298: {  	v21 =	vmul.f32 v21, v30;
	v23 =	vpop (erf)  }
0x299: {  	v61 =	vpop (erf)  }
0x29a: {  	v21 =	vadd.f32 $-5.000000000e-01, v21;
	v24 =	vadd.f32 $1.000000000e+00, v61;
	_ =	sdelay $0x1  }
0x29b: {  	v21 =	vmul.f32 v21, v30;
	(erf) = vrcp.f32 v24;
	_ =	sdelay $0x1  }
0x29c: {  	v21 =	vadd.f32 $1.000000000e+00, v21;
	_ =	sdelay $0x1  }
0x29d: {  	v62 =	vsub.f32 $1.000000000e+00, v51;
	v21 =	vmul.f32 v21, v30  }
0x29e: {  	vm0 =	vlt.f32 v30, $5.000000000e-01  }
0x29f: {  	v21 =	vsel vm0, v21, v62  }
0x2a0: {  	p2 =	sne.s32 s25, $0x780;
	v24 =	vmul.f32 v21, v20  }
.Ltmp3:
0x2a1: {  	v21 =	vsub.f32 $1.000000000e+00, v21;
	(pc) =	sbr.rel @p2 .LBB2_10-.Ltmp3, $4  }
0x2a2: {  	v22 =	vmul.f32 v22, v24;
	v63 =	vpop (erf)  }
0x2a3: {  	v23 =	vmul.f32 v23, v24;
	v21 =	vadd.f32 $1.000000010e-10, v21;
	v24 =	vmul.f32 v63, v24  }
0x2a4: {  	v19 =	vadd.f32 v22, v19  }
0x2a5: {  	s25 =	sadd.s32 $0x80, s25;
	s24 =	sadd.s32 $0x80, s24;
	v16 =	vadd.f32 v23, v16;
	v20 =	vmul.f32 v21, v20;
	v12 =	vadd.f32 v24, v12  }
0x2a6: {  	s21 =	sadd.s32 $0x1, s21  }
0x2a7: {  	p2 =	sne.s32 s21, $0x4  }
.Ltmp4:
0x2a8: {  	_ = 	snop;
	(pc) =	sbr.rel @p2 .LBB2_5-.Ltmp4, $2  }
0x2a9: {  	_ =	sdelay $0x2  }
0x2aa: {  	s22 =	sadd.s32 $0x10, s22;
	p0 =	por !p0, !p0;
	p1 =	por !p1, !p1  }
0x2ab: {  	v3 =	vmov s20;
	v4 =	vmul.u32 $0x8, v0  }
0x2ac: {  	v3 =	vshll.u32 v3, $0x3  }
0x2ad: {  	v3 =	vor.u32 v4, v3  }
0x2ae: {  	s19 =	sadd.s32 $0x1, s19;
	v4 =	vor.u32 $0x1, v3  }
0x2af: {  	p0 =	sne.s32 s19, $0x8;
	v5 =	vor.u32 $0x2, v3  }
.Ltmp5:
0x2b0: {  	_ = 	snop;
	(pc) =	sbr.rel @p0 .LBB2_2-.Ltmp5, $4  }
0x2b1: {  	_ = 	snop  }
0x2b2: {  	[tilespmem:v3+s18+$0x0] =	vst.idx.msk $0xffff, v19  }
0x2b3: {  	[tilespmem:v4+s18+$0x0] =	vst.idx.msk $0xffff, v16  }
0x2b4: {  	[tilespmem:v5+s18+$0x0] =	vst.idx.msk $0xffff, v12  }
0x2b5: {  	s20 =	simm.s32 $0x0;
	s19 =	rddreg [dreg:$0x4];
	s21 =	simm.s32 $0x2  }
0x2b6: {  	[hbm4b:s19+s20] =	stream.linear.scatter [tilespmem:s18], [sflag:$0x2], $0x400, $0x38;
	[tilespmem:$0x18400] =	vst v63  }
0x2b7: {  	_ =	swait.ge [sflag:s21], $0x400  }
0x2b8: {  	s22 =	rddreg [dreg:$0x6]  }
0x2b9: {  	s31 =	rddreg [dreg:$0x5];
	s22 =	sadd.s32 $0x1, s22  }
0x2ba: {  	p0 =	sne.s32 s22, s31  }
.Ltmp6:
0x2bb: {  	_ = 	snop;
	(pc) =	sbr.rel @p0 .LBB2_1-.Ltmp6, $3  }
0x2bc: {  	_ =	sdelay $0x1  }
0x2bd: {  	[sflag:s21] =	ssyncset.done $0x0  }
0x2be: {  	[sflag:s21] =	ssyncadd.s32 $0xFFFFFC00  }
0x2bf: {  	_ =	sfence.sel $0x180000  }
0x2c0: {  	[bflag:$0x0] =	sbarrier.arrive $0xFFFF  }
0x2c1: {  	_ =	strace $0x9000004A  }
0x2c2: {  	s0 =	stileid.u32;
	[bflag:$0x2] =	sbarrier.arrive $0xFFFF  }
0x2c3: {  	p0 =	sne.s32 s0, $0x0;
	s0 =	rddreg [dreg:$0x2]  }
0x2c4: {  	s0 =	sadd.s32 @!p0 $0x100000, s0  }
0x2c5: {  	[sflag:s0] =	ssyncadd.tile.s32 @!p0 $0x1;
	_ =	shalt  }
.Lfunc_end2:
_tile_overlayer_lowered:
.L_overlay_start_2:
0x2c6: {  	(tag) =	ssettag $0x2  }
0x2c7: {  	s0 =	rddreg [dreg:$0x0];
	s2 =	stileid.u32  }
0x2c8: {  	s1 =	rddreg [dreg:$0x1];
	p0 =	sne.s32 s2, $0x0  }
0x2c9: {  	s3 =	rddreg [dreg:$0x2];
	[bflag:$0x3] =	sbarrier.arrive $0xFFFF;
	s2 =	simm.s32 @!p0 $0x1C02  }
0x2ca: {  	[timem:s3], [sflag:s2] =	dma.local @!p0 [hbm:s0], s1  }
0x2cb: {  	s0 =	simm.s32 @!p0 $0x2  }
0x2cc: {  	_ =	swait.ge @!p0 [sflag:s0], s1  }
0x2cd: {  	s1 =	ssub.s32 @!p0 $0x0, s1;
	[sflag:s0] =	ssyncset.done @!p0 $0x0  }
0x2ce: {  	[sflag:s0] =	ssyncadd.s32 @!p0 s1  }
0x2cf: {  	[bflag:$0x3] =	sbarrier.arrive $0xFFFF  }
0x2d0: {  	_ =	shalt  }

</sc_bundles>
